<compile_context>
chip_gen: v7x
topology: tpu7x:2x2x1
jax: 0.10.2.dev20260603
libtpu: 0.0.44.dev20260713+nightly
codegen_flags: <defaults>
</compile_context>

<pallas_src>
import functools

import jax
import jax.numpy as jnp
from jax import lax
from jax.experimental import pallas as pl
from jax.experimental.pallas import tpu as pltpu
from jax.experimental.pallas import tpu_sc as plsc

_NC = 2
_NS = 16
_NW = _NC * _NS
_CHUNK = 16


_NBUF = 3
_HD = 16


def _gather_body(tt_hbm, idx_hbm, xt_hbm, idx_v, slab_v, xt_v, sem):
    d = tt_hbm.shape[0]
    b_per_w = idx_v.shape[0]
    ngrp = b_per_w // _CHUNK
    wid = lax.axis_index("s") * _NC + lax.axis_index("c")
    base = wid * b_per_w
    pltpu.sync_copy(idx_hbm.at[pl.ds(base, b_per_w)], idx_v)

    iota = lax.iota(jnp.int32, 16)

    for h in range(d // _HD):
        r0 = h * _HD

        def fire(g, h=h, r0=r0):
            buf = g % _NBUF
            vblk = (idx_v[pl.ds(g * _CHUNK, 16)] // 128) * 128
            for t in range(_CHUNK):
                blk = pl.multiple_of(vblk[t], 128)
                pltpu.async_copy(
                    tt_hbm.at[pl.ds(r0, _HD), pl.ds(blk, 128)],
                    slab_v.at[buf, t],
                    sem,
                )

        def drain_one(g):
            buf = g % _NBUF
            for t in range(_CHUNK):
                pltpu.make_async_copy(
                    tt_hbm.at[pl.ds(0, _HD), pl.ds(0, 128)],
                    slab_v.at[buf, t],
                    sem,
                ).wait()

        fire(0)
        fire(1)

        def group_body(g, carry, h=h, r0=r0):
            @pl.when(g + 2 < ngrp)
            def _():
                fire(g + 2)

            drain_one(g)
            bufv = jnp.full((16,), 0, jnp.int32) + (g % _NBUF)
            rem = idx_v[pl.ds(g * _CHUNK, 16)] & 127
            for cc in range(_HD):
                ccv = jnp.full((16,), cc, jnp.int32)
                xt_v[r0 + cc, pl.ds(g * _CHUNK, 16)] = plsc.load_gather(
                    slab_v, [bufv, iota, ccv, rem]
                )
            return carry

        lax.fori_loop(0, ngrp, group_body, 0)

    pltpu.sync_copy(xt_v, xt_hbm.at[:, pl.ds(base, b_per_w)])


@functools.partial(jax.jit, static_argnames=("b", "d"))
def _sc_gather_t(tt, idx, b, d):
    b_per_w = b // _NW
    mesh = plsc.VectorSubcoreMesh(
        core_axis_name="c", subcore_axis_name="s", num_cores=_NC,
        num_subcores=_NS,
    )
    return pl.kernel(
        _gather_body,
        out_type=jax.ShapeDtypeStruct((d, b), jnp.float32),
        mesh=mesh,
        scratch_types=[
            pltpu.VMEM((b_per_w,), jnp.int32),
            pltpu.VMEM((_NBUF, _CHUNK, _HD, 128), jnp.float32),
            pltpu.VMEM((d, b_per_w), jnp.float32),
            pltpu.SemaphoreType.DMA,
        ],
        compiler_params=pltpu.CompilerParams(needs_layout_passes=False),
    )(tt, idx)


def _cov_body(xa_ref, xb_ref, o_ref):
    o_ref[...] = lax.dot_general(
        xa_ref[...], xb_ref[...],
        dimension_numbers=(((0,), (0,)), ((), ())),
        preferred_element_type=jnp.float32,
    )


_BM = 512


def _tc_cov_t(xt):
    d, b = xt.shape
    return pl.pallas_call(
        _cov_body,
        grid=(b // _BM,),
        in_specs=[
            pl.BlockSpec((d, _BM), lambda i: (0, i)),
            pl.BlockSpec((d, b), lambda i: (0, 0)),
        ],
        out_specs=pl.BlockSpec((_BM, b), lambda i: (i, 0)),
        out_shape=jax.ShapeDtypeStruct((b, b), jnp.float32),
        compiler_params=pltpu.CompilerParams(
            dimension_semantics=("arbitrary",),
        ),
    )(xt, xt)


def kernel(states, table):
    b = states.shape[0]
    d = table.shape[1]
    idx = states.reshape(b).astype(jnp.int32)
    xt = _sc_gather_t(table.T, idx, b, d)
    cov = _tc_cov_t(xt)
    return (xt.T, cov)

# --- scband reference (transcript-rebuilt; emitter-appended) ---
"""Pipeline reference for scband-state2emb-embedding-nn-17042430230647 (READ-ONLY COPY).

The authoritative reference and input builder live on the scoring server;
editing this copy changes nothing except your own understanding.
"""

import jax, jax.numpy as jnp
import numpy as np

STATE_NUM = 1000000
DIM = 32
BATCH = 4096

def setup_inputs(seed: int = 0) -> dict:
    key = jax.random.key(seed)
    k1, k2 = jax.random.split(key)
    states = jax.random.randint(k1, (BATCH, 1), 0, STATE_NUM, dtype=jnp.int64 if jax.config.jax_enable_x64 else jnp.int32).astype(jnp.int32)
    table = jax.random.normal(k2, (STATE_NUM, DIM), dtype=jnp.float32)
    return {"states": states, "table": table}

def reference(states, table):
    # embedding lookup: nn.Embedding(states) -> [B, 1, dim]
    x = jnp.take(table, states, axis=0)
    # .squeeze(1) -> [B, dim]
    x = jnp.squeeze(x, axis=1)
    # cov = x @ x.T -> [B, B]
    cov = jnp.matmul(x, x.T)
    return (x, cov)

if __name__ == "__main__":
    import jax
    _d = setup_inputs()
    print(jax.jit(kernel)(*tuple(_d.values())))

</pallas_src>

<mosaic_0001>
#map = affine_map<(d0, d1) -> (0, 0)>
#map1 = affine_map<(d0, d1) -> (0)>
module attributes {stable_mosaic.version = 14 : i64} {
  func.func @_gather_body(%arg0: i32, %arg1: i32, %arg2: memref<32x1000000xf32, #tpu.memory_space<hbm>>, %arg3: memref<4096xi32, #tpu.memory_space<hbm>>, %arg4: memref<32x4096xf32, #tpu.memory_space<hbm>>, %arg5: memref<128xi32, #tpu.memory_space<vmem>>, %arg6: memref<3x16x16x128xf32, #tpu.memory_space<vmem>>, %arg7: memref<32x128xf32, #tpu.memory_space<vmem>>, %arg8: memref<!tpu.dma_semaphore, #tpu.memory_space<semaphore_mem>>) attributes {dimension_semantics = [#tpu.dimension_semantics<core_parallel>, #tpu.dimension_semantics<subcore_parallel>], iteration_bounds = array<i64: 2, 16>, scalar_prefetch = 0 : i64, scratch_operands = 4 : i64, tpu.core_type = #tpu.core_type<sc_vector_subcore>, window_params = [{transform_indices = #map}, {transform_indices = #map1}, {transform_indices = #map}]} {
    %mul3A = arith.constant 2 : i32
    %mul3A_0 = arith.muli %arg1, %mul3A : i32
    %add3A = arith.addi %mul3A_0, %arg0 : i32
    %mul3A_1 = arith.constant 128 : i32
    %mul3A_2 = arith.muli %add3A, %mul3A_1 : i32
    "tpu.region"() ({
      %run_scoped3A = tpu.sem_alloc : memref<!tpu.dma_semaphore, #tpu.memory_space<semaphore_mem>>
      %dma_start3A_1233 = tpu.memref_slice %arg3[%mul3A_2] : memref<4096xi32, #tpu.memory_space<hbm>> -> memref<128xi32, #tpu.memory_space<hbm>>
      %dma_start3A_1234 = tpu.memref_slice %arg3[%mul3A_2] : memref<4096xi32, #tpu.memory_space<hbm>> -> memref<128xi32, #tpu.memory_space<hbm>>
      tpu.enqueue_dma source(%dma_start3A_1234 : memref<128xi32, #tpu.memory_space<hbm>>) target(%arg5 : memref<128xi32, #tpu.memory_space<vmem>>) target_semaphore(%run_scoped3A : memref<!tpu.dma_semaphore, #tpu.memory_space<semaphore_mem>>)
      %dma_wait3A = tpu.memref_slice %arg3[%mul3A_2] : memref<4096xi32, #tpu.memory_space<hbm>> -> memref<128xi32, #tpu.memory_space<hbm>>
      %dma_wait3A_1235 = tpu.memref_slice %arg3[%mul3A_2] : memref<4096xi32, #tpu.memory_space<hbm>> -> memref<128xi32, #tpu.memory_space<hbm>>
      tpu.wait_dma2 semaphore(%run_scoped3A : memref<!tpu.dma_semaphore, #tpu.memory_space<semaphore_mem>>) src(%dma_wait3A_1235 : memref<128xi32, #tpu.memory_space<hbm>>) dst(%arg5 : memref<128xi32, #tpu.memory_space<vmem>>)
      tpu.yield
    }) : () -> ()
    %iota3A = tpu.iota {dimensions = array<i32: 0>} : vector<16xi32>
    %get3A = arith.constant 0 : index
    %get3A_3 = tpu.vector_load %arg5[%get3A] {strides = array<i32>} : memref<128xi32, #tpu.memory_space<vmem>>, vector<16xi32>,
    %jit3A = arith.constant 128 : i32
    %div3A = vector.broadcast %jit3A : i32 to vector<16xi32>
    %div3A_4 = arith.divsi %get3A_3, %div3A : vector<16xi32>
    %sign3A = arith.constant 0 : i32
    %sign3A_5 = vector.broadcast %sign3A : i32 to vector<16xi32>
    %sign3A_6 = arith.cmpi sgt, %get3A_3, %sign3A_5 : vector<16xi32>
    %sign3A_7 = arith.extui %sign3A_6 : vector<16xi1> to vector<16xi32>
    %sign3A_8 = arith.constant 0 : i32
    %sign3A_9 = vector.broadcast %sign3A_8 : i32 to vector<16xi32>
    %sign3A_10 = arith.cmpi slt, %get3A_3, %sign3A_9 : vector<16xi32>
    %sign3A_11 = arith.extui %sign3A_10 : vector<16xi1> to vector<16xi32>
    %sign3A_12 = arith.subi %sign3A_7, %sign3A_11 : vector<16xi32>
    %sign3A_13 = arith.constant 0 : i32
    %sign3A_14 = arith.cmpi sgt, %jit3A, %sign3A_13 : i32
    %sign3A_15 = arith.extui %sign3A_14 : i1 to i32
    %sign3A_16 = arith.constant 0 : i32
    %sign3A_17 = arith.cmpi slt, %jit3A, %sign3A_16 : i32
    %sign3A_18 = arith.extui %sign3A_17 : i1 to i32
    %sign3A_19 = arith.subi %sign3A_15, %sign3A_18 : i32
    %ne3A = vector.broadcast %sign3A_19 : i32 to vector<16xi32>
    %ne3A_20 = arith.cmpi ne, %sign3A_12, %ne3A : vector<16xi32>
    %rem3A = vector.broadcast %jit3A : i32 to vector<16xi32>
    %rem3A_21 = arith.remsi %get3A_3, %rem3A : vector<16xi32>
    %ne3A_22 = arith.constant 0 : i32
    %ne3A_23 = vector.broadcast %ne3A_22 : i32 to vector<16xi32>
    %ne3A_24 = arith.cmpi ne, %rem3A_21, %ne3A_23 : vector<16xi32>
    %and3A = arith.andi %ne3A_20, %ne3A_24 : vector<16xi1>
    %sub3A = arith.constant 1 : i32
    %sub3A_25 = vector.broadcast %sub3A : i32 to vector<16xi32>
    %sub3A_26 = arith.subi %div3A_4, %sub3A_25 : vector<16xi32>
    %select_n3A = arith.select %and3A, %sub3A_26, %div3A_4 : vector<16xi1>, vector<16xi32>
    %mul3A_27 = arith.constant 128 : i32
    %mul3A_28 = vector.broadcast %mul3A_27 : i32 to vector<16xi32>
    %mul3A_29 = arith.muli %select_n3A, %mul3A_28 : vector<16xi32>
    %slice3A = vector.extract_strided_slice %mul3A_29 {offsets = [0], sizes = [1], strides = [1]} : vector<16xi32> to vector<1xi32>
    %squeeze3A = vector.extract %slice3A[0] : i32 from vector<1xi32>
    %multiple_of3A = tpu.assume_multiple %squeeze3A, 128 : i32
    %dma_start3A = arith.constant 0 : i32
    %dma_start3A_30 = arith.constant 0 : i32
    %dma_start3A_31 = arith.constant 0 : i32
    %dma_start3A_32 = arith.constant 0 : i32
    %dma_start3A_33 = tpu.memref_slice %arg6[%dma_start3A, %dma_start3A_30, %dma_start3A_31, %dma_start3A_32] : memref<3x16x16x128xf32, #tpu.memory_space<vmem>> -> memref<1x1x16x128xf32, #tpu.memory_space<vmem>>
    %dma_start3A_34 = tpu.memref_squeeze %dma_start3A_33 : memref<1x1x16x128xf32, #tpu.memory_space<vmem>> -> memref<16x128xf32, #tpu.memory_space<vmem>>
    %dma_start3A_35 = arith.constant 0 : i32
    %dma_start3A_36 = tpu.memref_slice %arg2[%dma_start3A_35, %multiple_of3A] : memref<32x1000000xf32, #tpu.memory_space<hbm>> -> memref<16x128xf32, #tpu.memory_space<hbm>>
    %dma_start3A_37 = arith.constant 0 : i32
    %dma_start3A_38 = arith.constant 0 : i32
    %dma_start3A_39 = tpu.memref_slice %arg6[%dma_start3A, %dma_start3A_30, %dma_start3A_37, %dma_start3A_38] : memref<3x16x16x128xf32, #tpu.memory_space<vmem>> -> memref<1x1x16x128xf32, #tpu.memory_space<vmem>>
    %dma_start3A_40 = tpu.memref_squeeze %dma_start3A_39 : memref<1x1x16x128xf32, #tpu.memory_space<vmem>> -> memref<16x128xf32, #tpu.memory_space<vmem>>
    %dma_start3A_41 = arith.constant 0 : i32
    %dma_start3A_42 = tpu.memref_slice %arg2[%dma_start3A_41, %multiple_of3A] : memref<32x1000000xf32, #tpu.memory_space<hbm>> -> memref<16x128xf32, #tpu.memory_space<hbm>>
    tpu.enqueue_dma source(%dma_start3A_42 : memref<16x128xf32, #tpu.memory_space<hbm>>) target(%dma_start3A_40 : memref<16x128xf32, #tpu.memory_space<vmem>>) target_semaphore(%arg8 : memref<!tpu.dma_semaphore, #tpu.memory_space<semaphore_mem>>)
    %slice3A_43 = vector.extract_strided_slice %mul3A_29 {offsets = [1], sizes = [1], strides = [1]} : vector<16xi32> to vector<1xi32>
    %squeeze3A_44 = vector.extract %slice3A_43[0] : i32 from vector<1xi32>
    %multiple_of3A_45 = tpu.assume_multiple %squeeze3A_44, 128 : i32
    %dma_start3A_46 = arith.constant 0 : i32
    %dma_start3A_47 = arith.constant 1 : i32
    %dma_start3A_48 = arith.constant 0 : i32
    %dma_start3A_49 = arith.constant 0 : i32
    %dma_start3A_50 = tpu.memref_slice %arg6[%dma_start3A_46, %dma_start3A_47, %dma_start3A_48, %dma_start3A_49] : memref<3x16x16x128xf32, #tpu.memory_space<vmem>> -> memref<1x1x16x128xf32, #tpu.memory_space<vmem>>
    %dma_start3A_51 = tpu.memref_squeeze %dma_start3A_50 : memref<1x1x16x128xf32, #tpu.memory_space<vmem>> -> memref<16x128xf32, #tpu.memory_space<vmem>>
    %dma_start3A_52 = arith.constant 0 : i32
    %dma_start3A_53 = tpu.memref_slice %arg2[%dma_start3A_52, %multiple_of3A_45] : memref<32x1000000xf32, #tpu.memory_space<hbm>> -> memref<16x128xf32, #tpu.memory_space<hbm>>
    %dma_start3A_54 = arith.constant 0 : i32
    %dma_start3A_55 = arith.constant 0 : i32
    %dma_start3A_56 = tpu.memref_slice %arg6[%dma_start3A_46, %dma_start3A_47, %dma_start3A_54, %dma_start3A_55] : memref<3x16x16x128xf32, #tpu.memory_space<vmem>> -> memref<1x1x16x128xf32, #tpu.memory_space<vmem>>
    %dma_start3A_57 = tpu.memref_squeeze %dma_start3A_56 : memref<1x1x16x128xf32, #tpu.memory_space<vmem>> -> memref<16x128xf32, #tpu.memory_space<vmem>>
    %dma_start3A_58 = arith.constant 0 : i32
    %dma_start3A_59 = tpu.memref_slice %arg2[%dma_start3A_58, %multiple_of3A_45] : memref<32x1000000xf32, #tpu.memory_space<hbm>> -> memref<16x128xf32, #tpu.memory_space<hbm>>
    tpu.enqueue_dma source(%dma_start3A_59 : memref<16x128xf32, #tpu.memory_space<hbm>>) target(%dma_start3A_57 : memref<16x128xf32, #tpu.memory_space<vmem>>) target_semaphore(%arg8 : memref<!tpu.dma_semaphore, #tpu.memory_space<semaphore_mem>>)
    %slice3A_60 = vector.extract_strided_slice %mul3A_29 {offsets = [2], sizes = [1], strides = [1]} : vector<16xi32> to vector<1xi32>
    %squeeze3A_61 = vector.extract %slice3A_60[0] : i32 from vector<1xi32>
    %multiple_of3A_62 = tpu.assume_multiple %squeeze3A_61, 128 : i32
    %dma_start3A_63 = arith.constant 0 : i32
    %dma_start3A_64 = arith.constant 2 : i32
    %dma_start3A_65 = arith.constant 0 : i32
    %dma_start3A_66 = arith.constant 0 : i32
    %dma_start3A_67 = tpu.memref_slice %arg6[%dma_start3A_63, %dma_start3A_64, %dma_start3A_65, %dma_start3A_66] : memref<3x16x16x128xf32, #tpu.memory_space<vmem>> -> memref<1x1x16x128xf32, #tpu.memory_space<vmem>>
    %dma_start3A_68 = tpu.memref_squeeze %dma_start3A_67 : memref<1x1x16x128xf32, #tpu.memory_space<vmem>> -> memref<16x128xf32, #tpu.memory_space<vmem>>
    %dma_start3A_69 = arith.constant 0 : i32
    %dma_start3A_70 = tpu.memref_slice %arg2[%dma_start3A_69, %multiple_of3A_62] : memref<32x1000000xf32, #tpu.memory_space<hbm>> -> memref<16x128xf32, #tpu.memory_space<hbm>>
    %dma_start3A_71 = arith.constant 0 : i32
    %dma_start3A_72 = arith.constant 0 : i32
    %dma_start3A_73 = tpu.memref_slice %arg6[%dma_start3A_63, %dma_start3A_64, %dma_start3A_71, %dma_start3A_72] : memref<3x16x16x128xf32, #tpu.memory_space<vmem>> -> memref<1x1x16x128xf32, #tpu.memory_space<vmem>>
    %dma_start3A_74 = tpu.memref_squeeze %dma_start3A_73 : memref<1x1x16x128xf32, #tpu.memory_space<vmem>> -> memref<16x128xf32, #tpu.memory_space<vmem>>
    %dma_start3A_75 = arith.constant 0 : i32
    %dma_start3A_76 = tpu.memref_slice %arg2[%dma_start3A_75, %multiple_of3A_62] : memref<32x1000000xf32, #tpu.memory_space<hbm>> -> memref<16x128xf32, #tpu.memory_space<hbm>>
    tpu.enqueue_dma source(%dma_start3A_76 : memref<16x128xf32, #tpu.memory_space<hbm>>) target(%dma_start3A_74 : memref<16x128xf32, #tpu.memory_space<vmem>>) target_semaphore(%arg8 : memref<!tpu.dma_semaphore, #tpu.memory_space<semaphore_mem>>)
    %slice3A_77 = vector.extract_strided_slice %mul3A_29 {offsets = [3], sizes = [1], strides = [1]} : vector<16xi32> to vector<1xi32>
    %squeeze3A_78 = vector.extract %slice3A_77[0] : i32 from vector<1xi32>
    %multiple_of3A_79 = tpu.assume_multiple %squeeze3A_78, 128 : i32
    %dma_start3A_80 = arith.constant 0 : i32
    %dma_start3A_81 = arith.constant 3 : i32
    %dma_start3A_82 = arith.constant 0 : i32
    %dma_start3A_83 = arith.constant 0 : i32
    %dma_start3A_84 = tpu.memref_slice %arg6[%dma_start3A_80, %dma_start3A_81, %dma_start3A_82, %dma_start3A_83] : memref<3x16x16x128xf32, #tpu.memory_space<vmem>> -> memref<1x1x16x128xf32, #tpu.memory_space<vmem>>
    %dma_start3A_85 = tpu.memref_squeeze %dma_start3A_84 : memref<1x1x16x128xf32, #tpu.memory_space<vmem>> -> memref<16x128xf32, #tpu.memory_space<vmem>>
    %dma_start3A_86 = arith.constant 0 : i32
    %dma_start3A_87 = tpu.memref_slice %arg2[%dma_start3A_86, %multiple_of3A_79] : memref<32x1000000xf32, #tpu.memory_space<hbm>> -> memref<16x128xf32, #tpu.memory_space<hbm>>
    %dma_start3A_88 = arith.constant 0 : i32
    %dma_start3A_89 = arith.constant 0 : i32
    %dma_start3A_90 = tpu.memref_slice %arg6[%dma_start3A_80, %dma_start3A_81, %dma_start3A_88, %dma_start3A_89] : memref<3x16x16x128xf32, #tpu.memory_space<vmem>> -> memref<1x1x16x128xf32, #tpu.memory_space<vmem>>
    %dma_start3A_91 = tpu.memref_squeeze %dma_start3A_90 : memref<1x1x16x128xf32, #tpu.memory_space<vmem>> -> memref<16x128xf32, #tpu.memory_space<vmem>>
    %dma_start3A_92 = arith.constant 0 : i32
    %dma_start3A_93 = tpu.memref_slice %arg2[%dma_start3A_92, %multiple_of3A_79] : memref<32x1000000xf32, #tpu.memory_space<hbm>> -> memref<16x128xf32, #tpu.memory_space<hbm>>
    tpu.enqueue_dma source(%dma_start3A_93 : memref<16x128xf32, #tpu.memory_space<hbm>>) target(%dma_start3A_91 : memref<16x128xf32, #tpu.memory_space<vmem>>) target_semaphore(%arg8 : memref<!tpu.dma_semaphore, #tpu.memory_space<semaphore_mem>>)
    %slice3A_94 = vector.extract_strided_slice %mul3A_29 {offsets = [4], sizes = [1], strides = [1]} : vector<16xi32> to vector<1xi32>
    %squeeze3A_95 = vector.extract %slice3A_94[0] : i32 from vector<1xi32>
    %multiple_of3A_96 = tpu.assume_multiple %squeeze3A_95, 128 : i32
    %dma_start3A_97 = arith.constant 0 : i32
    %dma_start3A_98 = arith.constant 4 : i32
    %dma_start3A_99 = arith.constant 0 : i32
    %dma_start3A_100 = arith.constant 0 : i32
    %dma_start3A_101 = tpu.memref_slice %arg6[%dma_start3A_97, %dma_start3A_98, %dma_start3A_99, %dma_start3A_100] : memref<3x16x16x128xf32, #tpu.memory_space<vmem>> -> memref<1x1x16x128xf32, #tpu.memory_space<vmem>>
    %dma_start3A_102 = tpu.memref_squeeze %dma_start3A_101 : memref<1x1x16x128xf32, #tpu.memory_space<vmem>> -> memref<16x128xf32, #tpu.memory_space<vmem>>
    %dma_start3A_103 = arith.constant 0 : i32
    %dma_start3A_104 = tpu.memref_slice %arg2[%dma_start3A_103, %multiple_of3A_96] : memref<32x1000000xf32, #tpu.memory_space<hbm>> -> memref<16x128xf32, #tpu.memory_space<hbm>>
    %dma_start3A_105 = arith.constant 0 : i32
    %dma_start3A_106 = arith.constant 0 : i32
    %dma_start3A_107 = tpu.memref_slice %arg6[%dma_start3A_97, %dma_start3A_98, %dma_start3A_105, %dma_start3A_106] : memref<3x16x16x128xf32, #tpu.memory_space<vmem>> -> memref<1x1x16x128xf32, #tpu.memory_space<vmem>>
    %dma_start3A_108 = tpu.memref_squeeze %dma_start3A_107 : memref<1x1x16x128xf32, #tpu.memory_space<vmem>> -> memref<16x128xf32, #tpu.memory_space<vmem>>
    %dma_start3A_109 = arith.constant 0 : i32
    %dma_start3A_110 = tpu.memref_slice %arg2[%dma_start3A_109, %multiple_of3A_96] : memref<32x1000000xf32, #tpu.memory_space<hbm>> -> memref<16x128xf32, #tpu.memory_space<hbm>>
    tpu.enqueue_dma source(%dma_start3A_110 : memref<16x128xf32, #tpu.memory_space<hbm>>) target(%dma_start3A_108 : memref<16x128xf32, #tpu.memory_space<vmem>>) target_semaphore(%arg8 : memref<!tpu.dma_semaphore, #tpu.memory_space<semaphore_mem>>)
    %slice3A_111 = vector.extract_strided_slice %mul3A_29 {offsets = [5], sizes = [1], strides = [1]} : vector<16xi32> to vector<1xi32>
    %squeeze3A_112 = vector.extract %slice3A_111[0] : i32 from vector<1xi32>
    %multiple_of3A_113 = tpu.assume_multiple %squeeze3A_112, 128 : i32
    %dma_start3A_114 = arith.constant 0 : i32
    %dma_start3A_115 = arith.constant 5 : i32
    %dma_start3A_116 = arith.constant 0 : i32
    %dma_start3A_117 = arith.constant 0 : i32
    %dma_start3A_118 = tpu.memref_slice %arg6[%dma_start3A_114, %dma_start3A_115, %dma_start3A_116, %dma_start3A_117] : memref<3x16x16x128xf32, #tpu.memory_space<vmem>> -> memref<1x1x16x128xf32, #tpu.memory_space<vmem>>
    %dma_start3A_119 = tpu.memref_squeeze %dma_start3A_118 : memref<1x1x16x128xf32, #tpu.memory_space<vmem>> -> memref<16x128xf32, #tpu.memory_space<vmem>>
    %dma_start3A_120 = arith.constant 0 : i32
    %dma_start3A_121 = tpu.memref_slice %arg2[%dma_start3A_120, %multiple_of3A_113] : memref<32x1000000xf32, #tpu.memory_space<hbm>> -> memref<16x128xf32, #tpu.memory_space<hbm>>
    %dma_start3A_122 = arith.constant 0 : i32
    %dma_start3A_123 = arith.constant 0 : i32
    %dma_start3A_124 = tpu.memref_slice %arg6[%dma_start3A_114, %dma_start3A_115, %dma_start3A_122, %dma_start3A_123] : memref<3x16x16x128xf32, #tpu.memory_space<vmem>> -> memref<1x1x16x128xf32, #tpu.memory_space<vmem>>
    %dma_start3A_125 = tpu.memref_squeeze %dma_start3A_124 : memref<1x1x16x128xf32, #tpu.memory_space<vmem>> -> memref<16x128xf32, #tpu.memory_space<vmem>>
    %dma_start3A_126 = arith.constant 0 : i32
    %dma_start3A_127 = tpu.memref_slice %arg2[%dma_start3A_126, %multiple_of3A_113] : memref<32x1000000xf32, #tpu.memory_space<hbm>> -> memref<16x128xf32, #tpu.memory_space<hbm>>
    tpu.enqueue_dma source(%dma_start3A_127 : memref<16x128xf32, #tpu.memory_space<hbm>>) target(%dma_start3A_125 : memref<16x128xf32, #tpu.memory_space<vmem>>) target_semaphore(%arg8 : memref<!tpu.dma_semaphore, #tpu.memory_space<semaphore_mem>>)
    %slice3A_128 = vector.extract_strided_slice %mul3A_29 {offsets = [6], sizes = [1], strides = [1]} : vector<16xi32> to vector<1xi32>
    %squeeze3A_129 = vector.extract %slice3A_128[0] : i32 from vector<1xi32>
    %multiple_of3A_130 = tpu.assume_multiple %squeeze3A_129, 128 : i32
    %dma_start3A_131 = arith.constant 0 : i32
    %dma_start3A_132 = arith.constant 6 : i32
    %dma_start3A_133 = arith.constant 0 : i32
    %dma_start3A_134 = arith.constant 0 : i32
    %dma_start3A_135 = tpu.memref_slice %arg6[%dma_start3A_131, %dma_start3A_132, %dma_start3A_133, %dma_start3A_134] : memref<3x16x16x128xf32, #tpu.memory_space<vmem>> -> memref<1x1x16x128xf32, #tpu.memory_space<vmem>>
    %dma_start3A_136 = tpu.memref_squeeze %dma_start3A_135 : memref<1x1x16x128xf32, #tpu.memory_space<vmem>> -> memref<16x128xf32, #tpu.memory_space<vmem>>
    %dma_start3A_137 = arith.constant 0 : i32
    %dma_start3A_138 = tpu.memref_slice %arg2[%dma_start3A_137, %multiple_of3A_130] : memref<32x1000000xf32, #tpu.memory_space<hbm>> -> memref<16x128xf32, #tpu.memory_space<hbm>>
    %dma_start3A_139 = arith.constant 0 : i32
    %dma_start3A_140 = arith.constant 0 : i32
    %dma_start3A_141 = tpu.memref_slice %arg6[%dma_start3A_131, %dma_start3A_132, %dma_start3A_139, %dma_start3A_140] : memref<3x16x16x128xf32, #tpu.memory_space<vmem>> -> memref<1x1x16x128xf32, #tpu.memory_space<vmem>>
    %dma_start3A_142 = tpu.memref_squeeze %dma_start3A_141 : memref<1x1x16x128xf32, #tpu.memory_space<vmem>> -> memref<16x128xf32, #tpu.memory_space<vmem>>
    %dma_start3A_143 = arith.constant 0 : i32
    %dma_start3A_144 = tpu.memref_slice %arg2[%dma_start3A_143, %multiple_of3A_130] : memref<32x1000000xf32, #tpu.memory_space<hbm>> -> memref<16x128xf32, #tpu.memory_space<hbm>>
    tpu.enqueue_dma source(%dma_start3A_144 : memref<16x128xf32, #tpu.memory_space<hbm>>) target(%dma_start3A_142 : memref<16x128xf32, #tpu.memory_space<vmem>>) target_semaphore(%arg8 : memref<!tpu.dma_semaphore, #tpu.memory_space<semaphore_mem>>)
    %slice3A_145 = vector.extract_strided_slice %mul3A_29 {offsets = [7], sizes = [1], strides = [1]} : vector<16xi32> to vector<1xi32>
    %squeeze3A_146 = vector.extract %slice3A_145[0] : i32 from vector<1xi32>
    %multiple_of3A_147 = tpu.assume_multiple %squeeze3A_146, 128 : i32
    %dma_start3A_148 = arith.constant 0 : i32
    %dma_start3A_149 = arith.constant 7 : i32
    %dma_start3A_150 = arith.constant 0 : i32
    %dma_start3A_151 = arith.constant 0 : i32
    %dma_start3A_152 = tpu.memref_slice %arg6[%dma_start3A_148, %dma_start3A_149, %dma_start3A_150, %dma_start3A_151] : memref<3x16x16x128xf32, #tpu.memory_space<vmem>> -> memref<1x1x16x128xf32, #tpu.memory_space<vmem>>
    %dma_start3A_153 = tpu.memref_squeeze %dma_start3A_152 : memref<1x1x16x128xf32, #tpu.memory_space<vmem>> -> memref<16x128xf32, #tpu.memory_space<vmem>>
    %dma_start3A_154 = arith.constant 0 : i32
    %dma_start3A_155 = tpu.memref_slice %arg2[%dma_start3A_154, %multiple_of3A_147] : memref<32x1000000xf32, #tpu.memory_space<hbm>> -> memref<16x128xf32, #tpu.memory_space<hbm>>
    %dma_start3A_156 = arith.constant 0 : i32
    %dma_start3A_157 = arith.constant 0 : i32
    %dma_start3A_158 = tpu.memref_slice %arg6[%dma_start3A_148, %dma_start3A_149, %dma_start3A_156, %dma_start3A_157] : memref<3x16x16x128xf32, #tpu.memory_space<vmem>> -> memref<1x1x16x128xf32, #tpu.memory_space<vmem>>
    %dma_start3A_159 = tpu.memref_squeeze %dma_start3A_158 : memref<1x1x16x128xf32, #tpu.memory_space<vmem>> -> memref<16x128xf32, #tpu.memory_space<vmem>>
    %dma_start3A_160 = arith.constant 0 : i32
    %dma_start3A_161 = tpu.memref_slice %arg2[%dma_start3A_160, %multiple_of3A_147] : memref<32x1000000xf32, #tpu.memory_space<hbm>> -> memref<16x128xf32, #tpu.memory_space<hbm>>
    tpu.enqueue_dma source(%dma_start3A_161 : memref<16x128xf32, #tpu.memory_space<hbm>>) target(%dma_start3A_159 : memref<16x128xf32, #tpu.memory_space<vmem>>) target_semaphore(%arg8 : memref<!tpu.dma_semaphore, #tpu.memory_space<semaphore_mem>>)
    %slice3A_162 = vector.extract_strided_slice %mul3A_29 {offsets = [8], sizes = [1], strides = [1]} : vector<16xi32> to vector<1xi32>
    %squeeze3A_163 = vector.extract %slice3A_162[0] : i32 from vector<1xi32>
    %multiple_of3A_164 = tpu.assume_multiple %squeeze3A_163, 128 : i32
    %dma_start3A_165 = arith.constant 0 : i32
    %dma_start3A_166 = arith.constant 8 : i32
    %dma_start3A_167 = arith.constant 0 : i32
    %dma_start3A_168 = arith.constant 0 : i32
    %dma_start3A_169 = tpu.memref_slice %arg6[%dma_start3A_165, %dma_start3A_166, %dma_start3A_167, %dma_start3A_168] : memref<3x16x16x128xf32, #tpu.memory_space<vmem>> -> memref<1x1x16x128xf32, #tpu.memory_space<vmem>>
    %dma_start3A_170 = tpu.memref_squeeze %dma_start3A_169 : memref<1x1x16x128xf32, #tpu.memory_space<vmem>> -> memref<16x128xf32, #tpu.memory_space<vmem>>
    %dma_start3A_171 = arith.constant 0 : i32
    %dma_start3A_172 = tpu.memref_slice %arg2[%dma_start3A_171, %multiple_of3A_164] : memref<32x1000000xf32, #tpu.memory_space<hbm>> -> memref<16x128xf32, #tpu.memory_space<hbm>>
    %dma_start3A_173 = arith.constant 0 : i32
    %dma_start3A_174 = arith.constant 0 : i32
    %dma_start3A_175 = tpu.memref_slice %arg6[%dma_start3A_165, %dma_start3A_166, %dma_start3A_173, %dma_start3A_174] : memref<3x16x16x128xf32, #tpu.memory_space<vmem>> -> memref<1x1x16x128xf32, #tpu.memory_space<vmem>>
    %dma_start3A_176 = tpu.memref_squeeze %dma_start3A_175 : memref<1x1x16x128xf32, #tpu.memory_space<vmem>> -> memref<16x128xf32, #tpu.memory_space<vmem>>
    %dma_start3A_177 = arith.constant 0 : i32
    %dma_start3A_178 = tpu.memref_slice %arg2[%dma_start3A_177, %multiple_of3A_164] : memref<32x1000000xf32, #tpu.memory_space<hbm>> -> memref<16x128xf32, #tpu.memory_space<hbm>>
    tpu.enqueue_dma source(%dma_start3A_178 : memref<16x128xf32, #tpu.memory_space<hbm>>) target(%dma_start3A_176 : memref<16x128xf32, #tpu.memory_space<vmem>>) target_semaphore(%arg8 : memref<!tpu.dma_semaphore, #tpu.memory_space<semaphore_mem>>)
    %slice3A_179 = vector.extract_strided_slice %mul3A_29 {offsets = [9], sizes = [1], strides = [1]} : vector<16xi32> to vector<1xi32>
    %squeeze3A_180 = vector.extract %slice3A_179[0] : i32 from vector<1xi32>
    %multiple_of3A_181 = tpu.assume_multiple %squeeze3A_180, 128 : i32
    %dma_start3A_182 = arith.constant 0 : i32
    %dma_start3A_183 = arith.constant 9 : i32
    %dma_start3A_184 = arith.constant 0 : i32
    %dma_start3A_185 = arith.constant 0 : i32
    %dma_start3A_186 = tpu.memref_slice %arg6[%dma_start3A_182, %dma_start3A_183, %dma_start3A_184, %dma_start3A_185] : memref<3x16x16x128xf32, #tpu.memory_space<vmem>> -> memref<1x1x16x128xf32, #tpu.memory_space<vmem>>
    %dma_start3A_187 = tpu.memref_squeeze %dma_start3A_186 : memref<1x1x16x128xf32, #tpu.memory_space<vmem>> -> memref<16x128xf32, #tpu.memory_space<vmem>>
    %dma_start3A_188 = arith.constant 0 : i32
    %dma_start3A_189 = tpu.memref_slice %arg2[%dma_start3A_188, %multiple_of3A_181] : memref<32x1000000xf32, #tpu.memory_space<hbm>> -> memref<16x128xf32, #tpu.memory_space<hbm>>
    %dma_start3A_190 = arith.constant 0 : i32
    %dma_start3A_191 = arith.constant 0 : i32
    %dma_start3A_192 = tpu.memref_slice %arg6[%dma_start3A_182, %dma_start3A_183, %dma_start3A_190, %dma_start3A_191] : memref<3x16x16x128xf32, #tpu.memory_space<vmem>> -> memref<1x1x16x128xf32, #tpu.memory_space<vmem>>
    %dma_start3A_193 = tpu.memref_squeeze %dma_start3A_192 : memref<1x1x16x128xf32, #tpu.memory_space<vmem>> -> memref<16x128xf32, #tpu.memory_space<vmem>>
    %dma_start3A_194 = arith.constant 0 : i32
    %dma_start3A_195 = tpu.memref_slice %arg2[%dma_start3A_194, %multiple_of3A_181] : memref<32x1000000xf32, #tpu.memory_space<hbm>> -> memref<16x128xf32, #tpu.memory_space<hbm>>
    tpu.enqueue_dma source(%dma_start3A_195 : memref<16x128xf32, #tpu.memory_space<hbm>>) target(%dma_start3A_193 : memref<16x128xf32, #tpu.memory_space<vmem>>) target_semaphore(%arg8 : memref<!tpu.dma_semaphore, #tpu.memory_space<semaphore_mem>>)
    %slice3A_196 = vector.extract_strided_slice %mul3A_29 {offsets = [10], sizes = [1], strides = [1]} : vector<16xi32> to vector<1xi32>
    %squeeze3A_197 = vector.extract %slice3A_196[0] : i32 from vector<1xi32>
    %multiple_of3A_198 = tpu.assume_multiple %squeeze3A_197, 128 : i32
    %dma_start3A_199 = arith.constant 0 : i32
    %dma_start3A_200 = arith.constant 10 : i32
    %dma_start3A_201 = arith.constant 0 : i32
    %dma_start3A_202 = arith.constant 0 : i32
    %dma_start3A_203 = tpu.memref_slice %arg6[%dma_start3A_199, %dma_start3A_200, %dma_start3A_201, %dma_start3A_202] : memref<3x16x16x128xf32, #tpu.memory_space<vmem>> -> memref<1x1x16x128xf32, #tpu.memory_space<vmem>>
    %dma_start3A_204 = tpu.memref_squeeze %dma_start3A_203 : memref<1x1x16x128xf32, #tpu.memory_space<vmem>> -> memref<16x128xf32, #tpu.memory_space<vmem>>
    %dma_start3A_205 = arith.constant 0 : i32
    %dma_start3A_206 = tpu.memref_slice %arg2[%dma_start3A_205, %multiple_of3A_198] : memref<32x1000000xf32, #tpu.memory_space<hbm>> -> memref<16x128xf32, #tpu.memory_space<hbm>>
    %dma_start3A_207 = arith.constant 0 : i32
    %dma_start3A_208 = arith.constant 0 : i32
    %dma_start3A_209 = tpu.memref_slice %arg6[%dma_start3A_199, %dma_start3A_200, %dma_start3A_207, %dma_start3A_208] : memref<3x16x16x128xf32, #tpu.memory_space<vmem>> -> memref<1x1x16x128xf32, #tpu.memory_space<vmem>>
    %dma_start3A_210 = tpu.memref_squeeze %dma_start3A_209 : memref<1x1x16x128xf32, #tpu.memory_space<vmem>> -> memref<16x128xf32, #tpu.memory_space<vmem>>
    %dma_start3A_211 = arith.constant 0 : i32
    %dma_start3A_212 = tpu.memref_slice %arg2[%dma_start3A_211, %multiple_of3A_198] : memref<32x1000000xf32, #tpu.memory_space<hbm>> -> memref<16x128xf32, #tpu.memory_space<hbm>>
    tpu.enqueue_dma source(%dma_start3A_212 : memref<16x128xf32, #tpu.memory_space<hbm>>) target(%dma_start3A_210 : memref<16x128xf32, #tpu.memory_space<vmem>>) target_semaphore(%arg8 : memref<!tpu.dma_semaphore, #tpu.memory_space<semaphore_mem>>)
    %slice3A_213 = vector.extract_strided_slice %mul3A_29 {offsets = [11], sizes = [1], strides = [1]} : vector<16xi32> to vector<1xi32>
    %squeeze3A_214 = vector.extract %slice3A_213[0] : i32 from vector<1xi32>
    %multiple_of3A_215 = tpu.assume_multiple %squeeze3A_214, 128 : i32
    %dma_start3A_216 = arith.constant 0 : i32
    %dma_start3A_217 = arith.constant 11 : i32
    %dma_start3A_218 = arith.constant 0 : i32
    %dma_start3A_219 = arith.constant 0 : i32
    %dma_start3A_220 = tpu.memref_slice %arg6[%dma_start3A_216, %dma_start3A_217, %dma_start3A_218, %dma_start3A_219] : memref<3x16x16x128xf32, #tpu.memory_space<vmem>> -> memref<1x1x16x128xf32, #tpu.memory_space<vmem>>
    %dma_start3A_221 = tpu.memref_squeeze %dma_start3A_220 : memref<1x1x16x128xf32, #tpu.memory_space<vmem>> -> memref<16x128xf32, #tpu.memory_space<vmem>>
    %dma_start3A_222 = arith.constant 0 : i32
    %dma_start3A_223 = tpu.memref_slice %arg2[%dma_start3A_222, %multiple_of3A_215] : memref<32x1000000xf32, #tpu.memory_space<hbm>> -> memref<16x128xf32, #tpu.memory_space<hbm>>
    %dma_start3A_224 = arith.constant 0 : i32
    %dma_start3A_225 = arith.constant 0 : i32
    %dma_start3A_226 = tpu.memref_slice %arg6[%dma_start3A_216, %dma_start3A_217, %dma_start3A_224, %dma_start3A_225] : memref<3x16x16x128xf32, #tpu.memory_space<vmem>> -> memref<1x1x16x128xf32, #tpu.memory_space<vmem>>
    %dma_start3A_227 = tpu.memref_squeeze %dma_start3A_226 : memref<1x1x16x128xf32, #tpu.memory_space<vmem>> -> memref<16x128xf32, #tpu.memory_space<vmem>>
    %dma_start3A_228 = arith.constant 0 : i32
    %dma_start3A_229 = tpu.memref_slice %arg2[%dma_start3A_228, %multiple_of3A_215] : memref<32x1000000xf32, #tpu.memory_space<hbm>> -> memref<16x128xf32, #tpu.memory_space<hbm>>
    tpu.enqueue_dma source(%dma_start3A_229 : memref<16x128xf32, #tpu.memory_space<hbm>>) target(%dma_start3A_227 : memref<16x128xf32, #tpu.memory_space<vmem>>) target_semaphore(%arg8 : memref<!tpu.dma_semaphore, #tpu.memory_space<semaphore_mem>>)
    %slice3A_230 = vector.extract_strided_slice %mul3A_29 {offsets = [12], sizes = [1], strides = [1]} : vector<16xi32> to vector<1xi32>
    %squeeze3A_231 = vector.extract %slice3A_230[0] : i32 from vector<1xi32>
    %multiple_of3A_232 = tpu.assume_multiple %squeeze3A_231, 128 : i32
    %dma_start3A_233 = arith.constant 0 : i32
    %dma_start3A_234 = arith.constant 12 : i32
    %dma_start3A_235 = arith.constant 0 : i32
    %dma_start3A_236 = arith.constant 0 : i32
    %dma_start3A_237 = tpu.memref_slice %arg6[%dma_start3A_233, %dma_start3A_234, %dma_start3A_235, %dma_start3A_236] : memref<3x16x16x128xf32, #tpu.memory_space<vmem>> -> memref<1x1x16x128xf32, #tpu.memory_space<vmem>>
    %dma_start3A_238 = tpu.memref_squeeze %dma_start3A_237 : memref<1x1x16x128xf32, #tpu.memory_space<vmem>> -> memref<16x128xf32, #tpu.memory_space<vmem>>
    %dma_start3A_239 = arith.constant 0 : i32
    %dma_start3A_240 = tpu.memref_slice %arg2[%dma_start3A_239, %multiple_of3A_232] : memref<32x1000000xf32, #tpu.memory_space<hbm>> -> memref<16x128xf32, #tpu.memory_space<hbm>>
    %dma_start3A_241 = arith.constant 0 : i32
    %dma_start3A_242 = arith.constant 0 : i32
    %dma_start3A_243 = tpu.memref_slice %arg6[%dma_start3A_233, %dma_start3A_234, %dma_start3A_241, %dma_start3A_242] : memref<3x16x16x128xf32, #tpu.memory_space<vmem>> -> memref<1x1x16x128xf32, #tpu.memory_space<vmem>>
    %dma_start3A_244 = tpu.memref_squeeze %dma_start3A_243 : memref<1x1x16x128xf32, #tpu.memory_space<vmem>> -> memref<16x128xf32, #tpu.memory_space<vmem>>
    %dma_start3A_245 = arith.constant 0 : i32
    %dma_start3A_246 = tpu.memref_slice %arg2[%dma_start3A_245, %multiple_of3A_232] : memref<32x1000000xf32, #tpu.memory_space<hbm>> -> memref<16x128xf32, #tpu.memory_space<hbm>>
    tpu.enqueue_dma source(%dma_start3A_246 : memref<16x128xf32, #tpu.memory_space<hbm>>) target(%dma_start3A_244 : memref<16x128xf32, #tpu.memory_space<vmem>>) target_semaphore(%arg8 : memref<!tpu.dma_semaphore, #tpu.memory_space<semaphore_mem>>)
    %slice3A_247 = vector.extract_strided_slice %mul3A_29 {offsets = [13], sizes = [1], strides = [1]} : vector<16xi32> to vector<1xi32>
    %squeeze3A_248 = vector.extract %slice3A_247[0] : i32 from vector<1xi32>
    %multiple_of3A_249 = tpu.assume_multiple %squeeze3A_248, 128 : i32
    %dma_start3A_250 = arith.constant 0 : i32
    %dma_start3A_251 = arith.constant 13 : i32
    %dma_start3A_252 = arith.constant 0 : i32
    %dma_start3A_253 = arith.constant 0 : i32
    %dma_start3A_254 = tpu.memref_slice %arg6[%dma_start3A_250, %dma_start3A_251, %dma_start3A_252, %dma_start3A_253] : memref<3x16x16x128xf32, #tpu.memory_space<vmem>> -> memref<1x1x16x128xf32, #tpu.memory_space<vmem>>
    %dma_start3A_255 = tpu.memref_squeeze %dma_start3A_254 : memref<1x1x16x128xf32, #tpu.memory_space<vmem>> -> memref<16x128xf32, #tpu.memory_space<vmem>>
    %dma_start3A_256 = arith.constant 0 : i32
    %dma_start3A_257 = tpu.memref_slice %arg2[%dma_start3A_256, %multiple_of3A_249] : memref<32x1000000xf32, #tpu.memory_space<hbm>> -> memref<16x128xf32, #tpu.memory_space<hbm>>
    %dma_start3A_258 = arith.constant 0 : i32
    %dma_start3A_259 = arith.constant 0 : i32
    %dma_start3A_260 = tpu.memref_slice %arg6[%dma_start3A_250, %dma_start3A_251, %dma_start3A_258, %dma_start3A_259] : memref<3x16x16x128xf32, #tpu.memory_space<vmem>> -> memref<1x1x16x128xf32, #tpu.memory_space<vmem>>
    %dma_start3A_261 = tpu.memref_squeeze %dma_start3A_260 : memref<1x1x16x128xf32, #tpu.memory_space<vmem>> -> memref<16x128xf32, #tpu.memory_space<vmem>>
    %dma_start3A_262 = arith.constant 0 : i32
    %dma_start3A_263 = tpu.memref_slice %arg2[%dma_start3A_262, %multiple_of3A_249] : memref<32x1000000xf32, #tpu.memory_space<hbm>> -> memref<16x128xf32, #tpu.memory_space<hbm>>
    tpu.enqueue_dma source(%dma_start3A_263 : memref<16x128xf32, #tpu.memory_space<hbm>>) target(%dma_start3A_261 : memref<16x128xf32, #tpu.memory_space<vmem>>) target_semaphore(%arg8 : memref<!tpu.dma_semaphore, #tpu.memory_space<semaphore_mem>>)
    %slice3A_264 = vector.extract_strided_slice %mul3A_29 {offsets = [14], sizes = [1], strides = [1]} : vector<16xi32> to vector<1xi32>
    %squeeze3A_265 = vector.extract %slice3A_264[0] : i32 from vector<1xi32>
    %multiple_of3A_266 = tpu.assume_multiple %squeeze3A_265, 128 : i32
    %dma_start3A_267 = arith.constant 0 : i32
    %dma_start3A_268 = arith.constant 14 : i32
    %dma_start3A_269 = arith.constant 0 : i32
    %dma_start3A_270 = arith.constant 0 : i32
    %dma_start3A_271 = tpu.memref_slice %arg6[%dma_start3A_267, %dma_start3A_268, %dma_start3A_269, %dma_start3A_270] : memref<3x16x16x128xf32, #tpu.memory_space<vmem>> -> memref<1x1x16x128xf32, #tpu.memory_space<vmem>>
    %dma_start3A_272 = tpu.memref_squeeze %dma_start3A_271 : memref<1x1x16x128xf32, #tpu.memory_space<vmem>> -> memref<16x128xf32, #tpu.memory_space<vmem>>
    %dma_start3A_273 = arith.constant 0 : i32
    %dma_start3A_274 = tpu.memref_slice %arg2[%dma_start3A_273, %multiple_of3A_266] : memref<32x1000000xf32, #tpu.memory_space<hbm>> -> memref<16x128xf32, #tpu.memory_space<hbm>>
    %dma_start3A_275 = arith.constant 0 : i32
    %dma_start3A_276 = arith.constant 0 : i32
    %dma_start3A_277 = tpu.memref_slice %arg6[%dma_start3A_267, %dma_start3A_268, %dma_start3A_275, %dma_start3A_276] : memref<3x16x16x128xf32, #tpu.memory_space<vmem>> -> memref<1x1x16x128xf32, #tpu.memory_space<vmem>>
    %dma_start3A_278 = tpu.memref_squeeze %dma_start3A_277 : memref<1x1x16x128xf32, #tpu.memory_space<vmem>> -> memref<16x128xf32, #tpu.memory_space<vmem>>
    %dma_start3A_279 = arith.constant 0 : i32
    %dma_start3A_280 = tpu.memref_slice %arg2[%dma_start3A_279, %multiple_of3A_266] : memref<32x1000000xf32, #tpu.memory_space<hbm>> -> memref<16x128xf32, #tpu.memory_space<hbm>>
    tpu.enqueue_dma source(%dma_start3A_280 : memref<16x128xf32, #tpu.memory_space<hbm>>) target(%dma_start3A_278 : memref<16x128xf32, #tpu.memory_space<vmem>>) target_semaphore(%arg8 : memref<!tpu.dma_semaphore, #tpu.memory_space<semaphore_mem>>)
    %slice3A_281 = vector.extract_strided_slice %mul3A_29 {offsets = [15], sizes = [1], strides = [1]} : vector<16xi32> to vector<1xi32>
    %squeeze3A_282 = vector.extract %slice3A_281[0] : i32 from vector<1xi32>
    %multiple_of3A_283 = tpu.assume_multiple %squeeze3A_282, 128 : i32
    %dma_start3A_284 = arith.constant 0 : i32
    %dma_start3A_285 = arith.constant 15 : i32
    %dma_start3A_286 = arith.constant 0 : i32
    %dma_start3A_287 = arith.constant 0 : i32
    %dma_start3A_288 = tpu.memref_slice %arg6[%dma_start3A_284, %dma_start3A_285, %dma_start3A_286, %dma_start3A_287] : memref<3x16x16x128xf32, #tpu.memory_space<vmem>> -> memref<1x1x16x128xf32, #tpu.memory_space<vmem>>
    %dma_start3A_289 = tpu.memref_squeeze %dma_start3A_288 : memref<1x1x16x128xf32, #tpu.memory_space<vmem>> -> memref<16x128xf32, #tpu.memory_space<vmem>>
    %dma_start3A_290 = arith.constant 0 : i32
    %dma_start3A_291 = tpu.memref_slice %arg2[%dma_start3A_290, %multiple_of3A_283] : memref<32x1000000xf32, #tpu.memory_space<hbm>> -> memref<16x128xf32, #tpu.memory_space<hbm>>
    %dma_start3A_292 = arith.constant 0 : i32
    %dma_start3A_293 = arith.constant 0 : i32
    %dma_start3A_294 = tpu.memref_slice %arg6[%dma_start3A_284, %dma_start3A_285, %dma_start3A_292, %dma_start3A_293] : memref<3x16x16x128xf32, #tpu.memory_space<vmem>> -> memref<1x1x16x128xf32, #tpu.memory_space<vmem>>
    %dma_start3A_295 = tpu.memref_squeeze %dma_start3A_294 : memref<1x1x16x128xf32, #tpu.memory_space<vmem>> -> memref<16x128xf32, #tpu.memory_space<vmem>>
    %dma_start3A_296 = arith.constant 0 : i32
    %dma_start3A_297 = tpu.memref_slice %arg2[%dma_start3A_296, %multiple_of3A_283] : memref<32x1000000xf32, #tpu.memory_space<hbm>> -> memref<16x128xf32, #tpu.memory_space<hbm>>
    tpu.enqueue_dma source(%dma_start3A_297 : memref<16x128xf32, #tpu.memory_space<hbm>>) target(%dma_start3A_295 : memref<16x128xf32, #tpu.memory_space<vmem>>) target_semaphore(%arg8 : memref<!tpu.dma_semaphore, #tpu.memory_space<semaphore_mem>>)
    %get3A_298 = arith.constant 16 : index
    %get3A_299 = tpu.vector_load %arg5[%get3A_298] {strides = array<i32>} : memref<128xi32, #tpu.memory_space<vmem>>, vector<16xi32>,
    %jit3A_300 = arith.constant 128 : i32
    %div3A_301 = vector.broadcast %jit3A_300 : i32 to vector<16xi32>
    %div3A_302 = arith.divsi %get3A_299, %div3A_301 : vector<16xi32>
    %sign3A_303 = arith.constant 0 : i32
    %sign3A_304 = vector.broadcast %sign3A_303 : i32 to vector<16xi32>
    %sign3A_305 = arith.cmpi sgt, %get3A_299, %sign3A_304 : vector<16xi32>
    %sign3A_306 = arith.extui %sign3A_305 : vector<16xi1> to vector<16xi32>
    %sign3A_307 = arith.constant 0 : i32
    %sign3A_308 = vector.broadcast %sign3A_307 : i32 to vector<16xi32>
    %sign3A_309 = arith.cmpi slt, %get3A_299, %sign3A_308 : vector<16xi32>
    %sign3A_310 = arith.extui %sign3A_309 : vector<16xi1> to vector<16xi32>
    %sign3A_311 = arith.subi %sign3A_306, %sign3A_310 : vector<16xi32>
    %sign3A_312 = arith.constant 0 : i32
    %sign3A_313 = arith.cmpi sgt, %jit3A_300, %sign3A_312 : i32
    %sign3A_314 = arith.extui %sign3A_313 : i1 to i32
    %sign3A_315 = arith.constant 0 : i32
    %sign3A_316 = arith.cmpi slt, %jit3A_300, %sign3A_315 : i32
    %sign3A_317 = arith.extui %sign3A_316 : i1 to i32
    %sign3A_318 = arith.subi %sign3A_314, %sign3A_317 : i32
    %ne3A_319 = vector.broadcast %sign3A_318 : i32 to vector<16xi32>
    %ne3A_320 = arith.cmpi ne, %sign3A_311, %ne3A_319 : vector<16xi32>
    %rem3A_321 = vector.broadcast %jit3A_300 : i32 to vector<16xi32>
    %rem3A_322 = arith.remsi %get3A_299, %rem3A_321 : vector<16xi32>
    %ne3A_323 = arith.constant 0 : i32
    %ne3A_324 = vector.broadcast %ne3A_323 : i32 to vector<16xi32>
    %ne3A_325 = arith.cmpi ne, %rem3A_322, %ne3A_324 : vector<16xi32>
    %and3A_326 = arith.andi %ne3A_320, %ne3A_325 : vector<16xi1>
    %sub3A_327 = arith.constant 1 : i32
    %sub3A_328 = vector.broadcast %sub3A_327 : i32 to vector<16xi32>
    %sub3A_329 = arith.subi %div3A_302, %sub3A_328 : vector<16xi32>
    %select_n3A_330 = arith.select %and3A_326, %sub3A_329, %div3A_302 : vector<16xi1>, vector<16xi32>
    %mul3A_331 = arith.constant 128 : i32
    %mul3A_332 = vector.broadcast %mul3A_331 : i32 to vector<16xi32>
    %mul3A_333 = arith.muli %select_n3A_330, %mul3A_332 : vector<16xi32>
    %slice3A_334 = vector.extract_strided_slice %mul3A_333 {offsets = [0], sizes = [1], strides = [1]} : vector<16xi32> to vector<1xi32>
    %squeeze3A_335 = vector.extract %slice3A_334[0] : i32 from vector<1xi32>
    %multiple_of3A_336 = tpu.assume_multiple %squeeze3A_335, 128 : i32
    %dma_start3A_337 = arith.constant 1 : i32
    %dma_start3A_338 = arith.constant 0 : i32
    %dma_start3A_339 = arith.constant 0 : i32
    %dma_start3A_340 = arith.constant 0 : i32
    %dma_start3A_341 = tpu.memref_slice %arg6[%dma_start3A_337, %dma_start3A_338, %dma_start3A_339, %dma_start3A_340] : memref<3x16x16x128xf32, #tpu.memory_space<vmem>> -> memref<1x1x16x128xf32, #tpu.memory_space<vmem>>
    %dma_start3A_342 = tpu.memref_squeeze %dma_start3A_341 : memref<1x1x16x128xf32, #tpu.memory_space<vmem>> -> memref<16x128xf32, #tpu.memory_space<vmem>>
    %dma_start3A_343 = arith.constant 0 : i32
    %dma_start3A_344 = tpu.memref_slice %arg2[%dma_start3A_343, %multiple_of3A_336] : memref<32x1000000xf32, #tpu.memory_space<hbm>> -> memref<16x128xf32, #tpu.memory_space<hbm>>
    %dma_start3A_345 = arith.constant 0 : i32
    %dma_start3A_346 = arith.constant 0 : i32
    %dma_start3A_347 = tpu.memref_slice %arg6[%dma_start3A_337, %dma_start3A_338, %dma_start3A_345, %dma_start3A_346] : memref<3x16x16x128xf32, #tpu.memory_space<vmem>> -> memref<1x1x16x128xf32, #tpu.memory_space<vmem>>
    %dma_start3A_348 = tpu.memref_squeeze %dma_start3A_347 : memref<1x1x16x128xf32, #tpu.memory_space<vmem>> -> memref<16x128xf32, #tpu.memory_space<vmem>>
    %dma_start3A_349 = arith.constant 0 : i32
    %dma_start3A_350 = tpu.memref_slice %arg2[%dma_start3A_349, %multiple_of3A_336] : memref<32x1000000xf32, #tpu.memory_space<hbm>> -> memref<16x128xf32, #tpu.memory_space<hbm>>
    tpu.enqueue_dma source(%dma_start3A_350 : memref<16x128xf32, #tpu.memory_space<hbm>>) target(%dma_start3A_348 : memref<16x128xf32, #tpu.memory_space<vmem>>) target_semaphore(%arg8 : memref<!tpu.dma_semaphore, #tpu.memory_space<semaphore_mem>>)
    %slice3A_351 = vector.extract_strided_slice %mul3A_333 {offsets = [1], sizes = [1], strides = [1]} : vector<16xi32> to vector<1xi32>
    %squeeze3A_352 = vector.extract %slice3A_351[0] : i32 from vector<1xi32>
    %multiple_of3A_353 = tpu.assume_multiple %squeeze3A_352, 128 : i32
    %dma_start3A_354 = arith.constant 1 : i32
    %dma_start3A_355 = arith.constant 1 : i32
    %dma_start3A_356 = arith.constant 0 : i32
    %dma_start3A_357 = arith.constant 0 : i32
    %dma_start3A_358 = tpu.memref_slice %arg6[%dma_start3A_354, %dma_start3A_355, %dma_start3A_356, %dma_start3A_357] : memref<3x16x16x128xf32, #tpu.memory_space<vmem>> -> memref<1x1x16x128xf32, #tpu.memory_space<vmem>>
    %dma_start3A_359 = tpu.memref_squeeze %dma_start3A_358 : memref<1x1x16x128xf32, #tpu.memory_space<vmem>> -> memref<16x128xf32, #tpu.memory_space<vmem>>
    %dma_start3A_360 = arith.constant 0 : i32
    %dma_start3A_361 = tpu.memref_slice %arg2[%dma_start3A_360, %multiple_of3A_353] : memref<32x1000000xf32, #tpu.memory_space<hbm>> -> memref<16x128xf32, #tpu.memory_space<hbm>>
    %dma_start3A_362 = arith.constant 0 : i32
    %dma_start3A_363 = arith.constant 0 : i32
    %dma_start3A_364 = tpu.memref_slice %arg6[%dma_start3A_354, %dma_start3A_355, %dma_start3A_362, %dma_start3A_363] : memref<3x16x16x128xf32, #tpu.memory_space<vmem>> -> memref<1x1x16x128xf32, #tpu.memory_space<vmem>>
    %dma_start3A_365 = tpu.memref_squeeze %dma_start3A_364 : memref<1x1x16x128xf32, #tpu.memory_space<vmem>> -> memref<16x128xf32, #tpu.memory_space<vmem>>
    %dma_start3A_366 = arith.constant 0 : i32
    %dma_start3A_367 = tpu.memref_slice %arg2[%dma_start3A_366, %multiple_of3A_353] : memref<32x1000000xf32, #tpu.memory_space<hbm>> -> memref<16x128xf32, #tpu.memory_space<hbm>>
    tpu.enqueue_dma source(%dma_start3A_367 : memref<16x128xf32, #tpu.memory_space<hbm>>) target(%dma_start3A_365 : memref<16x128xf32, #tpu.memory_space<vmem>>) target_semaphore(%arg8 : memref<!tpu.dma_semaphore, #tpu.memory_space<semaphore_mem>>)
    %slice3A_368 = vector.extract_strided_slice %mul3A_333 {offsets = [2], sizes = [1], strides = [1]} : vector<16xi32> to vector<1xi32>
    %squeeze3A_369 = vector.extract %slice3A_368[0] : i32 from vector<1xi32>
    %multiple_of3A_370 = tpu.assume_multiple %squeeze3A_369, 128 : i32
    %dma_start3A_371 = arith.constant 1 : i32
    %dma_start3A_372 = arith.constant 2 : i32
    %dma_start3A_373 = arith.constant 0 : i32
    %dma_start3A_374 = arith.constant 0 : i32
    %dma_start3A_375 = tpu.memref_slice %arg6[%dma_start3A_371, %dma_start3A_372, %dma_start3A_373, %dma_start3A_374] : memref<3x16x16x128xf32, #tpu.memory_space<vmem>> -> memref<1x1x16x128xf32, #tpu.memory_space<vmem>>
    %dma_start3A_376 = tpu.memref_squeeze %dma_start3A_375 : memref<1x1x16x128xf32, #tpu.memory_space<vmem>> -> memref<16x128xf32, #tpu.memory_space<vmem>>
    %dma_start3A_377 = arith.constant 0 : i32
    %dma_start3A_378 = tpu.memref_slice %arg2[%dma_start3A_377, %multiple_of3A_370] : memref<32x1000000xf32, #tpu.memory_space<hbm>> -> memref<16x128xf32, #tpu.memory_space<hbm>>
    %dma_start3A_379 = arith.constant 0 : i32
    %dma_start3A_380 = arith.constant 0 : i32
    %dma_start3A_381 = tpu.memref_slice %arg6[%dma_start3A_371, %dma_start3A_372, %dma_start3A_379, %dma_start3A_380] : memref<3x16x16x128xf32, #tpu.memory_space<vmem>> -> memref<1x1x16x128xf32, #tpu.memory_space<vmem>>
    %dma_start3A_382 = tpu.memref_squeeze %dma_start3A_381 : memref<1x1x16x128xf32, #tpu.memory_space<vmem>> -> memref<16x128xf32, #tpu.memory_space<vmem>>
    %dma_start3A_383 = arith.constant 0 : i32
    %dma_start3A_384 = tpu.memref_slice %arg2[%dma_start3A_383, %multiple_of3A_370] : memref<32x1000000xf32, #tpu.memory_space<hbm>> -> memref<16x128xf32, #tpu.memory_space<hbm>>
    tpu.enqueue_dma source(%dma_start3A_384 : memref<16x128xf32, #tpu.memory_space<hbm>>) target(%dma_start3A_382 : memref<16x128xf32, #tpu.memory_space<vmem>>) target_semaphore(%arg8 : memref<!tpu.dma_semaphore, #tpu.memory_space<semaphore_mem>>)
    %slice3A_385 = vector.extract_strided_slice %mul3A_333 {offsets = [3], sizes = [1], strides = [1]} : vector<16xi32> to vector<1xi32>
    %squeeze3A_386 = vector.extract %slice3A_385[0] : i32 from vector<1xi32>
    %multiple_of3A_387 = tpu.assume_multiple %squeeze3A_386, 128 : i32
    %dma_start3A_388 = arith.constant 1 : i32
    %dma_start3A_389 = arith.constant 3 : i32
    %dma_start3A_390 = arith.constant 0 : i32
    %dma_start3A_391 = arith.constant 0 : i32
    %dma_start3A_392 = tpu.memref_slice %arg6[%dma_start3A_388, %dma_start3A_389, %dma_start3A_390, %dma_start3A_391] : memref<3x16x16x128xf32, #tpu.memory_space<vmem>> -> memref<1x1x16x128xf32, #tpu.memory_space<vmem>>
    %dma_start3A_393 = tpu.memref_squeeze %dma_start3A_392 : memref<1x1x16x128xf32, #tpu.memory_space<vmem>> -> memref<16x128xf32, #tpu.memory_space<vmem>>
    %dma_start3A_394 = arith.constant 0 : i32
    %dma_start3A_395 = tpu.memref_slice %arg2[%dma_start3A_394, %multiple_of3A_387] : memref<32x1000000xf32, #tpu.memory_space<hbm>> -> memref<16x128xf32, #tpu.memory_space<hbm>>
    %dma_start3A_396 = arith.constant 0 : i32
    %dma_start3A_397 = arith.constant 0 : i32
    %dma_start3A_398 = tpu.memref_slice %arg6[%dma_start3A_388, %dma_start3A_389, %dma_start3A_396, %dma_start3A_397] : memref<3x16x16x128xf32, #tpu.memory_space<vmem>> -> memref<1x1x16x128xf32, #tpu.memory_space<vmem>>
    %dma_start3A_399 = tpu.memref_squeeze %dma_start3A_398 : memref<1x1x16x128xf32, #tpu.memory_space<vmem>> -> memref<16x128xf32, #tpu.memory_space<vmem>>
    %dma_start3A_400 = arith.constant 0 : i32
    %dma_start3A_401 = tpu.memref_slice %arg2[%dma_start3A_400, %multiple_of3A_387] : memref<32x1000000xf32, #tpu.memory_space<hbm>> -> memref<16x128xf32, #tpu.memory_space<hbm>>
    tpu.enqueue_dma source(%dma_start3A_401 : memref<16x128xf32, #tpu.memory_space<hbm>>) target(%dma_start3A_399 : memref<16x128xf32, #tpu.memory_space<vmem>>) target_semaphore(%arg8 : memref<!tpu.dma_semaphore, #tpu.memory_space<semaphore_mem>>)
    %slice3A_402 = vector.extract_strided_slice %mul3A_333 {offsets = [4], sizes = [1], strides = [1]} : vector<16xi32> to vector<1xi32>
    %squeeze3A_403 = vector.extract %slice3A_402[0] : i32 from vector<1xi32>
    %multiple_of3A_404 = tpu.assume_multiple %squeeze3A_403, 128 : i32
    %dma_start3A_405 = arith.constant 1 : i32
    %dma_start3A_406 = arith.constant 4 : i32
    %dma_start3A_407 = arith.constant 0 : i32
    %dma_start3A_408 = arith.constant 0 : i32
    %dma_start3A_409 = tpu.memref_slice %arg6[%dma_start3A_405, %dma_start3A_406, %dma_start3A_407, %dma_start3A_408] : memref<3x16x16x128xf32, #tpu.memory_space<vmem>> -> memref<1x1x16x128xf32, #tpu.memory_space<vmem>>
    %dma_start3A_410 = tpu.memref_squeeze %dma_start3A_409 : memref<1x1x16x128xf32, #tpu.memory_space<vmem>> -> memref<16x128xf32, #tpu.memory_space<vmem>>
    %dma_start3A_411 = arith.constant 0 : i32
    %dma_start3A_412 = tpu.memref_slice %arg2[%dma_start3A_411, %multiple_of3A_404] : memref<32x1000000xf32, #tpu.memory_space<hbm>> -> memref<16x128xf32, #tpu.memory_space<hbm>>
    %dma_start3A_413 = arith.constant 0 : i32
    %dma_start3A_414 = arith.constant 0 : i32
    %dma_start3A_415 = tpu.memref_slice %arg6[%dma_start3A_405, %dma_start3A_406, %dma_start3A_413, %dma_start3A_414] : memref<3x16x16x128xf32, #tpu.memory_space<vmem>> -> memref<1x1x16x128xf32, #tpu.memory_space<vmem>>
    %dma_start3A_416 = tpu.memref_squeeze %dma_start3A_415 : memref<1x1x16x128xf32, #tpu.memory_space<vmem>> -> memref<16x128xf32, #tpu.memory_space<vmem>>
    %dma_start3A_417 = arith.constant 0 : i32
    %dma_start3A_418 = tpu.memref_slice %arg2[%dma_start3A_417, %multiple_of3A_404] : memref<32x1000000xf32, #tpu.memory_space<hbm>> -> memref<16x128xf32, #tpu.memory_space<hbm>>
    tpu.enqueue_dma source(%dma_start3A_418 : memref<16x128xf32, #tpu.memory_space<hbm>>) target(%dma_start3A_416 : memref<16x128xf32, #tpu.memory_space<vmem>>) target_semaphore(%arg8 : memref<!tpu.dma_semaphore, #tpu.memory_space<semaphore_mem>>)
    %slice3A_419 = vector.extract_strided_slice %mul3A_333 {offsets = [5], sizes = [1], strides = [1]} : vector<16xi32> to vector<1xi32>
    %squeeze3A_420 = vector.extract %slice3A_419[0] : i32 from vector<1xi32>
    %multiple_of3A_421 = tpu.assume_multiple %squeeze3A_420, 128 : i32
    %dma_start3A_422 = arith.constant 1 : i32
    %dma_start3A_423 = arith.constant 5 : i32
    %dma_start3A_424 = arith.constant 0 : i32
    %dma_start3A_425 = arith.constant 0 : i32
    %dma_start3A_426 = tpu.memref_slice %arg6[%dma_start3A_422, %dma_start3A_423, %dma_start3A_424, %dma_start3A_425] : memref<3x16x16x128xf32, #tpu.memory_space<vmem>> -> memref<1x1x16x128xf32, #tpu.memory_space<vmem>>
    %dma_start3A_427 = tpu.memref_squeeze %dma_start3A_426 : memref<1x1x16x128xf32, #tpu.memory_space<vmem>> -> memref<16x128xf32, #tpu.memory_space<vmem>>
    %dma_start3A_428 = arith.constant 0 : i32
    %dma_start3A_429 = tpu.memref_slice %arg2[%dma_start3A_428, %multiple_of3A_421] : memref<32x1000000xf32, #tpu.memory_space<hbm>> -> memref<16x128xf32, #tpu.memory_space<hbm>>
    %dma_start3A_430 = arith.constant 0 : i32
    %dma_start3A_431 = arith.constant 0 : i32
    %dma_start3A_432 = tpu.memref_slice %arg6[%dma_start3A_422, %dma_start3A_423, %dma_start3A_430, %dma_start3A_431] : memref<3x16x16x128xf32, #tpu.memory_space<vmem>> -> memref<1x1x16x128xf32, #tpu.memory_space<vmem>>
    %dma_start3A_433 = tpu.memref_squeeze %dma_start3A_432 : memref<1x1x16x128xf32, #tpu.memory_space<vmem>> -> memref<16x128xf32, #tpu.memory_space<vmem>>
    %dma_start3A_434 = arith.constant 0 : i32
    %dma_start3A_435 = tpu.memref_slice %arg2[%dma_start3A_434, %multiple_of3A_421] : memref<32x1000000xf32, #tpu.memory_space<hbm>> -> memref<16x128xf32, #tpu.memory_space<hbm>>
    tpu.enqueue_dma source(%dma_start3A_435 : memref<16x128xf32, #tpu.memory_space<hbm>>) target(%dma_start3A_433 : memref<16x128xf32, #tpu.memory_space<vmem>>) target_semaphore(%arg8 : memref<!tpu.dma_semaphore, #tpu.memory_space<semaphore_mem>>)
    %slice3A_436 = vector.extract_strided_slice %mul3A_333 {offsets = [6], sizes = [1], strides = [1]} : vector<16xi32> to vector<1xi32>
    %squeeze3A_437 = vector.extract %slice3A_436[0] : i32 from vector<1xi32>
    %multiple_of3A_438 = tpu.assume_multiple %squeeze3A_437, 128 : i32
    %dma_start3A_439 = arith.constant 1 : i32
    %dma_start3A_440 = arith.constant 6 : i32
    %dma_start3A_441 = arith.constant 0 : i32
    %dma_start3A_442 = arith.constant 0 : i32
    %dma_start3A_443 = tpu.memref_slice %arg6[%dma_start3A_439, %dma_start3A_440, %dma_start3A_441, %dma_start3A_442] : memref<3x16x16x128xf32, #tpu.memory_space<vmem>> -> memref<1x1x16x128xf32, #tpu.memory_space<vmem>>
    %dma_start3A_444 = tpu.memref_squeeze %dma_start3A_443 : memref<1x1x16x128xf32, #tpu.memory_space<vmem>> -> memref<16x128xf32, #tpu.memory_space<vmem>>
    %dma_start3A_445 = arith.constant 0 : i32
    %dma_start3A_446 = tpu.memref_slice %arg2[%dma_start3A_445, %multiple_of3A_438] : memref<32x1000000xf32, #tpu.memory_space<hbm>> -> memref<16x128xf32, #tpu.memory_space<hbm>>
    %dma_start3A_447 = arith.constant 0 : i32
    %dma_start3A_448 = arith.constant 0 : i32
    %dma_start3A_449 = tpu.memref_slice %arg6[%dma_start3A_439, %dma_start3A_440, %dma_start3A_447, %dma_start3A_448] : memref<3x16x16x128xf32, #tpu.memory_space<vmem>> -> memref<1x1x16x128xf32, #tpu.memory_space<vmem>>
    %dma_start3A_450 = tpu.memref_squeeze %dma_start3A_449 : memref<1x1x16x128xf32, #tpu.memory_space<vmem>> -> memref<16x128xf32, #tpu.memory_space<vmem>>
    %dma_start3A_451 = arith.constant 0 : i32
    %dma_start3A_452 = tpu.memref_slice %arg2[%dma_start3A_451, %multiple_of3A_438] : memref<32x1000000xf32, #tpu.memory_space<hbm>> -> memref<16x128xf32, #tpu.memory_space<hbm>>
    tpu.enqueue_dma source(%dma_start3A_452 : memref<16x128xf32, #tpu.memory_space<hbm>>) target(%dma_start3A_450 : memref<16x128xf32, #tpu.memory_space<vmem>>) target_semaphore(%arg8 : memref<!tpu.dma_semaphore, #tpu.memory_space<semaphore_mem>>)
    %slice3A_453 = vector.extract_strided_slice %mul3A_333 {offsets = [7], sizes = [1], strides = [1]} : vector<16xi32> to vector<1xi32>
    %squeeze3A_454 = vector.extract %slice3A_453[0] : i32 from vector<1xi32>
    %multiple_of3A_455 = tpu.assume_multiple %squeeze3A_454, 128 : i32
    %dma_start3A_456 = arith.constant 1 : i32
    %dma_start3A_457 = arith.constant 7 : i32
    %dma_start3A_458 = arith.constant 0 : i32
    %dma_start3A_459 = arith.constant 0 : i32
    %dma_start3A_460 = tpu.memref_slice %arg6[%dma_start3A_456, %dma_start3A_457, %dma_start3A_458, %dma_start3A_459] : memref<3x16x16x128xf32, #tpu.memory_space<vmem>> -> memref<1x1x16x128xf32, #tpu.memory_space<vmem>>
    %dma_start3A_461 = tpu.memref_squeeze %dma_start3A_460 : memref<1x1x16x128xf32, #tpu.memory_space<vmem>> -> memref<16x128xf32, #tpu.memory_space<vmem>>
    %dma_start3A_462 = arith.constant 0 : i32
    %dma_start3A_463 = tpu.memref_slice %arg2[%dma_start3A_462, %multiple_of3A_455] : memref<32x1000000xf32, #tpu.memory_space<hbm>> -> memref<16x128xf32, #tpu.memory_space<hbm>>
    %dma_start3A_464 = arith.constant 0 : i32
    %dma_start3A_465 = arith.constant 0 : i32
    %dma_start3A_466 = tpu.memref_slice %arg6[%dma_start3A_456, %dma_start3A_457, %dma_start3A_464, %dma_start3A_465] : memref<3x16x16x128xf32, #tpu.memory_space<vmem>> -> memref<1x1x16x128xf32, #tpu.memory_space<vmem>>
    %dma_start3A_467 = tpu.memref_squeeze %dma_start3A_466 : memref<1x1x16x128xf32, #tpu.memory_space<vmem>> -> memref<16x128xf32, #tpu.memory_space<vmem>>
    %dma_start3A_468 = arith.constant 0 : i32
    %dma_start3A_469 = tpu.memref_slice %arg2[%dma_start3A_468, %multiple_of3A_455] : memref<32x1000000xf32, #tpu.memory_space<hbm>> -> memref<16x128xf32, #tpu.memory_space<hbm>>
    tpu.enqueue_dma source(%dma_start3A_469 : memref<16x128xf32, #tpu.memory_space<hbm>>) target(%dma_start3A_467 : memref<16x128xf32, #tpu.memory_space<vmem>>) target_semaphore(%arg8 : memref<!tpu.dma_semaphore, #tpu.memory_space<semaphore_mem>>)
    %slice3A_470 = vector.extract_strided_slice %mul3A_333 {offsets = [8], sizes = [1], strides = [1]} : vector<16xi32> to vector<1xi32>
    %squeeze3A_471 = vector.extract %slice3A_470[0] : i32 from vector<1xi32>
    %multiple_of3A_472 = tpu.assume_multiple %squeeze3A_471, 128 : i32
    %dma_start3A_473 = arith.constant 1 : i32
    %dma_start3A_474 = arith.constant 8 : i32
    %dma_start3A_475 = arith.constant 0 : i32
    %dma_start3A_476 = arith.constant 0 : i32
    %dma_start3A_477 = tpu.memref_slice %arg6[%dma_start3A_473, %dma_start3A_474, %dma_start3A_475, %dma_start3A_476] : memref<3x16x16x128xf32, #tpu.memory_space<vmem>> -> memref<1x1x16x128xf32, #tpu.memory_space<vmem>>
    %dma_start3A_478 = tpu.memref_squeeze %dma_start3A_477 : memref<1x1x16x128xf32, #tpu.memory_space<vmem>> -> memref<16x128xf32, #tpu.memory_space<vmem>>
    %dma_start3A_479 = arith.constant 0 : i32
    %dma_start3A_480 = tpu.memref_slice %arg2[%dma_start3A_479, %multiple_of3A_472] : memref<32x1000000xf32, #tpu.memory_space<hbm>> -> memref<16x128xf32, #tpu.memory_space<hbm>>
    %dma_start3A_481 = arith.constant 0 : i32
    %dma_start3A_482 = arith.constant 0 : i32
    %dma_start3A_483 = tpu.memref_slice %arg6[%dma_start3A_473, %dma_start3A_474, %dma_start3A_481, %dma_start3A_482] : memref<3x16x16x128xf32, #tpu.memory_space<vmem>> -> memref<1x1x16x128xf32, #tpu.memory_space<vmem>>
    %dma_start3A_484 = tpu.memref_squeeze %dma_start3A_483 : memref<1x1x16x128xf32, #tpu.memory_space<vmem>> -> memref<16x128xf32, #tpu.memory_space<vmem>>
    %dma_start3A_485 = arith.constant 0 : i32
    %dma_start3A_486 = tpu.memref_slice %arg2[%dma_start3A_485, %multiple_of3A_472] : memref<32x1000000xf32, #tpu.memory_space<hbm>> -> memref<16x128xf32, #tpu.memory_space<hbm>>
    tpu.enqueue_dma source(%dma_start3A_486 : memref<16x128xf32, #tpu.memory_space<hbm>>) target(%dma_start3A_484 : memref<16x128xf32, #tpu.memory_space<vmem>>) target_semaphore(%arg8 : memref<!tpu.dma_semaphore, #tpu.memory_space<semaphore_mem>>)
    %slice3A_487 = vector.extract_strided_slice %mul3A_333 {offsets = [9], sizes = [1], strides = [1]} : vector<16xi32> to vector<1xi32>
    %squeeze3A_488 = vector.extract %slice3A_487[0] : i32 from vector<1xi32>
    %multiple_of3A_489 = tpu.assume_multiple %squeeze3A_488, 128 : i32
    %dma_start3A_490 = arith.constant 1 : i32
    %dma_start3A_491 = arith.constant 9 : i32
    %dma_start3A_492 = arith.constant 0 : i32
    %dma_start3A_493 = arith.constant 0 : i32
    %dma_start3A_494 = tpu.memref_slice %arg6[%dma_start3A_490, %dma_start3A_491, %dma_start3A_492, %dma_start3A_493] : memref<3x16x16x128xf32, #tpu.memory_space<vmem>> -> memref<1x1x16x128xf32, #tpu.memory_space<vmem>>
    %dma_start3A_495 = tpu.memref_squeeze %dma_start3A_494 : memref<1x1x16x128xf32, #tpu.memory_space<vmem>> -> memref<16x128xf32, #tpu.memory_space<vmem>>
    %dma_start3A_496 = arith.constant 0 : i32
    %dma_start3A_497 = tpu.memref_slice %arg2[%dma_start3A_496, %multiple_of3A_489] : memref<32x1000000xf32, #tpu.memory_space<hbm>> -> memref<16x128xf32, #tpu.memory_space<hbm>>
    %dma_start3A_498 = arith.constant 0 : i32
    %dma_start3A_499 = arith.constant 0 : i32
    %dma_start3A_500 = tpu.memref_slice %arg6[%dma_start3A_490, %dma_start3A_491, %dma_start3A_498, %dma_start3A_499] : memref<3x16x16x128xf32, #tpu.memory_space<vmem>> -> memref<1x1x16x128xf32, #tpu.memory_space<vmem>>
    %dma_start3A_501 = tpu.memref_squeeze %dma_start3A_500 : memref<1x1x16x128xf32, #tpu.memory_space<vmem>> -> memref<16x128xf32, #tpu.memory_space<vmem>>
    %dma_start3A_502 = arith.constant 0 : i32
    %dma_start3A_503 = tpu.memref_slice %arg2[%dma_start3A_502, %multiple_of3A_489] : memref<32x1000000xf32, #tpu.memory_space<hbm>> -> memref<16x128xf32, #tpu.memory_space<hbm>>
    tpu.enqueue_dma source(%dma_start3A_503 : memref<16x128xf32, #tpu.memory_space<hbm>>) target(%dma_start3A_501 : memref<16x128xf32, #tpu.memory_space<vmem>>) target_semaphore(%arg8 : memref<!tpu.dma_semaphore, #tpu.memory_space<semaphore_mem>>)
    %slice3A_504 = vector.extract_strided_slice %mul3A_333 {offsets = [10], sizes = [1], strides = [1]} : vector<16xi32> to vector<1xi32>
    %squeeze3A_505 = vector.extract %slice3A_504[0] : i32 from vector<1xi32>
    %multiple_of3A_506 = tpu.assume_multiple %squeeze3A_505, 128 : i32
    %dma_start3A_507 = arith.constant 1 : i32
    %dma_start3A_508 = arith.constant 10 : i32
    %dma_start3A_509 = arith.constant 0 : i32
    %dma_start3A_510 = arith.constant 0 : i32
    %dma_start3A_511 = tpu.memref_slice %arg6[%dma_start3A_507, %dma_start3A_508, %dma_start3A_509, %dma_start3A_510] : memref<3x16x16x128xf32, #tpu.memory_space<vmem>> -> memref<1x1x16x128xf32, #tpu.memory_space<vmem>>
    %dma_start3A_512 = tpu.memref_squeeze %dma_start3A_511 : memref<1x1x16x128xf32, #tpu.memory_space<vmem>> -> memref<16x128xf32, #tpu.memory_space<vmem>>
    %dma_start3A_513 = arith.constant 0 : i32
    %dma_start3A_514 = tpu.memref_slice %arg2[%dma_start3A_513, %multiple_of3A_506] : memref<32x1000000xf32, #tpu.memory_space<hbm>> -> memref<16x128xf32, #tpu.memory_space<hbm>>
    %dma_start3A_515 = arith.constant 0 : i32
    %dma_start3A_516 = arith.constant 0 : i32
    %dma_start3A_517 = tpu.memref_slice %arg6[%dma_start3A_507, %dma_start3A_508, %dma_start3A_515, %dma_start3A_516] : memref<3x16x16x128xf32, #tpu.memory_space<vmem>> -> memref<1x1x16x128xf32, #tpu.memory_space<vmem>>
    %dma_start3A_518 = tpu.memref_squeeze %dma_start3A_517 : memref<1x1x16x128xf32, #tpu.memory_space<vmem>> -> memref<16x128xf32, #tpu.memory_space<vmem>>
    %dma_start3A_519 = arith.constant 0 : i32
    %dma_start3A_520 = tpu.memref_slice %arg2[%dma_start3A_519, %multiple_of3A_506] : memref<32x1000000xf32, #tpu.memory_space<hbm>> -> memref<16x128xf32, #tpu.memory_space<hbm>>
    tpu.enqueue_dma source(%dma_start3A_520 : memref<16x128xf32, #tpu.memory_space<hbm>>) target(%dma_start3A_518 : memref<16x128xf32, #tpu.memory_space<vmem>>) target_semaphore(%arg8 : memref<!tpu.dma_semaphore, #tpu.memory_space<semaphore_mem>>)
    %slice3A_521 = vector.extract_strided_slice %mul3A_333 {offsets = [11], sizes = [1], strides = [1]} : vector<16xi32> to vector<1xi32>
    %squeeze3A_522 = vector.extract %slice3A_521[0] : i32 from vector<1xi32>
    %multiple_of3A_523 = tpu.assume_multiple %squeeze3A_522, 128 : i32
    %dma_start3A_524 = arith.constant 1 : i32
    %dma_start3A_525 = arith.constant 11 : i32
    %dma_start3A_526 = arith.constant 0 : i32
    %dma_start3A_527 = arith.constant 0 : i32
    %dma_start3A_528 = tpu.memref_slice %arg6[%dma_start3A_524, %dma_start3A_525, %dma_start3A_526, %dma_start3A_527] : memref<3x16x16x128xf32, #tpu.memory_space<vmem>> -> memref<1x1x16x128xf32, #tpu.memory_space<vmem>>
    %dma_start3A_529 = tpu.memref_squeeze %dma_start3A_528 : memref<1x1x16x128xf32, #tpu.memory_space<vmem>> -> memref<16x128xf32, #tpu.memory_space<vmem>>
    %dma_start3A_530 = arith.constant 0 : i32
    %dma_start3A_531 = tpu.memref_slice %arg2[%dma_start3A_530, %multiple_of3A_523] : memref<32x1000000xf32, #tpu.memory_space<hbm>> -> memref<16x128xf32, #tpu.memory_space<hbm>>
    %dma_start3A_532 = arith.constant 0 : i32
    %dma_start3A_533 = arith.constant 0 : i32
    %dma_start3A_534 = tpu.memref_slice %arg6[%dma_start3A_524, %dma_start3A_525, %dma_start3A_532, %dma_start3A_533] : memref<3x16x16x128xf32, #tpu.memory_space<vmem>> -> memref<1x1x16x128xf32, #tpu.memory_space<vmem>>
    %dma_start3A_535 = tpu.memref_squeeze %dma_start3A_534 : memref<1x1x16x128xf32, #tpu.memory_space<vmem>> -> memref<16x128xf32, #tpu.memory_space<vmem>>
    %dma_start3A_536 = arith.constant 0 : i32
    %dma_start3A_537 = tpu.memref_slice %arg2[%dma_start3A_536, %multiple_of3A_523] : memref<32x1000000xf32, #tpu.memory_space<hbm>> -> memref<16x128xf32, #tpu.memory_space<hbm>>
    tpu.enqueue_dma source(%dma_start3A_537 : memref<16x128xf32, #tpu.memory_space<hbm>>) target(%dma_start3A_535 : memref<16x128xf32, #tpu.memory_space<vmem>>) target_semaphore(%arg8 : memref<!tpu.dma_semaphore, #tpu.memory_space<semaphore_mem>>)
    %slice3A_538 = vector.extract_strided_slice %mul3A_333 {offsets = [12], sizes = [1], strides = [1]} : vector<16xi32> to vector<1xi32>
    %squeeze3A_539 = vector.extract %slice3A_538[0] : i32 from vector<1xi32>
    %multiple_of3A_540 = tpu.assume_multiple %squeeze3A_539, 128 : i32
    %dma_start3A_541 = arith.constant 1 : i32
    %dma_start3A_542 = arith.constant 12 : i32
    %dma_start3A_543 = arith.constant 0 : i32
    %dma_start3A_544 = arith.constant 0 : i32
    %dma_start3A_545 = tpu.memref_slice %arg6[%dma_start3A_541, %dma_start3A_542, %dma_start3A_543, %dma_start3A_544] : memref<3x16x16x128xf32, #tpu.memory_space<vmem>> -> memref<1x1x16x128xf32, #tpu.memory_space<vmem>>
    %dma_start3A_546 = tpu.memref_squeeze %dma_start3A_545 : memref<1x1x16x128xf32, #tpu.memory_space<vmem>> -> memref<16x128xf32, #tpu.memory_space<vmem>>
    %dma_start3A_547 = arith.constant 0 : i32
    %dma_start3A_548 = tpu.memref_slice %arg2[%dma_start3A_547, %multiple_of3A_540] : memref<32x1000000xf32, #tpu.memory_space<hbm>> -> memref<16x128xf32, #tpu.memory_space<hbm>>
    %dma_start3A_549 = arith.constant 0 : i32
    %dma_start3A_550 = arith.constant 0 : i32
    %dma_start3A_551 = tpu.memref_slice %arg6[%dma_start3A_541, %dma_start3A_542, %dma_start3A_549, %dma_start3A_550] : memref<3x16x16x128xf32, #tpu.memory_space<vmem>> -> memref<1x1x16x128xf32, #tpu.memory_space<vmem>>
    %dma_start3A_552 = tpu.memref_squeeze %dma_start3A_551 : memref<1x1x16x128xf32, #tpu.memory_space<vmem>> -> memref<16x128xf32, #tpu.memory_space<vmem>>
    %dma_start3A_553 = arith.constant 0 : i32
    %dma_start3A_554 = tpu.memref_slice %arg2[%dma_start3A_553, %multiple_of3A_540] : memref<32x1000000xf32, #tpu.memory_space<hbm>> -> memref<16x128xf32, #tpu.memory_space<hbm>>
    tpu.enqueue_dma source(%dma_start3A_554 : memref<16x128xf32, #tpu.memory_space<hbm>>) target(%dma_start3A_552 : memref<16x128xf32, #tpu.memory_space<vmem>>) target_semaphore(%arg8 : memref<!tpu.dma_semaphore, #tpu.memory_space<semaphore_mem>>)
    %slice3A_555 = vector.extract_strided_slice %mul3A_333 {offsets = [13], sizes = [1], strides = [1]} : vector<16xi32> to vector<1xi32>
    %squeeze3A_556 = vector.extract %slice3A_555[0] : i32 from vector<1xi32>
    %multiple_of3A_557 = tpu.assume_multiple %squeeze3A_556, 128 : i32
    %dma_start3A_558 = arith.constant 1 : i32
    %dma_start3A_559 = arith.constant 13 : i32
    %dma_start3A_560 = arith.constant 0 : i32
    %dma_start3A_561 = arith.constant 0 : i32
    %dma_start3A_562 = tpu.memref_slice %arg6[%dma_start3A_558, %dma_start3A_559, %dma_start3A_560, %dma_start3A_561] : memref<3x16x16x128xf32, #tpu.memory_space<vmem>> -> memref<1x1x16x128xf32, #tpu.memory_space<vmem>>
    %dma_start3A_563 = tpu.memref_squeeze %dma_start3A_562 : memref<1x1x16x128xf32, #tpu.memory_space<vmem>> -> memref<16x128xf32, #tpu.memory_space<vmem>>
    %dma_start3A_564 = arith.constant 0 : i32
    %dma_start3A_565 = tpu.memref_slice %arg2[%dma_start3A_564, %multiple_of3A_557] : memref<32x1000000xf32, #tpu.memory_space<hbm>> -> memref<16x128xf32, #tpu.memory_space<hbm>>
    %dma_start3A_566 = arith.constant 0 : i32
    %dma_start3A_567 = arith.constant 0 : i32
    %dma_start3A_568 = tpu.memref_slice %arg6[%dma_start3A_558, %dma_start3A_559, %dma_start3A_566, %dma_start3A_567] : memref<3x16x16x128xf32, #tpu.memory_space<vmem>> -> memref<1x1x16x128xf32, #tpu.memory_space<vmem>>
    %dma_start3A_569 = tpu.memref_squeeze %dma_start3A_568 : memref<1x1x16x128xf32, #tpu.memory_space<vmem>> -> memref<16x128xf32, #tpu.memory_space<vmem>>
    %dma_start3A_570 = arith.constant 0 : i32
    %dma_start3A_571 = tpu.memref_slice %arg2[%dma_start3A_570, %multiple_of3A_557] : memref<32x1000000xf32, #tpu.memory_space<hbm>> -> memref<16x128xf32, #tpu.memory_space<hbm>>
    tpu.enqueue_dma source(%dma_start3A_571 : memref<16x128xf32, #tpu.memory_space<hbm>>) target(%dma_start3A_569 : memref<16x128xf32, #tpu.memory_space<vmem>>) target_semaphore(%arg8 : memref<!tpu.dma_semaphore, #tpu.memory_space<semaphore_mem>>)
    %slice3A_572 = vector.extract_strided_slice %mul3A_333 {offsets = [14], sizes = [1], strides = [1]} : vector<16xi32> to vector<1xi32>
    %squeeze3A_573 = vector.extract %slice3A_572[0] : i32 from vector<1xi32>
    %multiple_of3A_574 = tpu.assume_multiple %squeeze3A_573, 128 : i32
    %dma_start3A_575 = arith.constant 1 : i32
    %dma_start3A_576 = arith.constant 14 : i32
    %dma_start3A_577 = arith.constant 0 : i32
    %dma_start3A_578 = arith.constant 0 : i32
    %dma_start3A_579 = tpu.memref_slice %arg6[%dma_start3A_575, %dma_start3A_576, %dma_start3A_577, %dma_start3A_578] : memref<3x16x16x128xf32, #tpu.memory_space<vmem>> -> memref<1x1x16x128xf32, #tpu.memory_space<vmem>>
    %dma_start3A_580 = tpu.memref_squeeze %dma_start3A_579 : memref<1x1x16x128xf32, #tpu.memory_space<vmem>> -> memref<16x128xf32, #tpu.memory_space<vmem>>
    %dma_start3A_581 = arith.constant 0 : i32
    %dma_start3A_582 = tpu.memref_slice %arg2[%dma_start3A_581, %multiple_of3A_574] : memref<32x1000000xf32, #tpu.memory_space<hbm>> -> memref<16x128xf32, #tpu.memory_space<hbm>>
    %dma_start3A_583 = arith.constant 0 : i32
    %dma_start3A_584 = arith.constant 0 : i32
    %dma_start3A_585 = tpu.memref_slice %arg6[%dma_start3A_575, %dma_start3A_576, %dma_start3A_583, %dma_start3A_584] : memref<3x16x16x128xf32, #tpu.memory_space<vmem>> -> memref<1x1x16x128xf32, #tpu.memory_space<vmem>>
    %dma_start3A_586 = tpu.memref_squeeze %dma_start3A_585 : memref<1x1x16x128xf32, #tpu.memory_space<vmem>> -> memref<16x128xf32, #tpu.memory_space<vmem>>
    %dma_start3A_587 = arith.constant 0 : i32
    %dma_start3A_588 = tpu.memref_slice %arg2[%dma_start3A_587, %multiple_of3A_574] : memref<32x1000000xf32, #tpu.memory_space<hbm>> -> memref<16x128xf32, #tpu.memory_space<hbm>>
    tpu.enqueue_dma source(%dma_start3A_588 : memref<16x128xf32, #tpu.memory_space<hbm>>) target(%dma_start3A_586 : memref<16x128xf32, #tpu.memory_space<vmem>>) target_semaphore(%arg8 : memref<!tpu.dma_semaphore, #tpu.memory_space<semaphore_mem>>)
    %slice3A_589 = vector.extract_strided_slice %mul3A_333 {offsets = [15], sizes = [1], strides = [1]} : vector<16xi32> to vector<1xi32>
    %squeeze3A_590 = vector.extract %slice3A_589[0] : i32 from vector<1xi32>
    %multiple_of3A_591 = tpu.assume_multiple %squeeze3A_590, 128 : i32
    %dma_start3A_592 = arith.constant 1 : i32
    %dma_start3A_593 = arith.constant 15 : i32
    %dma_start3A_594 = arith.constant 0 : i32
    %dma_start3A_595 = arith.constant 0 : i32
    %dma_start3A_596 = tpu.memref_slice %arg6[%dma_start3A_592, %dma_start3A_593, %dma_start3A_594, %dma_start3A_595] : memref<3x16x16x128xf32, #tpu.memory_space<vmem>> -> memref<1x1x16x128xf32, #tpu.memory_space<vmem>>
    %dma_start3A_597 = tpu.memref_squeeze %dma_start3A_596 : memref<1x1x16x128xf32, #tpu.memory_space<vmem>> -> memref<16x128xf32, #tpu.memory_space<vmem>>
    %dma_start3A_598 = arith.constant 0 : i32
    %dma_start3A_599 = tpu.memref_slice %arg2[%dma_start3A_598, %multiple_of3A_591] : memref<32x1000000xf32, #tpu.memory_space<hbm>> -> memref<16x128xf32, #tpu.memory_space<hbm>>
    %dma_start3A_600 = arith.constant 0 : i32
    %dma_start3A_601 = arith.constant 0 : i32
    %dma_start3A_602 = tpu.memref_slice %arg6[%dma_start3A_592, %dma_start3A_593, %dma_start3A_600, %dma_start3A_601] : memref<3x16x16x128xf32, #tpu.memory_space<vmem>> -> memref<1x1x16x128xf32, #tpu.memory_space<vmem>>
    %dma_start3A_603 = tpu.memref_squeeze %dma_start3A_602 : memref<1x1x16x128xf32, #tpu.memory_space<vmem>> -> memref<16x128xf32, #tpu.memory_space<vmem>>
    %dma_start3A_604 = arith.constant 0 : i32
    %dma_start3A_605 = tpu.memref_slice %arg2[%dma_start3A_604, %multiple_of3A_591] : memref<32x1000000xf32, #tpu.memory_space<hbm>> -> memref<16x128xf32, #tpu.memory_space<hbm>>
    tpu.enqueue_dma source(%dma_start3A_605 : memref<16x128xf32, #tpu.memory_space<hbm>>) target(%dma_start3A_603 : memref<16x128xf32, #tpu.memory_space<vmem>>) target_semaphore(%arg8 : memref<!tpu.dma_semaphore, #tpu.memory_space<semaphore_mem>>)
    %scan3A = arith.constant 0 : i32
    %scan3A_606 = arith.constant 0 : i32
    %scan3A_607 = arith.constant 8 : i32
    %scan3A_608 = arith.addi %scan3A_606, %scan3A_607 : i32
    %scan3A_609 = arith.constant 1 : i32
    scf.for %scan3A_1233 = %scan3A_606 to %scan3A_608 step %scan3A_609  : i32 {
      %add3A_1234 = arith.constant 2 : i32
      %add3A_1235 = arith.addi %scan3A_1233, %add3A_1234 : i32
      %lt3A = arith.constant 8 : i32
      %lt3A_1236 = arith.cmpi slt, %add3A_1235, %lt3A : i32
      %convert_element_type3A = arith.extui %lt3A_1236 : i1 to i32
      %cond3A = arith.constant 0 : i32
      %cond3A_1237 = arith.cmpi ne, %convert_element_type3A, %cond3A : i32
      scf.if %cond3A_1237 {
        %add3A_1660 = arith.constant 2 : i32
        %add3A_1661 = arith.addi %scan3A_1233, %add3A_1660 : i32
        %jit3A_1662 = arith.constant 3 : i32
        %eq3A_1663 = arith.constant 0 : i32
        %eq3A_1664 = arith.cmpi eq, %jit3A_1662, %eq3A_1663 : i32
        %jit3A_1665 = arith.constant 1 : i32
        %select_n3A_1666 = arith.select %eq3A_1664, %jit3A_1665, %jit3A_1662 : i32
        %rem3A_1667 = arith.remsi %add3A_1661, %select_n3A_1666 : i32
        %ne3A_1668 = arith.constant 0 : i32
        %ne3A_1669 = arith.cmpi ne, %rem3A_1667, %ne3A_1668 : i32
        %lt3A_1670 = arith.constant 0 : i32
        %lt3A_1671 = arith.cmpi slt, %rem3A_1667, %lt3A_1670 : i32
        %lt3A_1672 = arith.constant 0 : i32
        %lt3A_1673 = arith.cmpi slt, %select_n3A_1666, %lt3A_1672 : i32
        %ne3A_1674 = arith.xori %lt3A_1671, %lt3A_1673 : i1
        %and3A_1675 = arith.andi %ne3A_1674, %ne3A_1669 : i1
        %add3A_1676 = arith.addi %rem3A_1667, %select_n3A_1666 : i32
        %select_n3A_1677 = arith.select %and3A_1675, %add3A_1676, %rem3A_1667 : i32
        %mul3A_1678 = arith.constant 16 : i32
        %mul3A_1679 = arith.muli %add3A_1661, %mul3A_1678 : i32
        %get3A_1680 = arith.index_cast %mul3A_1679 : i32 to index
        %get3A_1681 = tpu.vector_load %arg5[%get3A_1680] {strides = array<i32>} : memref<128xi32, #tpu.memory_space<vmem>>, vector<16xi32>,
        %jit3A_1682 = arith.constant 128 : i32
        %div3A_1683 = vector.broadcast %jit3A_1682 : i32 to vector<16xi32>
        %div3A_1684 = arith.divsi %get3A_1681, %div3A_1683 : vector<16xi32>
        %sign3A_1685 = arith.constant 0 : i32
        %sign3A_1686 = vector.broadcast %sign3A_1685 : i32 to vector<16xi32>
        %sign3A_1687 = arith.cmpi sgt, %get3A_1681, %sign3A_1686 : vector<16xi32>
        %sign3A_1688 = arith.extui %sign3A_1687 : vector<16xi1> to vector<16xi32>
        %sign3A_1689 = arith.constant 0 : i32
        %sign3A_1690 = vector.broadcast %sign3A_1689 : i32 to vector<16xi32>
        %sign3A_1691 = arith.cmpi slt, %get3A_1681, %sign3A_1690 : vector<16xi32>
        %sign3A_1692 = arith.extui %sign3A_1691 : vector<16xi1> to vector<16xi32>
        %sign3A_1693 = arith.subi %sign3A_1688, %sign3A_1692 : vector<16xi32>
        %sign3A_1694 = arith.constant 0 : i32
        %sign3A_1695 = arith.cmpi sgt, %jit3A_1682, %sign3A_1694 : i32
        %sign3A_1696 = arith.extui %sign3A_1695 : i1 to i32
        %sign3A_1697 = arith.constant 0 : i32
        %sign3A_1698 = arith.cmpi slt, %jit3A_1682, %sign3A_1697 : i32
        %sign3A_1699 = arith.extui %sign3A_1698 : i1 to i32
        %sign3A_1700 = arith.subi %sign3A_1696, %sign3A_1699 : i32
        %ne3A_1701 = vector.broadcast %sign3A_1700 : i32 to vector<16xi32>
        %ne3A_1702 = arith.cmpi ne, %sign3A_1693, %ne3A_1701 : vector<16xi32>
        %rem3A_1703 = vector.broadcast %jit3A_1682 : i32 to vector<16xi32>
        %rem3A_1704 = arith.remsi %get3A_1681, %rem3A_1703 : vector<16xi32>
        %ne3A_1705 = arith.constant 0 : i32
        %ne3A_1706 = vector.broadcast %ne3A_1705 : i32 to vector<16xi32>
        %ne3A_1707 = arith.cmpi ne, %rem3A_1704, %ne3A_1706 : vector<16xi32>
        %and3A_1708 = arith.andi %ne3A_1702, %ne3A_1707 : vector<16xi1>
        %sub3A_1709 = arith.constant 1 : i32
        %sub3A_1710 = vector.broadcast %sub3A_1709 : i32 to vector<16xi32>
        %sub3A_1711 = arith.subi %div3A_1684, %sub3A_1710 : vector<16xi32>
        %select_n3A_1712 = arith.select %and3A_1708, %sub3A_1711, %div3A_1684 : vector<16xi1>, vector<16xi32>
        %mul3A_1713 = arith.constant 128 : i32
        %mul3A_1714 = vector.broadcast %mul3A_1713 : i32 to vector<16xi32>
        %mul3A_1715 = arith.muli %select_n3A_1712, %mul3A_1714 : vector<16xi32>
        %slice3A_1716 = vector.extract_strided_slice %mul3A_1715 {offsets = [0], sizes = [1], strides = [1]} : vector<16xi32> to vector<1xi32>
        %squeeze3A_1717 = vector.extract %slice3A_1716[0] : i32 from vector<1xi32>
        %multiple_of3A_1718 = tpu.assume_multiple %squeeze3A_1717, 128 : i32
        %dma_start3A_1719 = arith.constant 0 : i32
        %dma_start3A_1720 = arith.constant 0 : i32
        %dma_start3A_1721 = arith.constant 0 : i32
        %dma_start3A_1722 = tpu.memref_slice %arg6[%select_n3A_1677, %dma_start3A_1719, %dma_start3A_1720, %dma_start3A_1721] : memref<3x16x16x128xf32, #tpu.memory_space<vmem>> -> memref<1x1x16x128xf32, #tpu.memory_space<vmem>>
        %dma_start3A_1723 = tpu.memref_squeeze %dma_start3A_1722 : memref<1x1x16x128xf32, #tpu.memory_space<vmem>> -> memref<16x128xf32, #tpu.memory_space<vmem>>
        %dma_start3A_1724 = arith.constant 0 : i32
        %dma_start3A_1725 = tpu.memref_slice %arg2[%dma_start3A_1724, %multiple_of3A_1718] : memref<32x1000000xf32, #tpu.memory_space<hbm>> -> memref<16x128xf32, #tpu.memory_space<hbm>>
        %dma_start3A_1726 = arith.constant 0 : i32
        %dma_start3A_1727 = arith.constant 0 : i32
        %dma_start3A_1728 = tpu.memref_slice %arg6[%select_n3A_1677, %dma_start3A_1719, %dma_start3A_1726, %dma_start3A_1727] : memref<3x16x16x128xf32, #tpu.memory_space<vmem>> -> memref<1x1x16x128xf32, #tpu.memory_space<vmem>>
        %dma_start3A_1729 = tpu.memref_squeeze %dma_start3A_1728 : memref<1x1x16x128xf32, #tpu.memory_space<vmem>> -> memref<16x128xf32, #tpu.memory_space<vmem>>
        %dma_start3A_1730 = arith.constant 0 : i32
        %dma_start3A_1731 = tpu.memref_slice %arg2[%dma_start3A_1730, %multiple_of3A_1718] : memref<32x1000000xf32, #tpu.memory_space<hbm>> -> memref<16x128xf32, #tpu.memory_space<hbm>>
        tpu.enqueue_dma source(%dma_start3A_1731 : memref<16x128xf32, #tpu.memory_space<hbm>>) target(%dma_start3A_1729 : memref<16x128xf32, #tpu.memory_space<vmem>>) target_semaphore(%arg8 : memref<!tpu.dma_semaphore, #tpu.memory_space<semaphore_mem>>)
        %slice3A_1732 = vector.extract_strided_slice %mul3A_1715 {offsets = [1], sizes = [1], strides = [1]} : vector<16xi32> to vector<1xi32>
        %squeeze3A_1733 = vector.extract %slice3A_1732[0] : i32 from vector<1xi32>
        %multiple_of3A_1734 = tpu.assume_multiple %squeeze3A_1733, 128 : i32
        %dma_start3A_1735 = arith.constant 1 : i32
        %dma_start3A_1736 = arith.constant 0 : i32
        %dma_start3A_1737 = arith.constant 0 : i32
        %dma_start3A_1738 = tpu.memref_slice %arg6[%select_n3A_1677, %dma_start3A_1735, %dma_start3A_1736, %dma_start3A_1737] : memref<3x16x16x128xf32, #tpu.memory_space<vmem>> -> memref<1x1x16x128xf32, #tpu.memory_space<vmem>>
        %dma_start3A_1739 = tpu.memref_squeeze %dma_start3A_1738 : memref<1x1x16x128xf32, #tpu.memory_space<vmem>> -> memref<16x128xf32, #tpu.memory_space<vmem>>
        %dma_start3A_1740 = arith.constant 0 : i32
        %dma_start3A_1741 = tpu.memref_slice %arg2[%dma_start3A_1740, %multiple_of3A_1734] : memref<32x1000000xf32, #tpu.memory_space<hbm>> -> memref<16x128xf32, #tpu.memory_space<hbm>>
        %dma_start3A_1742 = arith.constant 0 : i32
        %dma_start3A_1743 = arith.constant 0 : i32
        %dma_start3A_1744 = tpu.memref_slice %arg6[%select_n3A_1677, %dma_start3A_1735, %dma_start3A_1742, %dma_start3A_1743] : memref<3x16x16x128xf32, #tpu.memory_space<vmem>> -> memref<1x1x16x128xf32, #tpu.memory_space<vmem>>
        %dma_start3A_1745 = tpu.memref_squeeze %dma_start3A_1744 : memref<1x1x16x128xf32, #tpu.memory_space<vmem>> -> memref<16x128xf32, #tpu.memory_space<vmem>>
        %dma_start3A_1746 = arith.constant 0 : i32
        %dma_start3A_1747 = tpu.memref_slice %arg2[%dma_start3A_1746, %multiple_of3A_1734] : memref<32x1000000xf32, #tpu.memory_space<hbm>> -> memref<16x128xf32, #tpu.memory_space<hbm>>
        tpu.enqueue_dma source(%dma_start3A_1747 : memref<16x128xf32, #tpu.memory_space<hbm>>) target(%dma_start3A_1745 : memref<16x128xf32, #tpu.memory_space<vmem>>) target_semaphore(%arg8 : memref<!tpu.dma_semaphore, #tpu.memory_space<semaphore_mem>>)
        %slice3A_1748 = vector.extract_strided_slice %mul3A_1715 {offsets = [2], sizes = [1], strides = [1]} : vector<16xi32> to vector<1xi32>
        %squeeze3A_1749 = vector.extract %slice3A_1748[0] : i32 from vector<1xi32>
        %multiple_of3A_1750 = tpu.assume_multiple %squeeze3A_1749, 128 : i32
        %dma_start3A_1751 = arith.constant 2 : i32
        %dma_start3A_1752 = arith.constant 0 : i32
        %dma_start3A_1753 = arith.constant 0 : i32
        %dma_start3A_1754 = tpu.memref_slice %arg6[%select_n3A_1677, %dma_start3A_1751, %dma_start3A_1752, %dma_start3A_1753] : memref<3x16x16x128xf32, #tpu.memory_space<vmem>> -> memref<1x1x16x128xf32, #tpu.memory_space<vmem>>
        %dma_start3A_1755 = tpu.memref_squeeze %dma_start3A_1754 : memref<1x1x16x128xf32, #tpu.memory_space<vmem>> -> memref<16x128xf32, #tpu.memory_space<vmem>>
        %dma_start3A_1756 = arith.constant 0 : i32
        %dma_start3A_1757 = tpu.memref_slice %arg2[%dma_start3A_1756, %multiple_of3A_1750] : memref<32x1000000xf32, #tpu.memory_space<hbm>> -> memref<16x128xf32, #tpu.memory_space<hbm>>
        %dma_start3A_1758 = arith.constant 0 : i32
        %dma_start3A_1759 = arith.constant 0 : i32
        %dma_start3A_1760 = tpu.memref_slice %arg6[%select_n3A_1677, %dma_start3A_1751, %dma_start3A_1758, %dma_start3A_1759] : memref<3x16x16x128xf32, #tpu.memory_space<vmem>> -> memref<1x1x16x128xf32, #tpu.memory_space<vmem>>
        %dma_start3A_1761 = tpu.memref_squeeze %dma_start3A_1760 : memref<1x1x16x128xf32, #tpu.memory_space<vmem>> -> memref<16x128xf32, #tpu.memory_space<vmem>>
        %dma_start3A_1762 = arith.constant 0 : i32
        %dma_start3A_1763 = tpu.memref_slice %arg2[%dma_start3A_1762, %multiple_of3A_1750] : memref<32x1000000xf32, #tpu.memory_space<hbm>> -> memref<16x128xf32, #tpu.memory_space<hbm>>
        tpu.enqueue_dma source(%dma_start3A_1763 : memref<16x128xf32, #tpu.memory_space<hbm>>) target(%dma_start3A_1761 : memref<16x128xf32, #tpu.memory_space<vmem>>) target_semaphore(%arg8 : memref<!tpu.dma_semaphore, #tpu.memory_space<semaphore_mem>>)
        %slice3A_1764 = vector.extract_strided_slice %mul3A_1715 {offsets = [3], sizes = [1], strides = [1]} : vector<16xi32> to vector<1xi32>
        %squeeze3A_1765 = vector.extract %slice3A_1764[0] : i32 from vector<1xi32>
        %multiple_of3A_1766 = tpu.assume_multiple %squeeze3A_1765, 128 : i32
        %dma_start3A_1767 = arith.constant 3 : i32
        %dma_start3A_1768 = arith.constant 0 : i32
        %dma_start3A_1769 = arith.constant 0 : i32
        %dma_start3A_1770 = tpu.memref_slice %arg6[%select_n3A_1677, %dma_start3A_1767, %dma_start3A_1768, %dma_start3A_1769] : memref<3x16x16x128xf32, #tpu.memory_space<vmem>> -> memref<1x1x16x128xf32, #tpu.memory_space<vmem>>
        %dma_start3A_1771 = tpu.memref_squeeze %dma_start3A_1770 : memref<1x1x16x128xf32, #tpu.memory_space<vmem>> -> memref<16x128xf32, #tpu.memory_space<vmem>>
        %dma_start3A_1772 = arith.constant 0 : i32
        %dma_start3A_1773 = tpu.memref_slice %arg2[%dma_start3A_1772, %multiple_of3A_1766] : memref<32x1000000xf32, #tpu.memory_space<hbm>> -> memref<16x128xf32, #tpu.memory_space<hbm>>
        %dma_start3A_1774 = arith.constant 0 : i32
        %dma_start3A_1775 = arith.constant 0 : i32
        %dma_start3A_1776 = tpu.memref_slice %arg6[%select_n3A_1677, %dma_start3A_1767, %dma_start3A_1774, %dma_start3A_1775] : memref<3x16x16x128xf32, #tpu.memory_space<vmem>> -> memref<1x1x16x128xf32, #tpu.memory_space<vmem>>
        %dma_start3A_1777 = tpu.memref_squeeze %dma_start3A_1776 : memref<1x1x16x128xf32, #tpu.memory_space<vmem>> -> memref<16x128xf32, #tpu.memory_space<vmem>>
        %dma_start3A_1778 = arith.constant 0 : i32
        %dma_start3A_1779 = tpu.memref_slice %arg2[%dma_start3A_1778, %multiple_of3A_1766] : memref<32x1000000xf32, #tpu.memory_space<hbm>> -> memref<16x128xf32, #tpu.memory_space<hbm>>
        tpu.enqueue_dma source(%dma_start3A_1779 : memref<16x128xf32, #tpu.memory_space<hbm>>) target(%dma_start3A_1777 : memref<16x128xf32, #tpu.memory_space<vmem>>) target_semaphore(%arg8 : memref<!tpu.dma_semaphore, #tpu.memory_space<semaphore_mem>>)
        %slice3A_1780 = vector.extract_strided_slice %mul3A_1715 {offsets = [4], sizes = [1], strides = [1]} : vector<16xi32> to vector<1xi32>
        %squeeze3A_1781 = vector.extract %slice3A_1780[0] : i32 from vector<1xi32>
        %multiple_of3A_1782 = tpu.assume_multiple %squeeze3A_1781, 128 : i32
        %dma_start3A_1783 = arith.constant 4 : i32
        %dma_start3A_1784 = arith.constant 0 : i32
        %dma_start3A_1785 = arith.constant 0 : i32
        %dma_start3A_1786 = tpu.memref_slice %arg6[%select_n3A_1677, %dma_start3A_1783, %dma_start3A_1784, %dma_start3A_1785] : memref<3x16x16x128xf32, #tpu.memory_space<vmem>> -> memref<1x1x16x128xf32, #tpu.memory_space<vmem>>
        %dma_start3A_1787 = tpu.memref_squeeze %dma_start3A_1786 : memref<1x1x16x128xf32, #tpu.memory_space<vmem>> -> memref<16x128xf32, #tpu.memory_space<vmem>>
        %dma_start3A_1788 = arith.constant 0 : i32
        %dma_start3A_1789 = tpu.memref_slice %arg2[%dma_start3A_1788, %multiple_of3A_1782] : memref<32x1000000xf32, #tpu.memory_space<hbm>> -> memref<16x128xf32, #tpu.memory_space<hbm>>
        %dma_start3A_1790 = arith.constant 0 : i32
        %dma_start3A_1791 = arith.constant 0 : i32
        %dma_start3A_1792 = tpu.memref_slice %arg6[%select_n3A_1677, %dma_start3A_1783, %dma_start3A_1790, %dma_start3A_1791] : memref<3x16x16x128xf32, #tpu.memory_space<vmem>> -> memref<1x1x16x128xf32, #tpu.memory_space<vmem>>
        %dma_start3A_1793 = tpu.memref_squeeze %dma_start3A_1792 : memref<1x1x16x128xf32, #tpu.memory_space<vmem>> -> memref<16x128xf32, #tpu.memory_space<vmem>>
        %dma_start3A_1794 = arith.constant 0 : i32
        %dma_start3A_1795 = tpu.memref_slice %arg2[%dma_start3A_1794, %multiple_of3A_1782] : memref<32x1000000xf32, #tpu.memory_space<hbm>> -> memref<16x128xf32, #tpu.memory_space<hbm>>
        tpu.enqueue_dma source(%dma_start3A_1795 : memref<16x128xf32, #tpu.memory_space<hbm>>) target(%dma_start3A_1793 : memref<16x128xf32, #tpu.memory_space<vmem>>) target_semaphore(%arg8 : memref<!tpu.dma_semaphore, #tpu.memory_space<semaphore_mem>>)
        %slice3A_1796 = vector.extract_strided_slice %mul3A_1715 {offsets = [5], sizes = [1], strides = [1]} : vector<16xi32> to vector<1xi32>
        %squeeze3A_1797 = vector.extract %slice3A_1796[0] : i32 from vector<1xi32>
        %multiple_of3A_1798 = tpu.assume_multiple %squeeze3A_1797, 128 : i32
        %dma_start3A_1799 = arith.constant 5 : i32
        %dma_start3A_1800 = arith.constant 0 : i32
        %dma_start3A_1801 = arith.constant 0 : i32
        %dma_start3A_1802 = tpu.memref_slice %arg6[%select_n3A_1677, %dma_start3A_1799, %dma_start3A_1800, %dma_start3A_1801] : memref<3x16x16x128xf32, #tpu.memory_space<vmem>> -> memref<1x1x16x128xf32, #tpu.memory_space<vmem>>
        %dma_start3A_1803 = tpu.memref_squeeze %dma_start3A_1802 : memref<1x1x16x128xf32, #tpu.memory_space<vmem>> -> memref<16x128xf32, #tpu.memory_space<vmem>>
        %dma_start3A_1804 = arith.constant 0 : i32
        %dma_start3A_1805 = tpu.memref_slice %arg2[%dma_start3A_1804, %multiple_of3A_1798] : memref<32x1000000xf32, #tpu.memory_space<hbm>> -> memref<16x128xf32, #tpu.memory_space<hbm>>
        %dma_start3A_1806 = arith.constant 0 : i32
        %dma_start3A_1807 = arith.constant 0 : i32
        %dma_start3A_1808 = tpu.memref_slice %arg6[%select_n3A_1677, %dma_start3A_1799, %dma_start3A_1806, %dma_start3A_1807] : memref<3x16x16x128xf32, #tpu.memory_space<vmem>> -> memref<1x1x16x128xf32, #tpu.memory_space<vmem>>
        %dma_start3A_1809 = tpu.memref_squeeze %dma_start3A_1808 : memref<1x1x16x128xf32, #tpu.memory_space<vmem>> -> memref<16x128xf32, #tpu.memory_space<vmem>>
        %dma_start3A_1810 = arith.constant 0 : i32
        %dma_start3A_1811 = tpu.memref_slice %arg2[%dma_start3A_1810, %multiple_of3A_1798] : memref<32x1000000xf32, #tpu.memory_space<hbm>> -> memref<16x128xf32, #tpu.memory_space<hbm>>
        tpu.enqueue_dma source(%dma_start3A_1811 : memref<16x128xf32, #tpu.memory_space<hbm>>) target(%dma_start3A_1809 : memref<16x128xf32, #tpu.memory_space<vmem>>) target_semaphore(%arg8 : memref<!tpu.dma_semaphore, #tpu.memory_space<semaphore_mem>>)
        %slice3A_1812 = vector.extract_strided_slice %mul3A_1715 {offsets = [6], sizes = [1], strides = [1]} : vector<16xi32> to vector<1xi32>
        %squeeze3A_1813 = vector.extract %slice3A_1812[0] : i32 from vector<1xi32>
        %multiple_of3A_1814 = tpu.assume_multiple %squeeze3A_1813, 128 : i32
        %dma_start3A_1815 = arith.constant 6 : i32
        %dma_start3A_1816 = arith.constant 0 : i32
        %dma_start3A_1817 = arith.constant 0 : i32
        %dma_start3A_1818 = tpu.memref_slice %arg6[%select_n3A_1677, %dma_start3A_1815, %dma_start3A_1816, %dma_start3A_1817] : memref<3x16x16x128xf32, #tpu.memory_space<vmem>> -> memref<1x1x16x128xf32, #tpu.memory_space<vmem>>
        %dma_start3A_1819 = tpu.memref_squeeze %dma_start3A_1818 : memref<1x1x16x128xf32, #tpu.memory_space<vmem>> -> memref<16x128xf32, #tpu.memory_space<vmem>>
        %dma_start3A_1820 = arith.constant 0 : i32
        %dma_start3A_1821 = tpu.memref_slice %arg2[%dma_start3A_1820, %multiple_of3A_1814] : memref<32x1000000xf32, #tpu.memory_space<hbm>> -> memref<16x128xf32, #tpu.memory_space<hbm>>
        %dma_start3A_1822 = arith.constant 0 : i32
        %dma_start3A_1823 = arith.constant 0 : i32
        %dma_start3A_1824 = tpu.memref_slice %arg6[%select_n3A_1677, %dma_start3A_1815, %dma_start3A_1822, %dma_start3A_1823] : memref<3x16x16x128xf32, #tpu.memory_space<vmem>> -> memref<1x1x16x128xf32, #tpu.memory_space<vmem>>
        %dma_start3A_1825 = tpu.memref_squeeze %dma_start3A_1824 : memref<1x1x16x128xf32, #tpu.memory_space<vmem>> -> memref<16x128xf32, #tpu.memory_space<vmem>>
        %dma_start3A_1826 = arith.constant 0 : i32
        %dma_start3A_1827 = tpu.memref_slice %arg2[%dma_start3A_1826, %multiple_of3A_1814] : memref<32x1000000xf32, #tpu.memory_space<hbm>> -> memref<16x128xf32, #tpu.memory_space<hbm>>
        tpu.enqueue_dma source(%dma_start3A_1827 : memref<16x128xf32, #tpu.memory_space<hbm>>) target(%dma_start3A_1825 : memref<16x128xf32, #tpu.memory_space<vmem>>) target_semaphore(%arg8 : memref<!tpu.dma_semaphore, #tpu.memory_space<semaphore_mem>>)
        %slice3A_1828 = vector.extract_strided_slice %mul3A_1715 {offsets = [7], sizes = [1], strides = [1]} : vector<16xi32> to vector<1xi32>
        %squeeze3A_1829 = vector.extract %slice3A_1828[0] : i32 from vector<1xi32>
        %multiple_of3A_1830 = tpu.assume_multiple %squeeze3A_1829, 128 : i32
        %dma_start3A_1831 = arith.constant 7 : i32
        %dma_start3A_1832 = arith.constant 0 : i32
        %dma_start3A_1833 = arith.constant 0 : i32
        %dma_start3A_1834 = tpu.memref_slice %arg6[%select_n3A_1677, %dma_start3A_1831, %dma_start3A_1832, %dma_start3A_1833] : memref<3x16x16x128xf32, #tpu.memory_space<vmem>> -> memref<1x1x16x128xf32, #tpu.memory_space<vmem>>
        %dma_start3A_1835 = tpu.memref_squeeze %dma_start3A_1834 : memref<1x1x16x128xf32, #tpu.memory_space<vmem>> -> memref<16x128xf32, #tpu.memory_space<vmem>>
        %dma_start3A_1836 = arith.constant 0 : i32
        %dma_start3A_1837 = tpu.memref_slice %arg2[%dma_start3A_1836, %multiple_of3A_1830] : memref<32x1000000xf32, #tpu.memory_space<hbm>> -> memref<16x128xf32, #tpu.memory_space<hbm>>
        %dma_start3A_1838 = arith.constant 0 : i32
        %dma_start3A_1839 = arith.constant 0 : i32
        %dma_start3A_1840 = tpu.memref_slice %arg6[%select_n3A_1677, %dma_start3A_1831, %dma_start3A_1838, %dma_start3A_1839] : memref<3x16x16x128xf32, #tpu.memory_space<vmem>> -> memref<1x1x16x128xf32, #tpu.memory_space<vmem>>
        %dma_start3A_1841 = tpu.memref_squeeze %dma_start3A_1840 : memref<1x1x16x128xf32, #tpu.memory_space<vmem>> -> memref<16x128xf32, #tpu.memory_space<vmem>>
        %dma_start3A_1842 = arith.constant 0 : i32
        %dma_start3A_1843 = tpu.memref_slice %arg2[%dma_start3A_1842, %multiple_of3A_1830] : memref<32x1000000xf32, #tpu.memory_space<hbm>> -> memref<16x128xf32, #tpu.memory_space<hbm>>
        tpu.enqueue_dma source(%dma_start3A_1843 : memref<16x128xf32, #tpu.memory_space<hbm>>) target(%dma_start3A_1841 : memref<16x128xf32, #tpu.memory_space<vmem>>) target_semaphore(%arg8 : memref<!tpu.dma_semaphore, #tpu.memory_space<semaphore_mem>>)
        %slice3A_1844 = vector.extract_strided_slice %mul3A_1715 {offsets = [8], sizes = [1], strides = [1]} : vector<16xi32> to vector<1xi32>
        %squeeze3A_1845 = vector.extract %slice3A_1844[0] : i32 from vector<1xi32>
        %multiple_of3A_1846 = tpu.assume_multiple %squeeze3A_1845, 128 : i32
        %dma_start3A_1847 = arith.constant 8 : i32
        %dma_start3A_1848 = arith.constant 0 : i32
        %dma_start3A_1849 = arith.constant 0 : i32
        %dma_start3A_1850 = tpu.memref_slice %arg6[%select_n3A_1677, %dma_start3A_1847, %dma_start3A_1848, %dma_start3A_1849] : memref<3x16x16x128xf32, #tpu.memory_space<vmem>> -> memref<1x1x16x128xf32, #tpu.memory_space<vmem>>
        %dma_start3A_1851 = tpu.memref_squeeze %dma_start3A_1850 : memref<1x1x16x128xf32, #tpu.memory_space<vmem>> -> memref<16x128xf32, #tpu.memory_space<vmem>>
        %dma_start3A_1852 = arith.constant 0 : i32
        %dma_start3A_1853 = tpu.memref_slice %arg2[%dma_start3A_1852, %multiple_of3A_1846] : memref<32x1000000xf32, #tpu.memory_space<hbm>> -> memref<16x128xf32, #tpu.memory_space<hbm>>
        %dma_start3A_1854 = arith.constant 0 : i32
        %dma_start3A_1855 = arith.constant 0 : i32
        %dma_start3A_1856 = tpu.memref_slice %arg6[%select_n3A_1677, %dma_start3A_1847, %dma_start3A_1854, %dma_start3A_1855] : memref<3x16x16x128xf32, #tpu.memory_space<vmem>> -> memref<1x1x16x128xf32, #tpu.memory_space<vmem>>
        %dma_start3A_1857 = tpu.memref_squeeze %dma_start3A_1856 : memref<1x1x16x128xf32, #tpu.memory_space<vmem>> -> memref<16x128xf32, #tpu.memory_space<vmem>>
        %dma_start3A_1858 = arith.constant 0 : i32
        %dma_start3A_1859 = tpu.memref_slice %arg2[%dma_start3A_1858, %multiple_of3A_1846] : memref<32x1000000xf32, #tpu.memory_space<hbm>> -> memref<16x128xf32, #tpu.memory_space<hbm>>
        tpu.enqueue_dma source(%dma_start3A_1859 : memref<16x128xf32, #tpu.memory_space<hbm>>) target(%dma_start3A_1857 : memref<16x128xf32, #tpu.memory_space<vmem>>) target_semaphore(%arg8 : memref<!tpu.dma_semaphore, #tpu.memory_space<semaphore_mem>>)
        %slice3A_1860 = vector.extract_strided_slice %mul3A_1715 {offsets = [9], sizes = [1], strides = [1]} : vector<16xi32> to vector<1xi32>
        %squeeze3A_1861 = vector.extract %slice3A_1860[0] : i32 from vector<1xi32>
        %multiple_of3A_1862 = tpu.assume_multiple %squeeze3A_1861, 128 : i32
        %dma_start3A_1863 = arith.constant 9 : i32
        %dma_start3A_1864 = arith.constant 0 : i32
        %dma_start3A_1865 = arith.constant 0 : i32
        %dma_start3A_1866 = tpu.memref_slice %arg6[%select_n3A_1677, %dma_start3A_1863, %dma_start3A_1864, %dma_start3A_1865] : memref<3x16x16x128xf32, #tpu.memory_space<vmem>> -> memref<1x1x16x128xf32, #tpu.memory_space<vmem>>
        %dma_start3A_1867 = tpu.memref_squeeze %dma_start3A_1866 : memref<1x1x16x128xf32, #tpu.memory_space<vmem>> -> memref<16x128xf32, #tpu.memory_space<vmem>>
        %dma_start3A_1868 = arith.constant 0 : i32
        %dma_start3A_1869 = tpu.memref_slice %arg2[%dma_start3A_1868, %multiple_of3A_1862] : memref<32x1000000xf32, #tpu.memory_space<hbm>> -> memref<16x128xf32, #tpu.memory_space<hbm>>
        %dma_start3A_1870 = arith.constant 0 : i32
        %dma_start3A_1871 = arith.constant 0 : i32
        %dma_start3A_1872 = tpu.memref_slice %arg6[%select_n3A_1677, %dma_start3A_1863, %dma_start3A_1870, %dma_start3A_1871] : memref<3x16x16x128xf32, #tpu.memory_space<vmem>> -> memref<1x1x16x128xf32, #tpu.memory_space<vmem>>
        %dma_start3A_1873 = tpu.memref_squeeze %dma_start3A_1872 : memref<1x1x16x128xf32, #tpu.memory_space<vmem>> -> memref<16x128xf32, #tpu.memory_space<vmem>>
        %dma_start3A_1874 = arith.constant 0 : i32
        %dma_start3A_1875 = tpu.memref_slice %arg2[%dma_start3A_1874, %multiple_of3A_1862] : memref<32x1000000xf32, #tpu.memory_space<hbm>> -> memref<16x128xf32, #tpu.memory_space<hbm>>
        tpu.enqueue_dma source(%dma_start3A_1875 : memref<16x128xf32, #tpu.memory_space<hbm>>) target(%dma_start3A_1873 : memref<16x128xf32, #tpu.memory_space<vmem>>) target_semaphore(%arg8 : memref<!tpu.dma_semaphore, #tpu.memory_space<semaphore_mem>>)
        %slice3A_1876 = vector.extract_strided_slice %mul3A_1715 {offsets = [10], sizes = [1], strides = [1]} : vector<16xi32> to vector<1xi32>
        %squeeze3A_1877 = vector.extract %slice3A_1876[0] : i32 from vector<1xi32>
        %multiple_of3A_1878 = tpu.assume_multiple %squeeze3A_1877, 128 : i32
        %dma_start3A_1879 = arith.constant 10 : i32
        %dma_start3A_1880 = arith.constant 0 : i32
        %dma_start3A_1881 = arith.constant 0 : i32
        %dma_start3A_1882 = tpu.memref_slice %arg6[%select_n3A_1677, %dma_start3A_1879, %dma_start3A_1880, %dma_start3A_1881] : memref<3x16x16x128xf32, #tpu.memory_space<vmem>> -> memref<1x1x16x128xf32, #tpu.memory_space<vmem>>
        %dma_start3A_1883 = tpu.memref_squeeze %dma_start3A_1882 : memref<1x1x16x128xf32, #tpu.memory_space<vmem>> -> memref<16x128xf32, #tpu.memory_space<vmem>>
        %dma_start3A_1884 = arith.constant 0 : i32
        %dma_start3A_1885 = tpu.memref_slice %arg2[%dma_start3A_1884, %multiple_of3A_1878] : memref<32x1000000xf32, #tpu.memory_space<hbm>> -> memref<16x128xf32, #tpu.memory_space<hbm>>
        %dma_start3A_1886 = arith.constant 0 : i32
        %dma_start3A_1887 = arith.constant 0 : i32
        %dma_start3A_1888 = tpu.memref_slice %arg6[%select_n3A_1677, %dma_start3A_1879, %dma_start3A_1886, %dma_start3A_1887] : memref<3x16x16x128xf32, #tpu.memory_space<vmem>> -> memref<1x1x16x128xf32, #tpu.memory_space<vmem>>
        %dma_start3A_1889 = tpu.memref_squeeze %dma_start3A_1888 : memref<1x1x16x128xf32, #tpu.memory_space<vmem>> -> memref<16x128xf32, #tpu.memory_space<vmem>>
        %dma_start3A_1890 = arith.constant 0 : i32
        %dma_start3A_1891 = tpu.memref_slice %arg2[%dma_start3A_1890, %multiple_of3A_1878] : memref<32x1000000xf32, #tpu.memory_space<hbm>> -> memref<16x128xf32, #tpu.memory_space<hbm>>
        tpu.enqueue_dma source(%dma_start3A_1891 : memref<16x128xf32, #tpu.memory_space<hbm>>) target(%dma_start3A_1889 : memref<16x128xf32, #tpu.memory_space<vmem>>) target_semaphore(%arg8 : memref<!tpu.dma_semaphore, #tpu.memory_space<semaphore_mem>>)
        %slice3A_1892 = vector.extract_strided_slice %mul3A_1715 {offsets = [11], sizes = [1], strides = [1]} : vector<16xi32> to vector<1xi32>
        %squeeze3A_1893 = vector.extract %slice3A_1892[0] : i32 from vector<1xi32>
        %multiple_of3A_1894 = tpu.assume_multiple %squeeze3A_1893, 128 : i32
        %dma_start3A_1895 = arith.constant 11 : i32
        %dma_start3A_1896 = arith.constant 0 : i32
        %dma_start3A_1897 = arith.constant 0 : i32
        %dma_start3A_1898 = tpu.memref_slice %arg6[%select_n3A_1677, %dma_start3A_1895, %dma_start3A_1896, %dma_start3A_1897] : memref<3x16x16x128xf32, #tpu.memory_space<vmem>> -> memref<1x1x16x128xf32, #tpu.memory_space<vmem>>
        %dma_start3A_1899 = tpu.memref_squeeze %dma_start3A_1898 : memref<1x1x16x128xf32, #tpu.memory_space<vmem>> -> memref<16x128xf32, #tpu.memory_space<vmem>>
        %dma_start3A_1900 = arith.constant 0 : i32
        %dma_start3A_1901 = tpu.memref_slice %arg2[%dma_start3A_1900, %multiple_of3A_1894] : memref<32x1000000xf32, #tpu.memory_space<hbm>> -> memref<16x128xf32, #tpu.memory_space<hbm>>
        %dma_start3A_1902 = arith.constant 0 : i32
        %dma_start3A_1903 = arith.constant 0 : i32
        %dma_start3A_1904 = tpu.memref_slice %arg6[%select_n3A_1677, %dma_start3A_1895, %dma_start3A_1902, %dma_start3A_1903] : memref<3x16x16x128xf32, #tpu.memory_space<vmem>> -> memref<1x1x16x128xf32, #tpu.memory_space<vmem>>
        %dma_start3A_1905 = tpu.memref_squeeze %dma_start3A_1904 : memref<1x1x16x128xf32, #tpu.memory_space<vmem>> -> memref<16x128xf32, #tpu.memory_space<vmem>>
        %dma_start3A_1906 = arith.constant 0 : i32
        %dma_start3A_1907 = tpu.memref_slice %arg2[%dma_start3A_1906, %multiple_of3A_1894] : memref<32x1000000xf32, #tpu.memory_space<hbm>> -> memref<16x128xf32, #tpu.memory_space<hbm>>
        tpu.enqueue_dma source(%dma_start3A_1907 : memref<16x128xf32, #tpu.memory_space<hbm>>) target(%dma_start3A_1905 : memref<16x128xf32, #tpu.memory_space<vmem>>) target_semaphore(%arg8 : memref<!tpu.dma_semaphore, #tpu.memory_space<semaphore_mem>>)
        %slice3A_1908 = vector.extract_strided_slice %mul3A_1715 {offsets = [12], sizes = [1], strides = [1]} : vector<16xi32> to vector<1xi32>
        %squeeze3A_1909 = vector.extract %slice3A_1908[0] : i32 from vector<1xi32>
        %multiple_of3A_1910 = tpu.assume_multiple %squeeze3A_1909, 128 : i32
        %dma_start3A_1911 = arith.constant 12 : i32
        %dma_start3A_1912 = arith.constant 0 : i32
        %dma_start3A_1913 = arith.constant 0 : i32
        %dma_start3A_1914 = tpu.memref_slice %arg6[%select_n3A_1677, %dma_start3A_1911, %dma_start3A_1912, %dma_start3A_1913] : memref<3x16x16x128xf32, #tpu.memory_space<vmem>> -> memref<1x1x16x128xf32, #tpu.memory_space<vmem>>
        %dma_start3A_1915 = tpu.memref_squeeze %dma_start3A_1914 : memref<1x1x16x128xf32, #tpu.memory_space<vmem>> -> memref<16x128xf32, #tpu.memory_space<vmem>>
        %dma_start3A_1916 = arith.constant 0 : i32
        %dma_start3A_1917 = tpu.memref_slice %arg2[%dma_start3A_1916, %multiple_of3A_1910] : memref<32x1000000xf32, #tpu.memory_space<hbm>> -> memref<16x128xf32, #tpu.memory_space<hbm>>
        %dma_start3A_1918 = arith.constant 0 : i32
        %dma_start3A_1919 = arith.constant 0 : i32
        %dma_start3A_1920 = tpu.memref_slice %arg6[%select_n3A_1677, %dma_start3A_1911, %dma_start3A_1918, %dma_start3A_1919] : memref<3x16x16x128xf32, #tpu.memory_space<vmem>> -> memref<1x1x16x128xf32, #tpu.memory_space<vmem>>
        %dma_start3A_1921 = tpu.memref_squeeze %dma_start3A_1920 : memref<1x1x16x128xf32, #tpu.memory_space<vmem>> -> memref<16x128xf32, #tpu.memory_space<vmem>>
        %dma_start3A_1922 = arith.constant 0 : i32
        %dma_start3A_1923 = tpu.memref_slice %arg2[%dma_start3A_1922, %multiple_of3A_1910] : memref<32x1000000xf32, #tpu.memory_space<hbm>> -> memref<16x128xf32, #tpu.memory_space<hbm>>
        tpu.enqueue_dma source(%dma_start3A_1923 : memref<16x128xf32, #tpu.memory_space<hbm>>) target(%dma_start3A_1921 : memref<16x128xf32, #tpu.memory_space<vmem>>) target_semaphore(%arg8 : memref<!tpu.dma_semaphore, #tpu.memory_space<semaphore_mem>>)
        %slice3A_1924 = vector.extract_strided_slice %mul3A_1715 {offsets = [13], sizes = [1], strides = [1]} : vector<16xi32> to vector<1xi32>
        %squeeze3A_1925 = vector.extract %slice3A_1924[0] : i32 from vector<1xi32>
        %multiple_of3A_1926 = tpu.assume_multiple %squeeze3A_1925, 128 : i32
        %dma_start3A_1927 = arith.constant 13 : i32
        %dma_start3A_1928 = arith.constant 0 : i32
        %dma_start3A_1929 = arith.constant 0 : i32
        %dma_start3A_1930 = tpu.memref_slice %arg6[%select_n3A_1677, %dma_start3A_1927, %dma_start3A_1928, %dma_start3A_1929] : memref<3x16x16x128xf32, #tpu.memory_space<vmem>> -> memref<1x1x16x128xf32, #tpu.memory_space<vmem>>
        %dma_start3A_1931 = tpu.memref_squeeze %dma_start3A_1930 : memref<1x1x16x128xf32, #tpu.memory_space<vmem>> -> memref<16x128xf32, #tpu.memory_space<vmem>>
        %dma_start3A_1932 = arith.constant 0 : i32
        %dma_start3A_1933 = tpu.memref_slice %arg2[%dma_start3A_1932, %multiple_of3A_1926] : memref<32x1000000xf32, #tpu.memory_space<hbm>> -> memref<16x128xf32, #tpu.memory_space<hbm>>
        %dma_start3A_1934 = arith.constant 0 : i32
        %dma_start3A_1935 = arith.constant 0 : i32
        %dma_start3A_1936 = tpu.memref_slice %arg6[%select_n3A_1677, %dma_start3A_1927, %dma_start3A_1934, %dma_start3A_1935] : memref<3x16x16x128xf32, #tpu.memory_space<vmem>> -> memref<1x1x16x128xf32, #tpu.memory_space<vmem>>
        %dma_start3A_1937 = tpu.memref_squeeze %dma_start3A_1936 : memref<1x1x16x128xf32, #tpu.memory_space<vmem>> -> memref<16x128xf32, #tpu.memory_space<vmem>>
        %dma_start3A_1938 = arith.constant 0 : i32
        %dma_start3A_1939 = tpu.memref_slice %arg2[%dma_start3A_1938, %multiple_of3A_1926] : memref<32x1000000xf32, #tpu.memory_space<hbm>> -> memref<16x128xf32, #tpu.memory_space<hbm>>
        tpu.enqueue_dma source(%dma_start3A_1939 : memref<16x128xf32, #tpu.memory_space<hbm>>) target(%dma_start3A_1937 : memref<16x128xf32, #tpu.memory_space<vmem>>) target_semaphore(%arg8 : memref<!tpu.dma_semaphore, #tpu.memory_space<semaphore_mem>>)
        %slice3A_1940 = vector.extract_strided_slice %mul3A_1715 {offsets = [14], sizes = [1], strides = [1]} : vector<16xi32> to vector<1xi32>
        %squeeze3A_1941 = vector.extract %slice3A_1940[0] : i32 from vector<1xi32>
        %multiple_of3A_1942 = tpu.assume_multiple %squeeze3A_1941, 128 : i32
        %dma_start3A_1943 = arith.constant 14 : i32
        %dma_start3A_1944 = arith.constant 0 : i32
        %dma_start3A_1945 = arith.constant 0 : i32
        %dma_start3A_1946 = tpu.memref_slice %arg6[%select_n3A_1677, %dma_start3A_1943, %dma_start3A_1944, %dma_start3A_1945] : memref<3x16x16x128xf32, #tpu.memory_space<vmem>> -> memref<1x1x16x128xf32, #tpu.memory_space<vmem>>
        %dma_start3A_1947 = tpu.memref_squeeze %dma_start3A_1946 : memref<1x1x16x128xf32, #tpu.memory_space<vmem>> -> memref<16x128xf32, #tpu.memory_space<vmem>>
        %dma_start3A_1948 = arith.constant 0 : i32
        %dma_start3A_1949 = tpu.memref_slice %arg2[%dma_start3A_1948, %multiple_of3A_1942] : memref<32x1000000xf32, #tpu.memory_space<hbm>> -> memref<16x128xf32, #tpu.memory_space<hbm>>
        %dma_start3A_1950 = arith.constant 0 : i32
        %dma_start3A_1951 = arith.constant 0 : i32
        %dma_start3A_1952 = tpu.memref_slice %arg6[%select_n3A_1677, %dma_start3A_1943, %dma_start3A_1950, %dma_start3A_1951] : memref<3x16x16x128xf32, #tpu.memory_space<vmem>> -> memref<1x1x16x128xf32, #tpu.memory_space<vmem>>
        %dma_start3A_1953 = tpu.memref_squeeze %dma_start3A_1952 : memref<1x1x16x128xf32, #tpu.memory_space<vmem>> -> memref<16x128xf32, #tpu.memory_space<vmem>>
        %dma_start3A_1954 = arith.constant 0 : i32
        %dma_start3A_1955 = tpu.memref_slice %arg2[%dma_start3A_1954, %multiple_of3A_1942] : memref<32x1000000xf32, #tpu.memory_space<hbm>> -> memref<16x128xf32, #tpu.memory_space<hbm>>
        tpu.enqueue_dma source(%dma_start3A_1955 : memref<16x128xf32, #tpu.memory_space<hbm>>) target(%dma_start3A_1953 : memref<16x128xf32, #tpu.memory_space<vmem>>) target_semaphore(%arg8 : memref<!tpu.dma_semaphore, #tpu.memory_space<semaphore_mem>>)
        %slice3A_1956 = vector.extract_strided_slice %mul3A_1715 {offsets = [15], sizes = [1], strides = [1]} : vector<16xi32> to vector<1xi32>
        %squeeze3A_1957 = vector.extract %slice3A_1956[0] : i32 from vector<1xi32>
        %multiple_of3A_1958 = tpu.assume_multiple %squeeze3A_1957, 128 : i32
        %dma_start3A_1959 = arith.constant 15 : i32
        %dma_start3A_1960 = arith.constant 0 : i32
        %dma_start3A_1961 = arith.constant 0 : i32
        %dma_start3A_1962 = tpu.memref_slice %arg6[%select_n3A_1677, %dma_start3A_1959, %dma_start3A_1960, %dma_start3A_1961] : memref<3x16x16x128xf32, #tpu.memory_space<vmem>> -> memref<1x1x16x128xf32, #tpu.memory_space<vmem>>
        %dma_start3A_1963 = tpu.memref_squeeze %dma_start3A_1962 : memref<1x1x16x128xf32, #tpu.memory_space<vmem>> -> memref<16x128xf32, #tpu.memory_space<vmem>>
        %dma_start3A_1964 = arith.constant 0 : i32
        %dma_start3A_1965 = tpu.memref_slice %arg2[%dma_start3A_1964, %multiple_of3A_1958] : memref<32x1000000xf32, #tpu.memory_space<hbm>> -> memref<16x128xf32, #tpu.memory_space<hbm>>
        %dma_start3A_1966 = arith.constant 0 : i32
        %dma_start3A_1967 = arith.constant 0 : i32
        %dma_start3A_1968 = tpu.memref_slice %arg6[%select_n3A_1677, %dma_start3A_1959, %dma_start3A_1966, %dma_start3A_1967] : memref<3x16x16x128xf32, #tpu.memory_space<vmem>> -> memref<1x1x16x128xf32, #tpu.memory_space<vmem>>
        %dma_start3A_1969 = tpu.memref_squeeze %dma_start3A_1968 : memref<1x1x16x128xf32, #tpu.memory_space<vmem>> -> memref<16x128xf32, #tpu.memory_space<vmem>>
        %dma_start3A_1970 = arith.constant 0 : i32
        %dma_start3A_1971 = tpu.memref_slice %arg2[%dma_start3A_1970, %multiple_of3A_1958] : memref<32x1000000xf32, #tpu.memory_space<hbm>> -> memref<16x128xf32, #tpu.memory_space<hbm>>
        tpu.enqueue_dma source(%dma_start3A_1971 : memref<16x128xf32, #tpu.memory_space<hbm>>) target(%dma_start3A_1969 : memref<16x128xf32, #tpu.memory_space<vmem>>) target_semaphore(%arg8 : memref<!tpu.dma_semaphore, #tpu.memory_space<semaphore_mem>>)
      } else {
      }
      %jit3A_1238 = arith.constant 3 : i32
      %eq3A = arith.constant 0 : i32
      %eq3A_1239 = arith.cmpi eq, %jit3A_1238, %eq3A : i32
      %jit3A_1240 = arith.constant 1 : i32
      %select_n3A_1241 = arith.select %eq3A_1239, %jit3A_1240, %jit3A_1238 : i32
      %rem3A_1242 = arith.remsi %scan3A_1233, %select_n3A_1241 : i32
      %ne3A_1243 = arith.constant 0 : i32
      %ne3A_1244 = arith.cmpi ne, %rem3A_1242, %ne3A_1243 : i32
      %lt3A_1245 = arith.constant 0 : i32
      %lt3A_1246 = arith.cmpi slt, %rem3A_1242, %lt3A_1245 : i32
      %lt3A_1247 = arith.constant 0 : i32
      %lt3A_1248 = arith.cmpi slt, %select_n3A_1241, %lt3A_1247 : i32
      %ne3A_1249 = arith.xori %lt3A_1246, %lt3A_1248 : i1
      %and3A_1250 = arith.andi %ne3A_1249, %ne3A_1244 : i1
      %add3A_1251 = arith.addi %rem3A_1242, %select_n3A_1241 : i32
      %select_n3A_1252 = arith.select %and3A_1250, %add3A_1251, %rem3A_1242 : i32
      %dma_wait3A = arith.constant 0 : i32
      %dma_wait3A_1253 = arith.constant 0 : i32
      %dma_wait3A_1254 = arith.constant 0 : i32
      %dma_wait3A_1255 = tpu.memref_slice %arg6[%select_n3A_1252, %dma_wait3A, %dma_wait3A_1253, %dma_wait3A_1254] : memref<3x16x16x128xf32, #tpu.memory_space<vmem>> -> memref<1x1x16x128xf32, #tpu.memory_space<vmem>>
      %dma_wait3A_1256 = tpu.memref_squeeze %dma_wait3A_1255 : memref<1x1x16x128xf32, #tpu.memory_space<vmem>> -> memref<16x128xf32, #tpu.memory_space<vmem>>
      %dma_wait3A_1257 = arith.constant 0 : i32
      %dma_wait3A_1258 = arith.constant 0 : i32
      %dma_wait3A_1259 = tpu.memref_slice %arg2[%dma_wait3A_1257, %dma_wait3A_1258] : memref<32x1000000xf32, #tpu.memory_space<hbm>> -> memref<16x128xf32, #tpu.memory_space<hbm>>
      %dma_wait3A_1260 = arith.constant 0 : i32
      %dma_wait3A_1261 = arith.constant 0 : i32
      %dma_wait3A_1262 = tpu.memref_slice %arg6[%select_n3A_1252, %dma_wait3A, %dma_wait3A_1260, %dma_wait3A_1261] : memref<3x16x16x128xf32, #tpu.memory_space<vmem>> -> memref<1x1x16x128xf32, #tpu.memory_space<vmem>>
      %dma_wait3A_1263 = tpu.memref_squeeze %dma_wait3A_1262 : memref<1x1x16x128xf32, #tpu.memory_space<vmem>> -> memref<16x128xf32, #tpu.memory_space<vmem>>
      %dma_wait3A_1264 = arith.constant 0 : i32
      %dma_wait3A_1265 = arith.constant 0 : i32
      %dma_wait3A_1266 = tpu.memref_slice %arg2[%dma_wait3A_1264, %dma_wait3A_1265] : memref<32x1000000xf32, #tpu.memory_space<hbm>> -> memref<16x128xf32, #tpu.memory_space<hbm>>
      tpu.wait_dma2 semaphore(%arg8 : memref<!tpu.dma_semaphore, #tpu.memory_space<semaphore_mem>>) src(%dma_wait3A_1266 : memref<16x128xf32, #tpu.memory_space<hbm>>) dst(%dma_wait3A_1263 : memref<16x128xf32, #tpu.memory_space<vmem>>)
      %dma_wait3A_1267 = arith.constant 1 : i32
      %dma_wait3A_1268 = arith.constant 0 : i32
      %dma_wait3A_1269 = arith.constant 0 : i32
      %dma_wait3A_1270 = tpu.memref_slice %arg6[%select_n3A_1252, %dma_wait3A_1267, %dma_wait3A_1268, %dma_wait3A_1269] : memref<3x16x16x128xf32, #tpu.memory_space<vmem>> -> memref<1x1x16x128xf32, #tpu.memory_space<vmem>>
      %dma_wait3A_1271 = tpu.memref_squeeze %dma_wait3A_1270 : memref<1x1x16x128xf32, #tpu.memory_space<vmem>> -> memref<16x128xf32, #tpu.memory_space<vmem>>
      %dma_wait3A_1272 = arith.constant 0 : i32
      %dma_wait3A_1273 = arith.constant 0 : i32
      %dma_wait3A_1274 = tpu.memref_slice %arg2[%dma_wait3A_1272, %dma_wait3A_1273] : memref<32x1000000xf32, #tpu.memory_space<hbm>> -> memref<16x128xf32, #tpu.memory_space<hbm>>
      %dma_wait3A_1275 = arith.constant 0 : i32
      %dma_wait3A_1276 = arith.constant 0 : i32
      %dma_wait3A_1277 = tpu.memref_slice %arg6[%select_n3A_1252, %dma_wait3A_1267, %dma_wait3A_1275, %dma_wait3A_1276] : memref<3x16x16x128xf32, #tpu.memory_space<vmem>> -> memref<1x1x16x128xf32, #tpu.memory_space<vmem>>
      %dma_wait3A_1278 = tpu.memref_squeeze %dma_wait3A_1277 : memref<1x1x16x128xf32, #tpu.memory_space<vmem>> -> memref<16x128xf32, #tpu.memory_space<vmem>>
      %dma_wait3A_1279 = arith.constant 0 : i32
      %dma_wait3A_1280 = arith.constant 0 : i32
      %dma_wait3A_1281 = tpu.memref_slice %arg2[%dma_wait3A_1279, %dma_wait3A_1280] : memref<32x1000000xf32, #tpu.memory_space<hbm>> -> memref<16x128xf32, #tpu.memory_space<hbm>>
      tpu.wait_dma2 semaphore(%arg8 : memref<!tpu.dma_semaphore, #tpu.memory_space<semaphore_mem>>) src(%dma_wait3A_1281 : memref<16x128xf32, #tpu.memory_space<hbm>>) dst(%dma_wait3A_1278 : memref<16x128xf32, #tpu.memory_space<vmem>>)
      %dma_wait3A_1282 = arith.constant 2 : i32
      %dma_wait3A_1283 = arith.constant 0 : i32
      %dma_wait3A_1284 = arith.constant 0 : i32
      %dma_wait3A_1285 = tpu.memref_slice %arg6[%select_n3A_1252, %dma_wait3A_1282, %dma_wait3A_1283, %dma_wait3A_1284] : memref<3x16x16x128xf32, #tpu.memory_space<vmem>> -> memref<1x1x16x128xf32, #tpu.memory_space<vmem>>
      %dma_wait3A_1286 = tpu.memref_squeeze %dma_wait3A_1285 : memref<1x1x16x128xf32, #tpu.memory_space<vmem>> -> memref<16x128xf32, #tpu.memory_space<vmem>>
      %dma_wait3A_1287 = arith.constant 0 : i32
      %dma_wait3A_1288 = arith.constant 0 : i32
      %dma_wait3A_1289 = tpu.memref_slice %arg2[%dma_wait3A_1287, %dma_wait3A_1288] : memref<32x1000000xf32, #tpu.memory_space<hbm>> -> memref<16x128xf32, #tpu.memory_space<hbm>>
      %dma_wait3A_1290 = arith.constant 0 : i32
      %dma_wait3A_1291 = arith.constant 0 : i32
      %dma_wait3A_1292 = tpu.memref_slice %arg6[%select_n3A_1252, %dma_wait3A_1282, %dma_wait3A_1290, %dma_wait3A_1291] : memref<3x16x16x128xf32, #tpu.memory_space<vmem>> -> memref<1x1x16x128xf32, #tpu.memory_space<vmem>>
      %dma_wait3A_1293 = tpu.memref_squeeze %dma_wait3A_1292 : memref<1x1x16x128xf32, #tpu.memory_space<vmem>> -> memref<16x128xf32, #tpu.memory_space<vmem>>
      %dma_wait3A_1294 = arith.constant 0 : i32
      %dma_wait3A_1295 = arith.constant 0 : i32
      %dma_wait3A_1296 = tpu.memref_slice %arg2[%dma_wait3A_1294, %dma_wait3A_1295] : memref<32x1000000xf32, #tpu.memory_space<hbm>> -> memref<16x128xf32, #tpu.memory_space<hbm>>
      tpu.wait_dma2 semaphore(%arg8 : memref<!tpu.dma_semaphore, #tpu.memory_space<semaphore_mem>>) src(%dma_wait3A_1296 : memref<16x128xf32, #tpu.memory_space<hbm>>) dst(%dma_wait3A_1293 : memref<16x128xf32, #tpu.memory_space<vmem>>)
      %dma_wait3A_1297 = arith.constant 3 : i32
      %dma_wait3A_1298 = arith.constant 0 : i32
      %dma_wait3A_1299 = arith.constant 0 : i32
      %dma_wait3A_1300 = tpu.memref_slice %arg6[%select_n3A_1252, %dma_wait3A_1297, %dma_wait3A_1298, %dma_wait3A_1299] : memref<3x16x16x128xf32, #tpu.memory_space<vmem>> -> memref<1x1x16x128xf32, #tpu.memory_space<vmem>>
      %dma_wait3A_1301 = tpu.memref_squeeze %dma_wait3A_1300 : memref<1x1x16x128xf32, #tpu.memory_space<vmem>> -> memref<16x128xf32, #tpu.memory_space<vmem>>
      %dma_wait3A_1302 = arith.constant 0 : i32
      %dma_wait3A_1303 = arith.constant 0 : i32
      %dma_wait3A_1304 = tpu.memref_slice %arg2[%dma_wait3A_1302, %dma_wait3A_1303] : memref<32x1000000xf32, #tpu.memory_space<hbm>> -> memref<16x128xf32, #tpu.memory_space<hbm>>
      %dma_wait3A_1305 = arith.constant 0 : i32
      %dma_wait3A_1306 = arith.constant 0 : i32
      %dma_wait3A_1307 = tpu.memref_slice %arg6[%select_n3A_1252, %dma_wait3A_1297, %dma_wait3A_1305, %dma_wait3A_1306] : memref<3x16x16x128xf32, #tpu.memory_space<vmem>> -> memref<1x1x16x128xf32, #tpu.memory_space<vmem>>
      %dma_wait3A_1308 = tpu.memref_squeeze %dma_wait3A_1307 : memref<1x1x16x128xf32, #tpu.memory_space<vmem>> -> memref<16x128xf32, #tpu.memory_space<vmem>>
      %dma_wait3A_1309 = arith.constant 0 : i32
      %dma_wait3A_1310 = arith.constant 0 : i32
      %dma_wait3A_1311 = tpu.memref_slice %arg2[%dma_wait3A_1309, %dma_wait3A_1310] : memref<32x1000000xf32, #tpu.memory_space<hbm>> -> memref<16x128xf32, #tpu.memory_space<hbm>>
      tpu.wait_dma2 semaphore(%arg8 : memref<!tpu.dma_semaphore, #tpu.memory_space<semaphore_mem>>) src(%dma_wait3A_1311 : memref<16x128xf32, #tpu.memory_space<hbm>>) dst(%dma_wait3A_1308 : memref<16x128xf32, #tpu.memory_space<vmem>>)
      %dma_wait3A_1312 = arith.constant 4 : i32
      %dma_wait3A_1313 = arith.constant 0 : i32
      %dma_wait3A_1314 = arith.constant 0 : i32
      %dma_wait3A_1315 = tpu.memref_slice %arg6[%select_n3A_1252, %dma_wait3A_1312, %dma_wait3A_1313, %dma_wait3A_1314] : memref<3x16x16x128xf32, #tpu.memory_space<vmem>> -> memref<1x1x16x128xf32, #tpu.memory_space<vmem>>
      %dma_wait3A_1316 = tpu.memref_squeeze %dma_wait3A_1315 : memref<1x1x16x128xf32, #tpu.memory_space<vmem>> -> memref<16x128xf32, #tpu.memory_space<vmem>>
      %dma_wait3A_1317 = arith.constant 0 : i32
      %dma_wait3A_1318 = arith.constant 0 : i32
      %dma_wait3A_1319 = tpu.memref_slice %arg2[%dma_wait3A_1317, %dma_wait3A_1318] : memref<32x1000000xf32, #tpu.memory_space<hbm>> -> memref<16x128xf32, #tpu.memory_space<hbm>>
      %dma_wait3A_1320 = arith.constant 0 : i32
      %dma_wait3A_1321 = arith.constant 0 : i32
      %dma_wait3A_1322 = tpu.memref_slice %arg6[%select_n3A_1252, %dma_wait3A_1312, %dma_wait3A_1320, %dma_wait3A_1321] : memref<3x16x16x128xf32, #tpu.memory_space<vmem>> -> memref<1x1x16x128xf32, #tpu.memory_space<vmem>>
      %dma_wait3A_1323 = tpu.memref_squeeze %dma_wait3A_1322 : memref<1x1x16x128xf32, #tpu.memory_space<vmem>> -> memref<16x128xf32, #tpu.memory_space<vmem>>
      %dma_wait3A_1324 = arith.constant 0 : i32
      %dma_wait3A_1325 = arith.constant 0 : i32
      %dma_wait3A_1326 = tpu.memref_slice %arg2[%dma_wait3A_1324, %dma_wait3A_1325] : memref<32x1000000xf32, #tpu.memory_space<hbm>> -> memref<16x128xf32, #tpu.memory_space<hbm>>
      tpu.wait_dma2 semaphore(%arg8 : memref<!tpu.dma_semaphore, #tpu.memory_space<semaphore_mem>>) src(%dma_wait3A_1326 : memref<16x128xf32, #tpu.memory_space<hbm>>) dst(%dma_wait3A_1323 : memref<16x128xf32, #tpu.memory_space<vmem>>)
      %dma_wait3A_1327 = arith.constant 5 : i32
      %dma_wait3A_1328 = arith.constant 0 : i32
      %dma_wait3A_1329 = arith.constant 0 : i32
      %dma_wait3A_1330 = tpu.memref_slice %arg6[%select_n3A_1252, %dma_wait3A_1327, %dma_wait3A_1328, %dma_wait3A_1329] : memref<3x16x16x128xf32, #tpu.memory_space<vmem>> -> memref<1x1x16x128xf32, #tpu.memory_space<vmem>>
      %dma_wait3A_1331 = tpu.memref_squeeze %dma_wait3A_1330 : memref<1x1x16x128xf32, #tpu.memory_space<vmem>> -> memref<16x128xf32, #tpu.memory_space<vmem>>
      %dma_wait3A_1332 = arith.constant 0 : i32
      %dma_wait3A_1333 = arith.constant 0 : i32
      %dma_wait3A_1334 = tpu.memref_slice %arg2[%dma_wait3A_1332, %dma_wait3A_1333] : memref<32x1000000xf32, #tpu.memory_space<hbm>> -> memref<16x128xf32, #tpu.memory_space<hbm>>
      %dma_wait3A_1335 = arith.constant 0 : i32
      %dma_wait3A_1336 = arith.constant 0 : i32
      %dma_wait3A_1337 = tpu.memref_slice %arg6[%select_n3A_1252, %dma_wait3A_1327, %dma_wait3A_1335, %dma_wait3A_1336] : memref<3x16x16x128xf32, #tpu.memory_space<vmem>> -> memref<1x1x16x128xf32, #tpu.memory_space<vmem>>
      %dma_wait3A_1338 = tpu.memref_squeeze %dma_wait3A_1337 : memref<1x1x16x128xf32, #tpu.memory_space<vmem>> -> memref<16x128xf32, #tpu.memory_space<vmem>>
      %dma_wait3A_1339 = arith.constant 0 : i32
      %dma_wait3A_1340 = arith.constant 0 : i32
      %dma_wait3A_1341 = tpu.memref_slice %arg2[%dma_wait3A_1339, %dma_wait3A_1340] : memref<32x1000000xf32, #tpu.memory_space<hbm>> -> memref<16x128xf32, #tpu.memory_space<hbm>>
      tpu.wait_dma2 semaphore(%arg8 : memref<!tpu.dma_semaphore, #tpu.memory_space<semaphore_mem>>) src(%dma_wait3A_1341 : memref<16x128xf32, #tpu.memory_space<hbm>>) dst(%dma_wait3A_1338 : memref<16x128xf32, #tpu.memory_space<vmem>>)
      %dma_wait3A_1342 = arith.constant 6 : i32
      %dma_wait3A_1343 = arith.constant 0 : i32
      %dma_wait3A_1344 = arith.constant 0 : i32
      %dma_wait3A_1345 = tpu.memref_slice %arg6[%select_n3A_1252, %dma_wait3A_1342, %dma_wait3A_1343, %dma_wait3A_1344] : memref<3x16x16x128xf32, #tpu.memory_space<vmem>> -> memref<1x1x16x128xf32, #tpu.memory_space<vmem>>
      %dma_wait3A_1346 = tpu.memref_squeeze %dma_wait3A_1345 : memref<1x1x16x128xf32, #tpu.memory_space<vmem>> -> memref<16x128xf32, #tpu.memory_space<vmem>>
      %dma_wait3A_1347 = arith.constant 0 : i32
      %dma_wait3A_1348 = arith.constant 0 : i32
      %dma_wait3A_1349 = tpu.memref_slice %arg2[%dma_wait3A_1347, %dma_wait3A_1348] : memref<32x1000000xf32, #tpu.memory_space<hbm>> -> memref<16x128xf32, #tpu.memory_space<hbm>>
      %dma_wait3A_1350 = arith.constant 0 : i32
      %dma_wait3A_1351 = arith.constant 0 : i32
      %dma_wait3A_1352 = tpu.memref_slice %arg6[%select_n3A_1252, %dma_wait3A_1342, %dma_wait3A_1350, %dma_wait3A_1351] : memref<3x16x16x128xf32, #tpu.memory_space<vmem>> -> memref<1x1x16x128xf32, #tpu.memory_space<vmem>>
      %dma_wait3A_1353 = tpu.memref_squeeze %dma_wait3A_1352 : memref<1x1x16x128xf32, #tpu.memory_space<vmem>> -> memref<16x128xf32, #tpu.memory_space<vmem>>
      %dma_wait3A_1354 = arith.constant 0 : i32
      %dma_wait3A_1355 = arith.constant 0 : i32
      %dma_wait3A_1356 = tpu.memref_slice %arg2[%dma_wait3A_1354, %dma_wait3A_1355] : memref<32x1000000xf32, #tpu.memory_space<hbm>> -> memref<16x128xf32, #tpu.memory_space<hbm>>
      tpu.wait_dma2 semaphore(%arg8 : memref<!tpu.dma_semaphore, #tpu.memory_space<semaphore_mem>>) src(%dma_wait3A_1356 : memref<16x128xf32, #tpu.memory_space<hbm>>) dst(%dma_wait3A_1353 : memref<16x128xf32, #tpu.memory_space<vmem>>)
      %dma_wait3A_1357 = arith.constant 7 : i32
      %dma_wait3A_1358 = arith.constant 0 : i32
      %dma_wait3A_1359 = arith.constant 0 : i32
      %dma_wait3A_1360 = tpu.memref_slice %arg6[%select_n3A_1252, %dma_wait3A_1357, %dma_wait3A_1358, %dma_wait3A_1359] : memref<3x16x16x128xf32, #tpu.memory_space<vmem>> -> memref<1x1x16x128xf32, #tpu.memory_space<vmem>>
      %dma_wait3A_1361 = tpu.memref_squeeze %dma_wait3A_1360 : memref<1x1x16x128xf32, #tpu.memory_space<vmem>> -> memref<16x128xf32, #tpu.memory_space<vmem>>
      %dma_wait3A_1362 = arith.constant 0 : i32
      %dma_wait3A_1363 = arith.constant 0 : i32
      %dma_wait3A_1364 = tpu.memref_slice %arg2[%dma_wait3A_1362, %dma_wait3A_1363] : memref<32x1000000xf32, #tpu.memory_space<hbm>> -> memref<16x128xf32, #tpu.memory_space<hbm>>
      %dma_wait3A_1365 = arith.constant 0 : i32
      %dma_wait3A_1366 = arith.constant 0 : i32
      %dma_wait3A_1367 = tpu.memref_slice %arg6[%select_n3A_1252, %dma_wait3A_1357, %dma_wait3A_1365, %dma_wait3A_1366] : memref<3x16x16x128xf32, #tpu.memory_space<vmem>> -> memref<1x1x16x128xf32, #tpu.memory_space<vmem>>
      %dma_wait3A_1368 = tpu.memref_squeeze %dma_wait3A_1367 : memref<1x1x16x128xf32, #tpu.memory_space<vmem>> -> memref<16x128xf32, #tpu.memory_space<vmem>>
      %dma_wait3A_1369 = arith.constant 0 : i32
      %dma_wait3A_1370 = arith.constant 0 : i32
      %dma_wait3A_1371 = tpu.memref_slice %arg2[%dma_wait3A_1369, %dma_wait3A_1370] : memref<32x1000000xf32, #tpu.memory_space<hbm>> -> memref<16x128xf32, #tpu.memory_space<hbm>>
      tpu.wait_dma2 semaphore(%arg8 : memref<!tpu.dma_semaphore, #tpu.memory_space<semaphore_mem>>) src(%dma_wait3A_1371 : memref<16x128xf32, #tpu.memory_space<hbm>>) dst(%dma_wait3A_1368 : memref<16x128xf32, #tpu.memory_space<vmem>>)
      %dma_wait3A_1372 = arith.constant 8 : i32
      %dma_wait3A_1373 = arith.constant 0 : i32
      %dma_wait3A_1374 = arith.constant 0 : i32
      %dma_wait3A_1375 = tpu.memref_slice %arg6[%select_n3A_1252, %dma_wait3A_1372, %dma_wait3A_1373, %dma_wait3A_1374] : memref<3x16x16x128xf32, #tpu.memory_space<vmem>> -> memref<1x1x16x128xf32, #tpu.memory_space<vmem>>
      %dma_wait3A_1376 = tpu.memref_squeeze %dma_wait3A_1375 : memref<1x1x16x128xf32, #tpu.memory_space<vmem>> -> memref<16x128xf32, #tpu.memory_space<vmem>>
      %dma_wait3A_1377 = arith.constant 0 : i32
      %dma_wait3A_1378 = arith.constant 0 : i32
      %dma_wait3A_1379 = tpu.memref_slice %arg2[%dma_wait3A_1377, %dma_wait3A_1378] : memref<32x1000000xf32, #tpu.memory_space<hbm>> -> memref<16x128xf32, #tpu.memory_space<hbm>>
      %dma_wait3A_1380 = arith.constant 0 : i32
      %dma_wait3A_1381 = arith.constant 0 : i32
      %dma_wait3A_1382 = tpu.memref_slice %arg6[%select_n3A_1252, %dma_wait3A_1372, %dma_wait3A_1380, %dma_wait3A_1381] : memref<3x16x16x128xf32, #tpu.memory_space<vmem>> -> memref<1x1x16x128xf32, #tpu.memory_space<vmem>>
      %dma_wait3A_1383 = tpu.memref_squeeze %dma_wait3A_1382 : memref<1x1x16x128xf32, #tpu.memory_space<vmem>> -> memref<16x128xf32, #tpu.memory_space<vmem>>
      %dma_wait3A_1384 = arith.constant 0 : i32
      %dma_wait3A_1385 = arith.constant 0 : i32
      %dma_wait3A_1386 = tpu.memref_slice %arg2[%dma_wait3A_1384, %dma_wait3A_1385] : memref<32x1000000xf32, #tpu.memory_space<hbm>> -> memref<16x128xf32, #tpu.memory_space<hbm>>
      tpu.wait_dma2 semaphore(%arg8 : memref<!tpu.dma_semaphore, #tpu.memory_space<semaphore_mem>>) src(%dma_wait3A_1386 : memref<16x128xf32, #tpu.memory_space<hbm>>) dst(%dma_wait3A_1383 : memref<16x128xf32, #tpu.memory_space<vmem>>)
      %dma_wait3A_1387 = arith.constant 9 : i32
      %dma_wait3A_1388 = arith.constant 0 : i32
      %dma_wait3A_1389 = arith.constant 0 : i32
      %dma_wait3A_1390 = tpu.memref_slice %arg6[%select_n3A_1252, %dma_wait3A_1387, %dma_wait3A_1388, %dma_wait3A_1389] : memref<3x16x16x128xf32, #tpu.memory_space<vmem>> -> memref<1x1x16x128xf32, #tpu.memory_space<vmem>>
      %dma_wait3A_1391 = tpu.memref_squeeze %dma_wait3A_1390 : memref<1x1x16x128xf32, #tpu.memory_space<vmem>> -> memref<16x128xf32, #tpu.memory_space<vmem>>
      %dma_wait3A_1392 = arith.constant 0 : i32
      %dma_wait3A_1393 = arith.constant 0 : i32
      %dma_wait3A_1394 = tpu.memref_slice %arg2[%dma_wait3A_1392, %dma_wait3A_1393] : memref<32x1000000xf32, #tpu.memory_space<hbm>> -> memref<16x128xf32, #tpu.memory_space<hbm>>
      %dma_wait3A_1395 = arith.constant 0 : i32
      %dma_wait3A_1396 = arith.constant 0 : i32
      %dma_wait3A_1397 = tpu.memref_slice %arg6[%select_n3A_1252, %dma_wait3A_1387, %dma_wait3A_1395, %dma_wait3A_1396] : memref<3x16x16x128xf32, #tpu.memory_space<vmem>> -> memref<1x1x16x128xf32, #tpu.memory_space<vmem>>
      %dma_wait3A_1398 = tpu.memref_squeeze %dma_wait3A_1397 : memref<1x1x16x128xf32, #tpu.memory_space<vmem>> -> memref<16x128xf32, #tpu.memory_space<vmem>>
      %dma_wait3A_1399 = arith.constant 0 : i32
      %dma_wait3A_1400 = arith.constant 0 : i32
      %dma_wait3A_1401 = tpu.memref_slice %arg2[%dma_wait3A_1399, %dma_wait3A_1400] : memref<32x1000000xf32, #tpu.memory_space<hbm>> -> memref<16x128xf32, #tpu.memory_space<hbm>>
      tpu.wait_dma2 semaphore(%arg8 : memref<!tpu.dma_semaphore, #tpu.memory_space<semaphore_mem>>) src(%dma_wait3A_1401 : memref<16x128xf32, #tpu.memory_space<hbm>>) dst(%dma_wait3A_1398 : memref<16x128xf32, #tpu.memory_space<vmem>>)
      %dma_wait3A_1402 = arith.constant 10 : i32
      %dma_wait3A_1403 = arith.constant 0 : i32
      %dma_wait3A_1404 = arith.constant 0 : i32
      %dma_wait3A_1405 = tpu.memref_slice %arg6[%select_n3A_1252, %dma_wait3A_1402, %dma_wait3A_1403, %dma_wait3A_1404] : memref<3x16x16x128xf32, #tpu.memory_space<vmem>> -> memref<1x1x16x128xf32, #tpu.memory_space<vmem>>
      %dma_wait3A_1406 = tpu.memref_squeeze %dma_wait3A_1405 : memref<1x1x16x128xf32, #tpu.memory_space<vmem>> -> memref<16x128xf32, #tpu.memory_space<vmem>>
      %dma_wait3A_1407 = arith.constant 0 : i32
      %dma_wait3A_1408 = arith.constant 0 : i32
      %dma_wait3A_1409 = tpu.memref_slice %arg2[%dma_wait3A_1407, %dma_wait3A_1408] : memref<32x1000000xf32, #tpu.memory_space<hbm>> -> memref<16x128xf32, #tpu.memory_space<hbm>>
      %dma_wait3A_1410 = arith.constant 0 : i32
      %dma_wait3A_1411 = arith.constant 0 : i32
      %dma_wait3A_1412 = tpu.memref_slice %arg6[%select_n3A_1252, %dma_wait3A_1402, %dma_wait3A_1410, %dma_wait3A_1411] : memref<3x16x16x128xf32, #tpu.memory_space<vmem>> -> memref<1x1x16x128xf32, #tpu.memory_space<vmem>>
      %dma_wait3A_1413 = tpu.memref_squeeze %dma_wait3A_1412 : memref<1x1x16x128xf32, #tpu.memory_space<vmem>> -> memref<16x128xf32, #tpu.memory_space<vmem>>
      %dma_wait3A_1414 = arith.constant 0 : i32
      %dma_wait3A_1415 = arith.constant 0 : i32
      %dma_wait3A_1416 = tpu.memref_slice %arg2[%dma_wait3A_1414, %dma_wait3A_1415] : memref<32x1000000xf32, #tpu.memory_space<hbm>> -> memref<16x128xf32, #tpu.memory_space<hbm>>
      tpu.wait_dma2 semaphore(%arg8 : memref<!tpu.dma_semaphore, #tpu.memory_space<semaphore_mem>>) src(%dma_wait3A_1416 : memref<16x128xf32, #tpu.memory_space<hbm>>) dst(%dma_wait3A_1413 : memref<16x128xf32, #tpu.memory_space<vmem>>)
      %dma_wait3A_1417 = arith.constant 11 : i32
      %dma_wait3A_1418 = arith.constant 0 : i32
      %dma_wait3A_1419 = arith.constant 0 : i32
      %dma_wait3A_1420 = tpu.memref_slice %arg6[%select_n3A_1252, %dma_wait3A_1417, %dma_wait3A_1418, %dma_wait3A_1419] : memref<3x16x16x128xf32, #tpu.memory_space<vmem>> -> memref<1x1x16x128xf32, #tpu.memory_space<vmem>>
      %dma_wait3A_1421 = tpu.memref_squeeze %dma_wait3A_1420 : memref<1x1x16x128xf32, #tpu.memory_space<vmem>> -> memref<16x128xf32, #tpu.memory_space<vmem>>
      %dma_wait3A_1422 = arith.constant 0 : i32
      %dma_wait3A_1423 = arith.constant 0 : i32
      %dma_wait3A_1424 = tpu.memref_slice %arg2[%dma_wait3A_1422, %dma_wait3A_1423] : memref<32x1000000xf32, #tpu.memory_space<hbm>> -> memref<16x128xf32, #tpu.memory_space<hbm>>
      %dma_wait3A_1425 = arith.constant 0 : i32
      %dma_wait3A_1426 = arith.constant 0 : i32
      %dma_wait3A_1427 = tpu.memref_slice %arg6[%select_n3A_1252, %dma_wait3A_1417, %dma_wait3A_1425, %dma_wait3A_1426] : memref<3x16x16x128xf32, #tpu.memory_space<vmem>> -> memref<1x1x16x128xf32, #tpu.memory_space<vmem>>
      %dma_wait3A_1428 = tpu.memref_squeeze %dma_wait3A_1427 : memref<1x1x16x128xf32, #tpu.memory_space<vmem>> -> memref<16x128xf32, #tpu.memory_space<vmem>>
      %dma_wait3A_1429 = arith.constant 0 : i32
      %dma_wait3A_1430 = arith.constant 0 : i32
      %dma_wait3A_1431 = tpu.memref_slice %arg2[%dma_wait3A_1429, %dma_wait3A_1430] : memref<32x1000000xf32, #tpu.memory_space<hbm>> -> memref<16x128xf32, #tpu.memory_space<hbm>>
      tpu.wait_dma2 semaphore(%arg8 : memref<!tpu.dma_semaphore, #tpu.memory_space<semaphore_mem>>) src(%dma_wait3A_1431 : memref<16x128xf32, #tpu.memory_space<hbm>>) dst(%dma_wait3A_1428 : memref<16x128xf32, #tpu.memory_space<vmem>>)
      %dma_wait3A_1432 = arith.constant 12 : i32
      %dma_wait3A_1433 = arith.constant 0 : i32
      %dma_wait3A_1434 = arith.constant 0 : i32
      %dma_wait3A_1435 = tpu.memref_slice %arg6[%select_n3A_1252, %dma_wait3A_1432, %dma_wait3A_1433, %dma_wait3A_1434] : memref<3x16x16x128xf32, #tpu.memory_space<vmem>> -> memref<1x1x16x128xf32, #tpu.memory_space<vmem>>
      %dma_wait3A_1436 = tpu.memref_squeeze %dma_wait3A_1435 : memref<1x1x16x128xf32, #tpu.memory_space<vmem>> -> memref<16x128xf32, #tpu.memory_space<vmem>>
      %dma_wait3A_1437 = arith.constant 0 : i32
      %dma_wait3A_1438 = arith.constant 0 : i32
      %dma_wait3A_1439 = tpu.memref_slice %arg2[%dma_wait3A_1437, %dma_wait3A_1438] : memref<32x1000000xf32, #tpu.memory_space<hbm>> -> memref<16x128xf32, #tpu.memory_space<hbm>>
      %dma_wait3A_1440 = arith.constant 0 : i32
      %dma_wait3A_1441 = arith.constant 0 : i32
      %dma_wait3A_1442 = tpu.memref_slice %arg6[%select_n3A_1252, %dma_wait3A_1432, %dma_wait3A_1440, %dma_wait3A_1441] : memref<3x16x16x128xf32, #tpu.memory_space<vmem>> -> memref<1x1x16x128xf32, #tpu.memory_space<vmem>>
      %dma_wait3A_1443 = tpu.memref_squeeze %dma_wait3A_1442 : memref<1x1x16x128xf32, #tpu.memory_space<vmem>> -> memref<16x128xf32, #tpu.memory_space<vmem>>
      %dma_wait3A_1444 = arith.constant 0 : i32
      %dma_wait3A_1445 = arith.constant 0 : i32
      %dma_wait3A_1446 = tpu.memref_slice %arg2[%dma_wait3A_1444, %dma_wait3A_1445] : memref<32x1000000xf32, #tpu.memory_space<hbm>> -> memref<16x128xf32, #tpu.memory_space<hbm>>
      tpu.wait_dma2 semaphore(%arg8 : memref<!tpu.dma_semaphore, #tpu.memory_space<semaphore_mem>>) src(%dma_wait3A_1446 : memref<16x128xf32, #tpu.memory_space<hbm>>) dst(%dma_wait3A_1443 : memref<16x128xf32, #tpu.memory_space<vmem>>)
      %dma_wait3A_1447 = arith.constant 13 : i32
      %dma_wait3A_1448 = arith.constant 0 : i32
      %dma_wait3A_1449 = arith.constant 0 : i32
      %dma_wait3A_1450 = tpu.memref_slice %arg6[%select_n3A_1252, %dma_wait3A_1447, %dma_wait3A_1448, %dma_wait3A_1449] : memref<3x16x16x128xf32, #tpu.memory_space<vmem>> -> memref<1x1x16x128xf32, #tpu.memory_space<vmem>>
      %dma_wait3A_1451 = tpu.memref_squeeze %dma_wait3A_1450 : memref<1x1x16x128xf32, #tpu.memory_space<vmem>> -> memref<16x128xf32, #tpu.memory_space<vmem>>
      %dma_wait3A_1452 = arith.constant 0 : i32
      %dma_wait3A_1453 = arith.constant 0 : i32
      %dma_wait3A_1454 = tpu.memref_slice %arg2[%dma_wait3A_1452, %dma_wait3A_1453] : memref<32x1000000xf32, #tpu.memory_space<hbm>> -> memref<16x128xf32, #tpu.memory_space<hbm>>
      %dma_wait3A_1455 = arith.constant 0 : i32
      %dma_wait3A_1456 = arith.constant 0 : i32
      %dma_wait3A_1457 = tpu.memref_slice %arg6[%select_n3A_1252, %dma_wait3A_1447, %dma_wait3A_1455, %dma_wait3A_1456] : memref<3x16x16x128xf32, #tpu.memory_space<vmem>> -> memref<1x1x16x128xf32, #tpu.memory_space<vmem>>
      %dma_wait3A_1458 = tpu.memref_squeeze %dma_wait3A_1457 : memref<1x1x16x128xf32, #tpu.memory_space<vmem>> -> memref<16x128xf32, #tpu.memory_space<vmem>>
      %dma_wait3A_1459 = arith.constant 0 : i32
      %dma_wait3A_1460 = arith.constant 0 : i32
      %dma_wait3A_1461 = tpu.memref_slice %arg2[%dma_wait3A_1459, %dma_wait3A_1460] : memref<32x1000000xf32, #tpu.memory_space<hbm>> -> memref<16x128xf32, #tpu.memory_space<hbm>>
      tpu.wait_dma2 semaphore(%arg8 : memref<!tpu.dma_semaphore, #tpu.memory_space<semaphore_mem>>) src(%dma_wait3A_1461 : memref<16x128xf32, #tpu.memory_space<hbm>>) dst(%dma_wait3A_1458 : memref<16x128xf32, #tpu.memory_space<vmem>>)
      %dma_wait3A_1462 = arith.constant 14 : i32
      %dma_wait3A_1463 = arith.constant 0 : i32
      %dma_wait3A_1464 = arith.constant 0 : i32
      %dma_wait3A_1465 = tpu.memref_slice %arg6[%select_n3A_1252, %dma_wait3A_1462, %dma_wait3A_1463, %dma_wait3A_1464] : memref<3x16x16x128xf32, #tpu.memory_space<vmem>> -> memref<1x1x16x128xf32, #tpu.memory_space<vmem>>
      %dma_wait3A_1466 = tpu.memref_squeeze %dma_wait3A_1465 : memref<1x1x16x128xf32, #tpu.memory_space<vmem>> -> memref<16x128xf32, #tpu.memory_space<vmem>>
      %dma_wait3A_1467 = arith.constant 0 : i32
      %dma_wait3A_1468 = arith.constant 0 : i32
      %dma_wait3A_1469 = tpu.memref_slice %arg2[%dma_wait3A_1467, %dma_wait3A_1468] : memref<32x1000000xf32, #tpu.memory_space<hbm>> -> memref<16x128xf32, #tpu.memory_space<hbm>>
      %dma_wait3A_1470 = arith.constant 0 : i32
      %dma_wait3A_1471 = arith.constant 0 : i32
      %dma_wait3A_1472 = tpu.memref_slice %arg6[%select_n3A_1252, %dma_wait3A_1462, %dma_wait3A_1470, %dma_wait3A_1471] : memref<3x16x16x128xf32, #tpu.memory_space<vmem>> -> memref<1x1x16x128xf32, #tpu.memory_space<vmem>>
      %dma_wait3A_1473 = tpu.memref_squeeze %dma_wait3A_1472 : memref<1x1x16x128xf32, #tpu.memory_space<vmem>> -> memref<16x128xf32, #tpu.memory_space<vmem>>
      %dma_wait3A_1474 = arith.constant 0 : i32
      %dma_wait3A_1475 = arith.constant 0 : i32
      %dma_wait3A_1476 = tpu.memref_slice %arg2[%dma_wait3A_1474, %dma_wait3A_1475] : memref<32x1000000xf32, #tpu.memory_space<hbm>> -> memref<16x128xf32, #tpu.memory_space<hbm>>
      tpu.wait_dma2 semaphore(%arg8 : memref<!tpu.dma_semaphore, #tpu.memory_space<semaphore_mem>>) src(%dma_wait3A_1476 : memref<16x128xf32, #tpu.memory_space<hbm>>) dst(%dma_wait3A_1473 : memref<16x128xf32, #tpu.memory_space<vmem>>)
      %dma_wait3A_1477 = arith.constant 15 : i32
      %dma_wait3A_1478 = arith.constant 0 : i32
      %dma_wait3A_1479 = arith.constant 0 : i32
      %dma_wait3A_1480 = tpu.memref_slice %arg6[%select_n3A_1252, %dma_wait3A_1477, %dma_wait3A_1478, %dma_wait3A_1479] : memref<3x16x16x128xf32, #tpu.memory_space<vmem>> -> memref<1x1x16x128xf32, #tpu.memory_space<vmem>>
      %dma_wait3A_1481 = tpu.memref_squeeze %dma_wait3A_1480 : memref<1x1x16x128xf32, #tpu.memory_space<vmem>> -> memref<16x128xf32, #tpu.memory_space<vmem>>
      %dma_wait3A_1482 = arith.constant 0 : i32
      %dma_wait3A_1483 = arith.constant 0 : i32
      %dma_wait3A_1484 = tpu.memref_slice %arg2[%dma_wait3A_1482, %dma_wait3A_1483] : memref<32x1000000xf32, #tpu.memory_space<hbm>> -> memref<16x128xf32, #tpu.memory_space<hbm>>
      %dma_wait3A_1485 = arith.constant 0 : i32
      %dma_wait3A_1486 = arith.constant 0 : i32
      %dma_wait3A_1487 = tpu.memref_slice %arg6[%select_n3A_1252, %dma_wait3A_1477, %dma_wait3A_1485, %dma_wait3A_1486] : memref<3x16x16x128xf32, #tpu.memory_space<vmem>> -> memref<1x1x16x128xf32, #tpu.memory_space<vmem>>
      %dma_wait3A_1488 = tpu.memref_squeeze %dma_wait3A_1487 : memref<1x1x16x128xf32, #tpu.memory_space<vmem>> -> memref<16x128xf32, #tpu.memory_space<vmem>>
      %dma_wait3A_1489 = arith.constant 0 : i32
      %dma_wait3A_1490 = arith.constant 0 : i32
      %dma_wait3A_1491 = tpu.memref_slice %arg2[%dma_wait3A_1489, %dma_wait3A_1490] : memref<32x1000000xf32, #tpu.memory_space<hbm>> -> memref<16x128xf32, #tpu.memory_space<hbm>>
      tpu.wait_dma2 semaphore(%arg8 : memref<!tpu.dma_semaphore, #tpu.memory_space<semaphore_mem>>) src(%dma_wait3A_1491 : memref<16x128xf32, #tpu.memory_space<hbm>>) dst(%dma_wait3A_1488 : memref<16x128xf32, #tpu.memory_space<vmem>>)
      %broadcast_in_dim3A = arith.constant 0 : i32
      %broadcast_in_dim3A_1492 = vector.broadcast %broadcast_in_dim3A : i32 to vector<16xi32>
      %jit3A_1493 = arith.constant 3 : i32
      %eq3A_1494 = arith.constant 0 : i32
      %eq3A_1495 = arith.cmpi eq, %jit3A_1493, %eq3A_1494 : i32
      %jit3A_1496 = arith.constant 1 : i32
      %select_n3A_1497 = arith.select %eq3A_1495, %jit3A_1496, %jit3A_1493 : i32
      %rem3A_1498 = arith.remsi %scan3A_1233, %select_n3A_1497 : i32
      %ne3A_1499 = arith.constant 0 : i32
      %ne3A_1500 = arith.cmpi ne, %rem3A_1498, %ne3A_1499 : i32
      %lt3A_1501 = arith.constant 0 : i32
      %lt3A_1502 = arith.cmpi slt, %rem3A_1498, %lt3A_1501 : i32
      %lt3A_1503 = arith.constant 0 : i32
      %lt3A_1504 = arith.cmpi slt, %select_n3A_1497, %lt3A_1503 : i32
      %ne3A_1505 = arith.xori %lt3A_1502, %lt3A_1504 : i1
      %and3A_1506 = arith.andi %ne3A_1505, %ne3A_1500 : i1
      %add3A_1507 = arith.addi %rem3A_1498, %select_n3A_1497 : i32
      %select_n3A_1508 = arith.select %and3A_1506, %add3A_1507, %rem3A_1498 : i32
      %add3A_1509 = vector.broadcast %select_n3A_1508 : i32 to vector<16xi32>
      %add3A_1510 = arith.addi %broadcast_in_dim3A_1492, %add3A_1509 : vector<16xi32>
      %mul3A_1511 = arith.constant 16 : i32
      %mul3A_1512 = arith.muli %scan3A_1233, %mul3A_1511 : i32
      %get3A_1513 = arith.index_cast %mul3A_1512 : i32 to index
      %get3A_1514 = tpu.vector_load %arg5[%get3A_1513] {strides = array<i32>} : memref<128xi32, #tpu.memory_space<vmem>>, vector<16xi32>,
      %and3A_1515 = arith.constant 127 : i32
      %and3A_1516 = vector.broadcast %and3A_1515 : i32 to vector<16xi32>
      %and3A_1517 = arith.andi %get3A_1514, %and3A_1516 : vector<16xi32>
      %broadcast_in_dim3A_1518 = arith.constant 0 : i32
      %broadcast_in_dim3A_1519 = vector.broadcast %broadcast_in_dim3A_1518 : i32 to vector<16xi32>
      %gather3A = tpu.vector_load_idx %arg6[%add3A_1510, %iota3A, %broadcast_in_dim3A_1519, %and3A_1517] : memref<3x16x16x128xf32, #tpu.memory_space<vmem>>[vector<16xi32>, vector<16xi32>, vector<16xi32>, vector<16xi32>], vector<16xf32>,
      %mul3A_1520 = arith.constant 16 : i32
      %mul3A_1521 = arith.muli %scan3A_1233, %mul3A_1520 : i32
      %swap3A = arith.constant 0 : i32
      %swap3A_1522 = arith.index_cast %swap3A : i32 to index
      %swap3A_1523 = arith.index_cast %mul3A_1521 : i32 to index
      %swap3A_1524 = tpu.vector_load %arg7[%swap3A_1522, %swap3A_1523] {strides = array<i32>} : memref<32x128xf32, #tpu.memory_space<vmem>>, vector<16xf32>,
      tpu.vector_store %arg7[%swap3A_1522, %swap3A_1523], %gather3A {strides = array<i32>} : memref<32x128xf32, #tpu.memory_space<vmem>>, vector<16xf32>,
      %broadcast_in_dim3A_1525 = arith.constant 1 : i32
      %broadcast_in_dim3A_1526 = vector.broadcast %broadcast_in_dim3A_1525 : i32 to vector<16xi32>
      %gather3A_1527 = tpu.vector_load_idx %arg6[%add3A_1510, %iota3A, %broadcast_in_dim3A_1526, %and3A_1517] : memref<3x16x16x128xf32, #tpu.memory_space<vmem>>[vector<16xi32>, vector<16xi32>, vector<16xi32>, vector<16xi32>], vector<16xf32>,
      %mul3A_1528 = arith.constant 16 : i32
      %mul3A_1529 = arith.muli %scan3A_1233, %mul3A_1528 : i32
      %swap3A_1530 = arith.constant 1 : i32
      %swap3A_1531 = arith.index_cast %swap3A_1530 : i32 to index
      %swap3A_1532 = arith.index_cast %mul3A_1529 : i32 to index
      %swap3A_1533 = tpu.vector_load %arg7[%swap3A_1531, %swap3A_1532] {strides = array<i32>} : memref<32x128xf32, #tpu.memory_space<vmem>>, vector<16xf32>,
      tpu.vector_store %arg7[%swap3A_1531, %swap3A_1532], %gather3A_1527 {strides = array<i32>} : memref<32x128xf32, #tpu.memory_space<vmem>>, vector<16xf32>,
      %broadcast_in_dim3A_1534 = arith.constant 2 : i32
      %broadcast_in_dim3A_1535 = vector.broadcast %broadcast_in_dim3A_1534 : i32 to vector<16xi32>
      %gather3A_1536 = tpu.vector_load_idx %arg6[%add3A_1510, %iota3A, %broadcast_in_dim3A_1535, %and3A_1517] : memref<3x16x16x128xf32, #tpu.memory_space<vmem>>[vector<16xi32>, vector<16xi32>, vector<16xi32>, vector<16xi32>], vector<16xf32>,
      %mul3A_1537 = arith.constant 16 : i32
      %mul3A_1538 = arith.muli %scan3A_1233, %mul3A_1537 : i32
      %swap3A_1539 = arith.constant 2 : i32
      %swap3A_1540 = arith.index_cast %swap3A_1539 : i32 to index
      %swap3A_1541 = arith.index_cast %mul3A_1538 : i32 to index
      %swap3A_1542 = tpu.vector_load %arg7[%swap3A_1540, %swap3A_1541] {strides = array<i32>} : memref<32x128xf32, #tpu.memory_space<vmem>>, vector<16xf32>,
      tpu.vector_store %arg7[%swap3A_1540, %swap3A_1541], %gather3A_1536 {strides = array<i32>} : memref<32x128xf32, #tpu.memory_space<vmem>>, vector<16xf32>,
      %broadcast_in_dim3A_1543 = arith.constant 3 : i32
      %broadcast_in_dim3A_1544 = vector.broadcast %broadcast_in_dim3A_1543 : i32 to vector<16xi32>
      %gather3A_1545 = tpu.vector_load_idx %arg6[%add3A_1510, %iota3A, %broadcast_in_dim3A_1544, %and3A_1517] : memref<3x16x16x128xf32, #tpu.memory_space<vmem>>[vector<16xi32>, vector<16xi32>, vector<16xi32>, vector<16xi32>], vector<16xf32>,
      %mul3A_1546 = arith.constant 16 : i32
      %mul3A_1547 = arith.muli %scan3A_1233, %mul3A_1546 : i32
      %swap3A_1548 = arith.constant 3 : i32
      %swap3A_1549 = arith.index_cast %swap3A_1548 : i32 to index
      %swap3A_1550 = arith.index_cast %mul3A_1547 : i32 to index
      %swap3A_1551 = tpu.vector_load %arg7[%swap3A_1549, %swap3A_1550] {strides = array<i32>} : memref<32x128xf32, #tpu.memory_space<vmem>>, vector<16xf32>,
      tpu.vector_store %arg7[%swap3A_1549, %swap3A_1550], %gather3A_1545 {strides = array<i32>} : memref<32x128xf32, #tpu.memory_space<vmem>>, vector<16xf32>,
      %broadcast_in_dim3A_1552 = arith.constant 4 : i32
      %broadcast_in_dim3A_1553 = vector.broadcast %broadcast_in_dim3A_1552 : i32 to vector<16xi32>
      %gather3A_1554 = tpu.vector_load_idx %arg6[%add3A_1510, %iota3A, %broadcast_in_dim3A_1553, %and3A_1517] : memref<3x16x16x128xf32, #tpu.memory_space<vmem>>[vector<16xi32>, vector<16xi32>, vector<16xi32>, vector<16xi32>], vector<16xf32>,
      %mul3A_1555 = arith.constant 16 : i32
      %mul3A_1556 = arith.muli %scan3A_1233, %mul3A_1555 : i32
      %swap3A_1557 = arith.constant 4 : i32
      %swap3A_1558 = arith.index_cast %swap3A_1557 : i32 to index
      %swap3A_1559 = arith.index_cast %mul3A_1556 : i32 to index
      %swap3A_1560 = tpu.vector_load %arg7[%swap3A_1558, %swap3A_1559] {strides = array<i32>} : memref<32x128xf32, #tpu.memory_space<vmem>>, vector<16xf32>,
      tpu.vector_store %arg7[%swap3A_1558, %swap3A_1559], %gather3A_1554 {strides = array<i32>} : memref<32x128xf32, #tpu.memory_space<vmem>>, vector<16xf32>,
      %broadcast_in_dim3A_1561 = arith.constant 5 : i32
      %broadcast_in_dim3A_1562 = vector.broadcast %broadcast_in_dim3A_1561 : i32 to vector<16xi32>
      %gather3A_1563 = tpu.vector_load_idx %arg6[%add3A_1510, %iota3A, %broadcast_in_dim3A_1562, %and3A_1517] : memref<3x16x16x128xf32, #tpu.memory_space<vmem>>[vector<16xi32>, vector<16xi32>, vector<16xi32>, vector<16xi32>], vector<16xf32>,
      %mul3A_1564 = arith.constant 16 : i32
      %mul3A_1565 = arith.muli %scan3A_1233, %mul3A_1564 : i32
      %swap3A_1566 = arith.constant 5 : i32
      %swap3A_1567 = arith.index_cast %swap3A_1566 : i32 to index
      %swap3A_1568 = arith.index_cast %mul3A_1565 : i32 to index
      %swap3A_1569 = tpu.vector_load %arg7[%swap3A_1567, %swap3A_1568] {strides = array<i32>} : memref<32x128xf32, #tpu.memory_space<vmem>>, vector<16xf32>,
      tpu.vector_store %arg7[%swap3A_1567, %swap3A_1568], %gather3A_1563 {strides = array<i32>} : memref<32x128xf32, #tpu.memory_space<vmem>>, vector<16xf32>,
      %broadcast_in_dim3A_1570 = arith.constant 6 : i32
      %broadcast_in_dim3A_1571 = vector.broadcast %broadcast_in_dim3A_1570 : i32 to vector<16xi32>
      %gather3A_1572 = tpu.vector_load_idx %arg6[%add3A_1510, %iota3A, %broadcast_in_dim3A_1571, %and3A_1517] : memref<3x16x16x128xf32, #tpu.memory_space<vmem>>[vector<16xi32>, vector<16xi32>, vector<16xi32>, vector<16xi32>], vector<16xf32>,
      %mul3A_1573 = arith.constant 16 : i32
      %mul3A_1574 = arith.muli %scan3A_1233, %mul3A_1573 : i32
      %swap3A_1575 = arith.constant 6 : i32
      %swap3A_1576 = arith.index_cast %swap3A_1575 : i32 to index
      %swap3A_1577 = arith.index_cast %mul3A_1574 : i32 to index
      %swap3A_1578 = tpu.vector_load %arg7[%swap3A_1576, %swap3A_1577] {strides = array<i32>} : memref<32x128xf32, #tpu.memory_space<vmem>>, vector<16xf32>,
      tpu.vector_store %arg7[%swap3A_1576, %swap3A_1577], %gather3A_1572 {strides = array<i32>} : memref<32x128xf32, #tpu.memory_space<vmem>>, vector<16xf32>,
      %broadcast_in_dim3A_1579 = arith.constant 7 : i32
      %broadcast_in_dim3A_1580 = vector.broadcast %broadcast_in_dim3A_1579 : i32 to vector<16xi32>
      %gather3A_1581 = tpu.vector_load_idx %arg6[%add3A_1510, %iota3A, %broadcast_in_dim3A_1580, %and3A_1517] : memref<3x16x16x128xf32, #tpu.memory_space<vmem>>[vector<16xi32>, vector<16xi32>, vector<16xi32>, vector<16xi32>], vector<16xf32>,
      %mul3A_1582 = arith.constant 16 : i32
      %mul3A_1583 = arith.muli %scan3A_1233, %mul3A_1582 : i32
      %swap3A_1584 = arith.constant 7 : i32
      %swap3A_1585 = arith.index_cast %swap3A_1584 : i32 to index
      %swap3A_1586 = arith.index_cast %mul3A_1583 : i32 to index
      %swap3A_1587 = tpu.vector_load %arg7[%swap3A_1585, %swap3A_1586] {strides = array<i32>} : memref<32x128xf32, #tpu.memory_space<vmem>>, vector<16xf32>,
      tpu.vector_store %arg7[%swap3A_1585, %swap3A_1586], %gather3A_1581 {strides = array<i32>} : memref<32x128xf32, #tpu.memory_space<vmem>>, vector<16xf32>,
      %broadcast_in_dim3A_1588 = arith.constant 8 : i32
      %broadcast_in_dim3A_1589 = vector.broadcast %broadcast_in_dim3A_1588 : i32 to vector<16xi32>
      %gather3A_1590 = tpu.vector_load_idx %arg6[%add3A_1510, %iota3A, %broadcast_in_dim3A_1589, %and3A_1517] : memref<3x16x16x128xf32, #tpu.memory_space<vmem>>[vector<16xi32>, vector<16xi32>, vector<16xi32>, vector<16xi32>], vector<16xf32>,
      %mul3A_1591 = arith.constant 16 : i32
      %mul3A_1592 = arith.muli %scan3A_1233, %mul3A_1591 : i32
      %swap3A_1593 = arith.constant 8 : i32
      %swap3A_1594 = arith.index_cast %swap3A_1593 : i32 to index
      %swap3A_1595 = arith.index_cast %mul3A_1592 : i32 to index
      %swap3A_1596 = tpu.vector_load %arg7[%swap3A_1594, %swap3A_1595] {strides = array<i32>} : memref<32x128xf32, #tpu.memory_space<vmem>>, vector<16xf32>,
      tpu.vector_store %arg7[%swap3A_1594, %swap3A_1595], %gather3A_1590 {strides = array<i32>} : memref<32x128xf32, #tpu.memory_space<vmem>>, vector<16xf32>,
      %broadcast_in_dim3A_1597 = arith.constant 9 : i32
      %broadcast_in_dim3A_1598 = vector.broadcast %broadcast_in_dim3A_1597 : i32 to vector<16xi32>
      %gather3A_1599 = tpu.vector_load_idx %arg6[%add3A_1510, %iota3A, %broadcast_in_dim3A_1598, %and3A_1517] : memref<3x16x16x128xf32, #tpu.memory_space<vmem>>[vector<16xi32>, vector<16xi32>, vector<16xi32>, vector<16xi32>], vector<16xf32>,
      %mul3A_1600 = arith.constant 16 : i32
      %mul3A_1601 = arith.muli %scan3A_1233, %mul3A_1600 : i32
      %swap3A_1602 = arith.constant 9 : i32
      %swap3A_1603 = arith.index_cast %swap3A_1602 : i32 to index
      %swap3A_1604 = arith.index_cast %mul3A_1601 : i32 to index
      %swap3A_1605 = tpu.vector_load %arg7[%swap3A_1603, %swap3A_1604] {strides = array<i32>} : memref<32x128xf32, #tpu.memory_space<vmem>>, vector<16xf32>,
      tpu.vector_store %arg7[%swap3A_1603, %swap3A_1604], %gather3A_1599 {strides = array<i32>} : memref<32x128xf32, #tpu.memory_space<vmem>>, vector<16xf32>,
      %broadcast_in_dim3A_1606 = arith.constant 10 : i32
      %broadcast_in_dim3A_1607 = vector.broadcast %broadcast_in_dim3A_1606 : i32 to vector<16xi32>
      %gather3A_1608 = tpu.vector_load_idx %arg6[%add3A_1510, %iota3A, %broadcast_in_dim3A_1607, %and3A_1517] : memref<3x16x16x128xf32, #tpu.memory_space<vmem>>[vector<16xi32>, vector<16xi32>, vector<16xi32>, vector<16xi32>], vector<16xf32>,
      %mul3A_1609 = arith.constant 16 : i32
      %mul3A_1610 = arith.muli %scan3A_1233, %mul3A_1609 : i32
      %swap3A_1611 = arith.constant 10 : i32
      %swap3A_1612 = arith.index_cast %swap3A_1611 : i32 to index
      %swap3A_1613 = arith.index_cast %mul3A_1610 : i32 to index
      %swap3A_1614 = tpu.vector_load %arg7[%swap3A_1612, %swap3A_1613] {strides = array<i32>} : memref<32x128xf32, #tpu.memory_space<vmem>>, vector<16xf32>,
      tpu.vector_store %arg7[%swap3A_1612, %swap3A_1613], %gather3A_1608 {strides = array<i32>} : memref<32x128xf32, #tpu.memory_space<vmem>>, vector<16xf32>,
      %broadcast_in_dim3A_1615 = arith.constant 11 : i32
      %broadcast_in_dim3A_1616 = vector.broadcast %broadcast_in_dim3A_1615 : i32 to vector<16xi32>
      %gather3A_1617 = tpu.vector_load_idx %arg6[%add3A_1510, %iota3A, %broadcast_in_dim3A_1616, %and3A_1517] : memref<3x16x16x128xf32, #tpu.memory_space<vmem>>[vector<16xi32>, vector<16xi32>, vector<16xi32>, vector<16xi32>], vector<16xf32>,
      %mul3A_1618 = arith.constant 16 : i32
      %mul3A_1619 = arith.muli %scan3A_1233, %mul3A_1618 : i32
      %swap3A_1620 = arith.constant 11 : i32
      %swap3A_1621 = arith.index_cast %swap3A_1620 : i32 to index
      %swap3A_1622 = arith.index_cast %mul3A_1619 : i32 to index
      %swap3A_1623 = tpu.vector_load %arg7[%swap3A_1621, %swap3A_1622] {strides = array<i32>} : memref<32x128xf32, #tpu.memory_space<vmem>>, vector<16xf32>,
      tpu.vector_store %arg7[%swap3A_1621, %swap3A_1622], %gather3A_1617 {strides = array<i32>} : memref<32x128xf32, #tpu.memory_space<vmem>>, vector<16xf32>,
      %broadcast_in_dim3A_1624 = arith.constant 12 : i32
      %broadcast_in_dim3A_1625 = vector.broadcast %broadcast_in_dim3A_1624 : i32 to vector<16xi32>
      %gather3A_1626 = tpu.vector_load_idx %arg6[%add3A_1510, %iota3A, %broadcast_in_dim3A_1625, %and3A_1517] : memref<3x16x16x128xf32, #tpu.memory_space<vmem>>[vector<16xi32>, vector<16xi32>, vector<16xi32>, vector<16xi32>], vector<16xf32>,
      %mul3A_1627 = arith.constant 16 : i32
      %mul3A_1628 = arith.muli %scan3A_1233, %mul3A_1627 : i32
      %swap3A_1629 = arith.constant 12 : i32
      %swap3A_1630 = arith.index_cast %swap3A_1629 : i32 to index
      %swap3A_1631 = arith.index_cast %mul3A_1628 : i32 to index
      %swap3A_1632 = tpu.vector_load %arg7[%swap3A_1630, %swap3A_1631] {strides = array<i32>} : memref<32x128xf32, #tpu.memory_space<vmem>>, vector<16xf32>,
      tpu.vector_store %arg7[%swap3A_1630, %swap3A_1631], %gather3A_1626 {strides = array<i32>} : memref<32x128xf32, #tpu.memory_space<vmem>>, vector<16xf32>,
      %broadcast_in_dim3A_1633 = arith.constant 13 : i32
      %broadcast_in_dim3A_1634 = vector.broadcast %broadcast_in_dim3A_1633 : i32 to vector<16xi32>
      %gather3A_1635 = tpu.vector_load_idx %arg6[%add3A_1510, %iota3A, %broadcast_in_dim3A_1634, %and3A_1517] : memref<3x16x16x128xf32, #tpu.memory_space<vmem>>[vector<16xi32>, vector<16xi32>, vector<16xi32>, vector<16xi32>], vector<16xf32>,
      %mul3A_1636 = arith.constant 16 : i32
      %mul3A_1637 = arith.muli %scan3A_1233, %mul3A_1636 : i32
      %swap3A_1638 = arith.constant 13 : i32
      %swap3A_1639 = arith.index_cast %swap3A_1638 : i32 to index
      %swap3A_1640 = arith.index_cast %mul3A_1637 : i32 to index
      %swap3A_1641 = tpu.vector_load %arg7[%swap3A_1639, %swap3A_1640] {strides = array<i32>} : memref<32x128xf32, #tpu.memory_space<vmem>>, vector<16xf32>,
      tpu.vector_store %arg7[%swap3A_1639, %swap3A_1640], %gather3A_1635 {strides = array<i32>} : memref<32x128xf32, #tpu.memory_space<vmem>>, vector<16xf32>,
      %broadcast_in_dim3A_1642 = arith.constant 14 : i32
      %broadcast_in_dim3A_1643 = vector.broadcast %broadcast_in_dim3A_1642 : i32 to vector<16xi32>
      %gather3A_1644 = tpu.vector_load_idx %arg6[%add3A_1510, %iota3A, %broadcast_in_dim3A_1643, %and3A_1517] : memref<3x16x16x128xf32, #tpu.memory_space<vmem>>[vector<16xi32>, vector<16xi32>, vector<16xi32>, vector<16xi32>], vector<16xf32>,
      %mul3A_1645 = arith.constant 16 : i32
      %mul3A_1646 = arith.muli %scan3A_1233, %mul3A_1645 : i32
      %swap3A_1647 = arith.constant 14 : i32
      %swap3A_1648 = arith.index_cast %swap3A_1647 : i32 to index
      %swap3A_1649 = arith.index_cast %mul3A_1646 : i32 to index
      %swap3A_1650 = tpu.vector_load %arg7[%swap3A_1648, %swap3A_1649] {strides = array<i32>} : memref<32x128xf32, #tpu.memory_space<vmem>>, vector<16xf32>,
      tpu.vector_store %arg7[%swap3A_1648, %swap3A_1649], %gather3A_1644 {strides = array<i32>} : memref<32x128xf32, #tpu.memory_space<vmem>>, vector<16xf32>,
      %broadcast_in_dim3A_1651 = arith.constant 15 : i32
      %broadcast_in_dim3A_1652 = vector.broadcast %broadcast_in_dim3A_1651 : i32 to vector<16xi32>
      %gather3A_1653 = tpu.vector_load_idx %arg6[%add3A_1510, %iota3A, %broadcast_in_dim3A_1652, %and3A_1517] : memref<3x16x16x128xf32, #tpu.memory_space<vmem>>[vector<16xi32>, vector<16xi32>, vector<16xi32>, vector<16xi32>], vector<16xf32>,
      %mul3A_1654 = arith.constant 16 : i32
      %mul3A_1655 = arith.muli %scan3A_1233, %mul3A_1654 : i32
      %swap3A_1656 = arith.constant 15 : i32
      %swap3A_1657 = arith.index_cast %swap3A_1656 : i32 to index
      %swap3A_1658 = arith.index_cast %mul3A_1655 : i32 to index
      %swap3A_1659 = tpu.vector_load %arg7[%swap3A_1657, %swap3A_1658] {strides = array<i32>} : memref<32x128xf32, #tpu.memory_space<vmem>>, vector<16xf32>,
      tpu.vector_store %arg7[%swap3A_1657, %swap3A_1658], %gather3A_1653 {strides = array<i32>} : memref<32x128xf32, #tpu.memory_space<vmem>>, vector<16xf32>,
    }
    %scan3A_610 = arith.constant 8 : i32
    %get3A_611 = arith.constant 0 : index
    %get3A_612 = tpu.vector_load %arg5[%get3A_611] {strides = array<i32>} : memref<128xi32, #tpu.memory_space<vmem>>, vector<16xi32>,
    %jit3A_613 = arith.constant 128 : i32
    %div3A_614 = vector.broadcast %jit3A_613 : i32 to vector<16xi32>
    %div3A_615 = arith.divsi %get3A_612, %div3A_614 : vector<16xi32>
    %sign3A_616 = arith.constant 0 : i32
    %sign3A_617 = vector.broadcast %sign3A_616 : i32 to vector<16xi32>
    %sign3A_618 = arith.cmpi sgt, %get3A_612, %sign3A_617 : vector<16xi32>
    %sign3A_619 = arith.extui %sign3A_618 : vector<16xi1> to vector<16xi32>
    %sign3A_620 = arith.constant 0 : i32
    %sign3A_621 = vector.broadcast %sign3A_620 : i32 to vector<16xi32>
    %sign3A_622 = arith.cmpi slt, %get3A_612, %sign3A_621 : vector<16xi32>
    %sign3A_623 = arith.extui %sign3A_622 : vector<16xi1> to vector<16xi32>
    %sign3A_624 = arith.subi %sign3A_619, %sign3A_623 : vector<16xi32>
    %sign3A_625 = arith.constant 0 : i32
    %sign3A_626 = arith.cmpi sgt, %jit3A_613, %sign3A_625 : i32
    %sign3A_627 = arith.extui %sign3A_626 : i1 to i32
    %sign3A_628 = arith.constant 0 : i32
    %sign3A_629 = arith.cmpi slt, %jit3A_613, %sign3A_628 : i32
    %sign3A_630 = arith.extui %sign3A_629 : i1 to i32
    %sign3A_631 = arith.subi %sign3A_627, %sign3A_630 : i32
    %ne3A_632 = vector.broadcast %sign3A_631 : i32 to vector<16xi32>
    %ne3A_633 = arith.cmpi ne, %sign3A_624, %ne3A_632 : vector<16xi32>
    %rem3A_634 = vector.broadcast %jit3A_613 : i32 to vector<16xi32>
    %rem3A_635 = arith.remsi %get3A_612, %rem3A_634 : vector<16xi32>
    %ne3A_636 = arith.constant 0 : i32
    %ne3A_637 = vector.broadcast %ne3A_636 : i32 to vector<16xi32>
    %ne3A_638 = arith.cmpi ne, %rem3A_635, %ne3A_637 : vector<16xi32>
    %and3A_639 = arith.andi %ne3A_633, %ne3A_638 : vector<16xi1>
    %sub3A_640 = arith.constant 1 : i32
    %sub3A_641 = vector.broadcast %sub3A_640 : i32 to vector<16xi32>
    %sub3A_642 = arith.subi %div3A_615, %sub3A_641 : vector<16xi32>
    %select_n3A_643 = arith.select %and3A_639, %sub3A_642, %div3A_615 : vector<16xi1>, vector<16xi32>
    %mul3A_644 = arith.constant 128 : i32
    %mul3A_645 = vector.broadcast %mul3A_644 : i32 to vector<16xi32>
    %mul3A_646 = arith.muli %select_n3A_643, %mul3A_645 : vector<16xi32>
    %slice3A_647 = vector.extract_strided_slice %mul3A_646 {offsets = [0], sizes = [1], strides = [1]} : vector<16xi32> to vector<1xi32>
    %squeeze3A_648 = vector.extract %slice3A_647[0] : i32 from vector<1xi32>
    %multiple_of3A_649 = tpu.assume_multiple %squeeze3A_648, 128 : i32
    %dma_start3A_650 = arith.constant 0 : i32
    %dma_start3A_651 = arith.constant 0 : i32
    %dma_start3A_652 = arith.constant 0 : i32
    %dma_start3A_653 = arith.constant 0 : i32
    %dma_start3A_654 = tpu.memref_slice %arg6[%dma_start3A_650, %dma_start3A_651, %dma_start3A_652, %dma_start3A_653] : memref<3x16x16x128xf32, #tpu.memory_space<vmem>> -> memref<1x1x16x128xf32, #tpu.memory_space<vmem>>
    %dma_start3A_655 = tpu.memref_squeeze %dma_start3A_654 : memref<1x1x16x128xf32, #tpu.memory_space<vmem>> -> memref<16x128xf32, #tpu.memory_space<vmem>>
    %dma_start3A_656 = arith.constant 16 : i32
    %dma_start3A_657 = tpu.memref_slice %arg2[%dma_start3A_656, %multiple_of3A_649] : memref<32x1000000xf32, #tpu.memory_space<hbm>> -> memref<16x128xf32, #tpu.memory_space<hbm>>
    %dma_start3A_658 = arith.constant 0 : i32
    %dma_start3A_659 = arith.constant 0 : i32
    %dma_start3A_660 = tpu.memref_slice %arg6[%dma_start3A_650, %dma_start3A_651, %dma_start3A_658, %dma_start3A_659] : memref<3x16x16x128xf32, #tpu.memory_space<vmem>> -> memref<1x1x16x128xf32, #tpu.memory_space<vmem>>
    %dma_start3A_661 = tpu.memref_squeeze %dma_start3A_660 : memref<1x1x16x128xf32, #tpu.memory_space<vmem>> -> memref<16x128xf32, #tpu.memory_space<vmem>>
    %dma_start3A_662 = arith.constant 16 : i32
    %dma_start3A_663 = tpu.memref_slice %arg2[%dma_start3A_662, %multiple_of3A_649] : memref<32x1000000xf32, #tpu.memory_space<hbm>> -> memref<16x128xf32, #tpu.memory_space<hbm>>
    tpu.enqueue_dma source(%dma_start3A_663 : memref<16x128xf32, #tpu.memory_space<hbm>>) target(%dma_start3A_661 : memref<16x128xf32, #tpu.memory_space<vmem>>) target_semaphore(%arg8 : memref<!tpu.dma_semaphore, #tpu.memory_space<semaphore_mem>>)
    %slice3A_664 = vector.extract_strided_slice %mul3A_646 {offsets = [1], sizes = [1], strides = [1]} : vector<16xi32> to vector<1xi32>
    %squeeze3A_665 = vector.extract %slice3A_664[0] : i32 from vector<1xi32>
    %multiple_of3A_666 = tpu.assume_multiple %squeeze3A_665, 128 : i32
    %dma_start3A_667 = arith.constant 0 : i32
    %dma_start3A_668 = arith.constant 1 : i32
    %dma_start3A_669 = arith.constant 0 : i32
    %dma_start3A_670 = arith.constant 0 : i32
    %dma_start3A_671 = tpu.memref_slice %arg6[%dma_start3A_667, %dma_start3A_668, %dma_start3A_669, %dma_start3A_670] : memref<3x16x16x128xf32, #tpu.memory_space<vmem>> -> memref<1x1x16x128xf32, #tpu.memory_space<vmem>>
    %dma_start3A_672 = tpu.memref_squeeze %dma_start3A_671 : memref<1x1x16x128xf32, #tpu.memory_space<vmem>> -> memref<16x128xf32, #tpu.memory_space<vmem>>
    %dma_start3A_673 = arith.constant 16 : i32
    %dma_start3A_674 = tpu.memref_slice %arg2[%dma_start3A_673, %multiple_of3A_666] : memref<32x1000000xf32, #tpu.memory_space<hbm>> -> memref<16x128xf32, #tpu.memory_space<hbm>>
    %dma_start3A_675 = arith.constant 0 : i32
    %dma_start3A_676 = arith.constant 0 : i32
    %dma_start3A_677 = tpu.memref_slice %arg6[%dma_start3A_667, %dma_start3A_668, %dma_start3A_675, %dma_start3A_676] : memref<3x16x16x128xf32, #tpu.memory_space<vmem>> -> memref<1x1x16x128xf32, #tpu.memory_space<vmem>>
    %dma_start3A_678 = tpu.memref_squeeze %dma_start3A_677 : memref<1x1x16x128xf32, #tpu.memory_space<vmem>> -> memref<16x128xf32, #tpu.memory_space<vmem>>
    %dma_start3A_679 = arith.constant 16 : i32
    %dma_start3A_680 = tpu.memref_slice %arg2[%dma_start3A_679, %multiple_of3A_666] : memref<32x1000000xf32, #tpu.memory_space<hbm>> -> memref<16x128xf32, #tpu.memory_space<hbm>>
    tpu.enqueue_dma source(%dma_start3A_680 : memref<16x128xf32, #tpu.memory_space<hbm>>) target(%dma_start3A_678 : memref<16x128xf32, #tpu.memory_space<vmem>>) target_semaphore(%arg8 : memref<!tpu.dma_semaphore, #tpu.memory_space<semaphore_mem>>)
    %slice3A_681 = vector.extract_strided_slice %mul3A_646 {offsets = [2], sizes = [1], strides = [1]} : vector<16xi32> to vector<1xi32>
    %squeeze3A_682 = vector.extract %slice3A_681[0] : i32 from vector<1xi32>
    %multiple_of3A_683 = tpu.assume_multiple %squeeze3A_682, 128 : i32
    %dma_start3A_684 = arith.constant 0 : i32
    %dma_start3A_685 = arith.constant 2 : i32
    %dma_start3A_686 = arith.constant 0 : i32
    %dma_start3A_687 = arith.constant 0 : i32
    %dma_start3A_688 = tpu.memref_slice %arg6[%dma_start3A_684, %dma_start3A_685, %dma_start3A_686, %dma_start3A_687] : memref<3x16x16x128xf32, #tpu.memory_space<vmem>> -> memref<1x1x16x128xf32, #tpu.memory_space<vmem>>
    %dma_start3A_689 = tpu.memref_squeeze %dma_start3A_688 : memref<1x1x16x128xf32, #tpu.memory_space<vmem>> -> memref<16x128xf32, #tpu.memory_space<vmem>>
    %dma_start3A_690 = arith.constant 16 : i32
    %dma_start3A_691 = tpu.memref_slice %arg2[%dma_start3A_690, %multiple_of3A_683] : memref<32x1000000xf32, #tpu.memory_space<hbm>> -> memref<16x128xf32, #tpu.memory_space<hbm>>
    %dma_start3A_692 = arith.constant 0 : i32
    %dma_start3A_693 = arith.constant 0 : i32
    %dma_start3A_694 = tpu.memref_slice %arg6[%dma_start3A_684, %dma_start3A_685, %dma_start3A_692, %dma_start3A_693] : memref<3x16x16x128xf32, #tpu.memory_space<vmem>> -> memref<1x1x16x128xf32, #tpu.memory_space<vmem>>
    %dma_start3A_695 = tpu.memref_squeeze %dma_start3A_694 : memref<1x1x16x128xf32, #tpu.memory_space<vmem>> -> memref<16x128xf32, #tpu.memory_space<vmem>>
    %dma_start3A_696 = arith.constant 16 : i32
    %dma_start3A_697 = tpu.memref_slice %arg2[%dma_start3A_696, %multiple_of3A_683] : memref<32x1000000xf32, #tpu.memory_space<hbm>> -> memref<16x128xf32, #tpu.memory_space<hbm>>
    tpu.enqueue_dma source(%dma_start3A_697 : memref<16x128xf32, #tpu.memory_space<hbm>>) target(%dma_start3A_695 : memref<16x128xf32, #tpu.memory_space<vmem>>) target_semaphore(%arg8 : memref<!tpu.dma_semaphore, #tpu.memory_space<semaphore_mem>>)
    %slice3A_698 = vector.extract_strided_slice %mul3A_646 {offsets = [3], sizes = [1], strides = [1]} : vector<16xi32> to vector<1xi32>
    %squeeze3A_699 = vector.extract %slice3A_698[0] : i32 from vector<1xi32>
    %multiple_of3A_700 = tpu.assume_multiple %squeeze3A_699, 128 : i32
    %dma_start3A_701 = arith.constant 0 : i32
    %dma_start3A_702 = arith.constant 3 : i32
    %dma_start3A_703 = arith.constant 0 : i32
    %dma_start3A_704 = arith.constant 0 : i32
    %dma_start3A_705 = tpu.memref_slice %arg6[%dma_start3A_701, %dma_start3A_702, %dma_start3A_703, %dma_start3A_704] : memref<3x16x16x128xf32, #tpu.memory_space<vmem>> -> memref<1x1x16x128xf32, #tpu.memory_space<vmem>>
    %dma_start3A_706 = tpu.memref_squeeze %dma_start3A_705 : memref<1x1x16x128xf32, #tpu.memory_space<vmem>> -> memref<16x128xf32, #tpu.memory_space<vmem>>
    %dma_start3A_707 = arith.constant 16 : i32
    %dma_start3A_708 = tpu.memref_slice %arg2[%dma_start3A_707, %multiple_of3A_700] : memref<32x1000000xf32, #tpu.memory_space<hbm>> -> memref<16x128xf32, #tpu.memory_space<hbm>>
    %dma_start3A_709 = arith.constant 0 : i32
    %dma_start3A_710 = arith.constant 0 : i32
    %dma_start3A_711 = tpu.memref_slice %arg6[%dma_start3A_701, %dma_start3A_702, %dma_start3A_709, %dma_start3A_710] : memref<3x16x16x128xf32, #tpu.memory_space<vmem>> -> memref<1x1x16x128xf32, #tpu.memory_space<vmem>>
    %dma_start3A_712 = tpu.memref_squeeze %dma_start3A_711 : memref<1x1x16x128xf32, #tpu.memory_space<vmem>> -> memref<16x128xf32, #tpu.memory_space<vmem>>
    %dma_start3A_713 = arith.constant 16 : i32
    %dma_start3A_714 = tpu.memref_slice %arg2[%dma_start3A_713, %multiple_of3A_700] : memref<32x1000000xf32, #tpu.memory_space<hbm>> -> memref<16x128xf32, #tpu.memory_space<hbm>>
    tpu.enqueue_dma source(%dma_start3A_714 : memref<16x128xf32, #tpu.memory_space<hbm>>) target(%dma_start3A_712 : memref<16x128xf32, #tpu.memory_space<vmem>>) target_semaphore(%arg8 : memref<!tpu.dma_semaphore, #tpu.memory_space<semaphore_mem>>)
    %slice3A_715 = vector.extract_strided_slice %mul3A_646 {offsets = [4], sizes = [1], strides = [1]} : vector<16xi32> to vector<1xi32>
    %squeeze3A_716 = vector.extract %slice3A_715[0] : i32 from vector<1xi32>
    %multiple_of3A_717 = tpu.assume_multiple %squeeze3A_716, 128 : i32
    %dma_start3A_718 = arith.constant 0 : i32
    %dma_start3A_719 = arith.constant 4 : i32
    %dma_start3A_720 = arith.constant 0 : i32
    %dma_start3A_721 = arith.constant 0 : i32
    %dma_start3A_722 = tpu.memref_slice %arg6[%dma_start3A_718, %dma_start3A_719, %dma_start3A_720, %dma_start3A_721] : memref<3x16x16x128xf32, #tpu.memory_space<vmem>> -> memref<1x1x16x128xf32, #tpu.memory_space<vmem>>
    %dma_start3A_723 = tpu.memref_squeeze %dma_start3A_722 : memref<1x1x16x128xf32, #tpu.memory_space<vmem>> -> memref<16x128xf32, #tpu.memory_space<vmem>>
    %dma_start3A_724 = arith.constant 16 : i32
    %dma_start3A_725 = tpu.memref_slice %arg2[%dma_start3A_724, %multiple_of3A_717] : memref<32x1000000xf32, #tpu.memory_space<hbm>> -> memref<16x128xf32, #tpu.memory_space<hbm>>
    %dma_start3A_726 = arith.constant 0 : i32
    %dma_start3A_727 = arith.constant 0 : i32
    %dma_start3A_728 = tpu.memref_slice %arg6[%dma_start3A_718, %dma_start3A_719, %dma_start3A_726, %dma_start3A_727] : memref<3x16x16x128xf32, #tpu.memory_space<vmem>> -> memref<1x1x16x128xf32, #tpu.memory_space<vmem>>
    %dma_start3A_729 = tpu.memref_squeeze %dma_start3A_728 : memref<1x1x16x128xf32, #tpu.memory_space<vmem>> -> memref<16x128xf32, #tpu.memory_space<vmem>>
    %dma_start3A_730 = arith.constant 16 : i32
    %dma_start3A_731 = tpu.memref_slice %arg2[%dma_start3A_730, %multiple_of3A_717] : memref<32x1000000xf32, #tpu.memory_space<hbm>> -> memref<16x128xf32, #tpu.memory_space<hbm>>
    tpu.enqueue_dma source(%dma_start3A_731 : memref<16x128xf32, #tpu.memory_space<hbm>>) target(%dma_start3A_729 : memref<16x128xf32, #tpu.memory_space<vmem>>) target_semaphore(%arg8 : memref<!tpu.dma_semaphore, #tpu.memory_space<semaphore_mem>>)
    %slice3A_732 = vector.extract_strided_slice %mul3A_646 {offsets = [5], sizes = [1], strides = [1]} : vector<16xi32> to vector<1xi32>
    %squeeze3A_733 = vector.extract %slice3A_732[0] : i32 from vector<1xi32>
    %multiple_of3A_734 = tpu.assume_multiple %squeeze3A_733, 128 : i32
    %dma_start3A_735 = arith.constant 0 : i32
    %dma_start3A_736 = arith.constant 5 : i32
    %dma_start3A_737 = arith.constant 0 : i32
    %dma_start3A_738 = arith.constant 0 : i32
    %dma_start3A_739 = tpu.memref_slice %arg6[%dma_start3A_735, %dma_start3A_736, %dma_start3A_737, %dma_start3A_738] : memref<3x16x16x128xf32, #tpu.memory_space<vmem>> -> memref<1x1x16x128xf32, #tpu.memory_space<vmem>>
    %dma_start3A_740 = tpu.memref_squeeze %dma_start3A_739 : memref<1x1x16x128xf32, #tpu.memory_space<vmem>> -> memref<16x128xf32, #tpu.memory_space<vmem>>
    %dma_start3A_741 = arith.constant 16 : i32
    %dma_start3A_742 = tpu.memref_slice %arg2[%dma_start3A_741, %multiple_of3A_734] : memref<32x1000000xf32, #tpu.memory_space<hbm>> -> memref<16x128xf32, #tpu.memory_space<hbm>>
    %dma_start3A_743 = arith.constant 0 : i32
    %dma_start3A_744 = arith.constant 0 : i32
    %dma_start3A_745 = tpu.memref_slice %arg6[%dma_start3A_735, %dma_start3A_736, %dma_start3A_743, %dma_start3A_744] : memref<3x16x16x128xf32, #tpu.memory_space<vmem>> -> memref<1x1x16x128xf32, #tpu.memory_space<vmem>>
    %dma_start3A_746 = tpu.memref_squeeze %dma_start3A_745 : memref<1x1x16x128xf32, #tpu.memory_space<vmem>> -> memref<16x128xf32, #tpu.memory_space<vmem>>
    %dma_start3A_747 = arith.constant 16 : i32
    %dma_start3A_748 = tpu.memref_slice %arg2[%dma_start3A_747, %multiple_of3A_734] : memref<32x1000000xf32, #tpu.memory_space<hbm>> -> memref<16x128xf32, #tpu.memory_space<hbm>>
    tpu.enqueue_dma source(%dma_start3A_748 : memref<16x128xf32, #tpu.memory_space<hbm>>) target(%dma_start3A_746 : memref<16x128xf32, #tpu.memory_space<vmem>>) target_semaphore(%arg8 : memref<!tpu.dma_semaphore, #tpu.memory_space<semaphore_mem>>)
    %slice3A_749 = vector.extract_strided_slice %mul3A_646 {offsets = [6], sizes = [1], strides = [1]} : vector<16xi32> to vector<1xi32>
    %squeeze3A_750 = vector.extract %slice3A_749[0] : i32 from vector<1xi32>
    %multiple_of3A_751 = tpu.assume_multiple %squeeze3A_750, 128 : i32
    %dma_start3A_752 = arith.constant 0 : i32
    %dma_start3A_753 = arith.constant 6 : i32
    %dma_start3A_754 = arith.constant 0 : i32
    %dma_start3A_755 = arith.constant 0 : i32
    %dma_start3A_756 = tpu.memref_slice %arg6[%dma_start3A_752, %dma_start3A_753, %dma_start3A_754, %dma_start3A_755] : memref<3x16x16x128xf32, #tpu.memory_space<vmem>> -> memref<1x1x16x128xf32, #tpu.memory_space<vmem>>
    %dma_start3A_757 = tpu.memref_squeeze %dma_start3A_756 : memref<1x1x16x128xf32, #tpu.memory_space<vmem>> -> memref<16x128xf32, #tpu.memory_space<vmem>>
    %dma_start3A_758 = arith.constant 16 : i32
    %dma_start3A_759 = tpu.memref_slice %arg2[%dma_start3A_758, %multiple_of3A_751] : memref<32x1000000xf32, #tpu.memory_space<hbm>> -> memref<16x128xf32, #tpu.memory_space<hbm>>
    %dma_start3A_760 = arith.constant 0 : i32
    %dma_start3A_761 = arith.constant 0 : i32
    %dma_start3A_762 = tpu.memref_slice %arg6[%dma_start3A_752, %dma_start3A_753, %dma_start3A_760, %dma_start3A_761] : memref<3x16x16x128xf32, #tpu.memory_space<vmem>> -> memref<1x1x16x128xf32, #tpu.memory_space<vmem>>
    %dma_start3A_763 = tpu.memref_squeeze %dma_start3A_762 : memref<1x1x16x128xf32, #tpu.memory_space<vmem>> -> memref<16x128xf32, #tpu.memory_space<vmem>>
    %dma_start3A_764 = arith.constant 16 : i32
    %dma_start3A_765 = tpu.memref_slice %arg2[%dma_start3A_764, %multiple_of3A_751] : memref<32x1000000xf32, #tpu.memory_space<hbm>> -> memref<16x128xf32, #tpu.memory_space<hbm>>
    tpu.enqueue_dma source(%dma_start3A_765 : memref<16x128xf32, #tpu.memory_space<hbm>>) target(%dma_start3A_763 : memref<16x128xf32, #tpu.memory_space<vmem>>) target_semaphore(%arg8 : memref<!tpu.dma_semaphore, #tpu.memory_space<semaphore_mem>>)
    %slice3A_766 = vector.extract_strided_slice %mul3A_646 {offsets = [7], sizes = [1], strides = [1]} : vector<16xi32> to vector<1xi32>
    %squeeze3A_767 = vector.extract %slice3A_766[0] : i32 from vector<1xi32>
    %multiple_of3A_768 = tpu.assume_multiple %squeeze3A_767, 128 : i32
    %dma_start3A_769 = arith.constant 0 : i32
    %dma_start3A_770 = arith.constant 7 : i32
    %dma_start3A_771 = arith.constant 0 : i32
    %dma_start3A_772 = arith.constant 0 : i32
    %dma_start3A_773 = tpu.memref_slice %arg6[%dma_start3A_769, %dma_start3A_770, %dma_start3A_771, %dma_start3A_772] : memref<3x16x16x128xf32, #tpu.memory_space<vmem>> -> memref<1x1x16x128xf32, #tpu.memory_space<vmem>>
    %dma_start3A_774 = tpu.memref_squeeze %dma_start3A_773 : memref<1x1x16x128xf32, #tpu.memory_space<vmem>> -> memref<16x128xf32, #tpu.memory_space<vmem>>
    %dma_start3A_775 = arith.constant 16 : i32
    %dma_start3A_776 = tpu.memref_slice %arg2[%dma_start3A_775, %multiple_of3A_768] : memref<32x1000000xf32, #tpu.memory_space<hbm>> -> memref<16x128xf32, #tpu.memory_space<hbm>>
    %dma_start3A_777 = arith.constant 0 : i32
    %dma_start3A_778 = arith.constant 0 : i32
    %dma_start3A_779 = tpu.memref_slice %arg6[%dma_start3A_769, %dma_start3A_770, %dma_start3A_777, %dma_start3A_778] : memref<3x16x16x128xf32, #tpu.memory_space<vmem>> -> memref<1x1x16x128xf32, #tpu.memory_space<vmem>>
    %dma_start3A_780 = tpu.memref_squeeze %dma_start3A_779 : memref<1x1x16x128xf32, #tpu.memory_space<vmem>> -> memref<16x128xf32, #tpu.memory_space<vmem>>
    %dma_start3A_781 = arith.constant 16 : i32
    %dma_start3A_782 = tpu.memref_slice %arg2[%dma_start3A_781, %multiple_of3A_768] : memref<32x1000000xf32, #tpu.memory_space<hbm>> -> memref<16x128xf32, #tpu.memory_space<hbm>>
    tpu.enqueue_dma source(%dma_start3A_782 : memref<16x128xf32, #tpu.memory_space<hbm>>) target(%dma_start3A_780 : memref<16x128xf32, #tpu.memory_space<vmem>>) target_semaphore(%arg8 : memref<!tpu.dma_semaphore, #tpu.memory_space<semaphore_mem>>)
    %slice3A_783 = vector.extract_strided_slice %mul3A_646 {offsets = [8], sizes = [1], strides = [1]} : vector<16xi32> to vector<1xi32>
    %squeeze3A_784 = vector.extract %slice3A_783[0] : i32 from vector<1xi32>
    %multiple_of3A_785 = tpu.assume_multiple %squeeze3A_784, 128 : i32
    %dma_start3A_786 = arith.constant 0 : i32
    %dma_start3A_787 = arith.constant 8 : i32
    %dma_start3A_788 = arith.constant 0 : i32
    %dma_start3A_789 = arith.constant 0 : i32
    %dma_start3A_790 = tpu.memref_slice %arg6[%dma_start3A_786, %dma_start3A_787, %dma_start3A_788, %dma_start3A_789] : memref<3x16x16x128xf32, #tpu.memory_space<vmem>> -> memref<1x1x16x128xf32, #tpu.memory_space<vmem>>
    %dma_start3A_791 = tpu.memref_squeeze %dma_start3A_790 : memref<1x1x16x128xf32, #tpu.memory_space<vmem>> -> memref<16x128xf32, #tpu.memory_space<vmem>>
    %dma_start3A_792 = arith.constant 16 : i32
    %dma_start3A_793 = tpu.memref_slice %arg2[%dma_start3A_792, %multiple_of3A_785] : memref<32x1000000xf32, #tpu.memory_space<hbm>> -> memref<16x128xf32, #tpu.memory_space<hbm>>
    %dma_start3A_794 = arith.constant 0 : i32
    %dma_start3A_795 = arith.constant 0 : i32
    %dma_start3A_796 = tpu.memref_slice %arg6[%dma_start3A_786, %dma_start3A_787, %dma_start3A_794, %dma_start3A_795] : memref<3x16x16x128xf32, #tpu.memory_space<vmem>> -> memref<1x1x16x128xf32, #tpu.memory_space<vmem>>
    %dma_start3A_797 = tpu.memref_squeeze %dma_start3A_796 : memref<1x1x16x128xf32, #tpu.memory_space<vmem>> -> memref<16x128xf32, #tpu.memory_space<vmem>>
    %dma_start3A_798 = arith.constant 16 : i32
    %dma_start3A_799 = tpu.memref_slice %arg2[%dma_start3A_798, %multiple_of3A_785] : memref<32x1000000xf32, #tpu.memory_space<hbm>> -> memref<16x128xf32, #tpu.memory_space<hbm>>
    tpu.enqueue_dma source(%dma_start3A_799 : memref<16x128xf32, #tpu.memory_space<hbm>>) target(%dma_start3A_797 : memref<16x128xf32, #tpu.memory_space<vmem>>) target_semaphore(%arg8 : memref<!tpu.dma_semaphore, #tpu.memory_space<semaphore_mem>>)
    %slice3A_800 = vector.extract_strided_slice %mul3A_646 {offsets = [9], sizes = [1], strides = [1]} : vector<16xi32> to vector<1xi32>
    %squeeze3A_801 = vector.extract %slice3A_800[0] : i32 from vector<1xi32>
    %multiple_of3A_802 = tpu.assume_multiple %squeeze3A_801, 128 : i32
    %dma_start3A_803 = arith.constant 0 : i32
    %dma_start3A_804 = arith.constant 9 : i32
    %dma_start3A_805 = arith.constant 0 : i32
    %dma_start3A_806 = arith.constant 0 : i32
    %dma_start3A_807 = tpu.memref_slice %arg6[%dma_start3A_803, %dma_start3A_804, %dma_start3A_805, %dma_start3A_806] : memref<3x16x16x128xf32, #tpu.memory_space<vmem>> -> memref<1x1x16x128xf32, #tpu.memory_space<vmem>>
    %dma_start3A_808 = tpu.memref_squeeze %dma_start3A_807 : memref<1x1x16x128xf32, #tpu.memory_space<vmem>> -> memref<16x128xf32, #tpu.memory_space<vmem>>
    %dma_start3A_809 = arith.constant 16 : i32
    %dma_start3A_810 = tpu.memref_slice %arg2[%dma_start3A_809, %multiple_of3A_802] : memref<32x1000000xf32, #tpu.memory_space<hbm>> -> memref<16x128xf32, #tpu.memory_space<hbm>>
    %dma_start3A_811 = arith.constant 0 : i32
    %dma_start3A_812 = arith.constant 0 : i32
    %dma_start3A_813 = tpu.memref_slice %arg6[%dma_start3A_803, %dma_start3A_804, %dma_start3A_811, %dma_start3A_812] : memref<3x16x16x128xf32, #tpu.memory_space<vmem>> -> memref<1x1x16x128xf32, #tpu.memory_space<vmem>>
    %dma_start3A_814 = tpu.memref_squeeze %dma_start3A_813 : memref<1x1x16x128xf32, #tpu.memory_space<vmem>> -> memref<16x128xf32, #tpu.memory_space<vmem>>
    %dma_start3A_815 = arith.constant 16 : i32
    %dma_start3A_816 = tpu.memref_slice %arg2[%dma_start3A_815, %multiple_of3A_802] : memref<32x1000000xf32, #tpu.memory_space<hbm>> -> memref<16x128xf32, #tpu.memory_space<hbm>>
    tpu.enqueue_dma source(%dma_start3A_816 : memref<16x128xf32, #tpu.memory_space<hbm>>) target(%dma_start3A_814 : memref<16x128xf32, #tpu.memory_space<vmem>>) target_semaphore(%arg8 : memref<!tpu.dma_semaphore, #tpu.memory_space<semaphore_mem>>)
    %slice3A_817 = vector.extract_strided_slice %mul3A_646 {offsets = [10], sizes = [1], strides = [1]} : vector<16xi32> to vector<1xi32>
    %squeeze3A_818 = vector.extract %slice3A_817[0] : i32 from vector<1xi32>
    %multiple_of3A_819 = tpu.assume_multiple %squeeze3A_818, 128 : i32
    %dma_start3A_820 = arith.constant 0 : i32
    %dma_start3A_821 = arith.constant 10 : i32
    %dma_start3A_822 = arith.constant 0 : i32
    %dma_start3A_823 = arith.constant 0 : i32
    %dma_start3A_824 = tpu.memref_slice %arg6[%dma_start3A_820, %dma_start3A_821, %dma_start3A_822, %dma_start3A_823] : memref<3x16x16x128xf32, #tpu.memory_space<vmem>> -> memref<1x1x16x128xf32, #tpu.memory_space<vmem>>
    %dma_start3A_825 = tpu.memref_squeeze %dma_start3A_824 : memref<1x1x16x128xf32, #tpu.memory_space<vmem>> -> memref<16x128xf32, #tpu.memory_space<vmem>>
    %dma_start3A_826 = arith.constant 16 : i32
    %dma_start3A_827 = tpu.memref_slice %arg2[%dma_start3A_826, %multiple_of3A_819] : memref<32x1000000xf32, #tpu.memory_space<hbm>> -> memref<16x128xf32, #tpu.memory_space<hbm>>
    %dma_start3A_828 = arith.constant 0 : i32
    %dma_start3A_829 = arith.constant 0 : i32
    %dma_start3A_830 = tpu.memref_slice %arg6[%dma_start3A_820, %dma_start3A_821, %dma_start3A_828, %dma_start3A_829] : memref<3x16x16x128xf32, #tpu.memory_space<vmem>> -> memref<1x1x16x128xf32, #tpu.memory_space<vmem>>
    %dma_start3A_831 = tpu.memref_squeeze %dma_start3A_830 : memref<1x1x16x128xf32, #tpu.memory_space<vmem>> -> memref<16x128xf32, #tpu.memory_space<vmem>>
    %dma_start3A_832 = arith.constant 16 : i32
    %dma_start3A_833 = tpu.memref_slice %arg2[%dma_start3A_832, %multiple_of3A_819] : memref<32x1000000xf32, #tpu.memory_space<hbm>> -> memref<16x128xf32, #tpu.memory_space<hbm>>
    tpu.enqueue_dma source(%dma_start3A_833 : memref<16x128xf32, #tpu.memory_space<hbm>>) target(%dma_start3A_831 : memref<16x128xf32, #tpu.memory_space<vmem>>) target_semaphore(%arg8 : memref<!tpu.dma_semaphore, #tpu.memory_space<semaphore_mem>>)
    %slice3A_834 = vector.extract_strided_slice %mul3A_646 {offsets = [11], sizes = [1], strides = [1]} : vector<16xi32> to vector<1xi32>
    %squeeze3A_835 = vector.extract %slice3A_834[0] : i32 from vector<1xi32>
    %multiple_of3A_836 = tpu.assume_multiple %squeeze3A_835, 128 : i32
    %dma_start3A_837 = arith.constant 0 : i32
    %dma_start3A_838 = arith.constant 11 : i32
    %dma_start3A_839 = arith.constant 0 : i32
    %dma_start3A_840 = arith.constant 0 : i32
    %dma_start3A_841 = tpu.memref_slice %arg6[%dma_start3A_837, %dma_start3A_838, %dma_start3A_839, %dma_start3A_840] : memref<3x16x16x128xf32, #tpu.memory_space<vmem>> -> memref<1x1x16x128xf32, #tpu.memory_space<vmem>>
    %dma_start3A_842 = tpu.memref_squeeze %dma_start3A_841 : memref<1x1x16x128xf32, #tpu.memory_space<vmem>> -> memref<16x128xf32, #tpu.memory_space<vmem>>
    %dma_start3A_843 = arith.constant 16 : i32
    %dma_start3A_844 = tpu.memref_slice %arg2[%dma_start3A_843, %multiple_of3A_836] : memref<32x1000000xf32, #tpu.memory_space<hbm>> -> memref<16x128xf32, #tpu.memory_space<hbm>>
    %dma_start3A_845 = arith.constant 0 : i32
    %dma_start3A_846 = arith.constant 0 : i32
    %dma_start3A_847 = tpu.memref_slice %arg6[%dma_start3A_837, %dma_start3A_838, %dma_start3A_845, %dma_start3A_846] : memref<3x16x16x128xf32, #tpu.memory_space<vmem>> -> memref<1x1x16x128xf32, #tpu.memory_space<vmem>>
    %dma_start3A_848 = tpu.memref_squeeze %dma_start3A_847 : memref<1x1x16x128xf32, #tpu.memory_space<vmem>> -> memref<16x128xf32, #tpu.memory_space<vmem>>
    %dma_start3A_849 = arith.constant 16 : i32
    %dma_start3A_850 = tpu.memref_slice %arg2[%dma_start3A_849, %multiple_of3A_836] : memref<32x1000000xf32, #tpu.memory_space<hbm>> -> memref<16x128xf32, #tpu.memory_space<hbm>>
    tpu.enqueue_dma source(%dma_start3A_850 : memref<16x128xf32, #tpu.memory_space<hbm>>) target(%dma_start3A_848 : memref<16x128xf32, #tpu.memory_space<vmem>>) target_semaphore(%arg8 : memref<!tpu.dma_semaphore, #tpu.memory_space<semaphore_mem>>)
    %slice3A_851 = vector.extract_strided_slice %mul3A_646 {offsets = [12], sizes = [1], strides = [1]} : vector<16xi32> to vector<1xi32>
    %squeeze3A_852 = vector.extract %slice3A_851[0] : i32 from vector<1xi32>
    %multiple_of3A_853 = tpu.assume_multiple %squeeze3A_852, 128 : i32
    %dma_start3A_854 = arith.constant 0 : i32
    %dma_start3A_855 = arith.constant 12 : i32
    %dma_start3A_856 = arith.constant 0 : i32
    %dma_start3A_857 = arith.constant 0 : i32
    %dma_start3A_858 = tpu.memref_slice %arg6[%dma_start3A_854, %dma_start3A_855, %dma_start3A_856, %dma_start3A_857] : memref<3x16x16x128xf32, #tpu.memory_space<vmem>> -> memref<1x1x16x128xf32, #tpu.memory_space<vmem>>
    %dma_start3A_859 = tpu.memref_squeeze %dma_start3A_858 : memref<1x1x16x128xf32, #tpu.memory_space<vmem>> -> memref<16x128xf32, #tpu.memory_space<vmem>>
    %dma_start3A_860 = arith.constant 16 : i32
    %dma_start3A_861 = tpu.memref_slice %arg2[%dma_start3A_860, %multiple_of3A_853] : memref<32x1000000xf32, #tpu.memory_space<hbm>> -> memref<16x128xf32, #tpu.memory_space<hbm>>
    %dma_start3A_862 = arith.constant 0 : i32
    %dma_start3A_863 = arith.constant 0 : i32
    %dma_start3A_864 = tpu.memref_slice %arg6[%dma_start3A_854, %dma_start3A_855, %dma_start3A_862, %dma_start3A_863] : memref<3x16x16x128xf32, #tpu.memory_space<vmem>> -> memref<1x1x16x128xf32, #tpu.memory_space<vmem>>
    %dma_start3A_865 = tpu.memref_squeeze %dma_start3A_864 : memref<1x1x16x128xf32, #tpu.memory_space<vmem>> -> memref<16x128xf32, #tpu.memory_space<vmem>>
    %dma_start3A_866 = arith.constant 16 : i32
    %dma_start3A_867 = tpu.memref_slice %arg2[%dma_start3A_866, %multiple_of3A_853] : memref<32x1000000xf32, #tpu.memory_space<hbm>> -> memref<16x128xf32, #tpu.memory_space<hbm>>
    tpu.enqueue_dma source(%dma_start3A_867 : memref<16x128xf32, #tpu.memory_space<hbm>>) target(%dma_start3A_865 : memref<16x128xf32, #tpu.memory_space<vmem>>) target_semaphore(%arg8 : memref<!tpu.dma_semaphore, #tpu.memory_space<semaphore_mem>>)
    %slice3A_868 = vector.extract_strided_slice %mul3A_646 {offsets = [13], sizes = [1], strides = [1]} : vector<16xi32> to vector<1xi32>
    %squeeze3A_869 = vector.extract %slice3A_868[0] : i32 from vector<1xi32>
    %multiple_of3A_870 = tpu.assume_multiple %squeeze3A_869, 128 : i32
    %dma_start3A_871 = arith.constant 0 : i32
    %dma_start3A_872 = arith.constant 13 : i32
    %dma_start3A_873 = arith.constant 0 : i32
    %dma_start3A_874 = arith.constant 0 : i32
    %dma_start3A_875 = tpu.memref_slice %arg6[%dma_start3A_871, %dma_start3A_872, %dma_start3A_873, %dma_start3A_874] : memref<3x16x16x128xf32, #tpu.memory_space<vmem>> -> memref<1x1x16x128xf32, #tpu.memory_space<vmem>>
    %dma_start3A_876 = tpu.memref_squeeze %dma_start3A_875 : memref<1x1x16x128xf32, #tpu.memory_space<vmem>> -> memref<16x128xf32, #tpu.memory_space<vmem>>
    %dma_start3A_877 = arith.constant 16 : i32
    %dma_start3A_878 = tpu.memref_slice %arg2[%dma_start3A_877, %multiple_of3A_870] : memref<32x1000000xf32, #tpu.memory_space<hbm>> -> memref<16x128xf32, #tpu.memory_space<hbm>>
    %dma_start3A_879 = arith.constant 0 : i32
    %dma_start3A_880 = arith.constant 0 : i32
    %dma_start3A_881 = tpu.memref_slice %arg6[%dma_start3A_871, %dma_start3A_872, %dma_start3A_879, %dma_start3A_880] : memref<3x16x16x128xf32, #tpu.memory_space<vmem>> -> memref<1x1x16x128xf32, #tpu.memory_space<vmem>>
    %dma_start3A_882 = tpu.memref_squeeze %dma_start3A_881 : memref<1x1x16x128xf32, #tpu.memory_space<vmem>> -> memref<16x128xf32, #tpu.memory_space<vmem>>
    %dma_start3A_883 = arith.constant 16 : i32
    %dma_start3A_884 = tpu.memref_slice %arg2[%dma_start3A_883, %multiple_of3A_870] : memref<32x1000000xf32, #tpu.memory_space<hbm>> -> memref<16x128xf32, #tpu.memory_space<hbm>>
    tpu.enqueue_dma source(%dma_start3A_884 : memref<16x128xf32, #tpu.memory_space<hbm>>) target(%dma_start3A_882 : memref<16x128xf32, #tpu.memory_space<vmem>>) target_semaphore(%arg8 : memref<!tpu.dma_semaphore, #tpu.memory_space<semaphore_mem>>)
    %slice3A_885 = vector.extract_strided_slice %mul3A_646 {offsets = [14], sizes = [1], strides = [1]} : vector<16xi32> to vector<1xi32>
    %squeeze3A_886 = vector.extract %slice3A_885[0] : i32 from vector<1xi32>
    %multiple_of3A_887 = tpu.assume_multiple %squeeze3A_886, 128 : i32
    %dma_start3A_888 = arith.constant 0 : i32
    %dma_start3A_889 = arith.constant 14 : i32
    %dma_start3A_890 = arith.constant 0 : i32
    %dma_start3A_891 = arith.constant 0 : i32
    %dma_start3A_892 = tpu.memref_slice %arg6[%dma_start3A_888, %dma_start3A_889, %dma_start3A_890, %dma_start3A_891] : memref<3x16x16x128xf32, #tpu.memory_space<vmem>> -> memref<1x1x16x128xf32, #tpu.memory_space<vmem>>
    %dma_start3A_893 = tpu.memref_squeeze %dma_start3A_892 : memref<1x1x16x128xf32, #tpu.memory_space<vmem>> -> memref<16x128xf32, #tpu.memory_space<vmem>>
    %dma_start3A_894 = arith.constant 16 : i32
    %dma_start3A_895 = tpu.memref_slice %arg2[%dma_start3A_894, %multiple_of3A_887] : memref<32x1000000xf32, #tpu.memory_space<hbm>> -> memref<16x128xf32, #tpu.memory_space<hbm>>
    %dma_start3A_896 = arith.constant 0 : i32
    %dma_start3A_897 = arith.constant 0 : i32
    %dma_start3A_898 = tpu.memref_slice %arg6[%dma_start3A_888, %dma_start3A_889, %dma_start3A_896, %dma_start3A_897] : memref<3x16x16x128xf32, #tpu.memory_space<vmem>> -> memref<1x1x16x128xf32, #tpu.memory_space<vmem>>
    %dma_start3A_899 = tpu.memref_squeeze %dma_start3A_898 : memref<1x1x16x128xf32, #tpu.memory_space<vmem>> -> memref<16x128xf32, #tpu.memory_space<vmem>>
    %dma_start3A_900 = arith.constant 16 : i32
    %dma_start3A_901 = tpu.memref_slice %arg2[%dma_start3A_900, %multiple_of3A_887] : memref<32x1000000xf32, #tpu.memory_space<hbm>> -> memref<16x128xf32, #tpu.memory_space<hbm>>
    tpu.enqueue_dma source(%dma_start3A_901 : memref<16x128xf32, #tpu.memory_space<hbm>>) target(%dma_start3A_899 : memref<16x128xf32, #tpu.memory_space<vmem>>) target_semaphore(%arg8 : memref<!tpu.dma_semaphore, #tpu.memory_space<semaphore_mem>>)
    %slice3A_902 = vector.extract_strided_slice %mul3A_646 {offsets = [15], sizes = [1], strides = [1]} : vector<16xi32> to vector<1xi32>
    %squeeze3A_903 = vector.extract %slice3A_902[0] : i32 from vector<1xi32>
    %multiple_of3A_904 = tpu.assume_multiple %squeeze3A_903, 128 : i32
    %dma_start3A_905 = arith.constant 0 : i32
    %dma_start3A_906 = arith.constant 15 : i32
    %dma_start3A_907 = arith.constant 0 : i32
    %dma_start3A_908 = arith.constant 0 : i32
    %dma_start3A_909 = tpu.memref_slice %arg6[%dma_start3A_905, %dma_start3A_906, %dma_start3A_907, %dma_start3A_908] : memref<3x16x16x128xf32, #tpu.memory_space<vmem>> -> memref<1x1x16x128xf32, #tpu.memory_space<vmem>>
    %dma_start3A_910 = tpu.memref_squeeze %dma_start3A_909 : memref<1x1x16x128xf32, #tpu.memory_space<vmem>> -> memref<16x128xf32, #tpu.memory_space<vmem>>
    %dma_start3A_911 = arith.constant 16 : i32
    %dma_start3A_912 = tpu.memref_slice %arg2[%dma_start3A_911, %multiple_of3A_904] : memref<32x1000000xf32, #tpu.memory_space<hbm>> -> memref<16x128xf32, #tpu.memory_space<hbm>>
    %dma_start3A_913 = arith.constant 0 : i32
    %dma_start3A_914 = arith.constant 0 : i32
    %dma_start3A_915 = tpu.memref_slice %arg6[%dma_start3A_905, %dma_start3A_906, %dma_start3A_913, %dma_start3A_914] : memref<3x16x16x128xf32, #tpu.memory_space<vmem>> -> memref<1x1x16x128xf32, #tpu.memory_space<vmem>>
    %dma_start3A_916 = tpu.memref_squeeze %dma_start3A_915 : memref<1x1x16x128xf32, #tpu.memory_space<vmem>> -> memref<16x128xf32, #tpu.memory_space<vmem>>
    %dma_start3A_917 = arith.constant 16 : i32
    %dma_start3A_918 = tpu.memref_slice %arg2[%dma_start3A_917, %multiple_of3A_904] : memref<32x1000000xf32, #tpu.memory_space<hbm>> -> memref<16x128xf32, #tpu.memory_space<hbm>>
    tpu.enqueue_dma source(%dma_start3A_918 : memref<16x128xf32, #tpu.memory_space<hbm>>) target(%dma_start3A_916 : memref<16x128xf32, #tpu.memory_space<vmem>>) target_semaphore(%arg8 : memref<!tpu.dma_semaphore, #tpu.memory_space<semaphore_mem>>)
    %get3A_919 = arith.constant 16 : index
    %get3A_920 = tpu.vector_load %arg5[%get3A_919] {strides = array<i32>} : memref<128xi32, #tpu.memory_space<vmem>>, vector<16xi32>,
    %jit3A_921 = arith.constant 128 : i32
    %div3A_922 = vector.broadcast %jit3A_921 : i32 to vector<16xi32>
    %div3A_923 = arith.divsi %get3A_920, %div3A_922 : vector<16xi32>
    %sign3A_924 = arith.constant 0 : i32
    %sign3A_925 = vector.broadcast %sign3A_924 : i32 to vector<16xi32>
    %sign3A_926 = arith.cmpi sgt, %get3A_920, %sign3A_925 : vector<16xi32>
    %sign3A_927 = arith.extui %sign3A_926 : vector<16xi1> to vector<16xi32>
    %sign3A_928 = arith.constant 0 : i32
    %sign3A_929 = vector.broadcast %sign3A_928 : i32 to vector<16xi32>
    %sign3A_930 = arith.cmpi slt, %get3A_920, %sign3A_929 : vector<16xi32>
    %sign3A_931 = arith.extui %sign3A_930 : vector<16xi1> to vector<16xi32>
    %sign3A_932 = arith.subi %sign3A_927, %sign3A_931 : vector<16xi32>
    %sign3A_933 = arith.constant 0 : i32
    %sign3A_934 = arith.cmpi sgt, %jit3A_921, %sign3A_933 : i32
    %sign3A_935 = arith.extui %sign3A_934 : i1 to i32
    %sign3A_936 = arith.constant 0 : i32
    %sign3A_937 = arith.cmpi slt, %jit3A_921, %sign3A_936 : i32
    %sign3A_938 = arith.extui %sign3A_937 : i1 to i32
    %sign3A_939 = arith.subi %sign3A_935, %sign3A_938 : i32
    %ne3A_940 = vector.broadcast %sign3A_939 : i32 to vector<16xi32>
    %ne3A_941 = arith.cmpi ne, %sign3A_932, %ne3A_940 : vector<16xi32>
    %rem3A_942 = vector.broadcast %jit3A_921 : i32 to vector<16xi32>
    %rem3A_943 = arith.remsi %get3A_920, %rem3A_942 : vector<16xi32>
    %ne3A_944 = arith.constant 0 : i32
    %ne3A_945 = vector.broadcast %ne3A_944 : i32 to vector<16xi32>
    %ne3A_946 = arith.cmpi ne, %rem3A_943, %ne3A_945 : vector<16xi32>
    %and3A_947 = arith.andi %ne3A_941, %ne3A_946 : vector<16xi1>
    %sub3A_948 = arith.constant 1 : i32
    %sub3A_949 = vector.broadcast %sub3A_948 : i32 to vector<16xi32>
    %sub3A_950 = arith.subi %div3A_923, %sub3A_949 : vector<16xi32>
    %select_n3A_951 = arith.select %and3A_947, %sub3A_950, %div3A_923 : vector<16xi1>, vector<16xi32>
    %mul3A_952 = arith.constant 128 : i32
    %mul3A_953 = vector.broadcast %mul3A_952 : i32 to vector<16xi32>
    %mul3A_954 = arith.muli %select_n3A_951, %mul3A_953 : vector<16xi32>
    %slice3A_955 = vector.extract_strided_slice %mul3A_954 {offsets = [0], sizes = [1], strides = [1]} : vector<16xi32> to vector<1xi32>
    %squeeze3A_956 = vector.extract %slice3A_955[0] : i32 from vector<1xi32>
    %multiple_of3A_957 = tpu.assume_multiple %squeeze3A_956, 128 : i32
    %dma_start3A_958 = arith.constant 1 : i32
    %dma_start3A_959 = arith.constant 0 : i32
    %dma_start3A_960 = arith.constant 0 : i32
    %dma_start3A_961 = arith.constant 0 : i32
    %dma_start3A_962 = tpu.memref_slice %arg6[%dma_start3A_958, %dma_start3A_959, %dma_start3A_960, %dma_start3A_961] : memref<3x16x16x128xf32, #tpu.memory_space<vmem>> -> memref<1x1x16x128xf32, #tpu.memory_space<vmem>>
    %dma_start3A_963 = tpu.memref_squeeze %dma_start3A_962 : memref<1x1x16x128xf32, #tpu.memory_space<vmem>> -> memref<16x128xf32, #tpu.memory_space<vmem>>
    %dma_start3A_964 = arith.constant 16 : i32
    %dma_start3A_965 = tpu.memref_slice %arg2[%dma_start3A_964, %multiple_of3A_957] : memref<32x1000000xf32, #tpu.memory_space<hbm>> -> memref<16x128xf32, #tpu.memory_space<hbm>>
    %dma_start3A_966 = arith.constant 0 : i32
    %dma_start3A_967 = arith.constant 0 : i32
    %dma_start3A_968 = tpu.memref_slice %arg6[%dma_start3A_958, %dma_start3A_959, %dma_start3A_966, %dma_start3A_967] : memref<3x16x16x128xf32, #tpu.memory_space<vmem>> -> memref<1x1x16x128xf32, #tpu.memory_space<vmem>>
    %dma_start3A_969 = tpu.memref_squeeze %dma_start3A_968 : memref<1x1x16x128xf32, #tpu.memory_space<vmem>> -> memref<16x128xf32, #tpu.memory_space<vmem>>
    %dma_start3A_970 = arith.constant 16 : i32
    %dma_start3A_971 = tpu.memref_slice %arg2[%dma_start3A_970, %multiple_of3A_957] : memref<32x1000000xf32, #tpu.memory_space<hbm>> -> memref<16x128xf32, #tpu.memory_space<hbm>>
    tpu.enqueue_dma source(%dma_start3A_971 : memref<16x128xf32, #tpu.memory_space<hbm>>) target(%dma_start3A_969 : memref<16x128xf32, #tpu.memory_space<vmem>>) target_semaphore(%arg8 : memref<!tpu.dma_semaphore, #tpu.memory_space<semaphore_mem>>)
    %slice3A_972 = vector.extract_strided_slice %mul3A_954 {offsets = [1], sizes = [1], strides = [1]} : vector<16xi32> to vector<1xi32>
    %squeeze3A_973 = vector.extract %slice3A_972[0] : i32 from vector<1xi32>
    %multiple_of3A_974 = tpu.assume_multiple %squeeze3A_973, 128 : i32
    %dma_start3A_975 = arith.constant 1 : i32
    %dma_start3A_976 = arith.constant 1 : i32
    %dma_start3A_977 = arith.constant 0 : i32
    %dma_start3A_978 = arith.constant 0 : i32
    %dma_start3A_979 = tpu.memref_slice %arg6[%dma_start3A_975, %dma_start3A_976, %dma_start3A_977, %dma_start3A_978] : memref<3x16x16x128xf32, #tpu.memory_space<vmem>> -> memref<1x1x16x128xf32, #tpu.memory_space<vmem>>
    %dma_start3A_980 = tpu.memref_squeeze %dma_start3A_979 : memref<1x1x16x128xf32, #tpu.memory_space<vmem>> -> memref<16x128xf32, #tpu.memory_space<vmem>>
    %dma_start3A_981 = arith.constant 16 : i32
    %dma_start3A_982 = tpu.memref_slice %arg2[%dma_start3A_981, %multiple_of3A_974] : memref<32x1000000xf32, #tpu.memory_space<hbm>> -> memref<16x128xf32, #tpu.memory_space<hbm>>
    %dma_start3A_983 = arith.constant 0 : i32
    %dma_start3A_984 = arith.constant 0 : i32
    %dma_start3A_985 = tpu.memref_slice %arg6[%dma_start3A_975, %dma_start3A_976, %dma_start3A_983, %dma_start3A_984] : memref<3x16x16x128xf32, #tpu.memory_space<vmem>> -> memref<1x1x16x128xf32, #tpu.memory_space<vmem>>
    %dma_start3A_986 = tpu.memref_squeeze %dma_start3A_985 : memref<1x1x16x128xf32, #tpu.memory_space<vmem>> -> memref<16x128xf32, #tpu.memory_space<vmem>>
    %dma_start3A_987 = arith.constant 16 : i32
    %dma_start3A_988 = tpu.memref_slice %arg2[%dma_start3A_987, %multiple_of3A_974] : memref<32x1000000xf32, #tpu.memory_space<hbm>> -> memref<16x128xf32, #tpu.memory_space<hbm>>
    tpu.enqueue_dma source(%dma_start3A_988 : memref<16x128xf32, #tpu.memory_space<hbm>>) target(%dma_start3A_986 : memref<16x128xf32, #tpu.memory_space<vmem>>) target_semaphore(%arg8 : memref<!tpu.dma_semaphore, #tpu.memory_space<semaphore_mem>>)
    %slice3A_989 = vector.extract_strided_slice %mul3A_954 {offsets = [2], sizes = [1], strides = [1]} : vector<16xi32> to vector<1xi32>
    %squeeze3A_990 = vector.extract %slice3A_989[0] : i32 from vector<1xi32>
    %multiple_of3A_991 = tpu.assume_multiple %squeeze3A_990, 128 : i32
    %dma_start3A_992 = arith.constant 1 : i32
    %dma_start3A_993 = arith.constant 2 : i32
    %dma_start3A_994 = arith.constant 0 : i32
    %dma_start3A_995 = arith.constant 0 : i32
    %dma_start3A_996 = tpu.memref_slice %arg6[%dma_start3A_992, %dma_start3A_993, %dma_start3A_994, %dma_start3A_995] : memref<3x16x16x128xf32, #tpu.memory_space<vmem>> -> memref<1x1x16x128xf32, #tpu.memory_space<vmem>>
    %dma_start3A_997 = tpu.memref_squeeze %dma_start3A_996 : memref<1x1x16x128xf32, #tpu.memory_space<vmem>> -> memref<16x128xf32, #tpu.memory_space<vmem>>
    %dma_start3A_998 = arith.constant 16 : i32
    %dma_start3A_999 = tpu.memref_slice %arg2[%dma_start3A_998, %multiple_of3A_991] : memref<32x1000000xf32, #tpu.memory_space<hbm>> -> memref<16x128xf32, #tpu.memory_space<hbm>>
    %dma_start3A_1000 = arith.constant 0 : i32
    %dma_start3A_1001 = arith.constant 0 : i32
    %dma_start3A_1002 = tpu.memref_slice %arg6[%dma_start3A_992, %dma_start3A_993, %dma_start3A_1000, %dma_start3A_1001] : memref<3x16x16x128xf32, #tpu.memory_space<vmem>> -> memref<1x1x16x128xf32, #tpu.memory_space<vmem>>
    %dma_start3A_1003 = tpu.memref_squeeze %dma_start3A_1002 : memref<1x1x16x128xf32, #tpu.memory_space<vmem>> -> memref<16x128xf32, #tpu.memory_space<vmem>>
    %dma_start3A_1004 = arith.constant 16 : i32
    %dma_start3A_1005 = tpu.memref_slice %arg2[%dma_start3A_1004, %multiple_of3A_991] : memref<32x1000000xf32, #tpu.memory_space<hbm>> -> memref<16x128xf32, #tpu.memory_space<hbm>>
    tpu.enqueue_dma source(%dma_start3A_1005 : memref<16x128xf32, #tpu.memory_space<hbm>>) target(%dma_start3A_1003 : memref<16x128xf32, #tpu.memory_space<vmem>>) target_semaphore(%arg8 : memref<!tpu.dma_semaphore, #tpu.memory_space<semaphore_mem>>)
    %slice3A_1006 = vector.extract_strided_slice %mul3A_954 {offsets = [3], sizes = [1], strides = [1]} : vector<16xi32> to vector<1xi32>
    %squeeze3A_1007 = vector.extract %slice3A_1006[0] : i32 from vector<1xi32>
    %multiple_of3A_1008 = tpu.assume_multiple %squeeze3A_1007, 128 : i32
    %dma_start3A_1009 = arith.constant 1 : i32
    %dma_start3A_1010 = arith.constant 3 : i32
    %dma_start3A_1011 = arith.constant 0 : i32
    %dma_start3A_1012 = arith.constant 0 : i32
    %dma_start3A_1013 = tpu.memref_slice %arg6[%dma_start3A_1009, %dma_start3A_1010, %dma_start3A_1011, %dma_start3A_1012] : memref<3x16x16x128xf32, #tpu.memory_space<vmem>> -> memref<1x1x16x128xf32, #tpu.memory_space<vmem>>
    %dma_start3A_1014 = tpu.memref_squeeze %dma_start3A_1013 : memref<1x1x16x128xf32, #tpu.memory_space<vmem>> -> memref<16x128xf32, #tpu.memory_space<vmem>>
    %dma_start3A_1015 = arith.constant 16 : i32
    %dma_start3A_1016 = tpu.memref_slice %arg2[%dma_start3A_1015, %multiple_of3A_1008] : memref<32x1000000xf32, #tpu.memory_space<hbm>> -> memref<16x128xf32, #tpu.memory_space<hbm>>
    %dma_start3A_1017 = arith.constant 0 : i32
    %dma_start3A_1018 = arith.constant 0 : i32
    %dma_start3A_1019 = tpu.memref_slice %arg6[%dma_start3A_1009, %dma_start3A_1010, %dma_start3A_1017, %dma_start3A_1018] : memref<3x16x16x128xf32, #tpu.memory_space<vmem>> -> memref<1x1x16x128xf32, #tpu.memory_space<vmem>>
    %dma_start3A_1020 = tpu.memref_squeeze %dma_start3A_1019 : memref<1x1x16x128xf32, #tpu.memory_space<vmem>> -> memref<16x128xf32, #tpu.memory_space<vmem>>
    %dma_start3A_1021 = arith.constant 16 : i32
    %dma_start3A_1022 = tpu.memref_slice %arg2[%dma_start3A_1021, %multiple_of3A_1008] : memref<32x1000000xf32, #tpu.memory_space<hbm>> -> memref<16x128xf32, #tpu.memory_space<hbm>>
    tpu.enqueue_dma source(%dma_start3A_1022 : memref<16x128xf32, #tpu.memory_space<hbm>>) target(%dma_start3A_1020 : memref<16x128xf32, #tpu.memory_space<vmem>>) target_semaphore(%arg8 : memref<!tpu.dma_semaphore, #tpu.memory_space<semaphore_mem>>)
    %slice3A_1023 = vector.extract_strided_slice %mul3A_954 {offsets = [4], sizes = [1], strides = [1]} : vector<16xi32> to vector<1xi32>
    %squeeze3A_1024 = vector.extract %slice3A_1023[0] : i32 from vector<1xi32>
    %multiple_of3A_1025 = tpu.assume_multiple %squeeze3A_1024, 128 : i32
    %dma_start3A_1026 = arith.constant 1 : i32
    %dma_start3A_1027 = arith.constant 4 : i32
    %dma_start3A_1028 = arith.constant 0 : i32
    %dma_start3A_1029 = arith.constant 0 : i32
    %dma_start3A_1030 = tpu.memref_slice %arg6[%dma_start3A_1026, %dma_start3A_1027, %dma_start3A_1028, %dma_start3A_1029] : memref<3x16x16x128xf32, #tpu.memory_space<vmem>> -> memref<1x1x16x128xf32, #tpu.memory_space<vmem>>
    %dma_start3A_1031 = tpu.memref_squeeze %dma_start3A_1030 : memref<1x1x16x128xf32, #tpu.memory_space<vmem>> -> memref<16x128xf32, #tpu.memory_space<vmem>>
    %dma_start3A_1032 = arith.constant 16 : i32
    %dma_start3A_1033 = tpu.memref_slice %arg2[%dma_start3A_1032, %multiple_of3A_1025] : memref<32x1000000xf32, #tpu.memory_space<hbm>> -> memref<16x128xf32, #tpu.memory_space<hbm>>
    %dma_start3A_1034 = arith.constant 0 : i32
    %dma_start3A_1035 = arith.constant 0 : i32
    %dma_start3A_1036 = tpu.memref_slice %arg6[%dma_start3A_1026, %dma_start3A_1027, %dma_start3A_1034, %dma_start3A_1035] : memref<3x16x16x128xf32, #tpu.memory_space<vmem>> -> memref<1x1x16x128xf32, #tpu.memory_space<vmem>>
    %dma_start3A_1037 = tpu.memref_squeeze %dma_start3A_1036 : memref<1x1x16x128xf32, #tpu.memory_space<vmem>> -> memref<16x128xf32, #tpu.memory_space<vmem>>
    %dma_start3A_1038 = arith.constant 16 : i32
    %dma_start3A_1039 = tpu.memref_slice %arg2[%dma_start3A_1038, %multiple_of3A_1025] : memref<32x1000000xf32, #tpu.memory_space<hbm>> -> memref<16x128xf32, #tpu.memory_space<hbm>>
    tpu.enqueue_dma source(%dma_start3A_1039 : memref<16x128xf32, #tpu.memory_space<hbm>>) target(%dma_start3A_1037 : memref<16x128xf32, #tpu.memory_space<vmem>>) target_semaphore(%arg8 : memref<!tpu.dma_semaphore, #tpu.memory_space<semaphore_mem>>)
    %slice3A_1040 = vector.extract_strided_slice %mul3A_954 {offsets = [5], sizes = [1], strides = [1]} : vector<16xi32> to vector<1xi32>
    %squeeze3A_1041 = vector.extract %slice3A_1040[0] : i32 from vector<1xi32>
    %multiple_of3A_1042 = tpu.assume_multiple %squeeze3A_1041, 128 : i32
    %dma_start3A_1043 = arith.constant 1 : i32
    %dma_start3A_1044 = arith.constant 5 : i32
    %dma_start3A_1045 = arith.constant 0 : i32
    %dma_start3A_1046 = arith.constant 0 : i32
    %dma_start3A_1047 = tpu.memref_slice %arg6[%dma_start3A_1043, %dma_start3A_1044, %dma_start3A_1045, %dma_start3A_1046] : memref<3x16x16x128xf32, #tpu.memory_space<vmem>> -> memref<1x1x16x128xf32, #tpu.memory_space<vmem>>
    %dma_start3A_1048 = tpu.memref_squeeze %dma_start3A_1047 : memref<1x1x16x128xf32, #tpu.memory_space<vmem>> -> memref<16x128xf32, #tpu.memory_space<vmem>>
    %dma_start3A_1049 = arith.constant 16 : i32
    %dma_start3A_1050 = tpu.memref_slice %arg2[%dma_start3A_1049, %multiple_of3A_1042] : memref<32x1000000xf32, #tpu.memory_space<hbm>> -> memref<16x128xf32, #tpu.memory_space<hbm>>
    %dma_start3A_1051 = arith.constant 0 : i32
    %dma_start3A_1052 = arith.constant 0 : i32
    %dma_start3A_1053 = tpu.memref_slice %arg6[%dma_start3A_1043, %dma_start3A_1044, %dma_start3A_1051, %dma_start3A_1052] : memref<3x16x16x128xf32, #tpu.memory_space<vmem>> -> memref<1x1x16x128xf32, #tpu.memory_space<vmem>>
    %dma_start3A_1054 = tpu.memref_squeeze %dma_start3A_1053 : memref<1x1x16x128xf32, #tpu.memory_space<vmem>> -> memref<16x128xf32, #tpu.memory_space<vmem>>
    %dma_start3A_1055 = arith.constant 16 : i32
    %dma_start3A_1056 = tpu.memref_slice %arg2[%dma_start3A_1055, %multiple_of3A_1042] : memref<32x1000000xf32, #tpu.memory_space<hbm>> -> memref<16x128xf32, #tpu.memory_space<hbm>>
    tpu.enqueue_dma source(%dma_start3A_1056 : memref<16x128xf32, #tpu.memory_space<hbm>>) target(%dma_start3A_1054 : memref<16x128xf32, #tpu.memory_space<vmem>>) target_semaphore(%arg8 : memref<!tpu.dma_semaphore, #tpu.memory_space<semaphore_mem>>)
    %slice3A_1057 = vector.extract_strided_slice %mul3A_954 {offsets = [6], sizes = [1], strides = [1]} : vector<16xi32> to vector<1xi32>
    %squeeze3A_1058 = vector.extract %slice3A_1057[0] : i32 from vector<1xi32>
    %multiple_of3A_1059 = tpu.assume_multiple %squeeze3A_1058, 128 : i32
    %dma_start3A_1060 = arith.constant 1 : i32
    %dma_start3A_1061 = arith.constant 6 : i32
    %dma_start3A_1062 = arith.constant 0 : i32
    %dma_start3A_1063 = arith.constant 0 : i32
    %dma_start3A_1064 = tpu.memref_slice %arg6[%dma_start3A_1060, %dma_start3A_1061, %dma_start3A_1062, %dma_start3A_1063] : memref<3x16x16x128xf32, #tpu.memory_space<vmem>> -> memref<1x1x16x128xf32, #tpu.memory_space<vmem>>
    %dma_start3A_1065 = tpu.memref_squeeze %dma_start3A_1064 : memref<1x1x16x128xf32, #tpu.memory_space<vmem>> -> memref<16x128xf32, #tpu.memory_space<vmem>>
    %dma_start3A_1066 = arith.constant 16 : i32
    %dma_start3A_1067 = tpu.memref_slice %arg2[%dma_start3A_1066, %multiple_of3A_1059] : memref<32x1000000xf32, #tpu.memory_space<hbm>> -> memref<16x128xf32, #tpu.memory_space<hbm>>
    %dma_start3A_1068 = arith.constant 0 : i32
    %dma_start3A_1069 = arith.constant 0 : i32
    %dma_start3A_1070 = tpu.memref_slice %arg6[%dma_start3A_1060, %dma_start3A_1061, %dma_start3A_1068, %dma_start3A_1069] : memref<3x16x16x128xf32, #tpu.memory_space<vmem>> -> memref<1x1x16x128xf32, #tpu.memory_space<vmem>>
    %dma_start3A_1071 = tpu.memref_squeeze %dma_start3A_1070 : memref<1x1x16x128xf32, #tpu.memory_space<vmem>> -> memref<16x128xf32, #tpu.memory_space<vmem>>
    %dma_start3A_1072 = arith.constant 16 : i32
    %dma_start3A_1073 = tpu.memref_slice %arg2[%dma_start3A_1072, %multiple_of3A_1059] : memref<32x1000000xf32, #tpu.memory_space<hbm>> -> memref<16x128xf32, #tpu.memory_space<hbm>>
    tpu.enqueue_dma source(%dma_start3A_1073 : memref<16x128xf32, #tpu.memory_space<hbm>>) target(%dma_start3A_1071 : memref<16x128xf32, #tpu.memory_space<vmem>>) target_semaphore(%arg8 : memref<!tpu.dma_semaphore, #tpu.memory_space<semaphore_mem>>)
    %slice3A_1074 = vector.extract_strided_slice %mul3A_954 {offsets = [7], sizes = [1], strides = [1]} : vector<16xi32> to vector<1xi32>
    %squeeze3A_1075 = vector.extract %slice3A_1074[0] : i32 from vector<1xi32>
    %multiple_of3A_1076 = tpu.assume_multiple %squeeze3A_1075, 128 : i32
    %dma_start3A_1077 = arith.constant 1 : i32
    %dma_start3A_1078 = arith.constant 7 : i32
    %dma_start3A_1079 = arith.constant 0 : i32
    %dma_start3A_1080 = arith.constant 0 : i32
    %dma_start3A_1081 = tpu.memref_slice %arg6[%dma_start3A_1077, %dma_start3A_1078, %dma_start3A_1079, %dma_start3A_1080] : memref<3x16x16x128xf32, #tpu.memory_space<vmem>> -> memref<1x1x16x128xf32, #tpu.memory_space<vmem>>
    %dma_start3A_1082 = tpu.memref_squeeze %dma_start3A_1081 : memref<1x1x16x128xf32, #tpu.memory_space<vmem>> -> memref<16x128xf32, #tpu.memory_space<vmem>>
    %dma_start3A_1083 = arith.constant 16 : i32
    %dma_start3A_1084 = tpu.memref_slice %arg2[%dma_start3A_1083, %multiple_of3A_1076] : memref<32x1000000xf32, #tpu.memory_space<hbm>> -> memref<16x128xf32, #tpu.memory_space<hbm>>
    %dma_start3A_1085 = arith.constant 0 : i32
    %dma_start3A_1086 = arith.constant 0 : i32
    %dma_start3A_1087 = tpu.memref_slice %arg6[%dma_start3A_1077, %dma_start3A_1078, %dma_start3A_1085, %dma_start3A_1086] : memref<3x16x16x128xf32, #tpu.memory_space<vmem>> -> memref<1x1x16x128xf32, #tpu.memory_space<vmem>>
    %dma_start3A_1088 = tpu.memref_squeeze %dma_start3A_1087 : memref<1x1x16x128xf32, #tpu.memory_space<vmem>> -> memref<16x128xf32, #tpu.memory_space<vmem>>
    %dma_start3A_1089 = arith.constant 16 : i32
    %dma_start3A_1090 = tpu.memref_slice %arg2[%dma_start3A_1089, %multiple_of3A_1076] : memref<32x1000000xf32, #tpu.memory_space<hbm>> -> memref<16x128xf32, #tpu.memory_space<hbm>>
    tpu.enqueue_dma source(%dma_start3A_1090 : memref<16x128xf32, #tpu.memory_space<hbm>>) target(%dma_start3A_1088 : memref<16x128xf32, #tpu.memory_space<vmem>>) target_semaphore(%arg8 : memref<!tpu.dma_semaphore, #tpu.memory_space<semaphore_mem>>)
    %slice3A_1091 = vector.extract_strided_slice %mul3A_954 {offsets = [8], sizes = [1], strides = [1]} : vector<16xi32> to vector<1xi32>
    %squeeze3A_1092 = vector.extract %slice3A_1091[0] : i32 from vector<1xi32>
    %multiple_of3A_1093 = tpu.assume_multiple %squeeze3A_1092, 128 : i32
    %dma_start3A_1094 = arith.constant 1 : i32
    %dma_start3A_1095 = arith.constant 8 : i32
    %dma_start3A_1096 = arith.constant 0 : i32
    %dma_start3A_1097 = arith.constant 0 : i32
    %dma_start3A_1098 = tpu.memref_slice %arg6[%dma_start3A_1094, %dma_start3A_1095, %dma_start3A_1096, %dma_start3A_1097] : memref<3x16x16x128xf32, #tpu.memory_space<vmem>> -> memref<1x1x16x128xf32, #tpu.memory_space<vmem>>
    %dma_start3A_1099 = tpu.memref_squeeze %dma_start3A_1098 : memref<1x1x16x128xf32, #tpu.memory_space<vmem>> -> memref<16x128xf32, #tpu.memory_space<vmem>>
    %dma_start3A_1100 = arith.constant 16 : i32
    %dma_start3A_1101 = tpu.memref_slice %arg2[%dma_start3A_1100, %multiple_of3A_1093] : memref<32x1000000xf32, #tpu.memory_space<hbm>> -> memref<16x128xf32, #tpu.memory_space<hbm>>
    %dma_start3A_1102 = arith.constant 0 : i32
    %dma_start3A_1103 = arith.constant 0 : i32
    %dma_start3A_1104 = tpu.memref_slice %arg6[%dma_start3A_1094, %dma_start3A_1095, %dma_start3A_1102, %dma_start3A_1103] : memref<3x16x16x128xf32, #tpu.memory_space<vmem>> -> memref<1x1x16x128xf32, #tpu.memory_space<vmem>>
    %dma_start3A_1105 = tpu.memref_squeeze %dma_start3A_1104 : memref<1x1x16x128xf32, #tpu.memory_space<vmem>> -> memref<16x128xf32, #tpu.memory_space<vmem>>
    %dma_start3A_1106 = arith.constant 16 : i32
    %dma_start3A_1107 = tpu.memref_slice %arg2[%dma_start3A_1106, %multiple_of3A_1093] : memref<32x1000000xf32, #tpu.memory_space<hbm>> -> memref<16x128xf32, #tpu.memory_space<hbm>>
    tpu.enqueue_dma source(%dma_start3A_1107 : memref<16x128xf32, #tpu.memory_space<hbm>>) target(%dma_start3A_1105 : memref<16x128xf32, #tpu.memory_space<vmem>>) target_semaphore(%arg8 : memref<!tpu.dma_semaphore, #tpu.memory_space<semaphore_mem>>)
    %slice3A_1108 = vector.extract_strided_slice %mul3A_954 {offsets = [9], sizes = [1], strides = [1]} : vector<16xi32> to vector<1xi32>
    %squeeze3A_1109 = vector.extract %slice3A_1108[0] : i32 from vector<1xi32>
    %multiple_of3A_1110 = tpu.assume_multiple %squeeze3A_1109, 128 : i32
    %dma_start3A_1111 = arith.constant 1 : i32
    %dma_start3A_1112 = arith.constant 9 : i32
    %dma_start3A_1113 = arith.constant 0 : i32
    %dma_start3A_1114 = arith.constant 0 : i32
    %dma_start3A_1115 = tpu.memref_slice %arg6[%dma_start3A_1111, %dma_start3A_1112, %dma_start3A_1113, %dma_start3A_1114] : memref<3x16x16x128xf32, #tpu.memory_space<vmem>> -> memref<1x1x16x128xf32, #tpu.memory_space<vmem>>
    %dma_start3A_1116 = tpu.memref_squeeze %dma_start3A_1115 : memref<1x1x16x128xf32, #tpu.memory_space<vmem>> -> memref<16x128xf32, #tpu.memory_space<vmem>>
    %dma_start3A_1117 = arith.constant 16 : i32
    %dma_start3A_1118 = tpu.memref_slice %arg2[%dma_start3A_1117, %multiple_of3A_1110] : memref<32x1000000xf32, #tpu.memory_space<hbm>> -> memref<16x128xf32, #tpu.memory_space<hbm>>
    %dma_start3A_1119 = arith.constant 0 : i32
    %dma_start3A_1120 = arith.constant 0 : i32
    %dma_start3A_1121 = tpu.memref_slice %arg6[%dma_start3A_1111, %dma_start3A_1112, %dma_start3A_1119, %dma_start3A_1120] : memref<3x16x16x128xf32, #tpu.memory_space<vmem>> -> memref<1x1x16x128xf32, #tpu.memory_space<vmem>>
    %dma_start3A_1122 = tpu.memref_squeeze %dma_start3A_1121 : memref<1x1x16x128xf32, #tpu.memory_space<vmem>> -> memref<16x128xf32, #tpu.memory_space<vmem>>
    %dma_start3A_1123 = arith.constant 16 : i32
    %dma_start3A_1124 = tpu.memref_slice %arg2[%dma_start3A_1123, %multiple_of3A_1110] : memref<32x1000000xf32, #tpu.memory_space<hbm>> -> memref<16x128xf32, #tpu.memory_space<hbm>>
    tpu.enqueue_dma source(%dma_start3A_1124 : memref<16x128xf32, #tpu.memory_space<hbm>>) target(%dma_start3A_1122 : memref<16x128xf32, #tpu.memory_space<vmem>>) target_semaphore(%arg8 : memref<!tpu.dma_semaphore, #tpu.memory_space<semaphore_mem>>)
    %slice3A_1125 = vector.extract_strided_slice %mul3A_954 {offsets = [10], sizes = [1], strides = [1]} : vector<16xi32> to vector<1xi32>
    %squeeze3A_1126 = vector.extract %slice3A_1125[0] : i32 from vector<1xi32>
    %multiple_of3A_1127 = tpu.assume_multiple %squeeze3A_1126, 128 : i32
    %dma_start3A_1128 = arith.constant 1 : i32
    %dma_start3A_1129 = arith.constant 10 : i32
    %dma_start3A_1130 = arith.constant 0 : i32
    %dma_start3A_1131 = arith.constant 0 : i32
    %dma_start3A_1132 = tpu.memref_slice %arg6[%dma_start3A_1128, %dma_start3A_1129, %dma_start3A_1130, %dma_start3A_1131] : memref<3x16x16x128xf32, #tpu.memory_space<vmem>> -> memref<1x1x16x128xf32, #tpu.memory_space<vmem>>
    %dma_start3A_1133 = tpu.memref_squeeze %dma_start3A_1132 : memref<1x1x16x128xf32, #tpu.memory_space<vmem>> -> memref<16x128xf32, #tpu.memory_space<vmem>>
    %dma_start3A_1134 = arith.constant 16 : i32
    %dma_start3A_1135 = tpu.memref_slice %arg2[%dma_start3A_1134, %multiple_of3A_1127] : memref<32x1000000xf32, #tpu.memory_space<hbm>> -> memref<16x128xf32, #tpu.memory_space<hbm>>
    %dma_start3A_1136 = arith.constant 0 : i32
    %dma_start3A_1137 = arith.constant 0 : i32
    %dma_start3A_1138 = tpu.memref_slice %arg6[%dma_start3A_1128, %dma_start3A_1129, %dma_start3A_1136, %dma_start3A_1137] : memref<3x16x16x128xf32, #tpu.memory_space<vmem>> -> memref<1x1x16x128xf32, #tpu.memory_space<vmem>>
    %dma_start3A_1139 = tpu.memref_squeeze %dma_start3A_1138 : memref<1x1x16x128xf32, #tpu.memory_space<vmem>> -> memref<16x128xf32, #tpu.memory_space<vmem>>
    %dma_start3A_1140 = arith.constant 16 : i32
    %dma_start3A_1141 = tpu.memref_slice %arg2[%dma_start3A_1140, %multiple_of3A_1127] : memref<32x1000000xf32, #tpu.memory_space<hbm>> -> memref<16x128xf32, #tpu.memory_space<hbm>>
    tpu.enqueue_dma source(%dma_start3A_1141 : memref<16x128xf32, #tpu.memory_space<hbm>>) target(%dma_start3A_1139 : memref<16x128xf32, #tpu.memory_space<vmem>>) target_semaphore(%arg8 : memref<!tpu.dma_semaphore, #tpu.memory_space<semaphore_mem>>)
    %slice3A_1142 = vector.extract_strided_slice %mul3A_954 {offsets = [11], sizes = [1], strides = [1]} : vector<16xi32> to vector<1xi32>
    %squeeze3A_1143 = vector.extract %slice3A_1142[0] : i32 from vector<1xi32>
    %multiple_of3A_1144 = tpu.assume_multiple %squeeze3A_1143, 128 : i32
    %dma_start3A_1145 = arith.constant 1 : i32
    %dma_start3A_1146 = arith.constant 11 : i32
    %dma_start3A_1147 = arith.constant 0 : i32
    %dma_start3A_1148 = arith.constant 0 : i32
    %dma_start3A_1149 = tpu.memref_slice %arg6[%dma_start3A_1145, %dma_start3A_1146, %dma_start3A_1147, %dma_start3A_1148] : memref<3x16x16x128xf32, #tpu.memory_space<vmem>> -> memref<1x1x16x128xf32, #tpu.memory_space<vmem>>
    %dma_start3A_1150 = tpu.memref_squeeze %dma_start3A_1149 : memref<1x1x16x128xf32, #tpu.memory_space<vmem>> -> memref<16x128xf32, #tpu.memory_space<vmem>>
    %dma_start3A_1151 = arith.constant 16 : i32
    %dma_start3A_1152 = tpu.memref_slice %arg2[%dma_start3A_1151, %multiple_of3A_1144] : memref<32x1000000xf32, #tpu.memory_space<hbm>> -> memref<16x128xf32, #tpu.memory_space<hbm>>
    %dma_start3A_1153 = arith.constant 0 : i32
    %dma_start3A_1154 = arith.constant 0 : i32
    %dma_start3A_1155 = tpu.memref_slice %arg6[%dma_start3A_1145, %dma_start3A_1146, %dma_start3A_1153, %dma_start3A_1154] : memref<3x16x16x128xf32, #tpu.memory_space<vmem>> -> memref<1x1x16x128xf32, #tpu.memory_space<vmem>>
    %dma_start3A_1156 = tpu.memref_squeeze %dma_start3A_1155 : memref<1x1x16x128xf32, #tpu.memory_space<vmem>> -> memref<16x128xf32, #tpu.memory_space<vmem>>
    %dma_start3A_1157 = arith.constant 16 : i32
    %dma_start3A_1158 = tpu.memref_slice %arg2[%dma_start3A_1157, %multiple_of3A_1144] : memref<32x1000000xf32, #tpu.memory_space<hbm>> -> memref<16x128xf32, #tpu.memory_space<hbm>>
    tpu.enqueue_dma source(%dma_start3A_1158 : memref<16x128xf32, #tpu.memory_space<hbm>>) target(%dma_start3A_1156 : memref<16x128xf32, #tpu.memory_space<vmem>>) target_semaphore(%arg8 : memref<!tpu.dma_semaphore, #tpu.memory_space<semaphore_mem>>)
    %slice3A_1159 = vector.extract_strided_slice %mul3A_954 {offsets = [12], sizes = [1], strides = [1]} : vector<16xi32> to vector<1xi32>
    %squeeze3A_1160 = vector.extract %slice3A_1159[0] : i32 from vector<1xi32>
    %multiple_of3A_1161 = tpu.assume_multiple %squeeze3A_1160, 128 : i32
    %dma_start3A_1162 = arith.constant 1 : i32
    %dma_start3A_1163 = arith.constant 12 : i32
    %dma_start3A_1164 = arith.constant 0 : i32
    %dma_start3A_1165 = arith.constant 0 : i32
    %dma_start3A_1166 = tpu.memref_slice %arg6[%dma_start3A_1162, %dma_start3A_1163, %dma_start3A_1164, %dma_start3A_1165] : memref<3x16x16x128xf32, #tpu.memory_space<vmem>> -> memref<1x1x16x128xf32, #tpu.memory_space<vmem>>
    %dma_start3A_1167 = tpu.memref_squeeze %dma_start3A_1166 : memref<1x1x16x128xf32, #tpu.memory_space<vmem>> -> memref<16x128xf32, #tpu.memory_space<vmem>>
    %dma_start3A_1168 = arith.constant 16 : i32
    %dma_start3A_1169 = tpu.memref_slice %arg2[%dma_start3A_1168, %multiple_of3A_1161] : memref<32x1000000xf32, #tpu.memory_space<hbm>> -> memref<16x128xf32, #tpu.memory_space<hbm>>
    %dma_start3A_1170 = arith.constant 0 : i32
    %dma_start3A_1171 = arith.constant 0 : i32
    %dma_start3A_1172 = tpu.memref_slice %arg6[%dma_start3A_1162, %dma_start3A_1163, %dma_start3A_1170, %dma_start3A_1171] : memref<3x16x16x128xf32, #tpu.memory_space<vmem>> -> memref<1x1x16x128xf32, #tpu.memory_space<vmem>>
    %dma_start3A_1173 = tpu.memref_squeeze %dma_start3A_1172 : memref<1x1x16x128xf32, #tpu.memory_space<vmem>> -> memref<16x128xf32, #tpu.memory_space<vmem>>
    %dma_start3A_1174 = arith.constant 16 : i32
    %dma_start3A_1175 = tpu.memref_slice %arg2[%dma_start3A_1174, %multiple_of3A_1161] : memref<32x1000000xf32, #tpu.memory_space<hbm>> -> memref<16x128xf32, #tpu.memory_space<hbm>>
    tpu.enqueue_dma source(%dma_start3A_1175 : memref<16x128xf32, #tpu.memory_space<hbm>>) target(%dma_start3A_1173 : memref<16x128xf32, #tpu.memory_space<vmem>>) target_semaphore(%arg8 : memref<!tpu.dma_semaphore, #tpu.memory_space<semaphore_mem>>)
    %slice3A_1176 = vector.extract_strided_slice %mul3A_954 {offsets = [13], sizes = [1], strides = [1]} : vector<16xi32> to vector<1xi32>
    %squeeze3A_1177 = vector.extract %slice3A_1176[0] : i32 from vector<1xi32>
    %multiple_of3A_1178 = tpu.assume_multiple %squeeze3A_1177, 128 : i32
    %dma_start3A_1179 = arith.constant 1 : i32
    %dma_start3A_1180 = arith.constant 13 : i32
    %dma_start3A_1181 = arith.constant 0 : i32
    %dma_start3A_1182 = arith.constant 0 : i32
    %dma_start3A_1183 = tpu.memref_slice %arg6[%dma_start3A_1179, %dma_start3A_1180, %dma_start3A_1181, %dma_start3A_1182] : memref<3x16x16x128xf32, #tpu.memory_space<vmem>> -> memref<1x1x16x128xf32, #tpu.memory_space<vmem>>
    %dma_start3A_1184 = tpu.memref_squeeze %dma_start3A_1183 : memref<1x1x16x128xf32, #tpu.memory_space<vmem>> -> memref<16x128xf32, #tpu.memory_space<vmem>>
    %dma_start3A_1185 = arith.constant 16 : i32
    %dma_start3A_1186 = tpu.memref_slice %arg2[%dma_start3A_1185, %multiple_of3A_1178] : memref<32x1000000xf32, #tpu.memory_space<hbm>> -> memref<16x128xf32, #tpu.memory_space<hbm>>
    %dma_start3A_1187 = arith.constant 0 : i32
    %dma_start3A_1188 = arith.constant 0 : i32
    %dma_start3A_1189 = tpu.memref_slice %arg6[%dma_start3A_1179, %dma_start3A_1180, %dma_start3A_1187, %dma_start3A_1188] : memref<3x16x16x128xf32, #tpu.memory_space<vmem>> -> memref<1x1x16x128xf32, #tpu.memory_space<vmem>>
    %dma_start3A_1190 = tpu.memref_squeeze %dma_start3A_1189 : memref<1x1x16x128xf32, #tpu.memory_space<vmem>> -> memref<16x128xf32, #tpu.memory_space<vmem>>
    %dma_start3A_1191 = arith.constant 16 : i32
    %dma_start3A_1192 = tpu.memref_slice %arg2[%dma_start3A_1191, %multiple_of3A_1178] : memref<32x1000000xf32, #tpu.memory_space<hbm>> -> memref<16x128xf32, #tpu.memory_space<hbm>>
    tpu.enqueue_dma source(%dma_start3A_1192 : memref<16x128xf32, #tpu.memory_space<hbm>>) target(%dma_start3A_1190 : memref<16x128xf32, #tpu.memory_space<vmem>>) target_semaphore(%arg8 : memref<!tpu.dma_semaphore, #tpu.memory_space<semaphore_mem>>)
    %slice3A_1193 = vector.extract_strided_slice %mul3A_954 {offsets = [14], sizes = [1], strides = [1]} : vector<16xi32> to vector<1xi32>
    %squeeze3A_1194 = vector.extract %slice3A_1193[0] : i32 from vector<1xi32>
    %multiple_of3A_1195 = tpu.assume_multiple %squeeze3A_1194, 128 : i32
    %dma_start3A_1196 = arith.constant 1 : i32
    %dma_start3A_1197 = arith.constant 14 : i32
    %dma_start3A_1198 = arith.constant 0 : i32
    %dma_start3A_1199 = arith.constant 0 : i32
    %dma_start3A_1200 = tpu.memref_slice %arg6[%dma_start3A_1196, %dma_start3A_1197, %dma_start3A_1198, %dma_start3A_1199] : memref<3x16x16x128xf32, #tpu.memory_space<vmem>> -> memref<1x1x16x128xf32, #tpu.memory_space<vmem>>
    %dma_start3A_1201 = tpu.memref_squeeze %dma_start3A_1200 : memref<1x1x16x128xf32, #tpu.memory_space<vmem>> -> memref<16x128xf32, #tpu.memory_space<vmem>>
    %dma_start3A_1202 = arith.constant 16 : i32
    %dma_start3A_1203 = tpu.memref_slice %arg2[%dma_start3A_1202, %multiple_of3A_1195] : memref<32x1000000xf32, #tpu.memory_space<hbm>> -> memref<16x128xf32, #tpu.memory_space<hbm>>
    %dma_start3A_1204 = arith.constant 0 : i32
    %dma_start3A_1205 = arith.constant 0 : i32
    %dma_start3A_1206 = tpu.memref_slice %arg6[%dma_start3A_1196, %dma_start3A_1197, %dma_start3A_1204, %dma_start3A_1205] : memref<3x16x16x128xf32, #tpu.memory_space<vmem>> -> memref<1x1x16x128xf32, #tpu.memory_space<vmem>>
    %dma_start3A_1207 = tpu.memref_squeeze %dma_start3A_1206 : memref<1x1x16x128xf32, #tpu.memory_space<vmem>> -> memref<16x128xf32, #tpu.memory_space<vmem>>
    %dma_start3A_1208 = arith.constant 16 : i32
    %dma_start3A_1209 = tpu.memref_slice %arg2[%dma_start3A_1208, %multiple_of3A_1195] : memref<32x1000000xf32, #tpu.memory_space<hbm>> -> memref<16x128xf32, #tpu.memory_space<hbm>>
    tpu.enqueue_dma source(%dma_start3A_1209 : memref<16x128xf32, #tpu.memory_space<hbm>>) target(%dma_start3A_1207 : memref<16x128xf32, #tpu.memory_space<vmem>>) target_semaphore(%arg8 : memref<!tpu.dma_semaphore, #tpu.memory_space<semaphore_mem>>)
    %slice3A_1210 = vector.extract_strided_slice %mul3A_954 {offsets = [15], sizes = [1], strides = [1]} : vector<16xi32> to vector<1xi32>
    %squeeze3A_1211 = vector.extract %slice3A_1210[0] : i32 from vector<1xi32>
    %multiple_of3A_1212 = tpu.assume_multiple %squeeze3A_1211, 128 : i32
    %dma_start3A_1213 = arith.constant 1 : i32
    %dma_start3A_1214 = arith.constant 15 : i32
    %dma_start3A_1215 = arith.constant 0 : i32
    %dma_start3A_1216 = arith.constant 0 : i32
    %dma_start3A_1217 = tpu.memref_slice %arg6[%dma_start3A_1213, %dma_start3A_1214, %dma_start3A_1215, %dma_start3A_1216] : memref<3x16x16x128xf32, #tpu.memory_space<vmem>> -> memref<1x1x16x128xf32, #tpu.memory_space<vmem>>
    %dma_start3A_1218 = tpu.memref_squeeze %dma_start3A_1217 : memref<1x1x16x128xf32, #tpu.memory_space<vmem>> -> memref<16x128xf32, #tpu.memory_space<vmem>>
    %dma_start3A_1219 = arith.constant 16 : i32
    %dma_start3A_1220 = tpu.memref_slice %arg2[%dma_start3A_1219, %multiple_of3A_1212] : memref<32x1000000xf32, #tpu.memory_space<hbm>> -> memref<16x128xf32, #tpu.memory_space<hbm>>
    %dma_start3A_1221 = arith.constant 0 : i32
    %dma_start3A_1222 = arith.constant 0 : i32
    %dma_start3A_1223 = tpu.memref_slice %arg6[%dma_start3A_1213, %dma_start3A_1214, %dma_start3A_1221, %dma_start3A_1222] : memref<3x16x16x128xf32, #tpu.memory_space<vmem>> -> memref<1x1x16x128xf32, #tpu.memory_space<vmem>>
    %dma_start3A_1224 = tpu.memref_squeeze %dma_start3A_1223 : memref<1x1x16x128xf32, #tpu.memory_space<vmem>> -> memref<16x128xf32, #tpu.memory_space<vmem>>
    %dma_start3A_1225 = arith.constant 16 : i32
    %dma_start3A_1226 = tpu.memref_slice %arg2[%dma_start3A_1225, %multiple_of3A_1212] : memref<32x1000000xf32, #tpu.memory_space<hbm>> -> memref<16x128xf32, #tpu.memory_space<hbm>>
    tpu.enqueue_dma source(%dma_start3A_1226 : memref<16x128xf32, #tpu.memory_space<hbm>>) target(%dma_start3A_1224 : memref<16x128xf32, #tpu.memory_space<vmem>>) target_semaphore(%arg8 : memref<!tpu.dma_semaphore, #tpu.memory_space<semaphore_mem>>)
    %scan3A_1227 = arith.constant 0 : i32
    %scan3A_1228 = arith.constant 0 : i32
    %scan3A_1229 = arith.constant 8 : i32
    %scan3A_1230 = arith.addi %scan3A_1228, %scan3A_1229 : i32
    %scan3A_1231 = arith.constant 1 : i32
    scf.for %scan3A_1233 = %scan3A_1228 to %scan3A_1230 step %scan3A_1231  : i32 {
      %add3A_1234 = arith.constant 2 : i32
      %add3A_1235 = arith.addi %scan3A_1233, %add3A_1234 : i32
      %lt3A = arith.constant 8 : i32
      %lt3A_1236 = arith.cmpi slt, %add3A_1235, %lt3A : i32
      %convert_element_type3A = arith.extui %lt3A_1236 : i1 to i32
      %cond3A = arith.constant 0 : i32
      %cond3A_1237 = arith.cmpi ne, %convert_element_type3A, %cond3A : i32
      scf.if %cond3A_1237 {
        %add3A_1660 = arith.constant 2 : i32
        %add3A_1661 = arith.addi %scan3A_1233, %add3A_1660 : i32
        %jit3A_1662 = arith.constant 3 : i32
        %eq3A_1663 = arith.constant 0 : i32
        %eq3A_1664 = arith.cmpi eq, %jit3A_1662, %eq3A_1663 : i32
        %jit3A_1665 = arith.constant 1 : i32
        %select_n3A_1666 = arith.select %eq3A_1664, %jit3A_1665, %jit3A_1662 : i32
        %rem3A_1667 = arith.remsi %add3A_1661, %select_n3A_1666 : i32
        %ne3A_1668 = arith.constant 0 : i32
        %ne3A_1669 = arith.cmpi ne, %rem3A_1667, %ne3A_1668 : i32
        %lt3A_1670 = arith.constant 0 : i32
        %lt3A_1671 = arith.cmpi slt, %rem3A_1667, %lt3A_1670 : i32
        %lt3A_1672 = arith.constant 0 : i32
        %lt3A_1673 = arith.cmpi slt, %select_n3A_1666, %lt3A_1672 : i32
        %ne3A_1674 = arith.xori %lt3A_1671, %lt3A_1673 : i1
        %and3A_1675 = arith.andi %ne3A_1674, %ne3A_1669 : i1
        %add3A_1676 = arith.addi %rem3A_1667, %select_n3A_1666 : i32
        %select_n3A_1677 = arith.select %and3A_1675, %add3A_1676, %rem3A_1667 : i32
        %mul3A_1678 = arith.constant 16 : i32
        %mul3A_1679 = arith.muli %add3A_1661, %mul3A_1678 : i32
        %get3A_1680 = arith.index_cast %mul3A_1679 : i32 to index
        %get3A_1681 = tpu.vector_load %arg5[%get3A_1680] {strides = array<i32>} : memref<128xi32, #tpu.memory_space<vmem>>, vector<16xi32>,
        %jit3A_1682 = arith.constant 128 : i32
        %div3A_1683 = vector.broadcast %jit3A_1682 : i32 to vector<16xi32>
        %div3A_1684 = arith.divsi %get3A_1681, %div3A_1683 : vector<16xi32>
        %sign3A_1685 = arith.constant 0 : i32
        %sign3A_1686 = vector.broadcast %sign3A_1685 : i32 to vector<16xi32>
        %sign3A_1687 = arith.cmpi sgt, %get3A_1681, %sign3A_1686 : vector<16xi32>
        %sign3A_1688 = arith.extui %sign3A_1687 : vector<16xi1> to vector<16xi32>
        %sign3A_1689 = arith.constant 0 : i32
        %sign3A_1690 = vector.broadcast %sign3A_1689 : i32 to vector<16xi32>
        %sign3A_1691 = arith.cmpi slt, %get3A_1681, %sign3A_1690 : vector<16xi32>
        %sign3A_1692 = arith.extui %sign3A_1691 : vector<16xi1> to vector<16xi32>
        %sign3A_1693 = arith.subi %sign3A_1688, %sign3A_1692 : vector<16xi32>
        %sign3A_1694 = arith.constant 0 : i32
        %sign3A_1695 = arith.cmpi sgt, %jit3A_1682, %sign3A_1694 : i32
        %sign3A_1696 = arith.extui %sign3A_1695 : i1 to i32
        %sign3A_1697 = arith.constant 0 : i32
        %sign3A_1698 = arith.cmpi slt, %jit3A_1682, %sign3A_1697 : i32
        %sign3A_1699 = arith.extui %sign3A_1698 : i1 to i32
        %sign3A_1700 = arith.subi %sign3A_1696, %sign3A_1699 : i32
        %ne3A_1701 = vector.broadcast %sign3A_1700 : i32 to vector<16xi32>
        %ne3A_1702 = arith.cmpi ne, %sign3A_1693, %ne3A_1701 : vector<16xi32>
        %rem3A_1703 = vector.broadcast %jit3A_1682 : i32 to vector<16xi32>
        %rem3A_1704 = arith.remsi %get3A_1681, %rem3A_1703 : vector<16xi32>
        %ne3A_1705 = arith.constant 0 : i32
        %ne3A_1706 = vector.broadcast %ne3A_1705 : i32 to vector<16xi32>
        %ne3A_1707 = arith.cmpi ne, %rem3A_1704, %ne3A_1706 : vector<16xi32>
        %and3A_1708 = arith.andi %ne3A_1702, %ne3A_1707 : vector<16xi1>
        %sub3A_1709 = arith.constant 1 : i32
        %sub3A_1710 = vector.broadcast %sub3A_1709 : i32 to vector<16xi32>
        %sub3A_1711 = arith.subi %div3A_1684, %sub3A_1710 : vector<16xi32>
        %select_n3A_1712 = arith.select %and3A_1708, %sub3A_1711, %div3A_1684 : vector<16xi1>, vector<16xi32>
        %mul3A_1713 = arith.constant 128 : i32
        %mul3A_1714 = vector.broadcast %mul3A_1713 : i32 to vector<16xi32>
        %mul3A_1715 = arith.muli %select_n3A_1712, %mul3A_1714 : vector<16xi32>
        %slice3A_1716 = vector.extract_strided_slice %mul3A_1715 {offsets = [0], sizes = [1], strides = [1]} : vector<16xi32> to vector<1xi32>
        %squeeze3A_1717 = vector.extract %slice3A_1716[0] : i32 from vector<1xi32>
        %multiple_of3A_1718 = tpu.assume_multiple %squeeze3A_1717, 128 : i32
        %dma_start3A_1719 = arith.constant 0 : i32
        %dma_start3A_1720 = arith.constant 0 : i32
        %dma_start3A_1721 = arith.constant 0 : i32
        %dma_start3A_1722 = tpu.memref_slice %arg6[%select_n3A_1677, %dma_start3A_1719, %dma_start3A_1720, %dma_start3A_1721] : memref<3x16x16x128xf32, #tpu.memory_space<vmem>> -> memref<1x1x16x128xf32, #tpu.memory_space<vmem>>
        %dma_start3A_1723 = tpu.memref_squeeze %dma_start3A_1722 : memref<1x1x16x128xf32, #tpu.memory_space<vmem>> -> memref<16x128xf32, #tpu.memory_space<vmem>>
        %dma_start3A_1724 = arith.constant 16 : i32
        %dma_start3A_1725 = tpu.memref_slice %arg2[%dma_start3A_1724, %multiple_of3A_1718] : memref<32x1000000xf32, #tpu.memory_space<hbm>> -> memref<16x128xf32, #tpu.memory_space<hbm>>
        %dma_start3A_1726 = arith.constant 0 : i32
        %dma_start3A_1727 = arith.constant 0 : i32
        %dma_start3A_1728 = tpu.memref_slice %arg6[%select_n3A_1677, %dma_start3A_1719, %dma_start3A_1726, %dma_start3A_1727] : memref<3x16x16x128xf32, #tpu.memory_space<vmem>> -> memref<1x1x16x128xf32, #tpu.memory_space<vmem>>
        %dma_start3A_1729 = tpu.memref_squeeze %dma_start3A_1728 : memref<1x1x16x128xf32, #tpu.memory_space<vmem>> -> memref<16x128xf32, #tpu.memory_space<vmem>>
        %dma_start3A_1730 = arith.constant 16 : i32
        %dma_start3A_1731 = tpu.memref_slice %arg2[%dma_start3A_1730, %multiple_of3A_1718] : memref<32x1000000xf32, #tpu.memory_space<hbm>> -> memref<16x128xf32, #tpu.memory_space<hbm>>
        tpu.enqueue_dma source(%dma_start3A_1731 : memref<16x128xf32, #tpu.memory_space<hbm>>) target(%dma_start3A_1729 : memref<16x128xf32, #tpu.memory_space<vmem>>) target_semaphore(%arg8 : memref<!tpu.dma_semaphore, #tpu.memory_space<semaphore_mem>>)
        %slice3A_1732 = vector.extract_strided_slice %mul3A_1715 {offsets = [1], sizes = [1], strides = [1]} : vector<16xi32> to vector<1xi32>
        %squeeze3A_1733 = vector.extract %slice3A_1732[0] : i32 from vector<1xi32>
        %multiple_of3A_1734 = tpu.assume_multiple %squeeze3A_1733, 128 : i32
        %dma_start3A_1735 = arith.constant 1 : i32
        %dma_start3A_1736 = arith.constant 0 : i32
        %dma_start3A_1737 = arith.constant 0 : i32
        %dma_start3A_1738 = tpu.memref_slice %arg6[%select_n3A_1677, %dma_start3A_1735, %dma_start3A_1736, %dma_start3A_1737] : memref<3x16x16x128xf32, #tpu.memory_space<vmem>> -> memref<1x1x16x128xf32, #tpu.memory_space<vmem>>
        %dma_start3A_1739 = tpu.memref_squeeze %dma_start3A_1738 : memref<1x1x16x128xf32, #tpu.memory_space<vmem>> -> memref<16x128xf32, #tpu.memory_space<vmem>>
        %dma_start3A_1740 = arith.constant 16 : i32
        %dma_start3A_1741 = tpu.memref_slice %arg2[%dma_start3A_1740, %multiple_of3A_1734] : memref<32x1000000xf32, #tpu.memory_space<hbm>> -> memref<16x128xf32, #tpu.memory_space<hbm>>
        %dma_start3A_1742 = arith.constant 0 : i32
        %dma_start3A_1743 = arith.constant 0 : i32
        %dma_start3A_1744 = tpu.memref_slice %arg6[%select_n3A_1677, %dma_start3A_1735, %dma_start3A_1742, %dma_start3A_1743] : memref<3x16x16x128xf32, #tpu.memory_space<vmem>> -> memref<1x1x16x128xf32, #tpu.memory_space<vmem>>
        %dma_start3A_1745 = tpu.memref_squeeze %dma_start3A_1744 : memref<1x1x16x128xf32, #tpu.memory_space<vmem>> -> memref<16x128xf32, #tpu.memory_space<vmem>>
        %dma_start3A_1746 = arith.constant 16 : i32
        %dma_start3A_1747 = tpu.memref_slice %arg2[%dma_start3A_1746, %multiple_of3A_1734] : memref<32x1000000xf32, #tpu.memory_space<hbm>> -> memref<16x128xf32, #tpu.memory_space<hbm>>
        tpu.enqueue_dma source(%dma_start3A_1747 : memref<16x128xf32, #tpu.memory_space<hbm>>) target(%dma_start3A_1745 : memref<16x128xf32, #tpu.memory_space<vmem>>) target_semaphore(%arg8 : memref<!tpu.dma_semaphore, #tpu.memory_space<semaphore_mem>>)
        %slice3A_1748 = vector.extract_strided_slice %mul3A_1715 {offsets = [2], sizes = [1], strides = [1]} : vector<16xi32> to vector<1xi32>
        %squeeze3A_1749 = vector.extract %slice3A_1748[0] : i32 from vector<1xi32>
        %multiple_of3A_1750 = tpu.assume_multiple %squeeze3A_1749, 128 : i32
        %dma_start3A_1751 = arith.constant 2 : i32
        %dma_start3A_1752 = arith.constant 0 : i32
        %dma_start3A_1753 = arith.constant 0 : i32
        %dma_start3A_1754 = tpu.memref_slice %arg6[%select_n3A_1677, %dma_start3A_1751, %dma_start3A_1752, %dma_start3A_1753] : memref<3x16x16x128xf32, #tpu.memory_space<vmem>> -> memref<1x1x16x128xf32, #tpu.memory_space<vmem>>
        %dma_start3A_1755 = tpu.memref_squeeze %dma_start3A_1754 : memref<1x1x16x128xf32, #tpu.memory_space<vmem>> -> memref<16x128xf32, #tpu.memory_space<vmem>>
        %dma_start3A_1756 = arith.constant 16 : i32
        %dma_start3A_1757 = tpu.memref_slice %arg2[%dma_start3A_1756, %multiple_of3A_1750] : memref<32x1000000xf32, #tpu.memory_space<hbm>> -> memref<16x128xf32, #tpu.memory_space<hbm>>
        %dma_start3A_1758 = arith.constant 0 : i32
        %dma_start3A_1759 = arith.constant 0 : i32
        %dma_start3A_1760 = tpu.memref_slice %arg6[%select_n3A_1677, %dma_start3A_1751, %dma_start3A_1758, %dma_start3A_1759] : memref<3x16x16x128xf32, #tpu.memory_space<vmem>> -> memref<1x1x16x128xf32, #tpu.memory_space<vmem>>
        %dma_start3A_1761 = tpu.memref_squeeze %dma_start3A_1760 : memref<1x1x16x128xf32, #tpu.memory_space<vmem>> -> memref<16x128xf32, #tpu.memory_space<vmem>>
        %dma_start3A_1762 = arith.constant 16 : i32
        %dma_start3A_1763 = tpu.memref_slice %arg2[%dma_start3A_1762, %multiple_of3A_1750] : memref<32x1000000xf32, #tpu.memory_space<hbm>> -> memref<16x128xf32, #tpu.memory_space<hbm>>
        tpu.enqueue_dma source(%dma_start3A_1763 : memref<16x128xf32, #tpu.memory_space<hbm>>) target(%dma_start3A_1761 : memref<16x128xf32, #tpu.memory_space<vmem>>) target_semaphore(%arg8 : memref<!tpu.dma_semaphore, #tpu.memory_space<semaphore_mem>>)
        %slice3A_1764 = vector.extract_strided_slice %mul3A_1715 {offsets = [3], sizes = [1], strides = [1]} : vector<16xi32> to vector<1xi32>
        %squeeze3A_1765 = vector.extract %slice3A_1764[0] : i32 from vector<1xi32>
        %multiple_of3A_1766 = tpu.assume_multiple %squeeze3A_1765, 128 : i32
        %dma_start3A_1767 = arith.constant 3 : i32
        %dma_start3A_1768 = arith.constant 0 : i32
        %dma_start3A_1769 = arith.constant 0 : i32
        %dma_start3A_1770 = tpu.memref_slice %arg6[%select_n3A_1677, %dma_start3A_1767, %dma_start3A_1768, %dma_start3A_1769] : memref<3x16x16x128xf32, #tpu.memory_space<vmem>> -> memref<1x1x16x128xf32, #tpu.memory_space<vmem>>
        %dma_start3A_1771 = tpu.memref_squeeze %dma_start3A_1770 : memref<1x1x16x128xf32, #tpu.memory_space<vmem>> -> memref<16x128xf32, #tpu.memory_space<vmem>>
        %dma_start3A_1772 = arith.constant 16 : i32
        %dma_start3A_1773 = tpu.memref_slice %arg2[%dma_start3A_1772, %multiple_of3A_1766] : memref<32x1000000xf32, #tpu.memory_space<hbm>> -> memref<16x128xf32, #tpu.memory_space<hbm>>
        %dma_start3A_1774 = arith.constant 0 : i32
        %dma_start3A_1775 = arith.constant 0 : i32
        %dma_start3A_1776 = tpu.memref_slice %arg6[%select_n3A_1677, %dma_start3A_1767, %dma_start3A_1774, %dma_start3A_1775] : memref<3x16x16x128xf32, #tpu.memory_space<vmem>> -> memref<1x1x16x128xf32, #tpu.memory_space<vmem>>
        %dma_start3A_1777 = tpu.memref_squeeze %dma_start3A_1776 : memref<1x1x16x128xf32, #tpu.memory_space<vmem>> -> memref<16x128xf32, #tpu.memory_space<vmem>>
        %dma_start3A_1778 = arith.constant 16 : i32
        %dma_start3A_1779 = tpu.memref_slice %arg2[%dma_start3A_1778, %multiple_of3A_1766] : memref<32x1000000xf32, #tpu.memory_space<hbm>> -> memref<16x128xf32, #tpu.memory_space<hbm>>
        tpu.enqueue_dma source(%dma_start3A_1779 : memref<16x128xf32, #tpu.memory_space<hbm>>) target(%dma_start3A_1777 : memref<16x128xf32, #tpu.memory_space<vmem>>) target_semaphore(%arg8 : memref<!tpu.dma_semaphore, #tpu.memory_space<semaphore_mem>>)
        %slice3A_1780 = vector.extract_strided_slice %mul3A_1715 {offsets = [4], sizes = [1], strides = [1]} : vector<16xi32> to vector<1xi32>
        %squeeze3A_1781 = vector.extract %slice3A_1780[0] : i32 from vector<1xi32>
        %multiple_of3A_1782 = tpu.assume_multiple %squeeze3A_1781, 128 : i32
        %dma_start3A_1783 = arith.constant 4 : i32
        %dma_start3A_1784 = arith.constant 0 : i32
        %dma_start3A_1785 = arith.constant 0 : i32
        %dma_start3A_1786 = tpu.memref_slice %arg6[%select_n3A_1677, %dma_start3A_1783, %dma_start3A_1784, %dma_start3A_1785] : memref<3x16x16x128xf32, #tpu.memory_space<vmem>> -> memref<1x1x16x128xf32, #tpu.memory_space<vmem>>
        %dma_start3A_1787 = tpu.memref_squeeze %dma_start3A_1786 : memref<1x1x16x128xf32, #tpu.memory_space<vmem>> -> memref<16x128xf32, #tpu.memory_space<vmem>>
        %dma_start3A_1788 = arith.constant 16 : i32
        %dma_start3A_1789 = tpu.memref_slice %arg2[%dma_start3A_1788, %multiple_of3A_1782] : memref<32x1000000xf32, #tpu.memory_space<hbm>> -> memref<16x128xf32, #tpu.memory_space<hbm>>
        %dma_start3A_1790 = arith.constant 0 : i32
        %dma_start3A_1791 = arith.constant 0 : i32
        %dma_start3A_1792 = tpu.memref_slice %arg6[%select_n3A_1677, %dma_start3A_1783, %dma_start3A_1790, %dma_start3A_1791] : memref<3x16x16x128xf32, #tpu.memory_space<vmem>> -> memref<1x1x16x128xf32, #tpu.memory_space<vmem>>
        %dma_start3A_1793 = tpu.memref_squeeze %dma_start3A_1792 : memref<1x1x16x128xf32, #tpu.memory_space<vmem>> -> memref<16x128xf32, #tpu.memory_space<vmem>>
        %dma_start3A_1794 = arith.constant 16 : i32
        %dma_start3A_1795 = tpu.memref_slice %arg2[%dma_start3A_1794, %multiple_of3A_1782] : memref<32x1000000xf32, #tpu.memory_space<hbm>> -> memref<16x128xf32, #tpu.memory_space<hbm>>
        tpu.enqueue_dma source(%dma_start3A_1795 : memref<16x128xf32, #tpu.memory_space<hbm>>) target(%dma_start3A_1793 : memref<16x128xf32, #tpu.memory_space<vmem>>) target_semaphore(%arg8 : memref<!tpu.dma_semaphore, #tpu.memory_space<semaphore_mem>>)
        %slice3A_1796 = vector.extract_strided_slice %mul3A_1715 {offsets = [5], sizes = [1], strides = [1]} : vector<16xi32> to vector<1xi32>
        %squeeze3A_1797 = vector.extract %slice3A_1796[0] : i32 from vector<1xi32>
        %multiple_of3A_1798 = tpu.assume_multiple %squeeze3A_1797, 128 : i32
        %dma_start3A_1799 = arith.constant 5 : i32
        %dma_start3A_1800 = arith.constant 0 : i32
        %dma_start3A_1801 = arith.constant 0 : i32
        %dma_start3A_1802 = tpu.memref_slice %arg6[%select_n3A_1677, %dma_start3A_1799, %dma_start3A_1800, %dma_start3A_1801] : memref<3x16x16x128xf32, #tpu.memory_space<vmem>> -> memref<1x1x16x128xf32, #tpu.memory_space<vmem>>
        %dma_start3A_1803 = tpu.memref_squeeze %dma_start3A_1802 : memref<1x1x16x128xf32, #tpu.memory_space<vmem>> -> memref<16x128xf32, #tpu.memory_space<vmem>>
        %dma_start3A_1804 = arith.constant 16 : i32
        %dma_start3A_1805 = tpu.memref_slice %arg2[%dma_start3A_1804, %multiple_of3A_1798] : memref<32x1000000xf32, #tpu.memory_space<hbm>> -> memref<16x128xf32, #tpu.memory_space<hbm>>
        %dma_start3A_1806 = arith.constant 0 : i32
        %dma_start3A_1807 = arith.constant 0 : i32
        %dma_start3A_1808 = tpu.memref_slice %arg6[%select_n3A_1677, %dma_start3A_1799, %dma_start3A_1806, %dma_start3A_1807] : memref<3x16x16x128xf32, #tpu.memory_space<vmem>> -> memref<1x1x16x128xf32, #tpu.memory_space<vmem>>
        %dma_start3A_1809 = tpu.memref_squeeze %dma_start3A_1808 : memref<1x1x16x128xf32, #tpu.memory_space<vmem>> -> memref<16x128xf32, #tpu.memory_space<vmem>>
        %dma_start3A_1810 = arith.constant 16 : i32
        %dma_start3A_1811 = tpu.memref_slice %arg2[%dma_start3A_1810, %multiple_of3A_1798] : memref<32x1000000xf32, #tpu.memory_space<hbm>> -> memref<16x128xf32, #tpu.memory_space<hbm>>
        tpu.enqueue_dma source(%dma_start3A_1811 : memref<16x128xf32, #tpu.memory_space<hbm>>) target(%dma_start3A_1809 : memref<16x128xf32, #tpu.memory_space<vmem>>) target_semaphore(%arg8 : memref<!tpu.dma_semaphore, #tpu.memory_space<semaphore_mem>>)
        %slice3A_1812 = vector.extract_strided_slice %mul3A_1715 {offsets = [6], sizes = [1], strides = [1]} : vector<16xi32> to vector<1xi32>
        %squeeze3A_1813 = vector.extract %slice3A_1812[0] : i32 from vector<1xi32>
        %multiple_of3A_1814 = tpu.assume_multiple %squeeze3A_1813, 128 : i32
        %dma_start3A_1815 = arith.constant 6 : i32
        %dma_start3A_1816 = arith.constant 0 : i32
        %dma_start3A_1817 = arith.constant 0 : i32
        %dma_start3A_1818 = tpu.memref_slice %arg6[%select_n3A_1677, %dma_start3A_1815, %dma_start3A_1816, %dma_start3A_1817] : memref<3x16x16x128xf32, #tpu.memory_space<vmem>> -> memref<1x1x16x128xf32, #tpu.memory_space<vmem>>
        %dma_start3A_1819 = tpu.memref_squeeze %dma_start3A_1818 : memref<1x1x16x128xf32, #tpu.memory_space<vmem>> -> memref<16x128xf32, #tpu.memory_space<vmem>>
        %dma_start3A_1820 = arith.constant 16 : i32
        %dma_start3A_1821 = tpu.memref_slice %arg2[%dma_start3A_1820, %multiple_of3A_1814] : memref<32x1000000xf32, #tpu.memory_space<hbm>> -> memref<16x128xf32, #tpu.memory_space<hbm>>
        %dma_start3A_1822 = arith.constant 0 : i32
        %dma_start3A_1823 = arith.constant 0 : i32
        %dma_start3A_1824 = tpu.memref_slice %arg6[%select_n3A_1677, %dma_start3A_1815, %dma_start3A_1822, %dma_start3A_1823] : memref<3x16x16x128xf32, #tpu.memory_space<vmem>> -> memref<1x1x16x128xf32, #tpu.memory_space<vmem>>
        %dma_start3A_1825 = tpu.memref_squeeze %dma_start3A_1824 : memref<1x1x16x128xf32, #tpu.memory_space<vmem>> -> memref<16x128xf32, #tpu.memory_space<vmem>>
        %dma_start3A_1826 = arith.constant 16 : i32
        %dma_start3A_1827 = tpu.memref_slice %arg2[%dma_start3A_1826, %multiple_of3A_1814] : memref<32x1000000xf32, #tpu.memory_space<hbm>> -> memref<16x128xf32, #tpu.memory_space<hbm>>
        tpu.enqueue_dma source(%dma_start3A_1827 : memref<16x128xf32, #tpu.memory_space<hbm>>) target(%dma_start3A_1825 : memref<16x128xf32, #tpu.memory_space<vmem>>) target_semaphore(%arg8 : memref<!tpu.dma_semaphore, #tpu.memory_space<semaphore_mem>>)
        %slice3A_1828 = vector.extract_strided_slice %mul3A_1715 {offsets = [7], sizes = [1], strides = [1]} : vector<16xi32> to vector<1xi32>
        %squeeze3A_1829 = vector.extract %slice3A_1828[0] : i32 from vector<1xi32>
        %multiple_of3A_1830 = tpu.assume_multiple %squeeze3A_1829, 128 : i32
        %dma_start3A_1831 = arith.constant 7 : i32
        %dma_start3A_1832 = arith.constant 0 : i32
        %dma_start3A_1833 = arith.constant 0 : i32
        %dma_start3A_1834 = tpu.memref_slice %arg6[%select_n3A_1677, %dma_start3A_1831, %dma_start3A_1832, %dma_start3A_1833] : memref<3x16x16x128xf32, #tpu.memory_space<vmem>> -> memref<1x1x16x128xf32, #tpu.memory_space<vmem>>
        %dma_start3A_1835 = tpu.memref_squeeze %dma_start3A_1834 : memref<1x1x16x128xf32, #tpu.memory_space<vmem>> -> memref<16x128xf32, #tpu.memory_space<vmem>>
        %dma_start3A_1836 = arith.constant 16 : i32
        %dma_start3A_1837 = tpu.memref_slice %arg2[%dma_start3A_1836, %multiple_of3A_1830] : memref<32x1000000xf32, #tpu.memory_space<hbm>> -> memref<16x128xf32, #tpu.memory_space<hbm>>
        %dma_start3A_1838 = arith.constant 0 : i32
        %dma_start3A_1839 = arith.constant 0 : i32
        %dma_start3A_1840 = tpu.memref_slice %arg6[%select_n3A_1677, %dma_start3A_1831, %dma_start3A_1838, %dma_start3A_1839] : memref<3x16x16x128xf32, #tpu.memory_space<vmem>> -> memref<1x1x16x128xf32, #tpu.memory_space<vmem>>
        %dma_start3A_1841 = tpu.memref_squeeze %dma_start3A_1840 : memref<1x1x16x128xf32, #tpu.memory_space<vmem>> -> memref<16x128xf32, #tpu.memory_space<vmem>>
        %dma_start3A_1842 = arith.constant 16 : i32
        %dma_start3A_1843 = tpu.memref_slice %arg2[%dma_start3A_1842, %multiple_of3A_1830] : memref<32x1000000xf32, #tpu.memory_space<hbm>> -> memref<16x128xf32, #tpu.memory_space<hbm>>
        tpu.enqueue_dma source(%dma_start3A_1843 : memref<16x128xf32, #tpu.memory_space<hbm>>) target(%dma_start3A_1841 : memref<16x128xf32, #tpu.memory_space<vmem>>) target_semaphore(%arg8 : memref<!tpu.dma_semaphore, #tpu.memory_space<semaphore_mem>>)
        %slice3A_1844 = vector.extract_strided_slice %mul3A_1715 {offsets = [8], sizes = [1], strides = [1]} : vector<16xi32> to vector<1xi32>
        %squeeze3A_1845 = vector.extract %slice3A_1844[0] : i32 from vector<1xi32>
        %multiple_of3A_1846 = tpu.assume_multiple %squeeze3A_1845, 128 : i32
        %dma_start3A_1847 = arith.constant 8 : i32
        %dma_start3A_1848 = arith.constant 0 : i32
        %dma_start3A_1849 = arith.constant 0 : i32
        %dma_start3A_1850 = tpu.memref_slice %arg6[%select_n3A_1677, %dma_start3A_1847, %dma_start3A_1848, %dma_start3A_1849] : memref<3x16x16x128xf32, #tpu.memory_space<vmem>> -> memref<1x1x16x128xf32, #tpu.memory_space<vmem>>
        %dma_start3A_1851 = tpu.memref_squeeze %dma_start3A_1850 : memref<1x1x16x128xf32, #tpu.memory_space<vmem>> -> memref<16x128xf32, #tpu.memory_space<vmem>>
        %dma_start3A_1852 = arith.constant 16 : i32
        %dma_start3A_1853 = tpu.memref_slice %arg2[%dma_start3A_1852, %multiple_of3A_1846] : memref<32x1000000xf32, #tpu.memory_space<hbm>> -> memref<16x128xf32, #tpu.memory_space<hbm>>
        %dma_start3A_1854 = arith.constant 0 : i32
        %dma_start3A_1855 = arith.constant 0 : i32
        %dma_start3A_1856 = tpu.memref_slice %arg6[%select_n3A_1677, %dma_start3A_1847, %dma_start3A_1854, %dma_start3A_1855] : memref<3x16x16x128xf32, #tpu.memory_space<vmem>> -> memref<1x1x16x128xf32, #tpu.memory_space<vmem>>
        %dma_start3A_1857 = tpu.memref_squeeze %dma_start3A_1856 : memref<1x1x16x128xf32, #tpu.memory_space<vmem>> -> memref<16x128xf32, #tpu.memory_space<vmem>>
        %dma_start3A_1858 = arith.constant 16 : i32
        %dma_start3A_1859 = tpu.memref_slice %arg2[%dma_start3A_1858, %multiple_of3A_1846] : memref<32x1000000xf32, #tpu.memory_space<hbm>> -> memref<16x128xf32, #tpu.memory_space<hbm>>
        tpu.enqueue_dma source(%dma_start3A_1859 : memref<16x128xf32, #tpu.memory_space<hbm>>) target(%dma_start3A_1857 : memref<16x128xf32, #tpu.memory_space<vmem>>) target_semaphore(%arg8 : memref<!tpu.dma_semaphore, #tpu.memory_space<semaphore_mem>>)
        %slice3A_1860 = vector.extract_strided_slice %mul3A_1715 {offsets = [9], sizes = [1], strides = [1]} : vector<16xi32> to vector<1xi32>
        %squeeze3A_1861 = vector.extract %slice3A_1860[0] : i32 from vector<1xi32>
        %multiple_of3A_1862 = tpu.assume_multiple %squeeze3A_1861, 128 : i32
        %dma_start3A_1863 = arith.constant 9 : i32
        %dma_start3A_1864 = arith.constant 0 : i32
        %dma_start3A_1865 = arith.constant 0 : i32
        %dma_start3A_1866 = tpu.memref_slice %arg6[%select_n3A_1677, %dma_start3A_1863, %dma_start3A_1864, %dma_start3A_1865] : memref<3x16x16x128xf32, #tpu.memory_space<vmem>> -> memref<1x1x16x128xf32, #tpu.memory_space<vmem>>
        %dma_start3A_1867 = tpu.memref_squeeze %dma_start3A_1866 : memref<1x1x16x128xf32, #tpu.memory_space<vmem>> -> memref<16x128xf32, #tpu.memory_space<vmem>>
        %dma_start3A_1868 = arith.constant 16 : i32
        %dma_start3A_1869 = tpu.memref_slice %arg2[%dma_start3A_1868, %multiple_of3A_1862] : memref<32x1000000xf32, #tpu.memory_space<hbm>> -> memref<16x128xf32, #tpu.memory_space<hbm>>
        %dma_start3A_1870 = arith.constant 0 : i32
        %dma_start3A_1871 = arith.constant 0 : i32
        %dma_start3A_1872 = tpu.memref_slice %arg6[%select_n3A_1677, %dma_start3A_1863, %dma_start3A_1870, %dma_start3A_1871] : memref<3x16x16x128xf32, #tpu.memory_space<vmem>> -> memref<1x1x16x128xf32, #tpu.memory_space<vmem>>
        %dma_start3A_1873 = tpu.memref_squeeze %dma_start3A_1872 : memref<1x1x16x128xf32, #tpu.memory_space<vmem>> -> memref<16x128xf32, #tpu.memory_space<vmem>>
        %dma_start3A_1874 = arith.constant 16 : i32
        %dma_start3A_1875 = tpu.memref_slice %arg2[%dma_start3A_1874, %multiple_of3A_1862] : memref<32x1000000xf32, #tpu.memory_space<hbm>> -> memref<16x128xf32, #tpu.memory_space<hbm>>
        tpu.enqueue_dma source(%dma_start3A_1875 : memref<16x128xf32, #tpu.memory_space<hbm>>) target(%dma_start3A_1873 : memref<16x128xf32, #tpu.memory_space<vmem>>) target_semaphore(%arg8 : memref<!tpu.dma_semaphore, #tpu.memory_space<semaphore_mem>>)
        %slice3A_1876 = vector.extract_strided_slice %mul3A_1715 {offsets = [10], sizes = [1], strides = [1]} : vector<16xi32> to vector<1xi32>
        %squeeze3A_1877 = vector.extract %slice3A_1876[0] : i32 from vector<1xi32>
        %multiple_of3A_1878 = tpu.assume_multiple %squeeze3A_1877, 128 : i32
        %dma_start3A_1879 = arith.constant 10 : i32
        %dma_start3A_1880 = arith.constant 0 : i32
        %dma_start3A_1881 = arith.constant 0 : i32
        %dma_start3A_1882 = tpu.memref_slice %arg6[%select_n3A_1677, %dma_start3A_1879, %dma_start3A_1880, %dma_start3A_1881] : memref<3x16x16x128xf32, #tpu.memory_space<vmem>> -> memref<1x1x16x128xf32, #tpu.memory_space<vmem>>
        %dma_start3A_1883 = tpu.memref_squeeze %dma_start3A_1882 : memref<1x1x16x128xf32, #tpu.memory_space<vmem>> -> memref<16x128xf32, #tpu.memory_space<vmem>>
        %dma_start3A_1884 = arith.constant 16 : i32
        %dma_start3A_1885 = tpu.memref_slice %arg2[%dma_start3A_1884, %multiple_of3A_1878] : memref<32x1000000xf32, #tpu.memory_space<hbm>> -> memref<16x128xf32, #tpu.memory_space<hbm>>
        %dma_start3A_1886 = arith.constant 0 : i32
        %dma_start3A_1887 = arith.constant 0 : i32
        %dma_start3A_1888 = tpu.memref_slice %arg6[%select_n3A_1677, %dma_start3A_1879, %dma_start3A_1886, %dma_start3A_1887] : memref<3x16x16x128xf32, #tpu.memory_space<vmem>> -> memref<1x1x16x128xf32, #tpu.memory_space<vmem>>
        %dma_start3A_1889 = tpu.memref_squeeze %dma_start3A_1888 : memref<1x1x16x128xf32, #tpu.memory_space<vmem>> -> memref<16x128xf32, #tpu.memory_space<vmem>>
        %dma_start3A_1890 = arith.constant 16 : i32
        %dma_start3A_1891 = tpu.memref_slice %arg2[%dma_start3A_1890, %multiple_of3A_1878] : memref<32x1000000xf32, #tpu.memory_space<hbm>> -> memref<16x128xf32, #tpu.memory_space<hbm>>
        tpu.enqueue_dma source(%dma_start3A_1891 : memref<16x128xf32, #tpu.memory_space<hbm>>) target(%dma_start3A_1889 : memref<16x128xf32, #tpu.memory_space<vmem>>) target_semaphore(%arg8 : memref<!tpu.dma_semaphore, #tpu.memory_space<semaphore_mem>>)
        %slice3A_1892 = vector.extract_strided_slice %mul3A_1715 {offsets = [11], sizes = [1], strides = [1]} : vector<16xi32> to vector<1xi32>
        %squeeze3A_1893 = vector.extract %slice3A_1892[0] : i32 from vector<1xi32>
        %multiple_of3A_1894 = tpu.assume_multiple %squeeze3A_1893, 128 : i32
        %dma_start3A_1895 = arith.constant 11 : i32
        %dma_start3A_1896 = arith.constant 0 : i32
        %dma_start3A_1897 = arith.constant 0 : i32
        %dma_start3A_1898 = tpu.memref_slice %arg6[%select_n3A_1677, %dma_start3A_1895, %dma_start3A_1896, %dma_start3A_1897] : memref<3x16x16x128xf32, #tpu.memory_space<vmem>> -> memref<1x1x16x128xf32, #tpu.memory_space<vmem>>
        %dma_start3A_1899 = tpu.memref_squeeze %dma_start3A_1898 : memref<1x1x16x128xf32, #tpu.memory_space<vmem>> -> memref<16x128xf32, #tpu.memory_space<vmem>>
        %dma_start3A_1900 = arith.constant 16 : i32
        %dma_start3A_1901 = tpu.memref_slice %arg2[%dma_start3A_1900, %multiple_of3A_1894] : memref<32x1000000xf32, #tpu.memory_space<hbm>> -> memref<16x128xf32, #tpu.memory_space<hbm>>
        %dma_start3A_1902 = arith.constant 0 : i32
        %dma_start3A_1903 = arith.constant 0 : i32
        %dma_start3A_1904 = tpu.memref_slice %arg6[%select_n3A_1677, %dma_start3A_1895, %dma_start3A_1902, %dma_start3A_1903] : memref<3x16x16x128xf32, #tpu.memory_space<vmem>> -> memref<1x1x16x128xf32, #tpu.memory_space<vmem>>
        %dma_start3A_1905 = tpu.memref_squeeze %dma_start3A_1904 : memref<1x1x16x128xf32, #tpu.memory_space<vmem>> -> memref<16x128xf32, #tpu.memory_space<vmem>>
        %dma_start3A_1906 = arith.constant 16 : i32
        %dma_start3A_1907 = tpu.memref_slice %arg2[%dma_start3A_1906, %multiple_of3A_1894] : memref<32x1000000xf32, #tpu.memory_space<hbm>> -> memref<16x128xf32, #tpu.memory_space<hbm>>
        tpu.enqueue_dma source(%dma_start3A_1907 : memref<16x128xf32, #tpu.memory_space<hbm>>) target(%dma_start3A_1905 : memref<16x128xf32, #tpu.memory_space<vmem>>) target_semaphore(%arg8 : memref<!tpu.dma_semaphore, #tpu.memory_space<semaphore_mem>>)
        %slice3A_1908 = vector.extract_strided_slice %mul3A_1715 {offsets = [12], sizes = [1], strides = [1]} : vector<16xi32> to vector<1xi32>
        %squeeze3A_1909 = vector.extract %slice3A_1908[0] : i32 from vector<1xi32>
        %multiple_of3A_1910 = tpu.assume_multiple %squeeze3A_1909, 128 : i32
        %dma_start3A_1911 = arith.constant 12 : i32
        %dma_start3A_1912 = arith.constant 0 : i32
        %dma_start3A_1913 = arith.constant 0 : i32
        %dma_start3A_1914 = tpu.memref_slice %arg6[%select_n3A_1677, %dma_start3A_1911, %dma_start3A_1912, %dma_start3A_1913] : memref<3x16x16x128xf32, #tpu.memory_space<vmem>> -> memref<1x1x16x128xf32, #tpu.memory_space<vmem>>
        %dma_start3A_1915 = tpu.memref_squeeze %dma_start3A_1914 : memref<1x1x16x128xf32, #tpu.memory_space<vmem>> -> memref<16x128xf32, #tpu.memory_space<vmem>>
        %dma_start3A_1916 = arith.constant 16 : i32
        %dma_start3A_1917 = tpu.memref_slice %arg2[%dma_start3A_1916, %multiple_of3A_1910] : memref<32x1000000xf32, #tpu.memory_space<hbm>> -> memref<16x128xf32, #tpu.memory_space<hbm>>
        %dma_start3A_1918 = arith.constant 0 : i32
        %dma_start3A_1919 = arith.constant 0 : i32
        %dma_start3A_1920 = tpu.memref_slice %arg6[%select_n3A_1677, %dma_start3A_1911, %dma_start3A_1918, %dma_start3A_1919] : memref<3x16x16x128xf32, #tpu.memory_space<vmem>> -> memref<1x1x16x128xf32, #tpu.memory_space<vmem>>
        %dma_start3A_1921 = tpu.memref_squeeze %dma_start3A_1920 : memref<1x1x16x128xf32, #tpu.memory_space<vmem>> -> memref<16x128xf32, #tpu.memory_space<vmem>>
        %dma_start3A_1922 = arith.constant 16 : i32
        %dma_start3A_1923 = tpu.memref_slice %arg2[%dma_start3A_1922, %multiple_of3A_1910] : memref<32x1000000xf32, #tpu.memory_space<hbm>> -> memref<16x128xf32, #tpu.memory_space<hbm>>
        tpu.enqueue_dma source(%dma_start3A_1923 : memref<16x128xf32, #tpu.memory_space<hbm>>) target(%dma_start3A_1921 : memref<16x128xf32, #tpu.memory_space<vmem>>) target_semaphore(%arg8 : memref<!tpu.dma_semaphore, #tpu.memory_space<semaphore_mem>>)
        %slice3A_1924 = vector.extract_strided_slice %mul3A_1715 {offsets = [13], sizes = [1], strides = [1]} : vector<16xi32> to vector<1xi32>
        %squeeze3A_1925 = vector.extract %slice3A_1924[0] : i32 from vector<1xi32>
        %multiple_of3A_1926 = tpu.assume_multiple %squeeze3A_1925, 128 : i32
        %dma_start3A_1927 = arith.constant 13 : i32
        %dma_start3A_1928 = arith.constant 0 : i32
        %dma_start3A_1929 = arith.constant 0 : i32
        %dma_start3A_1930 = tpu.memref_slice %arg6[%select_n3A_1677, %dma_start3A_1927, %dma_start3A_1928, %dma_start3A_1929] : memref<3x16x16x128xf32, #tpu.memory_space<vmem>> -> memref<1x1x16x128xf32, #tpu.memory_space<vmem>>
        %dma_start3A_1931 = tpu.memref_squeeze %dma_start3A_1930 : memref<1x1x16x128xf32, #tpu.memory_space<vmem>> -> memref<16x128xf32, #tpu.memory_space<vmem>>
        %dma_start3A_1932 = arith.constant 16 : i32
        %dma_start3A_1933 = tpu.memref_slice %arg2[%dma_start3A_1932, %multiple_of3A_1926] : memref<32x1000000xf32, #tpu.memory_space<hbm>> -> memref<16x128xf32, #tpu.memory_space<hbm>>
        %dma_start3A_1934 = arith.constant 0 : i32
        %dma_start3A_1935 = arith.constant 0 : i32
        %dma_start3A_1936 = tpu.memref_slice %arg6[%select_n3A_1677, %dma_start3A_1927, %dma_start3A_1934, %dma_start3A_1935] : memref<3x16x16x128xf32, #tpu.memory_space<vmem>> -> memref<1x1x16x128xf32, #tpu.memory_space<vmem>>
        %dma_start3A_1937 = tpu.memref_squeeze %dma_start3A_1936 : memref<1x1x16x128xf32, #tpu.memory_space<vmem>> -> memref<16x128xf32, #tpu.memory_space<vmem>>
        %dma_start3A_1938 = arith.constant 16 : i32
        %dma_start3A_1939 = tpu.memref_slice %arg2[%dma_start3A_1938, %multiple_of3A_1926] : memref<32x1000000xf32, #tpu.memory_space<hbm>> -> memref<16x128xf32, #tpu.memory_space<hbm>>
        tpu.enqueue_dma source(%dma_start3A_1939 : memref<16x128xf32, #tpu.memory_space<hbm>>) target(%dma_start3A_1937 : memref<16x128xf32, #tpu.memory_space<vmem>>) target_semaphore(%arg8 : memref<!tpu.dma_semaphore, #tpu.memory_space<semaphore_mem>>)
        %slice3A_1940 = vector.extract_strided_slice %mul3A_1715 {offsets = [14], sizes = [1], strides = [1]} : vector<16xi32> to vector<1xi32>
        %squeeze3A_1941 = vector.extract %slice3A_1940[0] : i32 from vector<1xi32>
        %multiple_of3A_1942 = tpu.assume_multiple %squeeze3A_1941, 128 : i32
        %dma_start3A_1943 = arith.constant 14 : i32
        %dma_start3A_1944 = arith.constant 0 : i32
        %dma_start3A_1945 = arith.constant 0 : i32
        %dma_start3A_1946 = tpu.memref_slice %arg6[%select_n3A_1677, %dma_start3A_1943, %dma_start3A_1944, %dma_start3A_1945] : memref<3x16x16x128xf32, #tpu.memory_space<vmem>> -> memref<1x1x16x128xf32, #tpu.memory_space<vmem>>
        %dma_start3A_1947 = tpu.memref_squeeze %dma_start3A_1946 : memref<1x1x16x128xf32, #tpu.memory_space<vmem>> -> memref<16x128xf32, #tpu.memory_space<vmem>>
        %dma_start3A_1948 = arith.constant 16 : i32
        %dma_start3A_1949 = tpu.memref_slice %arg2[%dma_start3A_1948, %multiple_of3A_1942] : memref<32x1000000xf32, #tpu.memory_space<hbm>> -> memref<16x128xf32, #tpu.memory_space<hbm>>
        %dma_start3A_1950 = arith.constant 0 : i32
        %dma_start3A_1951 = arith.constant 0 : i32
        %dma_start3A_1952 = tpu.memref_slice %arg6[%select_n3A_1677, %dma_start3A_1943, %dma_start3A_1950, %dma_start3A_1951] : memref<3x16x16x128xf32, #tpu.memory_space<vmem>> -> memref<1x1x16x128xf32, #tpu.memory_space<vmem>>
        %dma_start3A_1953 = tpu.memref_squeeze %dma_start3A_1952 : memref<1x1x16x128xf32, #tpu.memory_space<vmem>> -> memref<16x128xf32, #tpu.memory_space<vmem>>
        %dma_start3A_1954 = arith.constant 16 : i32
        %dma_start3A_1955 = tpu.memref_slice %arg2[%dma_start3A_1954, %multiple_of3A_1942] : memref<32x1000000xf32, #tpu.memory_space<hbm>> -> memref<16x128xf32, #tpu.memory_space<hbm>>
        tpu.enqueue_dma source(%dma_start3A_1955 : memref<16x128xf32, #tpu.memory_space<hbm>>) target(%dma_start3A_1953 : memref<16x128xf32, #tpu.memory_space<vmem>>) target_semaphore(%arg8 : memref<!tpu.dma_semaphore, #tpu.memory_space<semaphore_mem>>)
        %slice3A_1956 = vector.extract_strided_slice %mul3A_1715 {offsets = [15], sizes = [1], strides = [1]} : vector<16xi32> to vector<1xi32>
        %squeeze3A_1957 = vector.extract %slice3A_1956[0] : i32 from vector<1xi32>
        %multiple_of3A_1958 = tpu.assume_multiple %squeeze3A_1957, 128 : i32
        %dma_start3A_1959 = arith.constant 15 : i32
        %dma_start3A_1960 = arith.constant 0 : i32
        %dma_start3A_1961 = arith.constant 0 : i32
        %dma_start3A_1962 = tpu.memref_slice %arg6[%select_n3A_1677, %dma_start3A_1959, %dma_start3A_1960, %dma_start3A_1961] : memref<3x16x16x128xf32, #tpu.memory_space<vmem>> -> memref<1x1x16x128xf32, #tpu.memory_space<vmem>>
        %dma_start3A_1963 = tpu.memref_squeeze %dma_start3A_1962 : memref<1x1x16x128xf32, #tpu.memory_space<vmem>> -> memref<16x128xf32, #tpu.memory_space<vmem>>
        %dma_start3A_1964 = arith.constant 16 : i32
        %dma_start3A_1965 = tpu.memref_slice %arg2[%dma_start3A_1964, %multiple_of3A_1958] : memref<32x1000000xf32, #tpu.memory_space<hbm>> -> memref<16x128xf32, #tpu.memory_space<hbm>>
        %dma_start3A_1966 = arith.constant 0 : i32
        %dma_start3A_1967 = arith.constant 0 : i32
        %dma_start3A_1968 = tpu.memref_slice %arg6[%select_n3A_1677, %dma_start3A_1959, %dma_start3A_1966, %dma_start3A_1967] : memref<3x16x16x128xf32, #tpu.memory_space<vmem>> -> memref<1x1x16x128xf32, #tpu.memory_space<vmem>>
        %dma_start3A_1969 = tpu.memref_squeeze %dma_start3A_1968 : memref<1x1x16x128xf32, #tpu.memory_space<vmem>> -> memref<16x128xf32, #tpu.memory_space<vmem>>
        %dma_start3A_1970 = arith.constant 16 : i32
        %dma_start3A_1971 = tpu.memref_slice %arg2[%dma_start3A_1970, %multiple_of3A_1958] : memref<32x1000000xf32, #tpu.memory_space<hbm>> -> memref<16x128xf32, #tpu.memory_space<hbm>>
        tpu.enqueue_dma source(%dma_start3A_1971 : memref<16x128xf32, #tpu.memory_space<hbm>>) target(%dma_start3A_1969 : memref<16x128xf32, #tpu.memory_space<vmem>>) target_semaphore(%arg8 : memref<!tpu.dma_semaphore, #tpu.memory_space<semaphore_mem>>)
      } else {
      }
      %jit3A_1238 = arith.constant 3 : i32
      %eq3A = arith.constant 0 : i32
      %eq3A_1239 = arith.cmpi eq, %jit3A_1238, %eq3A : i32
      %jit3A_1240 = arith.constant 1 : i32
      %select_n3A_1241 = arith.select %eq3A_1239, %jit3A_1240, %jit3A_1238 : i32
      %rem3A_1242 = arith.remsi %scan3A_1233, %select_n3A_1241 : i32
      %ne3A_1243 = arith.constant 0 : i32
      %ne3A_1244 = arith.cmpi ne, %rem3A_1242, %ne3A_1243 : i32
      %lt3A_1245 = arith.constant 0 : i32
      %lt3A_1246 = arith.cmpi slt, %rem3A_1242, %lt3A_1245 : i32
      %lt3A_1247 = arith.constant 0 : i32
      %lt3A_1248 = arith.cmpi slt, %select_n3A_1241, %lt3A_1247 : i32
      %ne3A_1249 = arith.xori %lt3A_1246, %lt3A_1248 : i1
      %and3A_1250 = arith.andi %ne3A_1249, %ne3A_1244 : i1
      %add3A_1251 = arith.addi %rem3A_1242, %select_n3A_1241 : i32
      %select_n3A_1252 = arith.select %and3A_1250, %add3A_1251, %rem3A_1242 : i32
      %dma_wait3A = arith.constant 0 : i32
      %dma_wait3A_1253 = arith.constant 0 : i32
      %dma_wait3A_1254 = arith.constant 0 : i32
      %dma_wait3A_1255 = tpu.memref_slice %arg6[%select_n3A_1252, %dma_wait3A, %dma_wait3A_1253, %dma_wait3A_1254] : memref<3x16x16x128xf32, #tpu.memory_space<vmem>> -> memref<1x1x16x128xf32, #tpu.memory_space<vmem>>
      %dma_wait3A_1256 = tpu.memref_squeeze %dma_wait3A_1255 : memref<1x1x16x128xf32, #tpu.memory_space<vmem>> -> memref<16x128xf32, #tpu.memory_space<vmem>>
      %dma_wait3A_1257 = arith.constant 0 : i32
      %dma_wait3A_1258 = arith.constant 0 : i32
      %dma_wait3A_1259 = tpu.memref_slice %arg2[%dma_wait3A_1257, %dma_wait3A_1258] : memref<32x1000000xf32, #tpu.memory_space<hbm>> -> memref<16x128xf32, #tpu.memory_space<hbm>>
      %dma_wait3A_1260 = arith.constant 0 : i32
      %dma_wait3A_1261 = arith.constant 0 : i32
      %dma_wait3A_1262 = tpu.memref_slice %arg6[%select_n3A_1252, %dma_wait3A, %dma_wait3A_1260, %dma_wait3A_1261] : memref<3x16x16x128xf32, #tpu.memory_space<vmem>> -> memref<1x1x16x128xf32, #tpu.memory_space<vmem>>
      %dma_wait3A_1263 = tpu.memref_squeeze %dma_wait3A_1262 : memref<1x1x16x128xf32, #tpu.memory_space<vmem>> -> memref<16x128xf32, #tpu.memory_space<vmem>>
      %dma_wait3A_1264 = arith.constant 0 : i32
      %dma_wait3A_1265 = arith.constant 0 : i32
      %dma_wait3A_1266 = tpu.memref_slice %arg2[%dma_wait3A_1264, %dma_wait3A_1265] : memref<32x1000000xf32, #tpu.memory_space<hbm>> -> memref<16x128xf32, #tpu.memory_space<hbm>>
      tpu.wait_dma2 semaphore(%arg8 : memref<!tpu.dma_semaphore, #tpu.memory_space<semaphore_mem>>) src(%dma_wait3A_1266 : memref<16x128xf32, #tpu.memory_space<hbm>>) dst(%dma_wait3A_1263 : memref<16x128xf32, #tpu.memory_space<vmem>>)
      %dma_wait3A_1267 = arith.constant 1 : i32
      %dma_wait3A_1268 = arith.constant 0 : i32
      %dma_wait3A_1269 = arith.constant 0 : i32
      %dma_wait3A_1270 = tpu.memref_slice %arg6[%select_n3A_1252, %dma_wait3A_1267, %dma_wait3A_1268, %dma_wait3A_1269] : memref<3x16x16x128xf32, #tpu.memory_space<vmem>> -> memref<1x1x16x128xf32, #tpu.memory_space<vmem>>
      %dma_wait3A_1271 = tpu.memref_squeeze %dma_wait3A_1270 : memref<1x1x16x128xf32, #tpu.memory_space<vmem>> -> memref<16x128xf32, #tpu.memory_space<vmem>>
      %dma_wait3A_1272 = arith.constant 0 : i32
      %dma_wait3A_1273 = arith.constant 0 : i32
      %dma_wait3A_1274 = tpu.memref_slice %arg2[%dma_wait3A_1272, %dma_wait3A_1273] : memref<32x1000000xf32, #tpu.memory_space<hbm>> -> memref<16x128xf32, #tpu.memory_space<hbm>>
      %dma_wait3A_1275 = arith.constant 0 : i32
      %dma_wait3A_1276 = arith.constant 0 : i32
      %dma_wait3A_1277 = tpu.memref_slice %arg6[%select_n3A_1252, %dma_wait3A_1267, %dma_wait3A_1275, %dma_wait3A_1276] : memref<3x16x16x128xf32, #tpu.memory_space<vmem>> -> memref<1x1x16x128xf32, #tpu.memory_space<vmem>>
      %dma_wait3A_1278 = tpu.memref_squeeze %dma_wait3A_1277 : memref<1x1x16x128xf32, #tpu.memory_space<vmem>> -> memref<16x128xf32, #tpu.memory_space<vmem>>
      %dma_wait3A_1279 = arith.constant 0 : i32
      %dma_wait3A_1280 = arith.constant 0 : i32
      %dma_wait3A_1281 = tpu.memref_slice %arg2[%dma_wait3A_1279, %dma_wait3A_1280] : memref<32x1000000xf32, #tpu.memory_space<hbm>> -> memref<16x128xf32, #tpu.memory_space<hbm>>
      tpu.wait_dma2 semaphore(%arg8 : memref<!tpu.dma_semaphore, #tpu.memory_space<semaphore_mem>>) src(%dma_wait3A_1281 : memref<16x128xf32, #tpu.memory_space<hbm>>) dst(%dma_wait3A_1278 : memref<16x128xf32, #tpu.memory_space<vmem>>)
      %dma_wait3A_1282 = arith.constant 2 : i32
      %dma_wait3A_1283 = arith.constant 0 : i32
      %dma_wait3A_1284 = arith.constant 0 : i32
      %dma_wait3A_1285 = tpu.memref_slice %arg6[%select_n3A_1252, %dma_wait3A_1282, %dma_wait3A_1283, %dma_wait3A_1284] : memref<3x16x16x128xf32, #tpu.memory_space<vmem>> -> memref<1x1x16x128xf32, #tpu.memory_space<vmem>>
      %dma_wait3A_1286 = tpu.memref_squeeze %dma_wait3A_1285 : memref<1x1x16x128xf32, #tpu.memory_space<vmem>> -> memref<16x128xf32, #tpu.memory_space<vmem>>
      %dma_wait3A_1287 = arith.constant 0 : i32
      %dma_wait3A_1288 = arith.constant 0 : i32
      %dma_wait3A_1289 = tpu.memref_slice %arg2[%dma_wait3A_1287, %dma_wait3A_1288] : memref<32x1000000xf32, #tpu.memory_space<hbm>> -> memref<16x128xf32, #tpu.memory_space<hbm>>
      %dma_wait3A_1290 = arith.constant 0 : i32
      %dma_wait3A_1291 = arith.constant 0 : i32
      %dma_wait3A_1292 = tpu.memref_slice %arg6[%select_n3A_1252, %dma_wait3A_1282, %dma_wait3A_1290, %dma_wait3A_1291] : memref<3x16x16x128xf32, #tpu.memory_space<vmem>> -> memref<1x1x16x128xf32, #tpu.memory_space<vmem>>
      %dma_wait3A_1293 = tpu.memref_squeeze %dma_wait3A_1292 : memref<1x1x16x128xf32, #tpu.memory_space<vmem>> -> memref<16x128xf32, #tpu.memory_space<vmem>>
      %dma_wait3A_1294 = arith.constant 0 : i32
      %dma_wait3A_1295 = arith.constant 0 : i32
      %dma_wait3A_1296 = tpu.memref_slice %arg2[%dma_wait3A_1294, %dma_wait3A_1295] : memref<32x1000000xf32, #tpu.memory_space<hbm>> -> memref<16x128xf32, #tpu.memory_space<hbm>>
      tpu.wait_dma2 semaphore(%arg8 : memref<!tpu.dma_semaphore, #tpu.memory_space<semaphore_mem>>) src(%dma_wait3A_1296 : memref<16x128xf32, #tpu.memory_space<hbm>>) dst(%dma_wait3A_1293 : memref<16x128xf32, #tpu.memory_space<vmem>>)
      %dma_wait3A_1297 = arith.constant 3 : i32
      %dma_wait3A_1298 = arith.constant 0 : i32
      %dma_wait3A_1299 = arith.constant 0 : i32
      %dma_wait3A_1300 = tpu.memref_slice %arg6[%select_n3A_1252, %dma_wait3A_1297, %dma_wait3A_1298, %dma_wait3A_1299] : memref<3x16x16x128xf32, #tpu.memory_space<vmem>> -> memref<1x1x16x128xf32, #tpu.memory_space<vmem>>
      %dma_wait3A_1301 = tpu.memref_squeeze %dma_wait3A_1300 : memref<1x1x16x128xf32, #tpu.memory_space<vmem>> -> memref<16x128xf32, #tpu.memory_space<vmem>>
      %dma_wait3A_1302 = arith.constant 0 : i32
      %dma_wait3A_1303 = arith.constant 0 : i32
      %dma_wait3A_1304 = tpu.memref_slice %arg2[%dma_wait3A_1302, %dma_wait3A_1303] : memref<32x1000000xf32, #tpu.memory_space<hbm>> -> memref<16x128xf32, #tpu.memory_space<hbm>>
      %dma_wait3A_1305 = arith.constant 0 : i32
      %dma_wait3A_1306 = arith.constant 0 : i32
      %dma_wait3A_1307 = tpu.memref_slice %arg6[%select_n3A_1252, %dma_wait3A_1297, %dma_wait3A_1305, %dma_wait3A_1306] : memref<3x16x16x128xf32, #tpu.memory_space<vmem>> -> memref<1x1x16x128xf32, #tpu.memory_space<vmem>>
      %dma_wait3A_1308 = tpu.memref_squeeze %dma_wait3A_1307 : memref<1x1x16x128xf32, #tpu.memory_space<vmem>> -> memref<16x128xf32, #tpu.memory_space<vmem>>
      %dma_wait3A_1309 = arith.constant 0 : i32
      %dma_wait3A_1310 = arith.constant 0 : i32
      %dma_wait3A_1311 = tpu.memref_slice %arg2[%dma_wait3A_1309, %dma_wait3A_1310] : memref<32x1000000xf32, #tpu.memory_space<hbm>> -> memref<16x128xf32, #tpu.memory_space<hbm>>
      tpu.wait_dma2 semaphore(%arg8 : memref<!tpu.dma_semaphore, #tpu.memory_space<semaphore_mem>>) src(%dma_wait3A_1311 : memref<16x128xf32, #tpu.memory_space<hbm>>) dst(%dma_wait3A_1308 : memref<16x128xf32, #tpu.memory_space<vmem>>)
      %dma_wait3A_1312 = arith.constant 4 : i32
      %dma_wait3A_1313 = arith.constant 0 : i32
      %dma_wait3A_1314 = arith.constant 0 : i32
      %dma_wait3A_1315 = tpu.memref_slice %arg6[%select_n3A_1252, %dma_wait3A_1312, %dma_wait3A_1313, %dma_wait3A_1314] : memref<3x16x16x128xf32, #tpu.memory_space<vmem>> -> memref<1x1x16x128xf32, #tpu.memory_space<vmem>>
      %dma_wait3A_1316 = tpu.memref_squeeze %dma_wait3A_1315 : memref<1x1x16x128xf32, #tpu.memory_space<vmem>> -> memref<16x128xf32, #tpu.memory_space<vmem>>
      %dma_wait3A_1317 = arith.constant 0 : i32
      %dma_wait3A_1318 = arith.constant 0 : i32
      %dma_wait3A_1319 = tpu.memref_slice %arg2[%dma_wait3A_1317, %dma_wait3A_1318] : memref<32x1000000xf32, #tpu.memory_space<hbm>> -> memref<16x128xf32, #tpu.memory_space<hbm>>
      %dma_wait3A_1320 = arith.constant 0 : i32
      %dma_wait3A_1321 = arith.constant 0 : i32
      %dma_wait3A_1322 = tpu.memref_slice %arg6[%select_n3A_1252, %dma_wait3A_1312, %dma_wait3A_1320, %dma_wait3A_1321] : memref<3x16x16x128xf32, #tpu.memory_space<vmem>> -> memref<1x1x16x128xf32, #tpu.memory_space<vmem>>
      %dma_wait3A_1323 = tpu.memref_squeeze %dma_wait3A_1322 : memref<1x1x16x128xf32, #tpu.memory_space<vmem>> -> memref<16x128xf32, #tpu.memory_space<vmem>>
      %dma_wait3A_1324 = arith.constant 0 : i32
      %dma_wait3A_1325 = arith.constant 0 : i32
      %dma_wait3A_1326 = tpu.memref_slice %arg2[%dma_wait3A_1324, %dma_wait3A_1325] : memref<32x1000000xf32, #tpu.memory_space<hbm>> -> memref<16x128xf32, #tpu.memory_space<hbm>>
      tpu.wait_dma2 semaphore(%arg8 : memref<!tpu.dma_semaphore, #tpu.memory_space<semaphore_mem>>) src(%dma_wait3A_1326 : memref<16x128xf32, #tpu.memory_space<hbm>>) dst(%dma_wait3A_1323 : memref<16x128xf32, #tpu.memory_space<vmem>>)
      %dma_wait3A_1327 = arith.constant 5 : i32
      %dma_wait3A_1328 = arith.constant 0 : i32
      %dma_wait3A_1329 = arith.constant 0 : i32
      %dma_wait3A_1330 = tpu.memref_slice %arg6[%select_n3A_1252, %dma_wait3A_1327, %dma_wait3A_1328, %dma_wait3A_1329] : memref<3x16x16x128xf32, #tpu.memory_space<vmem>> -> memref<1x1x16x128xf32, #tpu.memory_space<vmem>>
      %dma_wait3A_1331 = tpu.memref_squeeze %dma_wait3A_1330 : memref<1x1x16x128xf32, #tpu.memory_space<vmem>> -> memref<16x128xf32, #tpu.memory_space<vmem>>
      %dma_wait3A_1332 = arith.constant 0 : i32
      %dma_wait3A_1333 = arith.constant 0 : i32
      %dma_wait3A_1334 = tpu.memref_slice %arg2[%dma_wait3A_1332, %dma_wait3A_1333] : memref<32x1000000xf32, #tpu.memory_space<hbm>> -> memref<16x128xf32, #tpu.memory_space<hbm>>
      %dma_wait3A_1335 = arith.constant 0 : i32
      %dma_wait3A_1336 = arith.constant 0 : i32
      %dma_wait3A_1337 = tpu.memref_slice %arg6[%select_n3A_1252, %dma_wait3A_1327, %dma_wait3A_1335, %dma_wait3A_1336] : memref<3x16x16x128xf32, #tpu.memory_space<vmem>> -> memref<1x1x16x128xf32, #tpu.memory_space<vmem>>
      %dma_wait3A_1338 = tpu.memref_squeeze %dma_wait3A_1337 : memref<1x1x16x128xf32, #tpu.memory_space<vmem>> -> memref<16x128xf32, #tpu.memory_space<vmem>>
      %dma_wait3A_1339 = arith.constant 0 : i32
      %dma_wait3A_1340 = arith.constant 0 : i32
      %dma_wait3A_1341 = tpu.memref_slice %arg2[%dma_wait3A_1339, %dma_wait3A_1340] : memref<32x1000000xf32, #tpu.memory_space<hbm>> -> memref<16x128xf32, #tpu.memory_space<hbm>>
      tpu.wait_dma2 semaphore(%arg8 : memref<!tpu.dma_semaphore, #tpu.memory_space<semaphore_mem>>) src(%dma_wait3A_1341 : memref<16x128xf32, #tpu.memory_space<hbm>>) dst(%dma_wait3A_1338 : memref<16x128xf32, #tpu.memory_space<vmem>>)
      %dma_wait3A_1342 = arith.constant 6 : i32
      %dma_wait3A_1343 = arith.constant 0 : i32
      %dma_wait3A_1344 = arith.constant 0 : i32
      %dma_wait3A_1345 = tpu.memref_slice %arg6[%select_n3A_1252, %dma_wait3A_1342, %dma_wait3A_1343, %dma_wait3A_1344] : memref<3x16x16x128xf32, #tpu.memory_space<vmem>> -> memref<1x1x16x128xf32, #tpu.memory_space<vmem>>
      %dma_wait3A_1346 = tpu.memref_squeeze %dma_wait3A_1345 : memref<1x1x16x128xf32, #tpu.memory_space<vmem>> -> memref<16x128xf32, #tpu.memory_space<vmem>>
      %dma_wait3A_1347 = arith.constant 0 : i32
      %dma_wait3A_1348 = arith.constant 0 : i32
      %dma_wait3A_1349 = tpu.memref_slice %arg2[%dma_wait3A_1347, %dma_wait3A_1348] : memref<32x1000000xf32, #tpu.memory_space<hbm>> -> memref<16x128xf32, #tpu.memory_space<hbm>>
      %dma_wait3A_1350 = arith.constant 0 : i32
      %dma_wait3A_1351 = arith.constant 0 : i32
      %dma_wait3A_1352 = tpu.memref_slice %arg6[%select_n3A_1252, %dma_wait3A_1342, %dma_wait3A_1350, %dma_wait3A_1351] : memref<3x16x16x128xf32, #tpu.memory_space<vmem>> -> memref<1x1x16x128xf32, #tpu.memory_space<vmem>>
      %dma_wait3A_1353 = tpu.memref_squeeze %dma_wait3A_1352 : memref<1x1x16x128xf32, #tpu.memory_space<vmem>> -> memref<16x128xf32, #tpu.memory_space<vmem>>
      %dma_wait3A_1354 = arith.constant 0 : i32
      %dma_wait3A_1355 = arith.constant 0 : i32
      %dma_wait3A_1356 = tpu.memref_slice %arg2[%dma_wait3A_1354, %dma_wait3A_1355] : memref<32x1000000xf32, #tpu.memory_space<hbm>> -> memref<16x128xf32, #tpu.memory_space<hbm>>
      tpu.wait_dma2 semaphore(%arg8 : memref<!tpu.dma_semaphore, #tpu.memory_space<semaphore_mem>>) src(%dma_wait3A_1356 : memref<16x128xf32, #tpu.memory_space<hbm>>) dst(%dma_wait3A_1353 : memref<16x128xf32, #tpu.memory_space<vmem>>)
      %dma_wait3A_1357 = arith.constant 7 : i32
      %dma_wait3A_1358 = arith.constant 0 : i32
      %dma_wait3A_1359 = arith.constant 0 : i32
      %dma_wait3A_1360 = tpu.memref_slice %arg6[%select_n3A_1252, %dma_wait3A_1357, %dma_wait3A_1358, %dma_wait3A_1359] : memref<3x16x16x128xf32, #tpu.memory_space<vmem>> -> memref<1x1x16x128xf32, #tpu.memory_space<vmem>>
      %dma_wait3A_1361 = tpu.memref_squeeze %dma_wait3A_1360 : memref<1x1x16x128xf32, #tpu.memory_space<vmem>> -> memref<16x128xf32, #tpu.memory_space<vmem>>
      %dma_wait3A_1362 = arith.constant 0 : i32
      %dma_wait3A_1363 = arith.constant 0 : i32
      %dma_wait3A_1364 = tpu.memref_slice %arg2[%dma_wait3A_1362, %dma_wait3A_1363] : memref<32x1000000xf32, #tpu.memory_space<hbm>> -> memref<16x128xf32, #tpu.memory_space<hbm>>
      %dma_wait3A_1365 = arith.constant 0 : i32
      %dma_wait3A_1366 = arith.constant 0 : i32
      %dma_wait3A_1367 = tpu.memref_slice %arg6[%select_n3A_1252, %dma_wait3A_1357, %dma_wait3A_1365, %dma_wait3A_1366] : memref<3x16x16x128xf32, #tpu.memory_space<vmem>> -> memref<1x1x16x128xf32, #tpu.memory_space<vmem>>
      %dma_wait3A_1368 = tpu.memref_squeeze %dma_wait3A_1367 : memref<1x1x16x128xf32, #tpu.memory_space<vmem>> -> memref<16x128xf32, #tpu.memory_space<vmem>>
      %dma_wait3A_1369 = arith.constant 0 : i32
      %dma_wait3A_1370 = arith.constant 0 : i32
      %dma_wait3A_1371 = tpu.memref_slice %arg2[%dma_wait3A_1369, %dma_wait3A_1370] : memref<32x1000000xf32, #tpu.memory_space<hbm>> -> memref<16x128xf32, #tpu.memory_space<hbm>>
      tpu.wait_dma2 semaphore(%arg8 : memref<!tpu.dma_semaphore, #tpu.memory_space<semaphore_mem>>) src(%dma_wait3A_1371 : memref<16x128xf32, #tpu.memory_space<hbm>>) dst(%dma_wait3A_1368 : memref<16x128xf32, #tpu.memory_space<vmem>>)
      %dma_wait3A_1372 = arith.constant 8 : i32
      %dma_wait3A_1373 = arith.constant 0 : i32
      %dma_wait3A_1374 = arith.constant 0 : i32
      %dma_wait3A_1375 = tpu.memref_slice %arg6[%select_n3A_1252, %dma_wait3A_1372, %dma_wait3A_1373, %dma_wait3A_1374] : memref<3x16x16x128xf32, #tpu.memory_space<vmem>> -> memref<1x1x16x128xf32, #tpu.memory_space<vmem>>
      %dma_wait3A_1376 = tpu.memref_squeeze %dma_wait3A_1375 : memref<1x1x16x128xf32, #tpu.memory_space<vmem>> -> memref<16x128xf32, #tpu.memory_space<vmem>>
      %dma_wait3A_1377 = arith.constant 0 : i32
      %dma_wait3A_1378 = arith.constant 0 : i32
      %dma_wait3A_1379 = tpu.memref_slice %arg2[%dma_wait3A_1377, %dma_wait3A_1378] : memref<32x1000000xf32, #tpu.memory_space<hbm>> -> memref<16x128xf32, #tpu.memory_space<hbm>>
      %dma_wait3A_1380 = arith.constant 0 : i32
      %dma_wait3A_1381 = arith.constant 0 : i32
      %dma_wait3A_1382 = tpu.memref_slice %arg6[%select_n3A_1252, %dma_wait3A_1372, %dma_wait3A_1380, %dma_wait3A_1381] : memref<3x16x16x128xf32, #tpu.memory_space<vmem>> -> memref<1x1x16x128xf32, #tpu.memory_space<vmem>>
      %dma_wait3A_1383 = tpu.memref_squeeze %dma_wait3A_1382 : memref<1x1x16x128xf32, #tpu.memory_space<vmem>> -> memref<16x128xf32, #tpu.memory_space<vmem>>
      %dma_wait3A_1384 = arith.constant 0 : i32
      %dma_wait3A_1385 = arith.constant 0 : i32
      %dma_wait3A_1386 = tpu.memref_slice %arg2[%dma_wait3A_1384, %dma_wait3A_1385] : memref<32x1000000xf32, #tpu.memory_space<hbm>> -> memref<16x128xf32, #tpu.memory_space<hbm>>
      tpu.wait_dma2 semaphore(%arg8 : memref<!tpu.dma_semaphore, #tpu.memory_space<semaphore_mem>>) src(%dma_wait3A_1386 : memref<16x128xf32, #tpu.memory_space<hbm>>) dst(%dma_wait3A_1383 : memref<16x128xf32, #tpu.memory_space<vmem>>)
      %dma_wait3A_1387 = arith.constant 9 : i32
      %dma_wait3A_1388 = arith.constant 0 : i32
      %dma_wait3A_1389 = arith.constant 0 : i32
      %dma_wait3A_1390 = tpu.memref_slice %arg6[%select_n3A_1252, %dma_wait3A_1387, %dma_wait3A_1388, %dma_wait3A_1389] : memref<3x16x16x128xf32, #tpu.memory_space<vmem>> -> memref<1x1x16x128xf32, #tpu.memory_space<vmem>>
      %dma_wait3A_1391 = tpu.memref_squeeze %dma_wait3A_1390 : memref<1x1x16x128xf32, #tpu.memory_space<vmem>> -> memref<16x128xf32, #tpu.memory_space<vmem>>
      %dma_wait3A_1392 = arith.constant 0 : i32
      %dma_wait3A_1393 = arith.constant 0 : i32
      %dma_wait3A_1394 = tpu.memref_slice %arg2[%dma_wait3A_1392, %dma_wait3A_1393] : memref<32x1000000xf32, #tpu.memory_space<hbm>> -> memref<16x128xf32, #tpu.memory_space<hbm>>
      %dma_wait3A_1395 = arith.constant 0 : i32
      %dma_wait3A_1396 = arith.constant 0 : i32
      %dma_wait3A_1397 = tpu.memref_slice %arg6[%select_n3A_1252, %dma_wait3A_1387, %dma_wait3A_1395, %dma_wait3A_1396] : memref<3x16x16x128xf32, #tpu.memory_space<vmem>> -> memref<1x1x16x128xf32, #tpu.memory_space<vmem>>
      %dma_wait3A_1398 = tpu.memref_squeeze %dma_wait3A_1397 : memref<1x1x16x128xf32, #tpu.memory_space<vmem>> -> memref<16x128xf32, #tpu.memory_space<vmem>>
      %dma_wait3A_1399 = arith.constant 0 : i32
      %dma_wait3A_1400 = arith.constant 0 : i32
      %dma_wait3A_1401 = tpu.memref_slice %arg2[%dma_wait3A_1399, %dma_wait3A_1400] : memref<32x1000000xf32, #tpu.memory_space<hbm>> -> memref<16x128xf32, #tpu.memory_space<hbm>>
      tpu.wait_dma2 semaphore(%arg8 : memref<!tpu.dma_semaphore, #tpu.memory_space<semaphore_mem>>) src(%dma_wait3A_1401 : memref<16x128xf32, #tpu.memory_space<hbm>>) dst(%dma_wait3A_1398 : memref<16x128xf32, #tpu.memory_space<vmem>>)
      %dma_wait3A_1402 = arith.constant 10 : i32
      %dma_wait3A_1403 = arith.constant 0 : i32
      %dma_wait3A_1404 = arith.constant 0 : i32
      %dma_wait3A_1405 = tpu.memref_slice %arg6[%select_n3A_1252, %dma_wait3A_1402, %dma_wait3A_1403, %dma_wait3A_1404] : memref<3x16x16x128xf32, #tpu.memory_space<vmem>> -> memref<1x1x16x128xf32, #tpu.memory_space<vmem>>
      %dma_wait3A_1406 = tpu.memref_squeeze %dma_wait3A_1405 : memref<1x1x16x128xf32, #tpu.memory_space<vmem>> -> memref<16x128xf32, #tpu.memory_space<vmem>>
      %dma_wait3A_1407 = arith.constant 0 : i32
      %dma_wait3A_1408 = arith.constant 0 : i32
      %dma_wait3A_1409 = tpu.memref_slice %arg2[%dma_wait3A_1407, %dma_wait3A_1408] : memref<32x1000000xf32, #tpu.memory_space<hbm>> -> memref<16x128xf32, #tpu.memory_space<hbm>>
      %dma_wait3A_1410 = arith.constant 0 : i32
      %dma_wait3A_1411 = arith.constant 0 : i32
      %dma_wait3A_1412 = tpu.memref_slice %arg6[%select_n3A_1252, %dma_wait3A_1402, %dma_wait3A_1410, %dma_wait3A_1411] : memref<3x16x16x128xf32, #tpu.memory_space<vmem>> -> memref<1x1x16x128xf32, #tpu.memory_space<vmem>>
      %dma_wait3A_1413 = tpu.memref_squeeze %dma_wait3A_1412 : memref<1x1x16x128xf32, #tpu.memory_space<vmem>> -> memref<16x128xf32, #tpu.memory_space<vmem>>
      %dma_wait3A_1414 = arith.constant 0 : i32
      %dma_wait3A_1415 = arith.constant 0 : i32
      %dma_wait3A_1416 = tpu.memref_slice %arg2[%dma_wait3A_1414, %dma_wait3A_1415] : memref<32x1000000xf32, #tpu.memory_space<hbm>> -> memref<16x128xf32, #tpu.memory_space<hbm>>
      tpu.wait_dma2 semaphore(%arg8 : memref<!tpu.dma_semaphore, #tpu.memory_space<semaphore_mem>>) src(%dma_wait3A_1416 : memref<16x128xf32, #tpu.memory_space<hbm>>) dst(%dma_wait3A_1413 : memref<16x128xf32, #tpu.memory_space<vmem>>)
      %dma_wait3A_1417 = arith.constant 11 : i32
      %dma_wait3A_1418 = arith.constant 0 : i32
      %dma_wait3A_1419 = arith.constant 0 : i32
      %dma_wait3A_1420 = tpu.memref_slice %arg6[%select_n3A_1252, %dma_wait3A_1417, %dma_wait3A_1418, %dma_wait3A_1419] : memref<3x16x16x128xf32, #tpu.memory_space<vmem>> -> memref<1x1x16x128xf32, #tpu.memory_space<vmem>>
      %dma_wait3A_1421 = tpu.memref_squeeze %dma_wait3A_1420 : memref<1x1x16x128xf32, #tpu.memory_space<vmem>> -> memref<16x128xf32, #tpu.memory_space<vmem>>
      %dma_wait3A_1422 = arith.constant 0 : i32
      %dma_wait3A_1423 = arith.constant 0 : i32
      %dma_wait3A_1424 = tpu.memref_slice %arg2[%dma_wait3A_1422, %dma_wait3A_1423] : memref<32x1000000xf32, #tpu.memory_space<hbm>> -> memref<16x128xf32, #tpu.memory_space<hbm>>
      %dma_wait3A_1425 = arith.constant 0 : i32
      %dma_wait3A_1426 = arith.constant 0 : i32
      %dma_wait3A_1427 = tpu.memref_slice %arg6[%select_n3A_1252, %dma_wait3A_1417, %dma_wait3A_1425, %dma_wait3A_1426] : memref<3x16x16x128xf32, #tpu.memory_space<vmem>> -> memref<1x1x16x128xf32, #tpu.memory_space<vmem>>
      %dma_wait3A_1428 = tpu.memref_squeeze %dma_wait3A_1427 : memref<1x1x16x128xf32, #tpu.memory_space<vmem>> -> memref<16x128xf32, #tpu.memory_space<vmem>>
      %dma_wait3A_1429 = arith.constant 0 : i32
      %dma_wait3A_1430 = arith.constant 0 : i32
      %dma_wait3A_1431 = tpu.memref_slice %arg2[%dma_wait3A_1429, %dma_wait3A_1430] : memref<32x1000000xf32, #tpu.memory_space<hbm>> -> memref<16x128xf32, #tpu.memory_space<hbm>>
      tpu.wait_dma2 semaphore(%arg8 : memref<!tpu.dma_semaphore, #tpu.memory_space<semaphore_mem>>) src(%dma_wait3A_1431 : memref<16x128xf32, #tpu.memory_space<hbm>>) dst(%dma_wait3A_1428 : memref<16x128xf32, #tpu.memory_space<vmem>>)
      %dma_wait3A_1432 = arith.constant 12 : i32
      %dma_wait3A_1433 = arith.constant 0 : i32
      %dma_wait3A_1434 = arith.constant 0 : i32
      %dma_wait3A_1435 = tpu.memref_slice %arg6[%select_n3A_1252, %dma_wait3A_1432, %dma_wait3A_1433, %dma_wait3A_1434] : memref<3x16x16x128xf32, #tpu.memory_space<vmem>> -> memref<1x1x16x128xf32, #tpu.memory_space<vmem>>
      %dma_wait3A_1436 = tpu.memref_squeeze %dma_wait3A_1435 : memref<1x1x16x128xf32, #tpu.memory_space<vmem>> -> memref<16x128xf32, #tpu.memory_space<vmem>>
      %dma_wait3A_1437 = arith.constant 0 : i32
      %dma_wait3A_1438 = arith.constant 0 : i32
      %dma_wait3A_1439 = tpu.memref_slice %arg2[%dma_wait3A_1437, %dma_wait3A_1438] : memref<32x1000000xf32, #tpu.memory_space<hbm>> -> memref<16x128xf32, #tpu.memory_space<hbm>>
      %dma_wait3A_1440 = arith.constant 0 : i32
      %dma_wait3A_1441 = arith.constant 0 : i32
      %dma_wait3A_1442 = tpu.memref_slice %arg6[%select_n3A_1252, %dma_wait3A_1432, %dma_wait3A_1440, %dma_wait3A_1441] : memref<3x16x16x128xf32, #tpu.memory_space<vmem>> -> memref<1x1x16x128xf32, #tpu.memory_space<vmem>>
      %dma_wait3A_1443 = tpu.memref_squeeze %dma_wait3A_1442 : memref<1x1x16x128xf32, #tpu.memory_space<vmem>> -> memref<16x128xf32, #tpu.memory_space<vmem>>
      %dma_wait3A_1444 = arith.constant 0 : i32
      %dma_wait3A_1445 = arith.constant 0 : i32
      %dma_wait3A_1446 = tpu.memref_slice %arg2[%dma_wait3A_1444, %dma_wait3A_1445] : memref<32x1000000xf32, #tpu.memory_space<hbm>> -> memref<16x128xf32, #tpu.memory_space<hbm>>
      tpu.wait_dma2 semaphore(%arg8 : memref<!tpu.dma_semaphore, #tpu.memory_space<semaphore_mem>>) src(%dma_wait3A_1446 : memref<16x128xf32, #tpu.memory_space<hbm>>) dst(%dma_wait3A_1443 : memref<16x128xf32, #tpu.memory_space<vmem>>)
      %dma_wait3A_1447 = arith.constant 13 : i32
      %dma_wait3A_1448 = arith.constant 0 : i32
      %dma_wait3A_1449 = arith.constant 0 : i32
      %dma_wait3A_1450 = tpu.memref_slice %arg6[%select_n3A_1252, %dma_wait3A_1447, %dma_wait3A_1448, %dma_wait3A_1449] : memref<3x16x16x128xf32, #tpu.memory_space<vmem>> -> memref<1x1x16x128xf32, #tpu.memory_space<vmem>>
      %dma_wait3A_1451 = tpu.memref_squeeze %dma_wait3A_1450 : memref<1x1x16x128xf32, #tpu.memory_space<vmem>> -> memref<16x128xf32, #tpu.memory_space<vmem>>
      %dma_wait3A_1452 = arith.constant 0 : i32
      %dma_wait3A_1453 = arith.constant 0 : i32
      %dma_wait3A_1454 = tpu.memref_slice %arg2[%dma_wait3A_1452, %dma_wait3A_1453] : memref<32x1000000xf32, #tpu.memory_space<hbm>> -> memref<16x128xf32, #tpu.memory_space<hbm>>
      %dma_wait3A_1455 = arith.constant 0 : i32
      %dma_wait3A_1456 = arith.constant 0 : i32
      %dma_wait3A_1457 = tpu.memref_slice %arg6[%select_n3A_1252, %dma_wait3A_1447, %dma_wait3A_1455, %dma_wait3A_1456] : memref<3x16x16x128xf32, #tpu.memory_space<vmem>> -> memref<1x1x16x128xf32, #tpu.memory_space<vmem>>
      %dma_wait3A_1458 = tpu.memref_squeeze %dma_wait3A_1457 : memref<1x1x16x128xf32, #tpu.memory_space<vmem>> -> memref<16x128xf32, #tpu.memory_space<vmem>>
      %dma_wait3A_1459 = arith.constant 0 : i32
      %dma_wait3A_1460 = arith.constant 0 : i32
      %dma_wait3A_1461 = tpu.memref_slice %arg2[%dma_wait3A_1459, %dma_wait3A_1460] : memref<32x1000000xf32, #tpu.memory_space<hbm>> -> memref<16x128xf32, #tpu.memory_space<hbm>>
      tpu.wait_dma2 semaphore(%arg8 : memref<!tpu.dma_semaphore, #tpu.memory_space<semaphore_mem>>) src(%dma_wait3A_1461 : memref<16x128xf32, #tpu.memory_space<hbm>>) dst(%dma_wait3A_1458 : memref<16x128xf32, #tpu.memory_space<vmem>>)
      %dma_wait3A_1462 = arith.constant 14 : i32
      %dma_wait3A_1463 = arith.constant 0 : i32
      %dma_wait3A_1464 = arith.constant 0 : i32
      %dma_wait3A_1465 = tpu.memref_slice %arg6[%select_n3A_1252, %dma_wait3A_1462, %dma_wait3A_1463, %dma_wait3A_1464] : memref<3x16x16x128xf32, #tpu.memory_space<vmem>> -> memref<1x1x16x128xf32, #tpu.memory_space<vmem>>
      %dma_wait3A_1466 = tpu.memref_squeeze %dma_wait3A_1465 : memref<1x1x16x128xf32, #tpu.memory_space<vmem>> -> memref<16x128xf32, #tpu.memory_space<vmem>>
      %dma_wait3A_1467 = arith.constant 0 : i32
      %dma_wait3A_1468 = arith.constant 0 : i32
      %dma_wait3A_1469 = tpu.memref_slice %arg2[%dma_wait3A_1467, %dma_wait3A_1468] : memref<32x1000000xf32, #tpu.memory_space<hbm>> -> memref<16x128xf32, #tpu.memory_space<hbm>>
      %dma_wait3A_1470 = arith.constant 0 : i32
      %dma_wait3A_1471 = arith.constant 0 : i32
      %dma_wait3A_1472 = tpu.memref_slice %arg6[%select_n3A_1252, %dma_wait3A_1462, %dma_wait3A_1470, %dma_wait3A_1471] : memref<3x16x16x128xf32, #tpu.memory_space<vmem>> -> memref<1x1x16x128xf32, #tpu.memory_space<vmem>>
      %dma_wait3A_1473 = tpu.memref_squeeze %dma_wait3A_1472 : memref<1x1x16x128xf32, #tpu.memory_space<vmem>> -> memref<16x128xf32, #tpu.memory_space<vmem>>
      %dma_wait3A_1474 = arith.constant 0 : i32
      %dma_wait3A_1475 = arith.constant 0 : i32
      %dma_wait3A_1476 = tpu.memref_slice %arg2[%dma_wait3A_1474, %dma_wait3A_1475] : memref<32x1000000xf32, #tpu.memory_space<hbm>> -> memref<16x128xf32, #tpu.memory_space<hbm>>
      tpu.wait_dma2 semaphore(%arg8 : memref<!tpu.dma_semaphore, #tpu.memory_space<semaphore_mem>>) src(%dma_wait3A_1476 : memref<16x128xf32, #tpu.memory_space<hbm>>) dst(%dma_wait3A_1473 : memref<16x128xf32, #tpu.memory_space<vmem>>)
      %dma_wait3A_1477 = arith.constant 15 : i32
      %dma_wait3A_1478 = arith.constant 0 : i32
      %dma_wait3A_1479 = arith.constant 0 : i32
      %dma_wait3A_1480 = tpu.memref_slice %arg6[%select_n3A_1252, %dma_wait3A_1477, %dma_wait3A_1478, %dma_wait3A_1479] : memref<3x16x16x128xf32, #tpu.memory_space<vmem>> -> memref<1x1x16x128xf32, #tpu.memory_space<vmem>>
      %dma_wait3A_1481 = tpu.memref_squeeze %dma_wait3A_1480 : memref<1x1x16x128xf32, #tpu.memory_space<vmem>> -> memref<16x128xf32, #tpu.memory_space<vmem>>
      %dma_wait3A_1482 = arith.constant 0 : i32
      %dma_wait3A_1483 = arith.constant 0 : i32
      %dma_wait3A_1484 = tpu.memref_slice %arg2[%dma_wait3A_1482, %dma_wait3A_1483] : memref<32x1000000xf32, #tpu.memory_space<hbm>> -> memref<16x128xf32, #tpu.memory_space<hbm>>
      %dma_wait3A_1485 = arith.constant 0 : i32
      %dma_wait3A_1486 = arith.constant 0 : i32
      %dma_wait3A_1487 = tpu.memref_slice %arg6[%select_n3A_1252, %dma_wait3A_1477, %dma_wait3A_1485, %dma_wait3A_1486] : memref<3x16x16x128xf32, #tpu.memory_space<vmem>> -> memref<1x1x16x128xf32, #tpu.memory_space<vmem>>
      %dma_wait3A_1488 = tpu.memref_squeeze %dma_wait3A_1487 : memref<1x1x16x128xf32, #tpu.memory_space<vmem>> -> memref<16x128xf32, #tpu.memory_space<vmem>>
      %dma_wait3A_1489 = arith.constant 0 : i32
      %dma_wait3A_1490 = arith.constant 0 : i32
      %dma_wait3A_1491 = tpu.memref_slice %arg2[%dma_wait3A_1489, %dma_wait3A_1490] : memref<32x1000000xf32, #tpu.memory_space<hbm>> -> memref<16x128xf32, #tpu.memory_space<hbm>>
      tpu.wait_dma2 semaphore(%arg8 : memref<!tpu.dma_semaphore, #tpu.memory_space<semaphore_mem>>) src(%dma_wait3A_1491 : memref<16x128xf32, #tpu.memory_space<hbm>>) dst(%dma_wait3A_1488 : memref<16x128xf32, #tpu.memory_space<vmem>>)
      %broadcast_in_dim3A = arith.constant 0 : i32
      %broadcast_in_dim3A_1492 = vector.broadcast %broadcast_in_dim3A : i32 to vector<16xi32>
      %jit3A_1493 = arith.constant 3 : i32
      %eq3A_1494 = arith.constant 0 : i32
      %eq3A_1495 = arith.cmpi eq, %jit3A_1493, %eq3A_1494 : i32
      %jit3A_1496 = arith.constant 1 : i32
      %select_n3A_1497 = arith.select %eq3A_1495, %jit3A_1496, %jit3A_1493 : i32
      %rem3A_1498 = arith.remsi %scan3A_1233, %select_n3A_1497 : i32
      %ne3A_1499 = arith.constant 0 : i32
      %ne3A_1500 = arith.cmpi ne, %rem3A_1498, %ne3A_1499 : i32
      %lt3A_1501 = arith.constant 0 : i32
      %lt3A_1502 = arith.cmpi slt, %rem3A_1498, %lt3A_1501 : i32
      %lt3A_1503 = arith.constant 0 : i32
      %lt3A_1504 = arith.cmpi slt, %select_n3A_1497, %lt3A_1503 : i32
      %ne3A_1505 = arith.xori %lt3A_1502, %lt3A_1504 : i1
      %and3A_1506 = arith.andi %ne3A_1505, %ne3A_1500 : i1
      %add3A_1507 = arith.addi %rem3A_1498, %select_n3A_1497 : i32
      %select_n3A_1508 = arith.select %and3A_1506, %add3A_1507, %rem3A_1498 : i32
      %add3A_1509 = vector.broadcast %select_n3A_1508 : i32 to vector<16xi32>
      %add3A_1510 = arith.addi %broadcast_in_dim3A_1492, %add3A_1509 : vector<16xi32>
      %mul3A_1511 = arith.constant 16 : i32
      %mul3A_1512 = arith.muli %scan3A_1233, %mul3A_1511 : i32
      %get3A_1513 = arith.index_cast %mul3A_1512 : i32 to index
      %get3A_1514 = tpu.vector_load %arg5[%get3A_1513] {strides = array<i32>} : memref<128xi32, #tpu.memory_space<vmem>>, vector<16xi32>,
      %and3A_1515 = arith.constant 127 : i32
      %and3A_1516 = vector.broadcast %and3A_1515 : i32 to vector<16xi32>
      %and3A_1517 = arith.andi %get3A_1514, %and3A_1516 : vector<16xi32>
      %broadcast_in_dim3A_1518 = arith.constant 0 : i32
      %broadcast_in_dim3A_1519 = vector.broadcast %broadcast_in_dim3A_1518 : i32 to vector<16xi32>
      %gather3A = tpu.vector_load_idx %arg6[%add3A_1510, %iota3A, %broadcast_in_dim3A_1519, %and3A_1517] : memref<3x16x16x128xf32, #tpu.memory_space<vmem>>[vector<16xi32>, vector<16xi32>, vector<16xi32>, vector<16xi32>], vector<16xf32>,
      %mul3A_1520 = arith.constant 16 : i32
      %mul3A_1521 = arith.muli %scan3A_1233, %mul3A_1520 : i32
      %swap3A = arith.constant 16 : i32
      %swap3A_1522 = arith.index_cast %swap3A : i32 to index
      %swap3A_1523 = arith.index_cast %mul3A_1521 : i32 to index
      %swap3A_1524 = tpu.vector_load %arg7[%swap3A_1522, %swap3A_1523] {strides = array<i32>} : memref<32x128xf32, #tpu.memory_space<vmem>>, vector<16xf32>,
      tpu.vector_store %arg7[%swap3A_1522, %swap3A_1523], %gather3A {strides = array<i32>} : memref<32x128xf32, #tpu.memory_space<vmem>>, vector<16xf32>,
      %broadcast_in_dim3A_1525 = arith.constant 1 : i32
      %broadcast_in_dim3A_1526 = vector.broadcast %broadcast_in_dim3A_1525 : i32 to vector<16xi32>
      %gather3A_1527 = tpu.vector_load_idx %arg6[%add3A_1510, %iota3A, %broadcast_in_dim3A_1526, %and3A_1517] : memref<3x16x16x128xf32, #tpu.memory_space<vmem>>[vector<16xi32>, vector<16xi32>, vector<16xi32>, vector<16xi32>], vector<16xf32>,
      %mul3A_1528 = arith.constant 16 : i32
      %mul3A_1529 = arith.muli %scan3A_1233, %mul3A_1528 : i32
      %swap3A_1530 = arith.constant 17 : i32
      %swap3A_1531 = arith.index_cast %swap3A_1530 : i32 to index
      %swap3A_1532 = arith.index_cast %mul3A_1529 : i32 to index
      %swap3A_1533 = tpu.vector_load %arg7[%swap3A_1531, %swap3A_1532] {strides = array<i32>} : memref<32x128xf32, #tpu.memory_space<vmem>>, vector<16xf32>,
      tpu.vector_store %arg7[%swap3A_1531, %swap3A_1532], %gather3A_1527 {strides = array<i32>} : memref<32x128xf32, #tpu.memory_space<vmem>>, vector<16xf32>,
      %broadcast_in_dim3A_1534 = arith.constant 2 : i32
      %broadcast_in_dim3A_1535 = vector.broadcast %broadcast_in_dim3A_1534 : i32 to vector<16xi32>
      %gather3A_1536 = tpu.vector_load_idx %arg6[%add3A_1510, %iota3A, %broadcast_in_dim3A_1535, %and3A_1517] : memref<3x16x16x128xf32, #tpu.memory_space<vmem>>[vector<16xi32>, vector<16xi32>, vector<16xi32>, vector<16xi32>], vector<16xf32>,
      %mul3A_1537 = arith.constant 16 : i32
      %mul3A_1538 = arith.muli %scan3A_1233, %mul3A_1537 : i32
      %swap3A_1539 = arith.constant 18 : i32
      %swap3A_1540 = arith.index_cast %swap3A_1539 : i32 to index
      %swap3A_1541 = arith.index_cast %mul3A_1538 : i32 to index
      %swap3A_1542 = tpu.vector_load %arg7[%swap3A_1540, %swap3A_1541] {strides = array<i32>} : memref<32x128xf32, #tpu.memory_space<vmem>>, vector<16xf32>,
      tpu.vector_store %arg7[%swap3A_1540, %swap3A_1541], %gather3A_1536 {strides = array<i32>} : memref<32x128xf32, #tpu.memory_space<vmem>>, vector<16xf32>,
      %broadcast_in_dim3A_1543 = arith.constant 3 : i32
      %broadcast_in_dim3A_1544 = vector.broadcast %broadcast_in_dim3A_1543 : i32 to vector<16xi32>
      %gather3A_1545 = tpu.vector_load_idx %arg6[%add3A_1510, %iota3A, %broadcast_in_dim3A_1544, %and3A_1517] : memref<3x16x16x128xf32, #tpu.memory_space<vmem>>[vector<16xi32>, vector<16xi32>, vector<16xi32>, vector<16xi32>], vector<16xf32>,
      %mul3A_1546 = arith.constant 16 : i32
      %mul3A_1547 = arith.muli %scan3A_1233, %mul3A_1546 : i32
      %swap3A_1548 = arith.constant 19 : i32
      %swap3A_1549 = arith.index_cast %swap3A_1548 : i32 to index
      %swap3A_1550 = arith.index_cast %mul3A_1547 : i32 to index
      %swap3A_1551 = tpu.vector_load %arg7[%swap3A_1549, %swap3A_1550] {strides = array<i32>} : memref<32x128xf32, #tpu.memory_space<vmem>>, vector<16xf32>,
      tpu.vector_store %arg7[%swap3A_1549, %swap3A_1550], %gather3A_1545 {strides = array<i32>} : memref<32x128xf32, #tpu.memory_space<vmem>>, vector<16xf32>,
      %broadcast_in_dim3A_1552 = arith.constant 4 : i32
      %broadcast_in_dim3A_1553 = vector.broadcast %broadcast_in_dim3A_1552 : i32 to vector<16xi32>
      %gather3A_1554 = tpu.vector_load_idx %arg6[%add3A_1510, %iota3A, %broadcast_in_dim3A_1553, %and3A_1517] : memref<3x16x16x128xf32, #tpu.memory_space<vmem>>[vector<16xi32>, vector<16xi32>, vector<16xi32>, vector<16xi32>], vector<16xf32>,
      %mul3A_1555 = arith.constant 16 : i32
      %mul3A_1556 = arith.muli %scan3A_1233, %mul3A_1555 : i32
      %swap3A_1557 = arith.constant 20 : i32
      %swap3A_1558 = arith.index_cast %swap3A_1557 : i32 to index
      %swap3A_1559 = arith.index_cast %mul3A_1556 : i32 to index
      %swap3A_1560 = tpu.vector_load %arg7[%swap3A_1558, %swap3A_1559] {strides = array<i32>} : memref<32x128xf32, #tpu.memory_space<vmem>>, vector<16xf32>,
      tpu.vector_store %arg7[%swap3A_1558, %swap3A_1559], %gather3A_1554 {strides = array<i32>} : memref<32x128xf32, #tpu.memory_space<vmem>>, vector<16xf32>,
      %broadcast_in_dim3A_1561 = arith.constant 5 : i32
      %broadcast_in_dim3A_1562 = vector.broadcast %broadcast_in_dim3A_1561 : i32 to vector<16xi32>
      %gather3A_1563 = tpu.vector_load_idx %arg6[%add3A_1510, %iota3A, %broadcast_in_dim3A_1562, %and3A_1517] : memref<3x16x16x128xf32, #tpu.memory_space<vmem>>[vector<16xi32>, vector<16xi32>, vector<16xi32>, vector<16xi32>], vector<16xf32>,
      %mul3A_1564 = arith.constant 16 : i32
      %mul3A_1565 = arith.muli %scan3A_1233, %mul3A_1564 : i32
      %swap3A_1566 = arith.constant 21 : i32
      %swap3A_1567 = arith.index_cast %swap3A_1566 : i32 to index
      %swap3A_1568 = arith.index_cast %mul3A_1565 : i32 to index
      %swap3A_1569 = tpu.vector_load %arg7[%swap3A_1567, %swap3A_1568] {strides = array<i32>} : memref<32x128xf32, #tpu.memory_space<vmem>>, vector<16xf32>,
      tpu.vector_store %arg7[%swap3A_1567, %swap3A_1568], %gather3A_1563 {strides = array<i32>} : memref<32x128xf32, #tpu.memory_space<vmem>>, vector<16xf32>,
      %broadcast_in_dim3A_1570 = arith.constant 6 : i32
      %broadcast_in_dim3A_1571 = vector.broadcast %broadcast_in_dim3A_1570 : i32 to vector<16xi32>
      %gather3A_1572 = tpu.vector_load_idx %arg6[%add3A_1510, %iota3A, %broadcast_in_dim3A_1571, %and3A_1517] : memref<3x16x16x128xf32, #tpu.memory_space<vmem>>[vector<16xi32>, vector<16xi32>, vector<16xi32>, vector<16xi32>], vector<16xf32>,
      %mul3A_1573 = arith.constant 16 : i32
      %mul3A_1574 = arith.muli %scan3A_1233, %mul3A_1573 : i32
      %swap3A_1575 = arith.constant 22 : i32
      %swap3A_1576 = arith.index_cast %swap3A_1575 : i32 to index
      %swap3A_1577 = arith.index_cast %mul3A_1574 : i32 to index
      %swap3A_1578 = tpu.vector_load %arg7[%swap3A_1576, %swap3A_1577] {strides = array<i32>} : memref<32x128xf32, #tpu.memory_space<vmem>>, vector<16xf32>,
      tpu.vector_store %arg7[%swap3A_1576, %swap3A_1577], %gather3A_1572 {strides = array<i32>} : memref<32x128xf32, #tpu.memory_space<vmem>>, vector<16xf32>,
      %broadcast_in_dim3A_1579 = arith.constant 7 : i32
      %broadcast_in_dim3A_1580 = vector.broadcast %broadcast_in_dim3A_1579 : i32 to vector<16xi32>
      %gather3A_1581 = tpu.vector_load_idx %arg6[%add3A_1510, %iota3A, %broadcast_in_dim3A_1580, %and3A_1517] : memref<3x16x16x128xf32, #tpu.memory_space<vmem>>[vector<16xi32>, vector<16xi32>, vector<16xi32>, vector<16xi32>], vector<16xf32>,
      %mul3A_1582 = arith.constant 16 : i32
      %mul3A_1583 = arith.muli %scan3A_1233, %mul3A_1582 : i32
      %swap3A_1584 = arith.constant 23 : i32
      %swap3A_1585 = arith.index_cast %swap3A_1584 : i32 to index
      %swap3A_1586 = arith.index_cast %mul3A_1583 : i32 to index
      %swap3A_1587 = tpu.vector_load %arg7[%swap3A_1585, %swap3A_1586] {strides = array<i32>} : memref<32x128xf32, #tpu.memory_space<vmem>>, vector<16xf32>,
      tpu.vector_store %arg7[%swap3A_1585, %swap3A_1586], %gather3A_1581 {strides = array<i32>} : memref<32x128xf32, #tpu.memory_space<vmem>>, vector<16xf32>,
      %broadcast_in_dim3A_1588 = arith.constant 8 : i32
      %broadcast_in_dim3A_1589 = vector.broadcast %broadcast_in_dim3A_1588 : i32 to vector<16xi32>
      %gather3A_1590 = tpu.vector_load_idx %arg6[%add3A_1510, %iota3A, %broadcast_in_dim3A_1589, %and3A_1517] : memref<3x16x16x128xf32, #tpu.memory_space<vmem>>[vector<16xi32>, vector<16xi32>, vector<16xi32>, vector<16xi32>], vector<16xf32>,
      %mul3A_1591 = arith.constant 16 : i32
      %mul3A_1592 = arith.muli %scan3A_1233, %mul3A_1591 : i32
      %swap3A_1593 = arith.constant 24 : i32
      %swap3A_1594 = arith.index_cast %swap3A_1593 : i32 to index
      %swap3A_1595 = arith.index_cast %mul3A_1592 : i32 to index
      %swap3A_1596 = tpu.vector_load %arg7[%swap3A_1594, %swap3A_1595] {strides = array<i32>} : memref<32x128xf32, #tpu.memory_space<vmem>>, vector<16xf32>,
      tpu.vector_store %arg7[%swap3A_1594, %swap3A_1595], %gather3A_1590 {strides = array<i32>} : memref<32x128xf32, #tpu.memory_space<vmem>>, vector<16xf32>,
      %broadcast_in_dim3A_1597 = arith.constant 9 : i32
      %broadcast_in_dim3A_1598 = vector.broadcast %broadcast_in_dim3A_1597 : i32 to vector<16xi32>
      %gather3A_1599 = tpu.vector_load_idx %arg6[%add3A_1510, %iota3A, %broadcast_in_dim3A_1598, %and3A_1517] : memref<3x16x16x128xf32, #tpu.memory_space<vmem>>[vector<16xi32>, vector<16xi32>, vector<16xi32>, vector<16xi32>], vector<16xf32>,
      %mul3A_1600 = arith.constant 16 : i32
      %mul3A_1601 = arith.muli %scan3A_1233, %mul3A_1600 : i32
      %swap3A_1602 = arith.constant 25 : i32
      %swap3A_1603 = arith.index_cast %swap3A_1602 : i32 to index
      %swap3A_1604 = arith.index_cast %mul3A_1601 : i32 to index
      %swap3A_1605 = tpu.vector_load %arg7[%swap3A_1603, %swap3A_1604] {strides = array<i32>} : memref<32x128xf32, #tpu.memory_space<vmem>>, vector<16xf32>,
      tpu.vector_store %arg7[%swap3A_1603, %swap3A_1604], %gather3A_1599 {strides = array<i32>} : memref<32x128xf32, #tpu.memory_space<vmem>>, vector<16xf32>,
      %broadcast_in_dim3A_1606 = arith.constant 10 : i32
      %broadcast_in_dim3A_1607 = vector.broadcast %broadcast_in_dim3A_1606 : i32 to vector<16xi32>
      %gather3A_1608 = tpu.vector_load_idx %arg6[%add3A_1510, %iota3A, %broadcast_in_dim3A_1607, %and3A_1517] : memref<3x16x16x128xf32, #tpu.memory_space<vmem>>[vector<16xi32>, vector<16xi32>, vector<16xi32>, vector<16xi32>], vector<16xf32>,
      %mul3A_1609 = arith.constant 16 : i32
      %mul3A_1610 = arith.muli %scan3A_1233, %mul3A_1609 : i32
      %swap3A_1611 = arith.constant 26 : i32
      %swap3A_1612 = arith.index_cast %swap3A_1611 : i32 to index
      %swap3A_1613 = arith.index_cast %mul3A_1610 : i32 to index
      %swap3A_1614 = tpu.vector_load %arg7[%swap3A_1612, %swap3A_1613] {strides = array<i32>} : memref<32x128xf32, #tpu.memory_space<vmem>>, vector<16xf32>,
      tpu.vector_store %arg7[%swap3A_1612, %swap3A_1613], %gather3A_1608 {strides = array<i32>} : memref<32x128xf32, #tpu.memory_space<vmem>>, vector<16xf32>,
      %broadcast_in_dim3A_1615 = arith.constant 11 : i32
      %broadcast_in_dim3A_1616 = vector.broadcast %broadcast_in_dim3A_1615 : i32 to vector<16xi32>
      %gather3A_1617 = tpu.vector_load_idx %arg6[%add3A_1510, %iota3A, %broadcast_in_dim3A_1616, %and3A_1517] : memref<3x16x16x128xf32, #tpu.memory_space<vmem>>[vector<16xi32>, vector<16xi32>, vector<16xi32>, vector<16xi32>], vector<16xf32>,
      %mul3A_1618 = arith.constant 16 : i32
      %mul3A_1619 = arith.muli %scan3A_1233, %mul3A_1618 : i32
      %swap3A_1620 = arith.constant 27 : i32
      %swap3A_1621 = arith.index_cast %swap3A_1620 : i32 to index
      %swap3A_1622 = arith.index_cast %mul3A_1619 : i32 to index
      %swap3A_1623 = tpu.vector_load %arg7[%swap3A_1621, %swap3A_1622] {strides = array<i32>} : memref<32x128xf32, #tpu.memory_space<vmem>>, vector<16xf32>,
      tpu.vector_store %arg7[%swap3A_1621, %swap3A_1622], %gather3A_1617 {strides = array<i32>} : memref<32x128xf32, #tpu.memory_space<vmem>>, vector<16xf32>,
      %broadcast_in_dim3A_1624 = arith.constant 12 : i32
      %broadcast_in_dim3A_1625 = vector.broadcast %broadcast_in_dim3A_1624 : i32 to vector<16xi32>
      %gather3A_1626 = tpu.vector_load_idx %arg6[%add3A_1510, %iota3A, %broadcast_in_dim3A_1625, %and3A_1517] : memref<3x16x16x128xf32, #tpu.memory_space<vmem>>[vector<16xi32>, vector<16xi32>, vector<16xi32>, vector<16xi32>], vector<16xf32>,
      %mul3A_1627 = arith.constant 16 : i32
      %mul3A_1628 = arith.muli %scan3A_1233, %mul3A_1627 : i32
      %swap3A_1629 = arith.constant 28 : i32
      %swap3A_1630 = arith.index_cast %swap3A_1629 : i32 to index
      %swap3A_1631 = arith.index_cast %mul3A_1628 : i32 to index
      %swap3A_1632 = tpu.vector_load %arg7[%swap3A_1630, %swap3A_1631] {strides = array<i32>} : memref<32x128xf32, #tpu.memory_space<vmem>>, vector<16xf32>,
      tpu.vector_store %arg7[%swap3A_1630, %swap3A_1631], %gather3A_1626 {strides = array<i32>} : memref<32x128xf32, #tpu.memory_space<vmem>>, vector<16xf32>,
      %broadcast_in_dim3A_1633 = arith.constant 13 : i32
      %broadcast_in_dim3A_1634 = vector.broadcast %broadcast_in_dim3A_1633 : i32 to vector<16xi32>
      %gather3A_1635 = tpu.vector_load_idx %arg6[%add3A_1510, %iota3A, %broadcast_in_dim3A_1634, %and3A_1517] : memref<3x16x16x128xf32, #tpu.memory_space<vmem>>[vector<16xi32>, vector<16xi32>, vector<16xi32>, vector<16xi32>], vector<16xf32>,
      %mul3A_1636 = arith.constant 16 : i32
      %mul3A_1637 = arith.muli %scan3A_1233, %mul3A_1636 : i32
      %swap3A_1638 = arith.constant 29 : i32
      %swap3A_1639 = arith.index_cast %swap3A_1638 : i32 to index
      %swap3A_1640 = arith.index_cast %mul3A_1637 : i32 to index
      %swap3A_1641 = tpu.vector_load %arg7[%swap3A_1639, %swap3A_1640] {strides = array<i32>} : memref<32x128xf32, #tpu.memory_space<vmem>>, vector<16xf32>,
      tpu.vector_store %arg7[%swap3A_1639, %swap3A_1640], %gather3A_1635 {strides = array<i32>} : memref<32x128xf32, #tpu.memory_space<vmem>>, vector<16xf32>,
      %broadcast_in_dim3A_1642 = arith.constant 14 : i32
      %broadcast_in_dim3A_1643 = vector.broadcast %broadcast_in_dim3A_1642 : i32 to vector<16xi32>
      %gather3A_1644 = tpu.vector_load_idx %arg6[%add3A_1510, %iota3A, %broadcast_in_dim3A_1643, %and3A_1517] : memref<3x16x16x128xf32, #tpu.memory_space<vmem>>[vector<16xi32>, vector<16xi32>, vector<16xi32>, vector<16xi32>], vector<16xf32>,
      %mul3A_1645 = arith.constant 16 : i32
      %mul3A_1646 = arith.muli %scan3A_1233, %mul3A_1645 : i32
      %swap3A_1647 = arith.constant 30 : i32
      %swap3A_1648 = arith.index_cast %swap3A_1647 : i32 to index
      %swap3A_1649 = arith.index_cast %mul3A_1646 : i32 to index
      %swap3A_1650 = tpu.vector_load %arg7[%swap3A_1648, %swap3A_1649] {strides = array<i32>} : memref<32x128xf32, #tpu.memory_space<vmem>>, vector<16xf32>,
      tpu.vector_store %arg7[%swap3A_1648, %swap3A_1649], %gather3A_1644 {strides = array<i32>} : memref<32x128xf32, #tpu.memory_space<vmem>>, vector<16xf32>,
      %broadcast_in_dim3A_1651 = arith.constant 15 : i32
      %broadcast_in_dim3A_1652 = vector.broadcast %broadcast_in_dim3A_1651 : i32 to vector<16xi32>
      %gather3A_1653 = tpu.vector_load_idx %arg6[%add3A_1510, %iota3A, %broadcast_in_dim3A_1652, %and3A_1517] : memref<3x16x16x128xf32, #tpu.memory_space<vmem>>[vector<16xi32>, vector<16xi32>, vector<16xi32>, vector<16xi32>], vector<16xf32>,
      %mul3A_1654 = arith.constant 16 : i32
      %mul3A_1655 = arith.muli %scan3A_1233, %mul3A_1654 : i32
      %swap3A_1656 = arith.constant 31 : i32
      %swap3A_1657 = arith.index_cast %swap3A_1656 : i32 to index
      %swap3A_1658 = arith.index_cast %mul3A_1655 : i32 to index
      %swap3A_1659 = tpu.vector_load %arg7[%swap3A_1657, %swap3A_1658] {strides = array<i32>} : memref<32x128xf32, #tpu.memory_space<vmem>>, vector<16xf32>,
      tpu.vector_store %arg7[%swap3A_1657, %swap3A_1658], %gather3A_1653 {strides = array<i32>} : memref<32x128xf32, #tpu.memory_space<vmem>>, vector<16xf32>,
    }
    %scan3A_1232 = arith.constant 8 : i32
    "tpu.region"() ({
      %run_scoped3A = tpu.sem_alloc : memref<!tpu.dma_semaphore, #tpu.memory_space<semaphore_mem>>
      %dma_start3A_1233 = arith.constant 0 : i32
      %dma_start3A_1234 = tpu.memref_slice %arg4[%dma_start3A_1233, %mul3A_2] : memref<32x4096xf32, #tpu.memory_space<hbm>> -> memref<32x128xf32, #tpu.memory_space<hbm>>
      %dma_start3A_1235 = arith.constant 0 : i32
      %dma_start3A_1236 = tpu.memref_slice %arg4[%dma_start3A_1235, %mul3A_2] : memref<32x4096xf32, #tpu.memory_space<hbm>> -> memref<32x128xf32, #tpu.memory_space<hbm>>
      tpu.enqueue_dma source(%arg7 : memref<32x128xf32, #tpu.memory_space<vmem>>) target(%dma_start3A_1236 : memref<32x128xf32, #tpu.memory_space<hbm>>) target_semaphore(%run_scoped3A : memref<!tpu.dma_semaphore, #tpu.memory_space<semaphore_mem>>)
      %dma_wait3A = arith.constant 0 : i32
      %dma_wait3A_1237 = tpu.memref_slice %arg4[%dma_wait3A, %mul3A_2] : memref<32x4096xf32, #tpu.memory_space<hbm>> -> memref<32x128xf32, #tpu.memory_space<hbm>>
      %dma_wait3A_1238 = arith.constant 0 : i32
      %dma_wait3A_1239 = tpu.memref_slice %arg4[%dma_wait3A_1238, %mul3A_2] : memref<32x4096xf32, #tpu.memory_space<hbm>> -> memref<32x128xf32, #tpu.memory_space<hbm>>
      tpu.wait_dma2 semaphore(%run_scoped3A : memref<!tpu.dma_semaphore, #tpu.memory_space<semaphore_mem>>) src(%arg7 : memref<32x128xf32, #tpu.memory_space<vmem>>) dst(%dma_wait3A_1239 : memref<32x128xf32, #tpu.memory_space<hbm>>)
      tpu.yield
    }) : () -> ()
    return
  }
}

</mosaic_0001>

<sc_bundles>
// kernel: _sc_gather_t.3.cloned.1.call-start
scs
__scs_entry_jumppad:
0x0: {  	(pc) =	sbr.rel $0x88, $3  }
0x1: {  	(tag) =	ssettag $0x0;
	lr =	simm.s32 $0x1  }
0x2: {  	[smem:$0x3F9F] =	sst lr;
	_ =	strace $0xD0000000  }
0x3: {  	_ = 	snop  }
0x4: {  	_ = 	snop  }
0x5: {  	_ = 	snop  }
0x6: {  	_ = 	snop  }
0x7: {  	_ = 	snop  }
__scs_overlays_trampoline_lowered:
0x8: {  	[smem:$0x3FAE] =	sst s0  }
0x9: {  	[smem:$0x3FAF] =	sst s1  }
0xa: {  	[smem:$0x3FB0] =	sst s2  }
0xb: {  	[smem:$0x3FB1] =	sst s3  }
0xc: {  	[smem:$0x3FB2] =	sst s4  }
0xd: {  	[smem:$0x3FB3] =	sst s5  }
0xe: {  	[smem:$0x3FB4] =	sst s6  }
0xf: {  	[smem:$0x3FB5] =	sst s7  }
0x10: {  	[smem:$0x3FB6] =	sst s8  }
0x11: {  	[smem:$0x3FB7] =	sst s9;
	s0 =	simm.s32 @!p0 $0x0  }
0x12: {  	s1 =	sld [smem:$0x3F9D];
	s0 =	simm.s32 @p0 $0x1  }
0x13: {  	[smem:$0x3FB8] =	sst s0;
	s0 =	simm.s32 @!p1 $0x0  }
0x14: {  	s2 =	sld [smem:$0x3F9C];
	s0 =	simm.s32 @p1 $0x1  }
0x15: {  	[smem:$0x3FB9] =	sst s0;
	s0 =	simm.s32 @!p2 $0x0  }
0x16: {  	s3 =	sld [smem:$0x3FDB];
	s0 =	simm.s32 @p2 $0x1  }
0x17: {  	s4 =	simm.s32 $0x1BF5;
	[smem:$0x3FBB] =	sst s0  }
0x18: {  	s0 =	sld [smem:$0x3F9E];
	_ =	swait.ge [sflag:s4], $0x0  }
0x19: {  	s7 =	sld [smem:$0x3F9F]  }
0x1a: {  	s8 =	sadd.s32 $0xFFFFE003, lr  }
0x1b: {  	s9 =	sadd.s32 $0xFFFFFEF7, lr;
	s5 =	simm.s32 $0xFFFFFFFF;
	p2 =	slt.u32 s8, $0xFFFFF086  }
0x1c: {  	p1 =	slt.u32 s9, $0xF7A;
	s5 =	simm.s32 @!p2 $0x0  }
0x1d: {  	s5 =	simm.s32 @p1 $0x1;
	p0 =	seq.s32 s7, s2  }
0x1e: {  	s7 =	smul.u32 @!p0 $0xF7A, s2;
	p2 =	seq.s32 @!p0 s5, $0x0  }
0x1f: {  	s9 =	smul.u32 $0xF7A, s1;
	s8 =	simm.s32 @!p0 $0x1BF5;
	p2 =	por !p2, p0  }
0x20: {  	[sflag:s8] =	ssyncset.s32 @!p0 $0xFFFFF086;
	s6 =	sadd.s32 @!p0 s3, s7;
	s7 =	simm.s32 @!p0 $0x108  }
0x21: {  	s3 =	sadd.s32 s3, s9;
	s6 =	sadd.s32 @!p0 $0x88, s6;
	s7 =	simm.s32 @p2 $0x1082  }
0x22: {  	[simem:s7], [sflag:s8] =	dma.local @!p0 [hbm:s6], $0xF7A  }
0x23: {  	s9 =	sor.u32 $0xD0000000, s2;
	s6 =	simm.s32 $0x108;
	_ =	swait.ge @!p0 [sflag:s8], $0x0  }
0x24: {  	s3 =	sadd.s32 $0x88, s3;
	s6 =	simm.s32 @!p1 $0x1082;
	[sflag:s4] =	ssyncset.s32 $0xFFFFF086  }
0x25: {  	[simem:s6], [sflag:s4] =	dma.local [hbm:s3], $0xF7A  }
0x26: {  	[smem:$0x3F9F] =	sst s1;
	(tag) =	ssettag s2;
	_ =	strace s9  }
0x27: {  	s1 =	sld [smem:$0x3FAF]  }
0x28: {  	s2 =	sld [smem:$0x3FB0]  }
0x29: {  	s4 =	sld [smem:$0x3FB2]  }
0x2a: {  	p0 =	seq.s32 s5, $0x0;
	s5 =	sld [smem:$0x3FB3]  }
0x2b: {  	s6 =	sld [smem:$0x3FB4]  }
0x2c: {  	s7 =	sld [smem:$0x3FB5]  }
0x2d: {  	s3 =	simm.s32 $0x108;
	s8 =	sld [smem:$0x3FB6]  }
0x2e: {  	s3 =	simm.s32 @!p0 $0x1082;
	s9 =	sld [smem:$0x3FB7]  }
0x2f: {  	lr =	sadd.s32 s0, s3;
	s0 =	sld [smem:$0x3FAE]  }
0x30: {  	s3 =	sld [smem:$0x3FB1]  }
0x31: {  	[smem:$0x3FBA] =	sst s10  }
0x32: {  	s10 =	sld [smem:$0x3FB8];
	_ =	sdelay $0x3  }
0x33: {  	p0 =	seq.s32 s10, $0x1;
	s10 =	sld [smem:$0x3FBA];
	_ =	sdelay $0x3  }
0x34: {  	[smem:$0x3FBA] =	sst s10  }
0x35: {  	s10 =	sld [smem:$0x3FB9];
	_ =	sdelay $0x3  }
0x36: {  	p1 =	seq.s32 s10, $0x1;
	s10 =	sld [smem:$0x3FBA];
	_ =	sdelay $0x3  }
0x37: {  	[smem:$0x3FBA] =	sst s10  }
0x38: {  	s10 =	sld [smem:$0x3FBB]  }
0x39: {  	_ = 	snop;
	(pc) =	sbr.ind lr, $3  }
0x3a: {  	_ = 	snop  }
0x3b: {  	_ = 	snop  }
0x3c: {  	p2 =	seq.s32 s10, $0x1;
	s10 =	sld [smem:$0x3FBA]  }
0x3d: {  	_ =	shalt  }
0x3e: {  	_ =	shalt  }
0x3f: {  	_ =	shalt  }
0x40: {  	_ =	shalt  }
0x41: {  	_ =	shalt  }
0x42: {  	_ =	shalt  }
0x43: {  	_ =	shalt  }
0x44: {  	_ =	shalt  }
0x45: {  	_ =	shalt  }
0x46: {  	_ =	shalt  }
0x47: {  	_ =	shalt  }
0x48: {  	_ =	shalt  }
0x49: {  	_ =	shalt  }
0x4a: {  	_ =	shalt  }
0x4b: {  	_ =	shalt  }
0x4c: {  	_ =	shalt  }
0x4d: {  	_ =	shalt  }
0x4e: {  	_ =	shalt  }
0x4f: {  	_ =	shalt  }
0x50: {  	_ =	shalt  }
0x51: {  	_ =	shalt  }
0x52: {  	_ =	shalt  }
0x53: {  	_ =	shalt  }
0x54: {  	_ =	shalt  }
0x55: {  	_ =	shalt  }
0x56: {  	_ =	shalt  }
0x57: {  	_ =	shalt  }
0x58: {  	_ =	shalt  }
0x59: {  	_ =	shalt  }
0x5a: {  	_ =	shalt  }
0x5b: {  	_ =	shalt  }
0x5c: {  	_ =	shalt  }
0x5d: {  	_ =	shalt  }
0x5e: {  	_ =	shalt  }
0x5f: {  	_ =	shalt  }
0x60: {  	_ =	shalt  }
0x61: {  	_ =	shalt  }
0x62: {  	_ =	shalt  }
0x63: {  	_ =	shalt  }
0x64: {  	_ =	shalt  }
0x65: {  	_ =	shalt  }
0x66: {  	_ =	shalt  }
0x67: {  	_ =	shalt  }
0x68: {  	_ =	shalt  }
0x69: {  	_ =	shalt  }
0x6a: {  	_ =	shalt  }
0x6b: {  	_ =	shalt  }
0x6c: {  	_ =	shalt  }
0x6d: {  	_ =	shalt  }
0x6e: {  	_ =	shalt  }
0x6f: {  	_ =	shalt  }
0x70: {  	_ =	shalt  }
0x71: {  	_ =	shalt  }
0x72: {  	_ =	shalt  }
0x73: {  	_ =	shalt  }
0x74: {  	_ =	shalt  }
0x75: {  	_ =	shalt  }
0x76: {  	_ =	shalt  }
0x77: {  	_ =	shalt  }
0x78: {  	_ =	shalt  }
0x79: {  	_ =	shalt  }
0x7a: {  	_ =	shalt  }
0x7b: {  	_ =	shalt  }
0x7c: {  	_ =	shalt  }
0x7d: {  	_ =	shalt  }
0x7e: {  	_ =	shalt  }
0x7f: {  	_ =	shalt  }
0x80: {  	_ =	shalt  }
0x81: {  	_ =	shalt  }
0x82: {  	_ =	shalt  }
0x83: {  	_ =	shalt  }
0x84: {  	_ =	shalt  }
0x85: {  	_ =	shalt  }
0x86: {  	_ =	shalt  }
0x87: {  	_ =	shalt  }
.Lfunc_end0:
.L_simem_size_0:
called_computation_lowered:
.L_overlay_start_0:
0x88: {  	s2 =	sld [smem:$0x3FD9]  }
0x89: {  	s3 =	sld [smem:$0x3FFE];
	_ =	sdelay $0x1  }
0x8a: {  	s1 =	srdreg.scid  }
0x8b: {  	s0 =	sand.u32 $0x1, s1  }
0x8c: {  	s18 =	sshll.u32 s0, $0xA;
	s2 =	sadd.s32 s3, s2  }
0x8d: {  	s2 =	sadd.s32 s2, s18  }
0x8e: {  	[smem:$0x3FC6] =	sst s2  }
0x8f: {  	_ = 	snop  }
0x90: {  	s2 =	sld [smem:$0x3FC9]  }
0x91: {  	s19 =	sld [smem:$0x3FC8]  }
0x92: {  	s4 =	sld [smem:$0x3FD0];
	(tm) =	ssettm $0x1  }
0x93: {  	s5 =	sld [smem:$0x3FFB];
	_ =	sdelay $0x3  }
0x94: {  	_ =	strace s5  }
0x95: {  	s5 =	sld [smem:$0x3FFC];
	_ =	sdelay $0x3  }
0x96: {  	_ =	strace s5  }
0x97: {  	s5 =	sld [smem:$0x3FFD];
	_ =	sdelay $0x3  }
0x98: {  	_ =	strace s5  }
0x99: {  	_ =	strace $0x8FFFFFFF  }
0x9a: {  	s20 =	sld [smem:$0x3FDB];
	_ =	sdelay $0x1  }
0x9b: {  	s6 =	simm.s32 $_scs_section_size  }
0x9c: {  	s7 =	simm.s32 $_size__tile_overlayer_lowered;
	s8 =	simm.s32 $_tile_overlayer_lowered  }
0x9d: {  	s23 =	simm.s32 $0x1BFF;
	s22 =	sshll.u32 s8, $0x1;
	s5 =	sadd.s32 s6, s20  }
0x9e: {  	s9 =	simm.s32 $0x0;
	s21 =	sshll.u32 s7, $0x1;
	s7 =	sadd.s32 s22, s5  }
0x9f: {  	[timem:s9], [sflag:s23] =	dma.local [hbm:s7], s21  }
0xa0: {  	_ =	swait.ge [sflag:s23], s21  }
0xa1: {  	s6 =	ssub.s32 $0x0, s21;
	[sflag:s23] =	ssyncset.done $0x0  }
0xa2: {  	[sflag:s23] =	ssyncadd.s32 s6;
	_ =	sdelay $0x1  }
0xa3: {  	s24 =	simm.s32 $0x1B8B  }
0xa4: {  	_ =	swait.ge [sflag:s24], $0x1  }
0xa5: {  	[sflag:s24] =	ssyncset.done $0x0  }
0xa6: {  	s25 =	simm.s32 $0x1B8E;
	[sflag:s24] =	ssyncadd.s32 $0xFFFFFFFF  }
0xa7: {  	s26 =	simm.s32 $execute0_lowered;
	[smem:$0x3FD2] =	sst s25  }
0xa8: {  	s6 =	sshll.u32 s26, $0x1;
	_ =	strace $0x80000046;
	[dreg:$0x1] =	wrdreg $0xFFFFFFFF  }
0xa9: {  	s28 =	simm.s32 $_size_execute0_lowered;
	s5 =	sadd.s32 s5, s6;
	[dreg:$0x0] =	wrdreg $0x0  }
0xaa: {  	s6 =	sshll.u32 s28, $0x1;
	[dreg:$0x2] =	wrdreg s5  }
0xab: {  	[dreg:$0x3] =	wrdreg s6  }
0xac: {  	[dreg:$0x4] =	wrdreg $0xC0  }
0xad: {  	_ =	task [dreg:s9], $0x5FFFF  }
0xae: {  	[dreg:$0x1] =	wrdreg $0xFFFFFFFF  }
0xaf: {  	[dreg:$0x0] =	wrdreg $0x60  }
0xb0: {  	[dreg:$0x2] =	wrdreg s2  }
0xb1: {  	[dreg:$0x3] =	wrdreg s19  }
0xb2: {  	[dreg:$0x4] =	wrdreg s4  }
0xb3: {  	[dreg:$0x5] =	wrdreg $0x9  }
0xb4: {  	_ =	task.clear_ibuf [dreg:s9], $0x6FFFF;
	_ =	strace $0x90000046  }
0xb5: {  	s29 =	simm.s32 $0x9;
	_ =	strace $0x80000048  }
0xb6: {  	_ =	swait.ge [sflag:s29], $0x1  }
0xb7: {  	[sflag:s29] =	ssyncadd.s32 $0xFFFFFFFF  }
0xb8: {  	_ =	strace $0x90000048  }
0xb9: {  	_ =	sfence  }
0xba: {  	s30 =	sld [smem:$0x0];
	_ =	sdelay $0x2  }
0xbb: {  	s31 =	sshll.u32 s1, $0xD;
	s1 =	sshrl.u32 s1, $0x2  }
0xbc: {  	s3 =	sand.u32 $0x4000, s31;
	s1 =	sadd.s32 s1, s30  }
0xbd: {  	s0 =	sor.u32 s3, s0;
	s1 =	sshll.u32 s1, $0x11  }
0xbe: {  	s0 =	sor.u32 s1, s0  }
0xbf: {  	s0 =	sadd.s32 $0x8F2B, s0  }
0xc0: {  	[sflag:s0] =	ssyncadd.remote.s32 $0x1  }
0xc1: {  	_ =	sfence.sel $0xFFFF  }
0xc2: {  	[dreg:$0x0] =	wrdreg $0xFFFFFFFF;
	(pc) =	sbr.abs _section_cstart, $3  }
0xc3: {  	[dreg:$0x1] =	wrdreg $0xFFFFFFFF  }
0xc4: {  	_ =	task.clear_ibuf [dreg:s9], $0x2FFFF;
	_ =	strace $0x9FFFFFFF  }
0xc5: {  	(tm) =	ssettm $0x7FFFFFFF  }
tec
execute0_lowered:
.L_overlay_start_1:
0x0: {  	(tag) =	ssettag $0x1  }
0x1: {  	s1 =	rddreg [dreg:$0x0]  }
0x2: {  	s0 =	rddreg [dreg:$0x1]  }
0x3: {  	s2 =	rddreg [dreg:$0x2]  }
0x4: {  	s3 =	srdreg.scid;
	s4 =	stileid.u32  }
0x5: {  	s5 =	simm.s32 $0x0;
	s8 =	simm.s32 $0x2;
	s9 =	simm.s32 $0x400  }
0x6: {  	s10 =	simm.s32 $0x7A1400;
	s11 =	simm.s32 $0x80;
	s28 =	simm.s32 $0x8080  }
0x7: {  	s29 =	simm.s32 $0x8880;
	s30 =	simm.s32 $0x9080;
	s31 =	simm.s32 $0x9880  }
0x8: {  	s12 =	simm.s32 $0xB880;
	s13 =	simm.s32 $0xC080;
	s14 =	simm.s32 $0xC880  }
0x9: {  	s15 =	simm.s32 $0xD880;
	s16 =	simm.s32 $0xE080;
	s17 =	simm.s32 $0xE880  }
0xa: {  	s18 =	simm.s32 $0xF880;
	s7 =	simm.s32 $0x1;
	s19 =	simm.s32 $0x0  }
0xb: {  	v0 =	vlaneseq.u32;
	s3 =	sand.u32 $0x1, s3;
	s4 =	sshll.u32 s4, $0x1;
	[smem:$0x7FF] =	sst s5  }
0xc: {  	s5 =	sadd.s32 $0x1E8500, s1;
	v0 =	vmul.u32 $0x800, v0;
	s23 =	ssub.s32 $0x2, s3;
	s3 =	sor.u32 s3, s4  }
0xd: {  	v1 =	vimm.s32 $0x0;
	_ =	strace $0x80000047;
	s24 =	sshrl.u32 s23, $0x1;
	s6 =	sshll.u32 s3, $0x4  }
.Ltmp0:
0xe: {  	s25 =	sshll.u32 s3, $0x7;
	v2 =	vor.u32 $0x80, v0;
	v3 =	vor.u32 $0x100, v0;
	v4 =	vor.u32 $0x180, v0;
	s3 =	simm.s32 $0xB080;
	(pc) =	sbr.rel .LBB2_1-.Ltmp0, $4  }
0xf: {  	v5 =	vor.u32 $0x200, v0;
	v6 =	vor.u32 $0x280, v0;
	v7 =	vor.u32 $0x300, v0;
	s4 =	ssub.s32 s23, s24;
	s0 =	sadd.s32 s0, s6;
	s6 =	simm.s32 $0xF080  }
0x10: {  	v8 =	vor.u32 $0x380, v0;
	v9 =	vor.u32 $0x400, v0;
	v10 =	vor.u32 $0x480, v0;
	[dreg:$0x4] =	wrdreg s0;
	s0 =	sadd.s32 s2, s25;
	s26 =	smax.u32 s4, $0x1  }
0x11: {  	v11 =	vor.u32 $0x500, v0;
	v12 =	vor.u32 $0x580, v0;
	v13 =	vor.u32 $0x600, v0;
	s2 =	simm.s32 $0xA880;
	s4 =	simm.s32 $0xD080;
	[dreg:$0x5] =	wrdreg s0  }
0x12: {  	v14 =	vor.u32 $0x680, v0;
	v15 =	vor.u32 $0x700, v0;
	v16 =	vor.u32 $0x780, v0;
	[dreg:$0x6] =	wrdreg s26;
	s26 =	simm.s32 $0x7880;
	s0 =	simm.s32 $0xA080  }
.LBB2_9:
0x13: {  	s20 =	rddreg [dreg:$0x5];
	s21 =	simm.s32 $0x8000;
	s22 =	simm.s32 $0x18080  }
0x14: {  	[hbm4b:s20+s9] =	stream.strided.scatter [tilespmem:s22], [sflag:$0x2], $0x1000, s21, s9, $0x38;
	[tilespmem:$0x19080] =	vst v63  }
0x15: {  	_ =	swait.ge [sflag:s8], $0x1000  }
0x16: {  	s19 =	sadd.s32 $0x1, s19;
	s25 =	rddreg [dreg:$0x6]  }
0x17: {  	p0 =	sne.s32 s19, s25  }
.Ltmp1:
0x18: {  	_ = 	snop;
	(pc) =	sbr.rel @!p0 .LBB2_10-.Ltmp1, $3  }
0x19: {  	_ =	sdelay $0x1  }
0x1a: {  	[sflag:s8] =	ssyncset.done $0x0  }
0x1b: {  	[sflag:s8] =	ssyncadd.s32 $0xFFFFF000  }
.LBB2_1:
0x1c: {  	s20 =	simm.s32 $0x0;
	s21 =	rddreg [dreg:$0x4]  }
0x1d: {  	[tilespmem:s20], [sflag:$0x2] =	stream.linear.gather [hbm4b:s21+s20], $0x80, $0x38;
	[tilespmem:$0x19080] =	vst v63  }
0x1e: {  	_ =	swait.ge [sflag:s8], $0x80  }
0x1f: {  	[sflag:s8] =	ssyncset.done $0x0  }
0x20: {  	[sflag:s8] =	ssyncadd.s32 $0xFFFFFF80  }
0x21: {  	v17 =	vld [tilespmem:$0x0];
	_ =	sdelay $0x4  }
0x22: {  	v18 =	vshra.s32 v17, $0x1F;
	v19 =	vand.u32 $0x7F, v17  }
0x23: {  	vm0 =	vlt.s32 v17, $0x1;
	v18 =	vshrl.u32 v18, $0x19;
	vm1 =	vne.s32 v19, $0x0  }
0x24: {  	v17 =	vadd.s32 v18, v17;
	vm0 =	vmand vm0, vm1  }
0x25: {  	v17 =	vshrl.u32 v17, $0x7;
	v18 =	vsel vm0, $0xFFFFFFFF, v1  }
0x26: {  	v17 =	vadd.s32 v18, v17  }
0x27: {  	v17 =	vshll.u32 v17, $0x7  }
0x28: {  	v17 =	vadd.s32 s1, v17  }
0x29: {  	(v2sf) =	vpush v17, $0x0;
	_ =	sdelay $0x1  }
0x2a: {  	(v2sf) =	vpush v17, $0x1;
	_ =	sdelay $0x1  }
0x2b: {  	(v2sf) =	vpush v17, $0x2;
	_ =	sdelay $0x1  }
0x2c: {  	(v2sf) =	vpush v17, $0x3;
	_ =	sdelay $0x1  }
0x2d: {  	(v2sf) =	vpush v17, $0x4;
	_ =	sdelay $0x1  }
0x2e: {  	(v2sf) =	vpush v17, $0x5;
	_ =	sdelay $0x1  }
0x2f: {  	(v2sf) =	vpush v17, $0x6;
	_ =	sdelay $0x1  }
0x30: {  	(v2sf) =	vpush v17, $0x7  }
0x31: {  	s23 =	spop (v2sf)  }
0x32: {  	(v2sf) =	vpush v17, $0x8;
	[tilespmem:s11], [sflag:$0x1] =	stream.strided.gather [hbm4b:s23+s9], $0x800, s10, s9, $0x38;
	[tilespmem:$0x19080] =	vst v63  }
0x33: {  	s25 =	simm.s32 $0x880;
	s24 =	spop (v2sf)  }
0x34: {  	(v2sf) =	vpush v17, $0x9;
	[tilespmem:s25], [sflag:$0x1] =	stream.strided.gather [hbm4b:s24+s9], $0x800, s10, s9, $0x38;
	[tilespmem:$0x19080] =	vst v63  }
0x35: {  	s23 =	simm.s32 $0x1080;
	s22 =	spop (v2sf)  }
0x36: {  	(v2sf) =	vpush v17, $0xA;
	[tilespmem:s23], [sflag:$0x1] =	stream.strided.gather [hbm4b:s22+s9], $0x800, s10, s9, $0x38;
	[tilespmem:$0x19080] =	vst v63  }
0x37: {  	s24 =	spop (v2sf);
	s25 =	simm.s32 $0x1880  }
0x38: {  	(v2sf) =	vpush v17, $0xB;
	[tilespmem:s25], [sflag:$0x1] =	stream.strided.gather [hbm4b:s24+s9], $0x800, s10, s9, $0x38;
	[tilespmem:$0x19080] =	vst v63  }
0x39: {  	s22 =	spop (v2sf);
	s23 =	simm.s32 $0x2080  }
0x3a: {  	(v2sf) =	vpush v17, $0xC;
	[tilespmem:s23], [sflag:$0x1] =	stream.strided.gather [hbm4b:s22+s9], $0x800, s10, s9, $0x38;
	[tilespmem:$0x19080] =	vst v63  }
0x3b: {  	s24 =	spop (v2sf);
	s25 =	simm.s32 $0x2880  }
0x3c: {  	(v2sf) =	vpush v17, $0xD;
	[tilespmem:s25], [sflag:$0x1] =	stream.strided.gather [hbm4b:s24+s9], $0x800, s10, s9, $0x38;
	[tilespmem:$0x19080] =	vst v63  }
0x3d: {  	s22 =	spop (v2sf);
	s23 =	simm.s32 $0x3080  }
0x3e: {  	(v2sf) =	vpush v17, $0xE;
	[tilespmem:s23], [sflag:$0x1] =	stream.strided.gather [hbm4b:s22+s9], $0x800, s10, s9, $0x38;
	[tilespmem:$0x19080] =	vst v63  }
0x3f: {  	s24 =	spop (v2sf);
	s25 =	simm.s32 $0x3880  }
0x40: {  	(v2sf) =	vpush v17, $0xF;
	[tilespmem:s25], [sflag:$0x1] =	stream.strided.gather [hbm4b:s24+s9], $0x800, s10, s9, $0x38;
	[tilespmem:$0x19080] =	vst v63  }
0x41: {  	s23 =	simm.s32 $0x4080;
	s22 =	spop (v2sf)  }
0x42: {  	[tilespmem:s23], [sflag:$0x1] =	stream.strided.gather [hbm4b:s22+s9], $0x800, s10, s9, $0x38;
	[tilespmem:$0x19080] =	vst v63  }
0x43: {  	s25 =	simm.s32 $0x4880;
	s24 =	spop (v2sf)  }
0x44: {  	[tilespmem:s25], [sflag:$0x1] =	stream.strided.gather [hbm4b:s24+s9], $0x800, s10, s9, $0x38;
	[tilespmem:$0x19080] =	vst v63  }
0x45: {  	s22 =	spop (v2sf);
	s23 =	simm.s32 $0x5080  }
0x46: {  	[tilespmem:s23], [sflag:$0x1] =	stream.strided.gather [hbm4b:s22+s9], $0x800, s10, s9, $0x38;
	[tilespmem:$0x19080] =	vst v63  }
0x47: {  	s24 =	spop (v2sf);
	s25 =	simm.s32 $0x5880  }
0x48: {  	[tilespmem:s25], [sflag:$0x1] =	stream.strided.gather [hbm4b:s24+s9], $0x800, s10, s9, $0x38;
	[tilespmem:$0x19080] =	vst v63  }
0x49: {  	s22 =	spop (v2sf);
	s23 =	simm.s32 $0x6080  }
0x4a: {  	[tilespmem:s23], [sflag:$0x1] =	stream.strided.gather [hbm4b:s22+s9], $0x800, s10, s9, $0x38;
	[tilespmem:$0x19080] =	vst v63  }
0x4b: {  	s24 =	spop (v2sf);
	s25 =	simm.s32 $0x6880  }
0x4c: {  	[tilespmem:s25], [sflag:$0x1] =	stream.strided.gather [hbm4b:s24+s9], $0x800, s10, s9, $0x38;
	[tilespmem:$0x19080] =	vst v63  }
0x4d: {  	s22 =	spop (v2sf);
	s23 =	simm.s32 $0x7080  }
0x4e: {  	[tilespmem:s23], [sflag:$0x1] =	stream.strided.gather [hbm4b:s22+s9], $0x800, s10, s9, $0x38;
	[tilespmem:$0x19080] =	vst v63  }
0x4f: {  	s24 =	spop (v2sf)  }
0x50: {  	[tilespmem:s26], [sflag:$0x1] =	stream.strided.gather [hbm4b:s24+s9], $0x800, s10, s9, $0x38;
	[tilespmem:$0x19080] =	vst v63  }
0x51: {  	v17 =	vld [tilespmem:$0x10];
	_ =	sdelay $0x4  }
0x52: {  	v18 =	vshra.s32 v17, $0x1F;
	v19 =	vand.u32 $0x7F, v17  }
0x53: {  	vm15 =	vlt.s32 v17, $0x1;
	vm14 =	vne.s32 v19, $0x0;
	v18 =	vshrl.u32 v18, $0x19  }
0x54: {  	v17 =	vadd.s32 v18, v17;
	vm0 =	vmand vm15, vm14  }
0x55: {  	v17 =	vshrl.u32 v17, $0x7;
	v18 =	vsel vm0, $0xFFFFFFFF, v1  }
0x56: {  	v17 =	vadd.s32 v18, v17  }
0x57: {  	v17 =	vshll.u32 v17, $0x7  }
0x58: {  	v17 =	vadd.s32 s1, v17  }
0x59: {  	(v2sf) =	vpush v17, $0x0;
	_ =	sdelay $0x1  }
0x5a: {  	(v2sf) =	vpush v17, $0x1;
	_ =	sdelay $0x1  }
0x5b: {  	(v2sf) =	vpush v17, $0x2;
	_ =	sdelay $0x1  }
0x5c: {  	(v2sf) =	vpush v17, $0x3;
	_ =	sdelay $0x1  }
0x5d: {  	(v2sf) =	vpush v17, $0x4;
	_ =	sdelay $0x1  }
0x5e: {  	(v2sf) =	vpush v17, $0x5;
	_ =	sdelay $0x1  }
0x5f: {  	(v2sf) =	vpush v17, $0x6;
	_ =	sdelay $0x1  }
0x60: {  	(v2sf) =	vpush v17, $0x7  }
0x61: {  	s25 =	spop (v2sf)  }
0x62: {  	(v2sf) =	vpush v17, $0x8;
	[tilespmem:s28], [sflag:$0x1] =	stream.strided.gather [hbm4b:s25+s9], $0x800, s10, s9, $0x38;
	[tilespmem:$0x19080] =	vst v63  }
0x63: {  	s21 =	spop (v2sf)  }
0x64: {  	(v2sf) =	vpush v17, $0x9;
	[tilespmem:s29], [sflag:$0x1] =	stream.strided.gather [hbm4b:s21+s9], $0x800, s10, s9, $0x38;
	[tilespmem:$0x19080] =	vst v63  }
0x65: {  	s22 =	spop (v2sf)  }
0x66: {  	(v2sf) =	vpush v17, $0xA;
	[tilespmem:s30], [sflag:$0x1] =	stream.strided.gather [hbm4b:s22+s9], $0x800, s10, s9, $0x38;
	[tilespmem:$0x19080] =	vst v63  }
0x67: {  	s23 =	spop (v2sf)  }
0x68: {  	(v2sf) =	vpush v17, $0xB;
	[tilespmem:s31], [sflag:$0x1] =	stream.strided.gather [hbm4b:s23+s9], $0x800, s10, s9, $0x38;
	[tilespmem:$0x19080] =	vst v63  }
0x69: {  	s24 =	spop (v2sf)  }
0x6a: {  	(v2sf) =	vpush v17, $0xC;
	[tilespmem:s0], [sflag:$0x1] =	stream.strided.gather [hbm4b:s24+s9], $0x800, s10, s9, $0x38;
	[tilespmem:$0x19080] =	vst v63  }
0x6b: {  	s25 =	spop (v2sf)  }
0x6c: {  	(v2sf) =	vpush v17, $0xD;
	[tilespmem:s2], [sflag:$0x1] =	stream.strided.gather [hbm4b:s25+s9], $0x800, s10, s9, $0x38;
	[tilespmem:$0x19080] =	vst v63  }
0x6d: {  	s21 =	spop (v2sf)  }
0x6e: {  	[tilespmem:s3], [sflag:$0x1] =	stream.strided.gather [hbm4b:s21+s9], $0x800, s10, s9, $0x38;
	[tilespmem:$0x19080] =	vst v63  }
0x6f: {  	(v2sf) =	vpush v17, $0xE;
	s22 =	spop (v2sf)  }
0x70: {  	[tilespmem:s12], [sflag:$0x1] =	stream.strided.gather [hbm4b:s22+s9], $0x800, s10, s9, $0x38;
	[tilespmem:$0x19080] =	vst v63  }
0x71: {  	(v2sf) =	vpush v17, $0xF;
	s23 =	spop (v2sf)  }
0x72: {  	[tilespmem:s13], [sflag:$0x1] =	stream.strided.gather [hbm4b:s23+s9], $0x800, s10, s9, $0x38;
	[tilespmem:$0x19080] =	vst v63  }
0x73: {  	s24 =	spop (v2sf)  }
0x74: {  	[tilespmem:s14], [sflag:$0x1] =	stream.strided.gather [hbm4b:s24+s9], $0x800, s10, s9, $0x38;
	[tilespmem:$0x19080] =	vst v63  }
0x75: {  	s25 =	spop (v2sf)  }
0x76: {  	[tilespmem:s4], [sflag:$0x1] =	stream.strided.gather [hbm4b:s25+s9], $0x800, s10, s9, $0x38;
	[tilespmem:$0x19080] =	vst v63  }
0x77: {  	s21 =	spop (v2sf)  }
0x78: {  	[tilespmem:s15], [sflag:$0x1] =	stream.strided.gather [hbm4b:s21+s9], $0x800, s10, s9, $0x38;
	[tilespmem:$0x19080] =	vst v63  }
0x79: {  	s22 =	spop (v2sf)  }
0x7a: {  	[tilespmem:s16], [sflag:$0x1] =	stream.strided.gather [hbm4b:s22+s9], $0x800, s10, s9, $0x38;
	[tilespmem:$0x19080] =	vst v63  }
0x7b: {  	s23 =	spop (v2sf)  }
0x7c: {  	[tilespmem:s17], [sflag:$0x1] =	stream.strided.gather [hbm4b:s23+s9], $0x800, s10, s9, $0x38;
	[tilespmem:$0x19080] =	vst v63  }
.Ltmp2:
0x7d: {  	_ = 	snop;
	(pc) =	sbr.rel .LBB2_2-.Ltmp2, $4  }
0x7e: {  	s20 =	simm.s32 $0x20;
	s24 =	spop (v2sf)  }
0x7f: {  	[tilespmem:s6], [sflag:$0x1] =	stream.strided.gather [hbm4b:s24+s9], $0x800, s10, s9, $0x38;
	[tilespmem:$0x19080] =	vst v63  }
0x80: {  	s25 =	spop (v2sf);
	s21 =	simm.s32 $0x18480;
	s22 =	simm.s32 $0x0  }
0x81: {  	[tilespmem:s18], [sflag:$0x1] =	stream.strided.gather [hbm4b:s25+s9], $0x800, s10, s9, $0x38;
	[tilespmem:$0x19080] =	vst v63  }
.LBB2_4:
0x82: {  	_ =	swait.ge [sflag:s7], $0x800  }
0x83: {  	[sflag:s7] =	ssyncset.done $0x0  }
0x84: {  	[sflag:s7] =	ssyncadd.s32 $0xFFFFF800  }
0x85: {  	_ =	swait.ge [sflag:s7], $0x800  }
0x86: {  	[sflag:s7] =	ssyncset.done $0x0  }
0x87: {  	[sflag:s7] =	ssyncadd.s32 $0xFFFFF800  }
0x88: {  	_ =	swait.ge [sflag:s7], $0x800  }
0x89: {  	[sflag:s7] =	ssyncset.done $0x0  }
0x8a: {  	[sflag:s7] =	ssyncadd.s32 $0xFFFFF800  }
0x8b: {  	_ =	swait.ge [sflag:s7], $0x800  }
0x8c: {  	[sflag:s7] =	ssyncset.done $0x0  }
0x8d: {  	[sflag:s7] =	ssyncadd.s32 $0xFFFFF800  }
0x8e: {  	_ =	swait.ge [sflag:s7], $0x800  }
0x8f: {  	[sflag:s7] =	ssyncset.done $0x0  }
0x90: {  	[sflag:s7] =	ssyncadd.s32 $0xFFFFF800  }
0x91: {  	_ =	swait.ge [sflag:s7], $0x800  }
0x92: {  	[sflag:s7] =	ssyncset.done $0x0  }
0x93: {  	[sflag:s7] =	ssyncadd.s32 $0xFFFFF800  }
0x94: {  	_ =	swait.ge [sflag:s7], $0x800  }
0x95: {  	[sflag:s7] =	ssyncset.done $0x0  }
0x96: {  	[sflag:s7] =	ssyncadd.s32 $0xFFFFF800  }
0x97: {  	_ =	swait.ge [sflag:s7], $0x800  }
0x98: {  	[sflag:s7] =	ssyncset.done $0x0  }
0x99: {  	[sflag:s7] =	ssyncadd.s32 $0xFFFFF800  }
0x9a: {  	_ =	swait.ge [sflag:s7], $0x800  }
0x9b: {  	[sflag:s7] =	ssyncset.done $0x0  }
0x9c: {  	[sflag:s7] =	ssyncadd.s32 $0xFFFFF800  }
0x9d: {  	_ =	swait.ge [sflag:s7], $0x800  }
0x9e: {  	[sflag:s7] =	ssyncset.done $0x0  }
0x9f: {  	[sflag:s7] =	ssyncadd.s32 $0xFFFFF800  }
0xa0: {  	_ =	swait.ge [sflag:s7], $0x800  }
0xa1: {  	[sflag:s7] =	ssyncset.done $0x0  }
0xa2: {  	[sflag:s7] =	ssyncadd.s32 $0xFFFFF800  }
0xa3: {  	_ =	swait.ge [sflag:s7], $0x800  }
0xa4: {  	[sflag:s7] =	ssyncset.done $0x0  }
0xa5: {  	[sflag:s7] =	ssyncadd.s32 $0xFFFFF800  }
0xa6: {  	_ =	swait.ge [sflag:s7], $0x800  }
0xa7: {  	[sflag:s7] =	ssyncset.done $0x0  }
0xa8: {  	[sflag:s7] =	ssyncadd.s32 $0xFFFFF800  }
0xa9: {  	_ =	swait.ge [sflag:s7], $0x800  }
0xaa: {  	[sflag:s7] =	ssyncset.done $0x0  }
0xab: {  	[sflag:s7] =	ssyncadd.s32 $0xFFFFF800  }
0xac: {  	_ =	swait.ge [sflag:s7], $0x800  }
0xad: {  	[sflag:s7] =	ssyncset.done $0x0  }
0xae: {  	[sflag:s7] =	ssyncadd.s32 $0xFFFFF800  }
0xaf: {  	s23 =	smul.u32 $0xAB, s22;
	_ =	swait.ge [sflag:s7], $0x800  }
0xb0: {  	[sflag:s7] =	ssyncset.done $0x0  }
0xb1: {  	s23 =	sshrl.u32 s23, $0x9;
	[sflag:s7] =	ssyncadd.s32 $0xFFFFF800  }
0xb2: {  	s23 =	sand.u32 $0x7F, s23;
	v17 =	vld [tilespmem:s20+$0xFFFFFFE0]  }
0xb3: {  	s23 =	smul.u32 $0x3, s23;
	_ =	sdelay $0x1  }
0xb4: {  	s23 =	ssub.s32 s22, s23  }
0xb5: {  	s23 =	sand.u32 $0xFF, s23  }
0xb6: {  	s23 =	sshll.u32 s23, $0xF;
	v17 =	vand.u32 $0x7F, v17  }
0xb7: {  	v17 =	vor.u32 s23, v17  }
0xb8: {  	v18 =	vor.u32 v0, v17;
	_ =	sdelay $0x4  }
0xb9: {  	v18 =	vld.idx.msk [tilespmem:v18+s11+$0x0], $0xffff  }
0xba: {  	v19 =	vor.u32 v2, v17;
	_ =	sdelay $0x3  }
0xbb: {  	[tilespmem:s21+$0xFFFFFC00] =	vst v18  }
0xbc: {  	v18 =	vld.idx.msk [tilespmem:v19+s11+$0x0], $0xffff  }
0xbd: {  	v19 =	vor.u32 v3, v17;
	_ =	sdelay $0x3  }
0xbe: {  	[tilespmem:s21+$0xFFFFFC80] =	vst v18  }
0xbf: {  	v18 =	vld.idx.msk [tilespmem:v19+s11+$0x0], $0xffff  }
0xc0: {  	v19 =	vor.u32 v4, v17;
	_ =	sdelay $0x3  }
0xc1: {  	[tilespmem:s21+$0xFFFFFD00] =	vst v18  }
0xc2: {  	v18 =	vld.idx.msk [tilespmem:v19+s11+$0x0], $0xffff  }
0xc3: {  	v19 =	vor.u32 v5, v17;
	_ =	sdelay $0x3  }
0xc4: {  	[tilespmem:s21+$0xFFFFFD80] =	vst v18  }
0xc5: {  	v18 =	vld.idx.msk [tilespmem:v19+s11+$0x0], $0xffff  }
0xc6: {  	v19 =	vor.u32 v6, v17;
	_ =	sdelay $0x3  }
0xc7: {  	[tilespmem:s21+$0xFFFFFE00] =	vst v18  }
0xc8: {  	v18 =	vld.idx.msk [tilespmem:v19+s11+$0x0], $0xffff  }
0xc9: {  	v19 =	vor.u32 v7, v17;
	_ =	sdelay $0x3  }
0xca: {  	[tilespmem:s21+$0xFFFFFE80] =	vst v18  }
0xcb: {  	v18 =	vld.idx.msk [tilespmem:v19+s11+$0x0], $0xffff  }
0xcc: {  	v19 =	vor.u32 v8, v17;
	_ =	sdelay $0x3  }
0xcd: {  	[tilespmem:s21+$0xFFFFFF00] =	vst v18  }
0xce: {  	v18 =	vld.idx.msk [tilespmem:v19+s11+$0x0], $0xffff  }
0xcf: {  	v19 =	vor.u32 v9, v17;
	_ =	sdelay $0x3  }
0xd0: {  	[tilespmem:s21+$0xFFFFFF80] =	vst v18  }
0xd1: {  	v18 =	vld.idx.msk [tilespmem:v19+s11+$0x0], $0xffff  }
0xd2: {  	v19 =	vor.u32 v10, v17;
	_ =	sdelay $0x3  }
0xd3: {  	[tilespmem:s21+$0x0] =	vst v18  }
0xd4: {  	v18 =	vld.idx.msk [tilespmem:v19+s11+$0x0], $0xffff  }
0xd5: {  	v19 =	vor.u32 v11, v17;
	_ =	sdelay $0x3  }
0xd6: {  	[tilespmem:s21+$0x80] =	vst v18  }
0xd7: {  	v18 =	vld.idx.msk [tilespmem:v19+s11+$0x0], $0xffff  }
0xd8: {  	v19 =	vor.u32 v12, v17;
	_ =	sdelay $0x3  }
0xd9: {  	[tilespmem:s21+$0x100] =	vst v18  }
0xda: {  	v18 =	vld.idx.msk [tilespmem:v19+s11+$0x0], $0xffff  }
0xdb: {  	v19 =	vor.u32 v13, v17;
	_ =	sdelay $0x3  }
0xdc: {  	[tilespmem:s21+$0x180] =	vst v18  }
0xdd: {  	v18 =	vld.idx.msk [tilespmem:v19+s11+$0x0], $0xffff  }
0xde: {  	v19 =	vor.u32 v14, v17;
	_ =	sdelay $0x3  }
0xdf: {  	[tilespmem:s21+$0x200] =	vst v18  }
0xe0: {  	v18 =	vld.idx.msk [tilespmem:v19+s11+$0x0], $0xffff  }
0xe1: {  	v19 =	vor.u32 v15, v17;
	_ =	sdelay $0x3  }
0xe2: {  	[tilespmem:s21+$0x280] =	vst v18  }
0xe3: {  	v18 =	vld.idx.msk [tilespmem:v19+s11+$0x0], $0xffff  }
0xe4: {  	v17 =	vor.u32 v16, v17;
	_ =	sdelay $0x3  }
0xe5: {  	s22 =	sadd.s32 $0x1, s22;
	[tilespmem:s21+$0x300] =	vst v18  }
0xe6: {  	p0 =	sne.s32 s22, $0x8;
	v17 =	vld.idx.msk [tilespmem:v17+s11+$0x0], $0xffff  }
.Ltmp3:
0xe7: {  	_ = 	snop;
	(pc) =	sbr.rel @!p0 .LBB2_5-.Ltmp3, $2  }
0xe8: {  	_ =	sdelay $0x2  }
0xe9: {  	s20 =	sadd.s32 $0x10, s20;
	[tilespmem:s21+$0x380] =	vst v17;
	s21 =	sadd.s32 $0x10, s21  }
.LBB2_2:
0xea: {  	p0 =	sgt.u32 s22, $0x5  }
.Ltmp4:
0xeb: {  	_ = 	snop;
	(pc) =	sbr.rel @p0 .LBB2_4-.Ltmp4, $1  }
0xec: {  	_ =	sdelay $0x3  }
0xed: {  	v17 =	vld [tilespmem:s20+$0x0];
	_ =	sdelay $0x4  }
0xee: {  	v18 =	vshra.s32 v17, $0x1F;
	v19 =	vand.u32 $0x7F, v17  }
0xef: {  	vm1 =	vlt.s32 v17, $0x1;
	vm0 =	vne.s32 v19, $0x0;
	v18 =	vshrl.u32 v18, $0x19  }
0xf0: {  	v17 =	vadd.s32 v18, v17;
	vm0 =	vmand vm1, vm0  }
0xf1: {  	v17 =	vshrl.u32 v17, $0x7;
	v18 =	vsel vm0, $0xFFFFFFFF, v1  }
0xf2: {  	v17 =	vadd.s32 v18, v17  }
0xf3: {  	v17 =	vshll.u32 v17, $0x7  }
0xf4: {  	v17 =	vadd.s32 s1, v17  }
0xf5: {  	(v2sf) =	vpush v17, $0x0;
	_ =	sdelay $0x1  }
0xf6: {  	(v2sf) =	vpush v17, $0x1;
	_ =	sdelay $0x1  }
0xf7: {  	(v2sf) =	vpush v17, $0x2  }
0xf8: {  	s23 =	sadd.s32 $0x2, s22  }
0xf9: {  	s24 =	smul.u32 $0xAB, s23;
	(v2sf) =	vpush v17, $0x3;
	_ =	sdelay $0x1  }
0xfa: {  	s24 =	sshrl.u32 s24, $0x9;
	(v2sf) =	vpush v17, $0x4  }
0xfb: {  	s24 =	sand.u32 $0x7F, s24  }
0xfc: {  	s24 =	smul.u32 $0x3, s24;
	(v2sf) =	vpush v17, $0x5;
	_ =	sdelay $0x1  }
0xfd: {  	s23 =	ssub.s32 s23, s24;
	(v2sf) =	vpush v17, $0x6  }
0xfe: {  	s23 =	sand.u32 $0xFF, s23  }
0xff: {  	s23 =	sshll.u32 s23, $0xF;
	(v2sf) =	vpush v17, $0x7  }
0x100: {  	s24 =	sor.u32 $0x80, s23;
	s25 =	spop (v2sf)  }
0x101: {  	(v2sf) =	vpush v17, $0x8;
	[tilespmem:s24], [sflag:$0x1] =	stream.strided.gather [hbm4b:s25+s9], $0x800, s10, s9, $0x38;
	[tilespmem:$0x19080] =	vst v63  }
0x102: {  	s24 =	sor.u32 $0x880, s23;
	s25 =	spop (v2sf)  }
0x103: {  	(v2sf) =	vpush v17, $0x9;
	[tilespmem:s24], [sflag:$0x1] =	stream.strided.gather [hbm4b:s25+s9], $0x800, s10, s9, $0x38;
	[tilespmem:$0x19080] =	vst v63  }
0x104: {  	s24 =	sor.u32 $0x1080, s23;
	s25 =	spop (v2sf)  }
0x105: {  	(v2sf) =	vpush v17, $0xA;
	[tilespmem:s24], [sflag:$0x1] =	stream.strided.gather [hbm4b:s25+s9], $0x800, s10, s9, $0x38;
	[tilespmem:$0x19080] =	vst v63  }
0x106: {  	s24 =	sor.u32 $0x1880, s23;
	s25 =	spop (v2sf)  }
0x107: {  	(v2sf) =	vpush v17, $0xB;
	[tilespmem:s24], [sflag:$0x1] =	stream.strided.gather [hbm4b:s25+s9], $0x800, s10, s9, $0x38;
	[tilespmem:$0x19080] =	vst v63  }
0x108: {  	s24 =	sor.u32 $0x2080, s23;
	s25 =	spop (v2sf)  }
0x109: {  	(v2sf) =	vpush v17, $0xC;
	[tilespmem:s24], [sflag:$0x1] =	stream.strided.gather [hbm4b:s25+s9], $0x800, s10, s9, $0x38;
	[tilespmem:$0x19080] =	vst v63  }
0x10a: {  	s24 =	sor.u32 $0x2880, s23;
	s25 =	spop (v2sf)  }
0x10b: {  	(v2sf) =	vpush v17, $0xD;
	[tilespmem:s24], [sflag:$0x1] =	stream.strided.gather [hbm4b:s25+s9], $0x800, s10, s9, $0x38;
	[tilespmem:$0x19080] =	vst v63  }
0x10c: {  	s24 =	sor.u32 $0x3080, s23;
	s25 =	spop (v2sf)  }
0x10d: {  	[tilespmem:s24], [sflag:$0x1] =	stream.strided.gather [hbm4b:s25+s9], $0x800, s10, s9, $0x38;
	[tilespmem:$0x19080] =	vst v63  }
0x10e: {  	(v2sf) =	vpush v17, $0xE;
	s24 =	sor.u32 $0x3880, s23;
	s25 =	spop (v2sf)  }
0x10f: {  	[tilespmem:s24], [sflag:$0x1] =	stream.strided.gather [hbm4b:s25+s9], $0x800, s10, s9, $0x38;
	[tilespmem:$0x19080] =	vst v63  }
0x110: {  	(v2sf) =	vpush v17, $0xF;
	s24 =	spop (v2sf);
	s25 =	sor.u32 $0x4080, s23  }
0x111: {  	[tilespmem:s25], [sflag:$0x1] =	stream.strided.gather [hbm4b:s24+s9], $0x800, s10, s9, $0x38;
	[tilespmem:$0x19080] =	vst v63  }
0x112: {  	s24 =	spop (v2sf);
	s25 =	sor.u32 $0x4880, s23  }
0x113: {  	[tilespmem:s25], [sflag:$0x1] =	stream.strided.gather [hbm4b:s24+s9], $0x800, s10, s9, $0x38;
	[tilespmem:$0x19080] =	vst v63  }
0x114: {  	s24 =	spop (v2sf);
	s25 =	sor.u32 $0x5080, s23  }
0x115: {  	[tilespmem:s25], [sflag:$0x1] =	stream.strided.gather [hbm4b:s24+s9], $0x800, s10, s9, $0x38;
	[tilespmem:$0x19080] =	vst v63  }
0x116: {  	s24 =	spop (v2sf);
	s25 =	sor.u32 $0x5880, s23  }
0x117: {  	[tilespmem:s25], [sflag:$0x1] =	stream.strided.gather [hbm4b:s24+s9], $0x800, s10, s9, $0x38;
	[tilespmem:$0x19080] =	vst v63  }
0x118: {  	s24 =	spop (v2sf);
	s25 =	sor.u32 $0x6080, s23  }
0x119: {  	[tilespmem:s25], [sflag:$0x1] =	stream.strided.gather [hbm4b:s24+s9], $0x800, s10, s9, $0x38;
	[tilespmem:$0x19080] =	vst v63  }
0x11a: {  	s24 =	spop (v2sf);
	s25 =	sor.u32 $0x6880, s23  }
0x11b: {  	[tilespmem:s25], [sflag:$0x1] =	stream.strided.gather [hbm4b:s24+s9], $0x800, s10, s9, $0x38;
	[tilespmem:$0x19080] =	vst v63  }
.Ltmp5:
0x11c: {  	_ = 	snop;
	(pc) =	sbr.rel .LBB2_4-.Ltmp5, $4  }
0x11d: {  	s24 =	spop (v2sf);
	s25 =	sor.u32 $0x7080, s23  }
0x11e: {  	[tilespmem:s25], [sflag:$0x1] =	stream.strided.gather [hbm4b:s24+s9], $0x800, s10, s9, $0x38;
	[tilespmem:$0x19080] =	vst v63  }
0x11f: {  	s23 =	sor.u32 $0x7880, s23;
	s25 =	spop (v2sf)  }
0x120: {  	[tilespmem:s23], [sflag:$0x1] =	stream.strided.gather [hbm4b:s25+s9], $0x800, s10, s9, $0x38;
	[tilespmem:$0x19080] =	vst v63  }
.LBB2_5:
0x121: {  	v17 =	vld [tilespmem:$0x0];
	_ =	sdelay $0x4  }
0x122: {  	v18 =	vshra.s32 v17, $0x1F;
	v19 =	vand.u32 $0x7F, v17  }
0x123: {  	vm0 =	vlt.s32 v17, $0x1;
	v18 =	vshrl.u32 v18, $0x19;
	vm1 =	vne.s32 v19, $0x0  }
0x124: {  	v17 =	vadd.s32 v18, v17;
	vm0 =	vmand vm0, vm1  }
0x125: {  	v17 =	vshrl.u32 v17, $0x7;
	v18 =	vsel vm0, $0xFFFFFFFF, v1  }
0x126: {  	v17 =	vadd.s32 v18, v17  }
0x127: {  	v17 =	vshll.u32 v17, $0x7  }
0x128: {  	v17 =	vadd.s32 s5, v17  }
0x129: {  	(v2sf) =	vpush v17, $0x0;
	_ =	sdelay $0x1  }
0x12a: {  	(v2sf) =	vpush v17, $0x1;
	_ =	sdelay $0x1  }
0x12b: {  	(v2sf) =	vpush v17, $0x2;
	_ =	sdelay $0x1  }
0x12c: {  	(v2sf) =	vpush v17, $0x3;
	_ =	sdelay $0x1  }
0x12d: {  	(v2sf) =	vpush v17, $0x4;
	_ =	sdelay $0x1  }
0x12e: {  	(v2sf) =	vpush v17, $0x5;
	_ =	sdelay $0x1  }
0x12f: {  	(v2sf) =	vpush v17, $0x6;
	_ =	sdelay $0x1  }
0x130: {  	(v2sf) =	vpush v17, $0x7  }
0x131: {  	s20 =	spop (v2sf)  }
0x132: {  	(v2sf) =	vpush v17, $0x8;
	[tilespmem:s11], [sflag:$0x1] =	stream.strided.gather [hbm4b:s20+s9], $0x800, s10, s9, $0x38;
	[tilespmem:$0x19080] =	vst v63  }
0x133: {  	s21 =	simm.s32 $0x880;
	s25 =	spop (v2sf)  }
0x134: {  	(v2sf) =	vpush v17, $0x9;
	[tilespmem:s21], [sflag:$0x1] =	stream.strided.gather [hbm4b:s25+s9], $0x800, s10, s9, $0x38;
	[tilespmem:$0x19080] =	vst v63  }
0x135: {  	s23 =	simm.s32 $0x1080;
	s22 =	spop (v2sf)  }
0x136: {  	(v2sf) =	vpush v17, $0xA;
	[tilespmem:s23], [sflag:$0x1] =	stream.strided.gather [hbm4b:s22+s9], $0x800, s10, s9, $0x38;
	[tilespmem:$0x19080] =	vst v63  }
0x137: {  	s24 =	spop (v2sf);
	s25 =	simm.s32 $0x1880  }
0x138: {  	(v2sf) =	vpush v17, $0xB;
	[tilespmem:s25], [sflag:$0x1] =	stream.strided.gather [hbm4b:s24+s9], $0x800, s10, s9, $0x38;
	[tilespmem:$0x19080] =	vst v63  }
0x139: {  	s22 =	spop (v2sf);
	s23 =	simm.s32 $0x2080  }
0x13a: {  	(v2sf) =	vpush v17, $0xC;
	[tilespmem:s23], [sflag:$0x1] =	stream.strided.gather [hbm4b:s22+s9], $0x800, s10, s9, $0x38;
	[tilespmem:$0x19080] =	vst v63  }
0x13b: {  	s24 =	spop (v2sf);
	s25 =	simm.s32 $0x2880  }
0x13c: {  	(v2sf) =	vpush v17, $0xD;
	[tilespmem:s25], [sflag:$0x1] =	stream.strided.gather [hbm4b:s24+s9], $0x800, s10, s9, $0x38;
	[tilespmem:$0x19080] =	vst v63  }
0x13d: {  	s22 =	spop (v2sf);
	s23 =	simm.s32 $0x3080  }
0x13e: {  	(v2sf) =	vpush v17, $0xE;
	[tilespmem:s23], [sflag:$0x1] =	stream.strided.gather [hbm4b:s22+s9], $0x800, s10, s9, $0x38;
	[tilespmem:$0x19080] =	vst v63  }
0x13f: {  	s24 =	spop (v2sf);
	s25 =	simm.s32 $0x3880  }
0x140: {  	(v2sf) =	vpush v17, $0xF;
	[tilespmem:s25], [sflag:$0x1] =	stream.strided.gather [hbm4b:s24+s9], $0x800, s10, s9, $0x38;
	[tilespmem:$0x19080] =	vst v63  }
0x141: {  	s23 =	simm.s32 $0x4080;
	s22 =	spop (v2sf)  }
0x142: {  	[tilespmem:s23], [sflag:$0x1] =	stream.strided.gather [hbm4b:s22+s9], $0x800, s10, s9, $0x38;
	[tilespmem:$0x19080] =	vst v63  }
0x143: {  	s25 =	simm.s32 $0x4880;
	s24 =	spop (v2sf)  }
0x144: {  	[tilespmem:s25], [sflag:$0x1] =	stream.strided.gather [hbm4b:s24+s9], $0x800, s10, s9, $0x38;
	[tilespmem:$0x19080] =	vst v63  }
0x145: {  	s22 =	spop (v2sf);
	s23 =	simm.s32 $0x5080  }
0x146: {  	[tilespmem:s23], [sflag:$0x1] =	stream.strided.gather [hbm4b:s22+s9], $0x800, s10, s9, $0x38;
	[tilespmem:$0x19080] =	vst v63  }
0x147: {  	s24 =	spop (v2sf);
	s25 =	simm.s32 $0x5880  }
0x148: {  	[tilespmem:s25], [sflag:$0x1] =	stream.strided.gather [hbm4b:s24+s9], $0x800, s10, s9, $0x38;
	[tilespmem:$0x19080] =	vst v63  }
0x149: {  	s22 =	spop (v2sf);
	s23 =	simm.s32 $0x6080  }
0x14a: {  	[tilespmem:s23], [sflag:$0x1] =	stream.strided.gather [hbm4b:s22+s9], $0x800, s10, s9, $0x38;
	[tilespmem:$0x19080] =	vst v63  }
0x14b: {  	s24 =	spop (v2sf);
	s25 =	simm.s32 $0x6880  }
0x14c: {  	[tilespmem:s25], [sflag:$0x1] =	stream.strided.gather [hbm4b:s24+s9], $0x800, s10, s9, $0x38;
	[tilespmem:$0x19080] =	vst v63  }
0x14d: {  	s22 =	spop (v2sf);
	s23 =	simm.s32 $0x7080  }
0x14e: {  	[tilespmem:s23], [sflag:$0x1] =	stream.strided.gather [hbm4b:s22+s9], $0x800, s10, s9, $0x38;
	[tilespmem:$0x19080] =	vst v63  }
0x14f: {  	s24 =	spop (v2sf)  }
0x150: {  	[tilespmem:s26], [sflag:$0x1] =	stream.strided.gather [hbm4b:s24+s9], $0x800, s10, s9, $0x38;
	[tilespmem:$0x19080] =	vst v63  }
0x151: {  	v17 =	vld [tilespmem:$0x10];
	_ =	sdelay $0x4  }
0x152: {  	v18 =	vshra.s32 v17, $0x1F;
	v19 =	vand.u32 $0x7F, v17  }
0x153: {  	vm15 =	vlt.s32 v17, $0x1;
	vm14 =	vne.s32 v19, $0x0;
	v18 =	vshrl.u32 v18, $0x19  }
0x154: {  	v17 =	vadd.s32 v18, v17;
	vm0 =	vmand vm15, vm14  }
0x155: {  	v17 =	vshrl.u32 v17, $0x7;
	v18 =	vsel vm0, $0xFFFFFFFF, v1  }
0x156: {  	v17 =	vadd.s32 v18, v17  }
0x157: {  	v17 =	vshll.u32 v17, $0x7  }
0x158: {  	v17 =	vadd.s32 s5, v17  }
0x159: {  	(v2sf) =	vpush v17, $0x0;
	_ =	sdelay $0x1  }
0x15a: {  	(v2sf) =	vpush v17, $0x1;
	_ =	sdelay $0x1  }
0x15b: {  	(v2sf) =	vpush v17, $0x2;
	_ =	sdelay $0x1  }
0x15c: {  	(v2sf) =	vpush v17, $0x3;
	_ =	sdelay $0x1  }
0x15d: {  	(v2sf) =	vpush v17, $0x4;
	_ =	sdelay $0x1  }
0x15e: {  	(v2sf) =	vpush v17, $0x5;
	_ =	sdelay $0x1  }
0x15f: {  	(v2sf) =	vpush v17, $0x6;
	_ =	sdelay $0x1  }
0x160: {  	(v2sf) =	vpush v17, $0x7  }
0x161: {  	s25 =	spop (v2sf)  }
0x162: {  	(v2sf) =	vpush v17, $0x8;
	[tilespmem:s28], [sflag:$0x1] =	stream.strided.gather [hbm4b:s25+s9], $0x800, s10, s9, $0x38;
	[tilespmem:$0x19080] =	vst v63  }
0x163: {  	s21 =	spop (v2sf)  }
0x164: {  	(v2sf) =	vpush v17, $0x9;
	[tilespmem:s29], [sflag:$0x1] =	stream.strided.gather [hbm4b:s21+s9], $0x800, s10, s9, $0x38;
	[tilespmem:$0x19080] =	vst v63  }
0x165: {  	s22 =	spop (v2sf)  }
0x166: {  	(v2sf) =	vpush v17, $0xA;
	[tilespmem:s30], [sflag:$0x1] =	stream.strided.gather [hbm4b:s22+s9], $0x800, s10, s9, $0x38;
	[tilespmem:$0x19080] =	vst v63  }
0x167: {  	s23 =	spop (v2sf)  }
0x168: {  	(v2sf) =	vpush v17, $0xB;
	[tilespmem:s31], [sflag:$0x1] =	stream.strided.gather [hbm4b:s23+s9], $0x800, s10, s9, $0x38;
	[tilespmem:$0x19080] =	vst v63  }
0x169: {  	s24 =	spop (v2sf)  }
0x16a: {  	(v2sf) =	vpush v17, $0xC;
	[tilespmem:s0], [sflag:$0x1] =	stream.strided.gather [hbm4b:s24+s9], $0x800, s10, s9, $0x38;
	[tilespmem:$0x19080] =	vst v63  }
0x16b: {  	s25 =	spop (v2sf)  }
0x16c: {  	(v2sf) =	vpush v17, $0xD;
	[tilespmem:s2], [sflag:$0x1] =	stream.strided.gather [hbm4b:s25+s9], $0x800, s10, s9, $0x38;
	[tilespmem:$0x19080] =	vst v63  }
0x16d: {  	s21 =	spop (v2sf)  }
0x16e: {  	[tilespmem:s3], [sflag:$0x1] =	stream.strided.gather [hbm4b:s21+s9], $0x800, s10, s9, $0x38;
	[tilespmem:$0x19080] =	vst v63  }
0x16f: {  	(v2sf) =	vpush v17, $0xE;
	s22 =	spop (v2sf)  }
0x170: {  	[tilespmem:s12], [sflag:$0x1] =	stream.strided.gather [hbm4b:s22+s9], $0x800, s10, s9, $0x38;
	[tilespmem:$0x19080] =	vst v63  }
0x171: {  	(v2sf) =	vpush v17, $0xF;
	s23 =	spop (v2sf)  }
0x172: {  	[tilespmem:s13], [sflag:$0x1] =	stream.strided.gather [hbm4b:s23+s9], $0x800, s10, s9, $0x38;
	[tilespmem:$0x19080] =	vst v63  }
0x173: {  	s24 =	spop (v2sf)  }
0x174: {  	[tilespmem:s14], [sflag:$0x1] =	stream.strided.gather [hbm4b:s24+s9], $0x800, s10, s9, $0x38;
	[tilespmem:$0x19080] =	vst v63  }
0x175: {  	s25 =	spop (v2sf)  }
0x176: {  	[tilespmem:s4], [sflag:$0x1] =	stream.strided.gather [hbm4b:s25+s9], $0x800, s10, s9, $0x38;
	[tilespmem:$0x19080] =	vst v63  }
0x177: {  	s21 =	spop (v2sf)  }
0x178: {  	[tilespmem:s15], [sflag:$0x1] =	stream.strided.gather [hbm4b:s21+s9], $0x800, s10, s9, $0x38;
	[tilespmem:$0x19080] =	vst v63  }
0x179: {  	s22 =	spop (v2sf)  }
0x17a: {  	[tilespmem:s16], [sflag:$0x1] =	stream.strided.gather [hbm4b:s22+s9], $0x800, s10, s9, $0x38;
	[tilespmem:$0x19080] =	vst v63  }
0x17b: {  	s23 =	spop (v2sf)  }
0x17c: {  	[tilespmem:s17], [sflag:$0x1] =	stream.strided.gather [hbm4b:s23+s9], $0x800, s10, s9, $0x38;
	[tilespmem:$0x19080] =	vst v63  }
.Ltmp6:
0x17d: {  	_ = 	snop;
	(pc) =	sbr.rel .LBB2_6-.Ltmp6, $4  }
0x17e: {  	s20 =	simm.s32 $0x0;
	s24 =	spop (v2sf)  }
0x17f: {  	[tilespmem:s6], [sflag:$0x1] =	stream.strided.gather [hbm4b:s24+s9], $0x800, s10, s9, $0x38;
	[tilespmem:$0x19080] =	vst v63  }
0x180: {  	s25 =	spop (v2sf);
	s21 =	simm.s32 $0x20;
	s22 =	simm.s32 $0x19000  }
0x181: {  	[tilespmem:s18], [sflag:$0x1] =	stream.strided.gather [hbm4b:s25+s9], $0x800, s10, s9, $0x38;
	[tilespmem:$0x19080] =	vst v63  }
.LBB2_8:
0x182: {  	_ =	swait.ge [sflag:s7], $0x800  }
0x183: {  	[sflag:s7] =	ssyncset.done $0x0  }
0x184: {  	[sflag:s7] =	ssyncadd.s32 $0xFFFFF800  }
0x185: {  	_ =	swait.ge [sflag:s7], $0x800  }
0x186: {  	[sflag:s7] =	ssyncset.done $0x0  }
0x187: {  	[sflag:s7] =	ssyncadd.s32 $0xFFFFF800  }
0x188: {  	_ =	swait.ge [sflag:s7], $0x800  }
0x189: {  	[sflag:s7] =	ssyncset.done $0x0  }
0x18a: {  	[sflag:s7] =	ssyncadd.s32 $0xFFFFF800  }
0x18b: {  	_ =	swait.ge [sflag:s7], $0x800  }
0x18c: {  	[sflag:s7] =	ssyncset.done $0x0  }
0x18d: {  	[sflag:s7] =	ssyncadd.s32 $0xFFFFF800  }
0x18e: {  	_ =	swait.ge [sflag:s7], $0x800  }
0x18f: {  	[sflag:s7] =	ssyncset.done $0x0  }
0x190: {  	[sflag:s7] =	ssyncadd.s32 $0xFFFFF800  }
0x191: {  	_ =	swait.ge [sflag:s7], $0x800  }
0x192: {  	[sflag:s7] =	ssyncset.done $0x0  }
0x193: {  	[sflag:s7] =	ssyncadd.s32 $0xFFFFF800  }
0x194: {  	_ =	swait.ge [sflag:s7], $0x800  }
0x195: {  	[sflag:s7] =	ssyncset.done $0x0  }
0x196: {  	[sflag:s7] =	ssyncadd.s32 $0xFFFFF800  }
0x197: {  	_ =	swait.ge [sflag:s7], $0x800  }
0x198: {  	[sflag:s7] =	ssyncset.done $0x0  }
0x199: {  	[sflag:s7] =	ssyncadd.s32 $0xFFFFF800  }
0x19a: {  	_ =	swait.ge [sflag:s7], $0x800  }
0x19b: {  	[sflag:s7] =	ssyncset.done $0x0  }
0x19c: {  	[sflag:s7] =	ssyncadd.s32 $0xFFFFF800  }
0x19d: {  	_ =	swait.ge [sflag:s7], $0x800  }
0x19e: {  	[sflag:s7] =	ssyncset.done $0x0  }
0x19f: {  	[sflag:s7] =	ssyncadd.s32 $0xFFFFF800  }
0x1a0: {  	_ =	swait.ge [sflag:s7], $0x800  }
0x1a1: {  	[sflag:s7] =	ssyncset.done $0x0  }
0x1a2: {  	[sflag:s7] =	ssyncadd.s32 $0xFFFFF800  }
0x1a3: {  	_ =	swait.ge [sflag:s7], $0x800  }
0x1a4: {  	[sflag:s7] =	ssyncset.done $0x0  }
0x1a5: {  	[sflag:s7] =	ssyncadd.s32 $0xFFFFF800  }
0x1a6: {  	_ =	swait.ge [sflag:s7], $0x800  }
0x1a7: {  	[sflag:s7] =	ssyncset.done $0x0  }
0x1a8: {  	[sflag:s7] =	ssyncadd.s32 $0xFFFFF800  }
0x1a9: {  	_ =	swait.ge [sflag:s7], $0x800  }
0x1aa: {  	[sflag:s7] =	ssyncset.done $0x0  }
0x1ab: {  	[sflag:s7] =	ssyncadd.s32 $0xFFFFF800  }
0x1ac: {  	_ =	swait.ge [sflag:s7], $0x800  }
0x1ad: {  	[sflag:s7] =	ssyncset.done $0x0  }
0x1ae: {  	[sflag:s7] =	ssyncadd.s32 $0xFFFFF800  }
0x1af: {  	s23 =	smul.u32 $0xAB, s20;
	_ =	swait.ge [sflag:s7], $0x800  }
0x1b0: {  	[sflag:s7] =	ssyncset.done $0x0  }
0x1b1: {  	s23 =	sshrl.u32 s23, $0x9;
	[sflag:s7] =	ssyncadd.s32 $0xFFFFF800  }
0x1b2: {  	s23 =	sand.u32 $0x7F, s23;
	v17 =	vld [tilespmem:s21+$0xFFFFFFE0]  }
0x1b3: {  	s23 =	smul.u32 $0x3, s23;
	_ =	sdelay $0x1  }
0x1b4: {  	s23 =	ssub.s32 s20, s23  }
0x1b5: {  	s23 =	sand.u32 $0xFF, s23  }
0x1b6: {  	s23 =	sshll.u32 s23, $0xF;
	v17 =	vand.u32 $0x7F, v17  }
0x1b7: {  	v17 =	vor.u32 s23, v17  }
0x1b8: {  	v18 =	vor.u32 v0, v17;
	_ =	sdelay $0x4  }
0x1b9: {  	v18 =	vld.idx.msk [tilespmem:v18+s11+$0x0], $0xffff  }
0x1ba: {  	v19 =	vor.u32 v2, v17;
	_ =	sdelay $0x3  }
0x1bb: {  	[tilespmem:s22+$0xFFFFF880] =	vst v18  }
0x1bc: {  	v18 =	vld.idx.msk [tilespmem:v19+s11+$0x0], $0xffff  }
0x1bd: {  	v19 =	vor.u32 v3, v17;
	_ =	sdelay $0x3  }
0x1be: {  	[tilespmem:s22+$0xFFFFF900] =	vst v18  }
0x1bf: {  	v18 =	vld.idx.msk [tilespmem:v19+s11+$0x0], $0xffff  }
0x1c0: {  	v19 =	vor.u32 v4, v17;
	_ =	sdelay $0x3  }
0x1c1: {  	[tilespmem:s22+$0xFFFFF980] =	vst v18  }
0x1c2: {  	v18 =	vld.idx.msk [tilespmem:v19+s11+$0x0], $0xffff  }
0x1c3: {  	v19 =	vor.u32 v5, v17;
	_ =	sdelay $0x3  }
0x1c4: {  	[tilespmem:s22+$0xFFFFFA00] =	vst v18  }
0x1c5: {  	v18 =	vld.idx.msk [tilespmem:v19+s11+$0x0], $0xffff  }
0x1c6: {  	v19 =	vor.u32 v6, v17;
	_ =	sdelay $0x3  }
0x1c7: {  	[tilespmem:s22+$0xFFFFFA80] =	vst v18  }
0x1c8: {  	v18 =	vld.idx.msk [tilespmem:v19+s11+$0x0], $0xffff  }
0x1c9: {  	v19 =	vor.u32 v7, v17;
	_ =	sdelay $0x3  }
0x1ca: {  	[tilespmem:s22+$0xFFFFFB00] =	vst v18  }
0x1cb: {  	v18 =	vld.idx.msk [tilespmem:v19+s11+$0x0], $0xffff  }
0x1cc: {  	v19 =	vor.u32 v8, v17;
	_ =	sdelay $0x3  }
0x1cd: {  	[tilespmem:s22+$0xFFFFFB80] =	vst v18  }
0x1ce: {  	v18 =	vld.idx.msk [tilespmem:v19+s11+$0x0], $0xffff  }
0x1cf: {  	v19 =	vor.u32 v9, v17;
	_ =	sdelay $0x3  }
0x1d0: {  	[tilespmem:s22+$0xFFFFFC00] =	vst v18  }
0x1d1: {  	v18 =	vld.idx.msk [tilespmem:v19+s11+$0x0], $0xffff  }
0x1d2: {  	v19 =	vor.u32 v10, v17;
	_ =	sdelay $0x3  }
0x1d3: {  	[tilespmem:s22+$0xFFFFFC80] =	vst v18  }
0x1d4: {  	v18 =	vld.idx.msk [tilespmem:v19+s11+$0x0], $0xffff  }
0x1d5: {  	v19 =	vor.u32 v11, v17;
	_ =	sdelay $0x3  }
0x1d6: {  	[tilespmem:s22+$0xFFFFFD00] =	vst v18  }
0x1d7: {  	v18 =	vld.idx.msk [tilespmem:v19+s11+$0x0], $0xffff  }
0x1d8: {  	v19 =	vor.u32 v12, v17;
	_ =	sdelay $0x3  }
0x1d9: {  	[tilespmem:s22+$0xFFFFFD80] =	vst v18  }
0x1da: {  	v18 =	vld.idx.msk [tilespmem:v19+s11+$0x0], $0xffff  }
0x1db: {  	v19 =	vor.u32 v13, v17;
	_ =	sdelay $0x3  }
0x1dc: {  	[tilespmem:s22+$0xFFFFFE00] =	vst v18  }
0x1dd: {  	v18 =	vld.idx.msk [tilespmem:v19+s11+$0x0], $0xffff  }
0x1de: {  	v19 =	vor.u32 v14, v17;
	_ =	sdelay $0x3  }
0x1df: {  	[tilespmem:s22+$0xFFFFFE80] =	vst v18  }
0x1e0: {  	v18 =	vld.idx.msk [tilespmem:v19+s11+$0x0], $0xffff  }
0x1e1: {  	v19 =	vor.u32 v15, v17;
	_ =	sdelay $0x3  }
0x1e2: {  	[tilespmem:s22+$0xFFFFFF00] =	vst v18  }
0x1e3: {  	v18 =	vld.idx.msk [tilespmem:v19+s11+$0x0], $0xffff  }
0x1e4: {  	v17 =	vor.u32 v16, v17;
	_ =	sdelay $0x3  }
0x1e5: {  	s20 =	sadd.s32 $0x1, s20;
	[tilespmem:s22+$0xFFFFFF80] =	vst v18  }
0x1e6: {  	p0 =	sne.s32 s20, $0x8;
	v17 =	vld.idx.msk [tilespmem:v17+s11+$0x0], $0xffff  }
.Ltmp7:
0x1e7: {  	_ = 	snop;
	(pc) =	sbr.rel @!p0 .LBB2_9-.Ltmp7, $2  }
0x1e8: {  	_ =	sdelay $0x2  }
0x1e9: {  	s21 =	sadd.s32 $0x10, s21;
	[tilespmem:s22+$0x0] =	vst v17;
	s22 =	sadd.s32 $0x10, s22  }
.LBB2_6:
0x1ea: {  	p0 =	sgt.u32 s20, $0x5  }
.Ltmp8:
0x1eb: {  	_ = 	snop;
	(pc) =	sbr.rel @p0 .LBB2_8-.Ltmp8, $1  }
0x1ec: {  	_ =	sdelay $0x3  }
0x1ed: {  	v17 =	vld [tilespmem:s21+$0x0];
	_ =	sdelay $0x4  }
0x1ee: {  	v18 =	vshra.s32 v17, $0x1F;
	v19 =	vand.u32 $0x7F, v17  }
0x1ef: {  	vm1 =	vlt.s32 v17, $0x1;
	vm0 =	vne.s32 v19, $0x0;
	v18 =	vshrl.u32 v18, $0x19  }
0x1f0: {  	v17 =	vadd.s32 v18, v17;
	vm0 =	vmand vm1, vm0  }
0x1f1: {  	v17 =	vshrl.u32 v17, $0x7;
	v18 =	vsel vm0, $0xFFFFFFFF, v1  }
0x1f2: {  	v17 =	vadd.s32 v18, v17  }
0x1f3: {  	v17 =	vshll.u32 v17, $0x7  }
0x1f4: {  	v17 =	vadd.s32 s5, v17  }
0x1f5: {  	(v2sf) =	vpush v17, $0x0;
	_ =	sdelay $0x1  }
0x1f6: {  	(v2sf) =	vpush v17, $0x1;
	_ =	sdelay $0x1  }
0x1f7: {  	(v2sf) =	vpush v17, $0x2  }
0x1f8: {  	s23 =	sadd.s32 $0x2, s20  }
0x1f9: {  	s24 =	smul.u32 $0xAB, s23;
	(v2sf) =	vpush v17, $0x3;
	_ =	sdelay $0x1  }
0x1fa: {  	s24 =	sshrl.u32 s24, $0x9;
	(v2sf) =	vpush v17, $0x4  }
0x1fb: {  	s24 =	sand.u32 $0x7F, s24  }
0x1fc: {  	s24 =	smul.u32 $0x3, s24;
	(v2sf) =	vpush v17, $0x5;
	_ =	sdelay $0x1  }
0x1fd: {  	s23 =	ssub.s32 s23, s24;
	(v2sf) =	vpush v17, $0x6  }
0x1fe: {  	s23 =	sand.u32 $0xFF, s23  }
0x1ff: {  	s23 =	sshll.u32 s23, $0xF;
	(v2sf) =	vpush v17, $0x7  }
0x200: {  	s24 =	sor.u32 $0x80, s23;
	s25 =	spop (v2sf)  }
0x201: {  	(v2sf) =	vpush v17, $0x8;
	[tilespmem:s24], [sflag:$0x1] =	stream.strided.gather [hbm4b:s25+s9], $0x800, s10, s9, $0x38;
	[tilespmem:$0x19080] =	vst v63  }
0x202: {  	s24 =	sor.u32 $0x880, s23;
	s25 =	spop (v2sf)  }
0x203: {  	(v2sf) =	vpush v17, $0x9;
	[tilespmem:s24], [sflag:$0x1] =	stream.strided.gather [hbm4b:s25+s9], $0x800, s10, s9, $0x38;
	[tilespmem:$0x19080] =	vst v63  }
0x204: {  	s24 =	sor.u32 $0x1080, s23;
	s25 =	spop (v2sf)  }
0x205: {  	(v2sf) =	vpush v17, $0xA;
	[tilespmem:s24], [sflag:$0x1] =	stream.strided.gather [hbm4b:s25+s9], $0x800, s10, s9, $0x38;
	[tilespmem:$0x19080] =	vst v63  }
0x206: {  	s24 =	sor.u32 $0x1880, s23;
	s25 =	spop (v2sf)  }
0x207: {  	(v2sf) =	vpush v17, $0xB;
	[tilespmem:s24], [sflag:$0x1] =	stream.strided.gather [hbm4b:s25+s9], $0x800, s10, s9, $0x38;
	[tilespmem:$0x19080] =	vst v63  }
0x208: {  	s24 =	sor.u32 $0x2080, s23;
	s25 =	spop (v2sf)  }
0x209: {  	(v2sf) =	vpush v17, $0xC;
	[tilespmem:s24], [sflag:$0x1] =	stream.strided.gather [hbm4b:s25+s9], $0x800, s10, s9, $0x38;
	[tilespmem:$0x19080] =	vst v63  }
0x20a: {  	s24 =	sor.u32 $0x2880, s23;
	s25 =	spop (v2sf)  }
0x20b: {  	(v2sf) =	vpush v17, $0xD;
	[tilespmem:s24], [sflag:$0x1] =	stream.strided.gather [hbm4b:s25+s9], $0x800, s10, s9, $0x38;
	[tilespmem:$0x19080] =	vst v63  }
0x20c: {  	s24 =	sor.u32 $0x3080, s23;
	s25 =	spop (v2sf)  }
0x20d: {  	[tilespmem:s24], [sflag:$0x1] =	stream.strided.gather [hbm4b:s25+s9], $0x800, s10, s9, $0x38;
	[tilespmem:$0x19080] =	vst v63  }
0x20e: {  	(v2sf) =	vpush v17, $0xE;
	s24 =	sor.u32 $0x3880, s23;
	s25 =	spop (v2sf)  }
0x20f: {  	[tilespmem:s24], [sflag:$0x1] =	stream.strided.gather [hbm4b:s25+s9], $0x800, s10, s9, $0x38;
	[tilespmem:$0x19080] =	vst v63  }
0x210: {  	(v2sf) =	vpush v17, $0xF;
	s24 =	spop (v2sf);
	s25 =	sor.u32 $0x4080, s23  }
0x211: {  	[tilespmem:s25], [sflag:$0x1] =	stream.strided.gather [hbm4b:s24+s9], $0x800, s10, s9, $0x38;
	[tilespmem:$0x19080] =	vst v63  }
0x212: {  	s24 =	spop (v2sf);
	s25 =	sor.u32 $0x4880, s23  }
0x213: {  	[tilespmem:s25], [sflag:$0x1] =	stream.strided.gather [hbm4b:s24+s9], $0x800, s10, s9, $0x38;
	[tilespmem:$0x19080] =	vst v63  }
0x214: {  	s24 =	spop (v2sf);
	s25 =	sor.u32 $0x5080, s23  }
0x215: {  	[tilespmem:s25], [sflag:$0x1] =	stream.strided.gather [hbm4b:s24+s9], $0x800, s10, s9, $0x38;
	[tilespmem:$0x19080] =	vst v63  }
0x216: {  	s24 =	spop (v2sf);
	s25 =	sor.u32 $0x5880, s23  }
0x217: {  	[tilespmem:s25], [sflag:$0x1] =	stream.strided.gather [hbm4b:s24+s9], $0x800, s10, s9, $0x38;
	[tilespmem:$0x19080] =	vst v63  }
0x218: {  	s24 =	spop (v2sf);
	s25 =	sor.u32 $0x6080, s23  }
0x219: {  	[tilespmem:s25], [sflag:$0x1] =	stream.strided.gather [hbm4b:s24+s9], $0x800, s10, s9, $0x38;
	[tilespmem:$0x19080] =	vst v63  }
0x21a: {  	s24 =	spop (v2sf);
	s25 =	sor.u32 $0x6880, s23  }
0x21b: {  	[tilespmem:s25], [sflag:$0x1] =	stream.strided.gather [hbm4b:s24+s9], $0x800, s10, s9, $0x38;
	[tilespmem:$0x19080] =	vst v63  }
.Ltmp9:
0x21c: {  	_ = 	snop;
	(pc) =	sbr.rel .LBB2_8-.Ltmp9, $4  }
0x21d: {  	s24 =	spop (v2sf);
	s25 =	sor.u32 $0x7080, s23  }
0x21e: {  	[tilespmem:s25], [sflag:$0x1] =	stream.strided.gather [hbm4b:s24+s9], $0x800, s10, s9, $0x38;
	[tilespmem:$0x19080] =	vst v63  }
0x21f: {  	s23 =	sor.u32 $0x7880, s23;
	s25 =	spop (v2sf)  }
0x220: {  	[tilespmem:s23], [sflag:$0x1] =	stream.strided.gather [hbm4b:s25+s9], $0x800, s10, s9, $0x38;
	[tilespmem:$0x19080] =	vst v63  }
.LBB2_10:
0x221: {  	_ =	sfence.sel $0x180000  }
0x222: {  	[bflag:$0x0] =	sbarrier.arrive $0xFFFF  }
0x223: {  	_ =	strace $0x90000047  }
0x224: {  	s0 =	stileid.u32;
	[bflag:$0x2] =	sbarrier.arrive $0xFFFF  }
0x225: {  	p0 =	sne.s32 s0, $0x0;
	s0 =	rddreg [dreg:$0x3]  }
0x226: {  	s0 =	sadd.s32 @!p0 $0x100000, s0  }
0x227: {  	[sflag:s0] =	ssyncadd.tile.s32 @!p0 $0x1;
	_ =	shalt  }
.Lfunc_end2:
_tile_overlayer_lowered:
.L_overlay_start_2:
0x228: {  	(tag) =	ssettag $0x2  }
0x229: {  	s0 =	rddreg [dreg:$0x0];
	s2 =	stileid.u32  }
0x22a: {  	s1 =	rddreg [dreg:$0x1];
	p0 =	sne.s32 s2, $0x0  }
0x22b: {  	s3 =	rddreg [dreg:$0x2];
	[bflag:$0x3] =	sbarrier.arrive $0xFFFF;
	s2 =	simm.s32 @!p0 $0x1C02  }
0x22c: {  	[timem:s3], [sflag:s2] =	dma.local @!p0 [hbm:s0], s1  }
0x22d: {  	s0 =	simm.s32 @!p0 $0x2  }
0x22e: {  	_ =	swait.ge @!p0 [sflag:s0], s1  }
0x22f: {  	s1 =	ssub.s32 @!p0 $0x0, s1;
	[sflag:s0] =	ssyncset.done @!p0 $0x0  }
0x230: {  	[sflag:s0] =	ssyncadd.s32 @!p0 s1  }
0x231: {  	[bflag:$0x3] =	sbarrier.arrive $0xFFFF  }
0x232: {  	_ =	shalt  }

</sc_bundles>
